<compile_context>
chip_gen: v7x
topology: tpu7x:2x2x1
jax: 0.10.2.dev20260603
libtpu: 0.0.44.dev20260713+nightly
codegen_flags: <defaults>
</compile_context>

<pallas_src>
import jax
import jax.numpy as jnp
from jax import lax
from jax.experimental import pallas as pl
from jax.experimental.pallas import tpu as pltpu
from jax.experimental.pallas import tpu_sc as plsc

N_NODES = 10000
D_FEAT = 128
N_EDGES = 320000
EPS = 1e-6

NC = 2
NS = 16
L = 16
NW = NC * NS
E_W = N_EDGES // NW
CHUNK = 80
NCHUNK = E_W // CHUNK
NPAIR = (NCHUNK - 1) // 2
NGROUP = CHUNK // L
NSLICE = D_FEAT // L


def _sqrt_newton(x):
    i = plsc.bitcast(x, jnp.int32)
    i = jnp.int32(0x5F3759DF) - lax.shift_right_arithmetic(i, 1)
    y = plsc.bitcast(i, jnp.float32)
    half = x * 0.5
    for _ in range(2):
        y = y * (1.5 - half * y * y)
    return x * y


def _body(src_hbm, dst_hbm, z_hbm, out_hbm,
          idx_s, idx_d, rows_s0, rows_d0, rows_s1, rows_d1, tbuf, out_v,
          sem_s0, sem_d0, sem_s1, sem_d1):
    wid = lax.axis_index("s") * NC + lax.axis_index("c")
    base = wid * E_W

    pltpu.sync_copy(src_hbm.at[pl.ds(base, E_W)], idx_s)
    pltpu.sync_copy(dst_hbm.at[pl.ds(base, E_W)], idx_d)

    bufs = ((rows_s0, rows_d0, sem_s0, sem_d0),
            (rows_s1, rows_d1, sem_s1, sem_d1))

    def issue(j, buf):
        rs, rd, ss, sd = buf
        off = j * CHUNK
        pltpu.async_copy(z_hbm.at[idx_s.at[pl.ds(off, CHUNK)]], rs, ss)
        pltpu.async_copy(z_hbm.at[idx_d.at[pl.ds(off, CHUNK)]], rd, sd)

    def wait(j, buf):
        rs, rd, ss, sd = buf
        off = j * CHUNK
        pltpu.make_async_copy(z_hbm.at[idx_s.at[pl.ds(off, CHUNK)]], rs, ss).wait()
        pltpu.make_async_copy(z_hbm.at[idx_d.at[pl.ds(off, CHUNK)]], rd, sd).wait()

    lane = lax.iota(jnp.int32, L)
    colbase = lane * L

    def compute(j, buf):
        rs, rd, _, _ = buf
        off = j * CHUNK
        for g in range(NGROUP):
            @plsc.parallel_loop(0, L, step=1, unroll=2)
            def edge_body(el):
                e = g * L + el
                acc = jnp.zeros((L,), jnp.float32)
                for s in range(NSLICE):
                    a = rs[e, pl.ds(s * L, L)]
                    b = rd[e, pl.ds(s * L, L)]
                    d = (a - b) + EPS
                    acc = acc + d * d
                tbuf[pl.ds(el * L, L)] = acc
            tots = [plsc.load_gather(tbuf, [colbase + c]) for c in range(4)]
            for c in range(4, L):
                tots[c % 4] = tots[c % 4] + plsc.load_gather(tbuf, [colbase + c])
            tot = (tots[0] + tots[1]) + (tots[2] + tots[3])
            out_v[pl.ds(off + g * L, L)] = _sqrt_newton(tot)

    issue(0, bufs[0])

    def pair_body(p, carry):
        j0 = 2 * p
        issue(j0 + 1, bufs[1])
        wait(j0, bufs[0])
        compute(j0, bufs[0])
        issue(j0 + 2, bufs[0])
        wait(j0 + 1, bufs[1])
        compute(j0 + 1, bufs[1])
        return carry

    lax.fori_loop(0, NPAIR, pair_body, 0)
    wait(NCHUNK - 1, bufs[0])
    compute(NCHUNK - 1, bufs[0])

    pltpu.sync_copy(out_v, out_hbm.at[pl.ds(base, E_W)])


def _scratch_types():
    return (
        [pltpu.VMEM((E_W,), jnp.int32)] * 2
        + [pltpu.VMEM((CHUNK, D_FEAT), jnp.float32)] * 4
        + [pltpu.VMEM((L * L,), jnp.float32), pltpu.VMEM((E_W,), jnp.float32)]
        + [pltpu.SemaphoreType.DMA] * 4
    )


@jax.jit
def kernel(z, edge_index):
    src = edge_index[0].astype(jnp.int32)
    dst = edge_index[1].astype(jnp.int32)
    mesh = plsc.VectorSubcoreMesh(core_axis_name="c", subcore_axis_name="s",
                                  num_cores=NC, num_subcores=NS)
    f = pl.kernel(
        _body,
        out_type=jax.ShapeDtypeStruct((N_EDGES,), jnp.float32),
        mesh=mesh,
        compiler_params=pltpu.CompilerParams(needs_layout_passes=False),
        scratch_types=_scratch_types(),
    )
    return f(src, dst, z)

# --- scband reference (transcript-rebuilt; emitter-appended) ---
"""Pipeline reference for scband-pnorm-decoder-9526237462974 (READ-ONLY COPY).

The authoritative reference and input builder live on the scoring server;
editing this copy changes nothing except your own understanding.
"""

import jax, jax.numpy as jnp
import numpy as np

N_NODES = 10000
D_FEAT = 128
N_EDGES = 320000
P = 2
EPS = 1e-6


def setup_inputs(seed: int = 0) -> dict:
    key = jax.random.key(seed)
    k1, k2 = jax.random.split(key)
    z = jax.random.normal(k1, (N_NODES, D_FEAT), dtype=jnp.float32)
    edge_index = jax.random.randint(k2, (2, N_EDGES), 0, N_NODES, dtype=jnp.int64)
    return {"z": z, "edge_index": edge_index}


def reference(z, edge_index):
    # torch.nn.PairwiseDistance(p=2, eps=1e-6): ||x1 - x2 + eps||_p along last dim
    src = jnp.take(z, edge_index[0], axis=0)
    dst = jnp.take(z, edge_index[1], axis=0)
    diff = src - dst + EPS
    value = jnp.power(jnp.sum(jnp.power(jnp.abs(diff), P), axis=-1), 1.0 / P)
    return value

if __name__ == "__main__":
    import jax
    _d = setup_inputs()
    print(jax.jit(kernel)(*tuple(_d.values())))

</pallas_src>

<mosaic_0001>
#map = affine_map<(d0, d1) -> (0)>
#map1 = affine_map<(d0, d1) -> (0, 0)>
module attributes {stable_mosaic.version = 14 : i64} {
  func.func @_body(%arg0: i32, %arg1: i32, %arg2: memref<320000xi32, #tpu.memory_space<hbm>>, %arg3: memref<320000xi32, #tpu.memory_space<hbm>>, %arg4: memref<10000x128xf32, #tpu.memory_space<hbm>>, %arg5: memref<320000xf32, #tpu.memory_space<hbm>>, %arg6: memref<10000xi32, #tpu.memory_space<vmem>>, %arg7: memref<10000xi32, #tpu.memory_space<vmem>>, %arg8: memref<80x128xf32, #tpu.memory_space<vmem>>, %arg9: memref<80x128xf32, #tpu.memory_space<vmem>>, %arg10: memref<80x128xf32, #tpu.memory_space<vmem>>, %arg11: memref<80x128xf32, #tpu.memory_space<vmem>>, %arg12: memref<256xf32, #tpu.memory_space<vmem>>, %arg13: memref<10000xf32, #tpu.memory_space<vmem>>, %arg14: memref<!tpu.dma_semaphore, #tpu.memory_space<semaphore_mem>>, %arg15: memref<!tpu.dma_semaphore, #tpu.memory_space<semaphore_mem>>, %arg16: memref<!tpu.dma_semaphore, #tpu.memory_space<semaphore_mem>>, %arg17: memref<!tpu.dma_semaphore, #tpu.memory_space<semaphore_mem>>) attributes {dimension_semantics = [#tpu.dimension_semantics<core_parallel>, #tpu.dimension_semantics<subcore_parallel>], iteration_bounds = array<i64: 2, 16>, scalar_prefetch = 0 : i64, scratch_operands = 12 : i64, tpu.core_type = #tpu.core_type<sc_vector_subcore>, window_params = [{transform_indices = #map}, {transform_indices = #map}, {transform_indices = #map1}, {transform_indices = #map}]} {
    %mul3A = arith.constant 2 : i32
    %mul3A_0 = arith.muli %arg1, %mul3A : i32
    %add3A = arith.addi %mul3A_0, %arg0 : i32
    %mul3A_1 = arith.constant 10000 : i32
    %mul3A_2 = arith.muli %add3A, %mul3A_1 : i32
    "tpu.region"() ({
      %run_scoped3A = tpu.sem_alloc : memref<!tpu.dma_semaphore, #tpu.memory_space<semaphore_mem>>
      %dma_start3A_563 = tpu.memref_slice %arg2[%mul3A_2] : memref<320000xi32, #tpu.memory_space<hbm>> -> memref<10000xi32, #tpu.memory_space<hbm>>
      %dma_start3A_564 = tpu.memref_slice %arg2[%mul3A_2] : memref<320000xi32, #tpu.memory_space<hbm>> -> memref<10000xi32, #tpu.memory_space<hbm>>
      tpu.enqueue_dma source(%dma_start3A_564 : memref<10000xi32, #tpu.memory_space<hbm>>) target(%arg6 : memref<10000xi32, #tpu.memory_space<vmem>>) target_semaphore(%run_scoped3A : memref<!tpu.dma_semaphore, #tpu.memory_space<semaphore_mem>>)
      %dma_wait3A_565 = tpu.memref_slice %arg2[%mul3A_2] : memref<320000xi32, #tpu.memory_space<hbm>> -> memref<10000xi32, #tpu.memory_space<hbm>>
      %dma_wait3A_566 = tpu.memref_slice %arg2[%mul3A_2] : memref<320000xi32, #tpu.memory_space<hbm>> -> memref<10000xi32, #tpu.memory_space<hbm>>
      tpu.wait_dma2 semaphore(%run_scoped3A : memref<!tpu.dma_semaphore, #tpu.memory_space<semaphore_mem>>) src(%dma_wait3A_566 : memref<10000xi32, #tpu.memory_space<hbm>>) dst(%arg6 : memref<10000xi32, #tpu.memory_space<vmem>>)
      tpu.yield
    }) : () -> ()
    "tpu.region"() ({
      %run_scoped3A = tpu.sem_alloc : memref<!tpu.dma_semaphore, #tpu.memory_space<semaphore_mem>>
      %dma_start3A_563 = tpu.memref_slice %arg3[%mul3A_2] : memref<320000xi32, #tpu.memory_space<hbm>> -> memref<10000xi32, #tpu.memory_space<hbm>>
      %dma_start3A_564 = tpu.memref_slice %arg3[%mul3A_2] : memref<320000xi32, #tpu.memory_space<hbm>> -> memref<10000xi32, #tpu.memory_space<hbm>>
      tpu.enqueue_dma source(%dma_start3A_564 : memref<10000xi32, #tpu.memory_space<hbm>>) target(%arg7 : memref<10000xi32, #tpu.memory_space<vmem>>) target_semaphore(%run_scoped3A : memref<!tpu.dma_semaphore, #tpu.memory_space<semaphore_mem>>)
      %dma_wait3A_565 = tpu.memref_slice %arg3[%mul3A_2] : memref<320000xi32, #tpu.memory_space<hbm>> -> memref<10000xi32, #tpu.memory_space<hbm>>
      %dma_wait3A_566 = tpu.memref_slice %arg3[%mul3A_2] : memref<320000xi32, #tpu.memory_space<hbm>> -> memref<10000xi32, #tpu.memory_space<hbm>>
      tpu.wait_dma2 semaphore(%run_scoped3A : memref<!tpu.dma_semaphore, #tpu.memory_space<semaphore_mem>>) src(%dma_wait3A_566 : memref<10000xi32, #tpu.memory_space<hbm>>) dst(%arg7 : memref<10000xi32, #tpu.memory_space<vmem>>)
      tpu.yield
    }) : () -> ()
    %iota3A = tpu.iota {dimensions = array<i32: 0>} : vector<16xi32>
    %mul3A_3 = arith.constant 16 : i32
    %mul3A_4 = vector.broadcast %mul3A_3 : i32 to vector<16xi32>
    %mul3A_5 = arith.muli %iota3A, %mul3A_4 : vector<16xi32>
    %dma_start3A = arith.constant 0 : i32
    %dma_start3A_6 = tpu.memref_slice %arg6[%dma_start3A] : memref<10000xi32, #tpu.memory_space<vmem>> -> memref<80xi32, #tpu.memory_space<vmem>>
    %dma_start3A_7 = arith.constant 0 : i32
    %dma_start3A_8 = arith.constant 0 : i32
    %dma_start3A_9 = tpu.memref_slice %arg4[%dma_start3A_7, %dma_start3A_8] : memref<10000x128xf32, #tpu.memory_space<hbm>> -> memref<10000x128xf32, #tpu.memory_space<hbm>>
    tpu.enqueue_indirect_dma source(%dma_start3A_9 : memref<10000x128xf32, #tpu.memory_space<hbm>>) target(%arg8 : memref<80x128xf32, #tpu.memory_space<vmem>>) offsets(%dma_start3A_6 : memref<80xi32, #tpu.memory_space<vmem>>) semaphore(%arg14 : memref<!tpu.dma_semaphore, #tpu.memory_space<semaphore_mem>>)
    %dma_start3A_10 = arith.constant 0 : i32
    %dma_start3A_11 = tpu.memref_slice %arg7[%dma_start3A_10] : memref<10000xi32, #tpu.memory_space<vmem>> -> memref<80xi32, #tpu.memory_space<vmem>>
    %dma_start3A_12 = arith.constant 0 : i32
    %dma_start3A_13 = arith.constant 0 : i32
    %dma_start3A_14 = tpu.memref_slice %arg4[%dma_start3A_12, %dma_start3A_13] : memref<10000x128xf32, #tpu.memory_space<hbm>> -> memref<10000x128xf32, #tpu.memory_space<hbm>>
    tpu.enqueue_indirect_dma source(%dma_start3A_14 : memref<10000x128xf32, #tpu.memory_space<hbm>>) target(%arg9 : memref<80x128xf32, #tpu.memory_space<vmem>>) offsets(%dma_start3A_11 : memref<80xi32, #tpu.memory_space<vmem>>) semaphore(%arg15 : memref<!tpu.dma_semaphore, #tpu.memory_space<semaphore_mem>>)
    %scan3A = arith.constant 0 : i32
    %scan3A_15 = arith.constant 0 : i32
    %scan3A_16 = arith.constant 62 : i32
    %scan3A_17 = arith.addi %scan3A_15, %scan3A_16 : i32
    %scan3A_18 = arith.constant 1 : i32
    scf.for %scan3A_563 = %scan3A_15 to %scan3A_17 step %scan3A_18  : i32 {
      %mul3A_564 = arith.constant 2 : i32
      %mul3A_565 = arith.muli %mul3A_564, %scan3A_563 : i32
      %add3A_566 = arith.constant 1 : i32
      %add3A_567 = arith.addi %mul3A_565, %add3A_566 : i32
      %mul3A_568 = arith.constant 80 : i32
      %mul3A_569 = arith.muli %add3A_567, %mul3A_568 : i32
      %dma_start3A_570 = tpu.memref_slice %arg6[%mul3A_569] : memref<10000xi32, #tpu.memory_space<vmem>> -> memref<80xi32, #tpu.memory_space<vmem>>
      %dma_start3A_571 = arith.constant 0 : i32
      %dma_start3A_572 = arith.constant 0 : i32
      %dma_start3A_573 = tpu.memref_slice %arg4[%dma_start3A_571, %dma_start3A_572] : memref<10000x128xf32, #tpu.memory_space<hbm>> -> memref<10000x128xf32, #tpu.memory_space<hbm>>
      tpu.enqueue_indirect_dma source(%dma_start3A_573 : memref<10000x128xf32, #tpu.memory_space<hbm>>) target(%arg10 : memref<80x128xf32, #tpu.memory_space<vmem>>) offsets(%dma_start3A_570 : memref<80xi32, #tpu.memory_space<vmem>>) semaphore(%arg16 : memref<!tpu.dma_semaphore, #tpu.memory_space<semaphore_mem>>)
      %dma_start3A_574 = tpu.memref_slice %arg7[%mul3A_569] : memref<10000xi32, #tpu.memory_space<vmem>> -> memref<80xi32, #tpu.memory_space<vmem>>
      %dma_start3A_575 = arith.constant 0 : i32
      %dma_start3A_576 = arith.constant 0 : i32
      %dma_start3A_577 = tpu.memref_slice %arg4[%dma_start3A_575, %dma_start3A_576] : memref<10000x128xf32, #tpu.memory_space<hbm>> -> memref<10000x128xf32, #tpu.memory_space<hbm>>
      tpu.enqueue_indirect_dma source(%dma_start3A_577 : memref<10000x128xf32, #tpu.memory_space<hbm>>) target(%arg11 : memref<80x128xf32, #tpu.memory_space<vmem>>) offsets(%dma_start3A_574 : memref<80xi32, #tpu.memory_space<vmem>>) semaphore(%arg17 : memref<!tpu.dma_semaphore, #tpu.memory_space<semaphore_mem>>)
      %mul3A_578 = arith.constant 80 : i32
      %mul3A_579 = arith.muli %mul3A_565, %mul3A_578 : i32
      %dma_wait3A_580 = tpu.memref_slice %arg6[%mul3A_579] : memref<10000xi32, #tpu.memory_space<vmem>> -> memref<80xi32, #tpu.memory_space<vmem>>
      %dma_wait3A_581 = arith.constant 0 : i32
      %dma_wait3A_582 = arith.constant 0 : i32
      %dma_wait3A_583 = tpu.memref_slice %arg4[%dma_wait3A_581, %dma_wait3A_582] : memref<10000x128xf32, #tpu.memory_space<hbm>> -> memref<10000x128xf32, #tpu.memory_space<hbm>>
      tpu.wait_indirect_dma semaphore(%arg14 : memref<!tpu.dma_semaphore, #tpu.memory_space<semaphore_mem>>) src(%dma_wait3A_583 : memref<10000x128xf32, #tpu.memory_space<hbm>>) dst(%arg8 : memref<80x128xf32, #tpu.memory_space<vmem>>)
      %dma_wait3A_584 = tpu.memref_slice %arg7[%mul3A_579] : memref<10000xi32, #tpu.memory_space<vmem>> -> memref<80xi32, #tpu.memory_space<vmem>>
      %dma_wait3A_585 = arith.constant 0 : i32
      %dma_wait3A_586 = arith.constant 0 : i32
      %dma_wait3A_587 = tpu.memref_slice %arg4[%dma_wait3A_585, %dma_wait3A_586] : memref<10000x128xf32, #tpu.memory_space<hbm>> -> memref<10000x128xf32, #tpu.memory_space<hbm>>
      tpu.wait_indirect_dma semaphore(%arg15 : memref<!tpu.dma_semaphore, #tpu.memory_space<semaphore_mem>>) src(%dma_wait3A_587 : memref<10000x128xf32, #tpu.memory_space<hbm>>) dst(%arg9 : memref<80x128xf32, #tpu.memory_space<vmem>>)
      %mul3A_588 = arith.constant 80 : i32
      %mul3A_589 = arith.muli %mul3A_565, %mul3A_588 : i32
      %parallel_loop3A_590 = arith.constant 0 : i32
      %parallel_loop3A_591 = arith.constant 16 : i32
      %parallel_loop3A_592 = arith.constant 1 : i32
      scf.for %parallel_loop3A_1718 = %parallel_loop3A_590 to %parallel_loop3A_591 step %parallel_loop3A_592  : i32 {
        %parallel_loop3A_1719 = arith.constant 0 : i32
        %parallel_loop3A_1720 = arith.addi %parallel_loop3A_1719, %parallel_loop3A_1718 : i32
        %parallel_loop3A_1721 = arith.constant 0.000000e+00 : f32
        %parallel_loop3A_1722 = vector.broadcast %parallel_loop3A_1721 : f32 to vector<16xf32>
        %parallel_loop3A_1723 = arith.index_cast %parallel_loop3A_1720 : i32 to index
        %parallel_loop3A_1724 = arith.constant 0 : index
        %parallel_loop3A_1725 = tpu.vector_load %arg8[%parallel_loop3A_1723, %parallel_loop3A_1724] {strides = array<i32>} : memref<80x128xf32, #tpu.memory_space<vmem>>, vector<16xf32>,
        %parallel_loop3A_1726 = arith.index_cast %parallel_loop3A_1720 : i32 to index
        %parallel_loop3A_1727 = arith.constant 0 : index
        %parallel_loop3A_1728 = tpu.vector_load %arg9[%parallel_loop3A_1726, %parallel_loop3A_1727] {strides = array<i32>} : memref<80x128xf32, #tpu.memory_space<vmem>>, vector<16xf32>,
        %parallel_loop3A_1729 = arith.subf %parallel_loop3A_1725, %parallel_loop3A_1728 : vector<16xf32>
        %parallel_loop3A_1730 = arith.constant 9.99999997E-7 : f32
        %parallel_loop3A_1731 = vector.broadcast %parallel_loop3A_1730 : f32 to vector<16xf32>
        %parallel_loop3A_1732 = arith.addf %parallel_loop3A_1729, %parallel_loop3A_1731 : vector<16xf32>
        %parallel_loop3A_1733 = arith.mulf %parallel_loop3A_1732, %parallel_loop3A_1732 : vector<16xf32>
        %parallel_loop3A_1734 = arith.addf %parallel_loop3A_1722, %parallel_loop3A_1733 : vector<16xf32>
        %parallel_loop3A_1735 = arith.index_cast %parallel_loop3A_1720 : i32 to index
        %parallel_loop3A_1736 = arith.constant 16 : index
        %parallel_loop3A_1737 = tpu.vector_load %arg8[%parallel_loop3A_1735, %parallel_loop3A_1736] {strides = array<i32>} : memref<80x128xf32, #tpu.memory_space<vmem>>, vector<16xf32>,
        %parallel_loop3A_1738 = arith.index_cast %parallel_loop3A_1720 : i32 to index
        %parallel_loop3A_1739 = arith.constant 16 : index
        %parallel_loop3A_1740 = tpu.vector_load %arg9[%parallel_loop3A_1738, %parallel_loop3A_1739] {strides = array<i32>} : memref<80x128xf32, #tpu.memory_space<vmem>>, vector<16xf32>,
        %parallel_loop3A_1741 = arith.subf %parallel_loop3A_1737, %parallel_loop3A_1740 : vector<16xf32>
        %parallel_loop3A_1742 = arith.constant 9.99999997E-7 : f32
        %parallel_loop3A_1743 = vector.broadcast %parallel_loop3A_1742 : f32 to vector<16xf32>
        %parallel_loop3A_1744 = arith.addf %parallel_loop3A_1741, %parallel_loop3A_1743 : vector<16xf32>
        %parallel_loop3A_1745 = arith.mulf %parallel_loop3A_1744, %parallel_loop3A_1744 : vector<16xf32>
        %parallel_loop3A_1746 = arith.addf %parallel_loop3A_1734, %parallel_loop3A_1745 : vector<16xf32>
        %parallel_loop3A_1747 = arith.index_cast %parallel_loop3A_1720 : i32 to index
        %parallel_loop3A_1748 = arith.constant 32 : index
        %parallel_loop3A_1749 = tpu.vector_load %arg8[%parallel_loop3A_1747, %parallel_loop3A_1748] {strides = array<i32>} : memref<80x128xf32, #tpu.memory_space<vmem>>, vector<16xf32>,
        %parallel_loop3A_1750 = arith.index_cast %parallel_loop3A_1720 : i32 to index
        %parallel_loop3A_1751 = arith.constant 32 : index
        %parallel_loop3A_1752 = tpu.vector_load %arg9[%parallel_loop3A_1750, %parallel_loop3A_1751] {strides = array<i32>} : memref<80x128xf32, #tpu.memory_space<vmem>>, vector<16xf32>,
        %parallel_loop3A_1753 = arith.subf %parallel_loop3A_1749, %parallel_loop3A_1752 : vector<16xf32>
        %parallel_loop3A_1754 = arith.constant 9.99999997E-7 : f32
        %parallel_loop3A_1755 = vector.broadcast %parallel_loop3A_1754 : f32 to vector<16xf32>
        %parallel_loop3A_1756 = arith.addf %parallel_loop3A_1753, %parallel_loop3A_1755 : vector<16xf32>
        %parallel_loop3A_1757 = arith.mulf %parallel_loop3A_1756, %parallel_loop3A_1756 : vector<16xf32>
        %parallel_loop3A_1758 = arith.addf %parallel_loop3A_1746, %parallel_loop3A_1757 : vector<16xf32>
        %parallel_loop3A_1759 = arith.index_cast %parallel_loop3A_1720 : i32 to index
        %parallel_loop3A_1760 = arith.constant 48 : index
        %parallel_loop3A_1761 = tpu.vector_load %arg8[%parallel_loop3A_1759, %parallel_loop3A_1760] {strides = array<i32>} : memref<80x128xf32, #tpu.memory_space<vmem>>, vector<16xf32>,
        %parallel_loop3A_1762 = arith.index_cast %parallel_loop3A_1720 : i32 to index
        %parallel_loop3A_1763 = arith.constant 48 : index
        %parallel_loop3A_1764 = tpu.vector_load %arg9[%parallel_loop3A_1762, %parallel_loop3A_1763] {strides = array<i32>} : memref<80x128xf32, #tpu.memory_space<vmem>>, vector<16xf32>,
        %parallel_loop3A_1765 = arith.subf %parallel_loop3A_1761, %parallel_loop3A_1764 : vector<16xf32>
        %parallel_loop3A_1766 = arith.constant 9.99999997E-7 : f32
        %parallel_loop3A_1767 = vector.broadcast %parallel_loop3A_1766 : f32 to vector<16xf32>
        %parallel_loop3A_1768 = arith.addf %parallel_loop3A_1765, %parallel_loop3A_1767 : vector<16xf32>
        %parallel_loop3A_1769 = arith.mulf %parallel_loop3A_1768, %parallel_loop3A_1768 : vector<16xf32>
        %parallel_loop3A_1770 = arith.addf %parallel_loop3A_1758, %parallel_loop3A_1769 : vector<16xf32>
        %parallel_loop3A_1771 = arith.index_cast %parallel_loop3A_1720 : i32 to index
        %parallel_loop3A_1772 = arith.constant 64 : index
        %parallel_loop3A_1773 = tpu.vector_load %arg8[%parallel_loop3A_1771, %parallel_loop3A_1772] {strides = array<i32>} : memref<80x128xf32, #tpu.memory_space<vmem>>, vector<16xf32>,
        %parallel_loop3A_1774 = arith.index_cast %parallel_loop3A_1720 : i32 to index
        %parallel_loop3A_1775 = arith.constant 64 : index
        %parallel_loop3A_1776 = tpu.vector_load %arg9[%parallel_loop3A_1774, %parallel_loop3A_1775] {strides = array<i32>} : memref<80x128xf32, #tpu.memory_space<vmem>>, vector<16xf32>,
        %parallel_loop3A_1777 = arith.subf %parallel_loop3A_1773, %parallel_loop3A_1776 : vector<16xf32>
        %parallel_loop3A_1778 = arith.constant 9.99999997E-7 : f32
        %parallel_loop3A_1779 = vector.broadcast %parallel_loop3A_1778 : f32 to vector<16xf32>
        %parallel_loop3A_1780 = arith.addf %parallel_loop3A_1777, %parallel_loop3A_1779 : vector<16xf32>
        %parallel_loop3A_1781 = arith.mulf %parallel_loop3A_1780, %parallel_loop3A_1780 : vector<16xf32>
        %parallel_loop3A_1782 = arith.addf %parallel_loop3A_1770, %parallel_loop3A_1781 : vector<16xf32>
        %parallel_loop3A_1783 = arith.index_cast %parallel_loop3A_1720 : i32 to index
        %parallel_loop3A_1784 = arith.constant 80 : index
        %parallel_loop3A_1785 = tpu.vector_load %arg8[%parallel_loop3A_1783, %parallel_loop3A_1784] {strides = array<i32>} : memref<80x128xf32, #tpu.memory_space<vmem>>, vector<16xf32>,
        %parallel_loop3A_1786 = arith.index_cast %parallel_loop3A_1720 : i32 to index
        %parallel_loop3A_1787 = arith.constant 80 : index
        %parallel_loop3A_1788 = tpu.vector_load %arg9[%parallel_loop3A_1786, %parallel_loop3A_1787] {strides = array<i32>} : memref<80x128xf32, #tpu.memory_space<vmem>>, vector<16xf32>,
        %parallel_loop3A_1789 = arith.subf %parallel_loop3A_1785, %parallel_loop3A_1788 : vector<16xf32>
        %parallel_loop3A_1790 = arith.constant 9.99999997E-7 : f32
        %parallel_loop3A_1791 = vector.broadcast %parallel_loop3A_1790 : f32 to vector<16xf32>
        %parallel_loop3A_1792 = arith.addf %parallel_loop3A_1789, %parallel_loop3A_1791 : vector<16xf32>
        %parallel_loop3A_1793 = arith.mulf %parallel_loop3A_1792, %parallel_loop3A_1792 : vector<16xf32>
        %parallel_loop3A_1794 = arith.addf %parallel_loop3A_1782, %parallel_loop3A_1793 : vector<16xf32>
        %parallel_loop3A_1795 = arith.index_cast %parallel_loop3A_1720 : i32 to index
        %parallel_loop3A_1796 = arith.constant 96 : index
        %parallel_loop3A_1797 = tpu.vector_load %arg8[%parallel_loop3A_1795, %parallel_loop3A_1796] {strides = array<i32>} : memref<80x128xf32, #tpu.memory_space<vmem>>, vector<16xf32>,
        %parallel_loop3A_1798 = arith.index_cast %parallel_loop3A_1720 : i32 to index
        %parallel_loop3A_1799 = arith.constant 96 : index
        %parallel_loop3A_1800 = tpu.vector_load %arg9[%parallel_loop3A_1798, %parallel_loop3A_1799] {strides = array<i32>} : memref<80x128xf32, #tpu.memory_space<vmem>>, vector<16xf32>,
        %parallel_loop3A_1801 = arith.subf %parallel_loop3A_1797, %parallel_loop3A_1800 : vector<16xf32>
        %parallel_loop3A_1802 = arith.constant 9.99999997E-7 : f32
        %parallel_loop3A_1803 = vector.broadcast %parallel_loop3A_1802 : f32 to vector<16xf32>
        %parallel_loop3A_1804 = arith.addf %parallel_loop3A_1801, %parallel_loop3A_1803 : vector<16xf32>
        %parallel_loop3A_1805 = arith.mulf %parallel_loop3A_1804, %parallel_loop3A_1804 : vector<16xf32>
        %parallel_loop3A_1806 = arith.addf %parallel_loop3A_1794, %parallel_loop3A_1805 : vector<16xf32>
        %parallel_loop3A_1807 = arith.index_cast %parallel_loop3A_1720 : i32 to index
        %parallel_loop3A_1808 = arith.constant 112 : index
        %parallel_loop3A_1809 = tpu.vector_load %arg8[%parallel_loop3A_1807, %parallel_loop3A_1808] {strides = array<i32>} : memref<80x128xf32, #tpu.memory_space<vmem>>, vector<16xf32>,
        %parallel_loop3A_1810 = arith.index_cast %parallel_loop3A_1720 : i32 to index
        %parallel_loop3A_1811 = arith.constant 112 : index
        %parallel_loop3A_1812 = tpu.vector_load %arg9[%parallel_loop3A_1810, %parallel_loop3A_1811] {strides = array<i32>} : memref<80x128xf32, #tpu.memory_space<vmem>>, vector<16xf32>,
        %parallel_loop3A_1813 = arith.subf %parallel_loop3A_1809, %parallel_loop3A_1812 : vector<16xf32>
        %parallel_loop3A_1814 = arith.constant 9.99999997E-7 : f32
        %parallel_loop3A_1815 = vector.broadcast %parallel_loop3A_1814 : f32 to vector<16xf32>
        %parallel_loop3A_1816 = arith.addf %parallel_loop3A_1813, %parallel_loop3A_1815 : vector<16xf32>
        %parallel_loop3A_1817 = arith.mulf %parallel_loop3A_1816, %parallel_loop3A_1816 : vector<16xf32>
        %parallel_loop3A_1818 = arith.addf %parallel_loop3A_1806, %parallel_loop3A_1817 : vector<16xf32>
        %parallel_loop3A_1819 = arith.constant 16 : i32
        %parallel_loop3A_1820 = arith.muli %parallel_loop3A_1718, %parallel_loop3A_1819 : i32
        %parallel_loop3A_1821 = arith.index_cast %parallel_loop3A_1820 : i32 to index
        %parallel_loop3A_1822 = tpu.vector_load %arg12[%parallel_loop3A_1821] {strides = array<i32>} : memref<256xf32, #tpu.memory_space<vmem>>, vector<16xf32>,
        tpu.vector_store %arg12[%parallel_loop3A_1821], %parallel_loop3A_1818 {strides = array<i32>} : memref<256xf32, #tpu.memory_space<vmem>>, vector<16xf32>,
      } {sc.loop_unroll_factor = 2 : i64, sc.parallel_access}
      %add3A_593 = arith.constant 0 : i32
      %add3A_594 = vector.broadcast %add3A_593 : i32 to vector<16xi32>
      %add3A_595 = arith.addi %mul3A_5, %add3A_594 : vector<16xi32>
      %gather3A_596 = tpu.vector_load_idx %arg12[%add3A_595] : memref<256xf32, #tpu.memory_space<vmem>>[vector<16xi32>], vector<16xf32>,
      %add3A_597 = arith.constant 1 : i32
      %add3A_598 = vector.broadcast %add3A_597 : i32 to vector<16xi32>
      %add3A_599 = arith.addi %mul3A_5, %add3A_598 : vector<16xi32>
      %gather3A_600 = tpu.vector_load_idx %arg12[%add3A_599] : memref<256xf32, #tpu.memory_space<vmem>>[vector<16xi32>], vector<16xf32>,
      %add3A_601 = arith.constant 2 : i32
      %add3A_602 = vector.broadcast %add3A_601 : i32 to vector<16xi32>
      %add3A_603 = arith.addi %mul3A_5, %add3A_602 : vector<16xi32>
      %gather3A_604 = tpu.vector_load_idx %arg12[%add3A_603] : memref<256xf32, #tpu.memory_space<vmem>>[vector<16xi32>], vector<16xf32>,
      %add3A_605 = arith.constant 3 : i32
      %add3A_606 = vector.broadcast %add3A_605 : i32 to vector<16xi32>
      %add3A_607 = arith.addi %mul3A_5, %add3A_606 : vector<16xi32>
      %gather3A_608 = tpu.vector_load_idx %arg12[%add3A_607] : memref<256xf32, #tpu.memory_space<vmem>>[vector<16xi32>], vector<16xf32>,
      %add3A_609 = arith.constant 4 : i32
      %add3A_610 = vector.broadcast %add3A_609 : i32 to vector<16xi32>
      %add3A_611 = arith.addi %mul3A_5, %add3A_610 : vector<16xi32>
      %gather3A_612 = tpu.vector_load_idx %arg12[%add3A_611] : memref<256xf32, #tpu.memory_space<vmem>>[vector<16xi32>], vector<16xf32>,
      %add3A_613 = arith.addf %gather3A_596, %gather3A_612 : vector<16xf32>
      %add3A_614 = arith.constant 5 : i32
      %add3A_615 = vector.broadcast %add3A_614 : i32 to vector<16xi32>
      %add3A_616 = arith.addi %mul3A_5, %add3A_615 : vector<16xi32>
      %gather3A_617 = tpu.vector_load_idx %arg12[%add3A_616] : memref<256xf32, #tpu.memory_space<vmem>>[vector<16xi32>], vector<16xf32>,
      %add3A_618 = arith.addf %gather3A_600, %gather3A_617 : vector<16xf32>
      %add3A_619 = arith.constant 6 : i32
      %add3A_620 = vector.broadcast %add3A_619 : i32 to vector<16xi32>
      %add3A_621 = arith.addi %mul3A_5, %add3A_620 : vector<16xi32>
      %gather3A_622 = tpu.vector_load_idx %arg12[%add3A_621] : memref<256xf32, #tpu.memory_space<vmem>>[vector<16xi32>], vector<16xf32>,
      %add3A_623 = arith.addf %gather3A_604, %gather3A_622 : vector<16xf32>
      %add3A_624 = arith.constant 7 : i32
      %add3A_625 = vector.broadcast %add3A_624 : i32 to vector<16xi32>
      %add3A_626 = arith.addi %mul3A_5, %add3A_625 : vector<16xi32>
      %gather3A_627 = tpu.vector_load_idx %arg12[%add3A_626] : memref<256xf32, #tpu.memory_space<vmem>>[vector<16xi32>], vector<16xf32>,
      %add3A_628 = arith.addf %gather3A_608, %gather3A_627 : vector<16xf32>
      %add3A_629 = arith.constant 8 : i32
      %add3A_630 = vector.broadcast %add3A_629 : i32 to vector<16xi32>
      %add3A_631 = arith.addi %mul3A_5, %add3A_630 : vector<16xi32>
      %gather3A_632 = tpu.vector_load_idx %arg12[%add3A_631] : memref<256xf32, #tpu.memory_space<vmem>>[vector<16xi32>], vector<16xf32>,
      %add3A_633 = arith.addf %add3A_613, %gather3A_632 : vector<16xf32>
      %add3A_634 = arith.constant 9 : i32
      %add3A_635 = vector.broadcast %add3A_634 : i32 to vector<16xi32>
      %add3A_636 = arith.addi %mul3A_5, %add3A_635 : vector<16xi32>
      %gather3A_637 = tpu.vector_load_idx %arg12[%add3A_636] : memref<256xf32, #tpu.memory_space<vmem>>[vector<16xi32>], vector<16xf32>,
      %add3A_638 = arith.addf %add3A_618, %gather3A_637 : vector<16xf32>
      %add3A_639 = arith.constant 10 : i32
      %add3A_640 = vector.broadcast %add3A_639 : i32 to vector<16xi32>
      %add3A_641 = arith.addi %mul3A_5, %add3A_640 : vector<16xi32>
      %gather3A_642 = tpu.vector_load_idx %arg12[%add3A_641] : memref<256xf32, #tpu.memory_space<vmem>>[vector<16xi32>], vector<16xf32>,
      %add3A_643 = arith.addf %add3A_623, %gather3A_642 : vector<16xf32>
      %add3A_644 = arith.constant 11 : i32
      %add3A_645 = vector.broadcast %add3A_644 : i32 to vector<16xi32>
      %add3A_646 = arith.addi %mul3A_5, %add3A_645 : vector<16xi32>
      %gather3A_647 = tpu.vector_load_idx %arg12[%add3A_646] : memref<256xf32, #tpu.memory_space<vmem>>[vector<16xi32>], vector<16xf32>,
      %add3A_648 = arith.addf %add3A_628, %gather3A_647 : vector<16xf32>
      %add3A_649 = arith.constant 12 : i32
      %add3A_650 = vector.broadcast %add3A_649 : i32 to vector<16xi32>
      %add3A_651 = arith.addi %mul3A_5, %add3A_650 : vector<16xi32>
      %gather3A_652 = tpu.vector_load_idx %arg12[%add3A_651] : memref<256xf32, #tpu.memory_space<vmem>>[vector<16xi32>], vector<16xf32>,
      %add3A_653 = arith.addf %add3A_633, %gather3A_652 : vector<16xf32>
      %add3A_654 = arith.constant 13 : i32
      %add3A_655 = vector.broadcast %add3A_654 : i32 to vector<16xi32>
      %add3A_656 = arith.addi %mul3A_5, %add3A_655 : vector<16xi32>
      %gather3A_657 = tpu.vector_load_idx %arg12[%add3A_656] : memref<256xf32, #tpu.memory_space<vmem>>[vector<16xi32>], vector<16xf32>,
      %add3A_658 = arith.addf %add3A_638, %gather3A_657 : vector<16xf32>
      %add3A_659 = arith.constant 14 : i32
      %add3A_660 = vector.broadcast %add3A_659 : i32 to vector<16xi32>
      %add3A_661 = arith.addi %mul3A_5, %add3A_660 : vector<16xi32>
      %gather3A_662 = tpu.vector_load_idx %arg12[%add3A_661] : memref<256xf32, #tpu.memory_space<vmem>>[vector<16xi32>], vector<16xf32>,
      %add3A_663 = arith.addf %add3A_643, %gather3A_662 : vector<16xf32>
      %add3A_664 = arith.constant 15 : i32
      %add3A_665 = vector.broadcast %add3A_664 : i32 to vector<16xi32>
      %add3A_666 = arith.addi %mul3A_5, %add3A_665 : vector<16xi32>
      %gather3A_667 = tpu.vector_load_idx %arg12[%add3A_666] : memref<256xf32, #tpu.memory_space<vmem>>[vector<16xi32>], vector<16xf32>,
      %add3A_668 = arith.addf %add3A_648, %gather3A_667 : vector<16xf32>
      %add3A_669 = arith.addf %add3A_653, %add3A_658 : vector<16xf32>
      %add3A_670 = arith.addf %add3A_663, %add3A_668 : vector<16xf32>
      %add3A_671 = arith.addf %add3A_669, %add3A_670 : vector<16xf32>
      %bitcast3A_672 = vector.bitcast %add3A_671 : vector<16xf32> to vector<16xi32>
      %shift_right_arithmetic3A_673 = arith.constant 1 : i32
      %shift_right_arithmetic3A_674 = vector.broadcast %shift_right_arithmetic3A_673 : i32 to vector<16xi32>
      %shift_right_arithmetic3A_675 = arith.shrsi %bitcast3A_672, %shift_right_arithmetic3A_674 : vector<16xi32>
      %sub3A_676 = arith.constant 1597463007 : i32
      %sub3A_677 = vector.broadcast %sub3A_676 : i32 to vector<16xi32>
      %sub3A_678 = arith.subi %sub3A_677, %shift_right_arithmetic3A_675 : vector<16xi32>
      %bitcast3A_679 = vector.bitcast %sub3A_678 : vector<16xi32> to vector<16xf32>
      %mul3A_680 = arith.constant 5.000000e-01 : f32
      %mul3A_681 = vector.broadcast %mul3A_680 : f32 to vector<16xf32>
      %mul3A_682 = arith.mulf %add3A_671, %mul3A_681 : vector<16xf32>
      %mul3A_683 = arith.mulf %mul3A_682, %bitcast3A_679 : vector<16xf32>
      %mul3A_684 = arith.mulf %mul3A_683, %bitcast3A_679 : vector<16xf32>
      %sub3A_685 = arith.constant 1.500000e+00 : f32
      %sub3A_686 = vector.broadcast %sub3A_685 : f32 to vector<16xf32>
      %sub3A_687 = arith.subf %sub3A_686, %mul3A_684 : vector<16xf32>
      %mul3A_688 = arith.mulf %bitcast3A_679, %sub3A_687 : vector<16xf32>
      %mul3A_689 = arith.mulf %mul3A_682, %mul3A_688 : vector<16xf32>
      %mul3A_690 = arith.mulf %mul3A_689, %mul3A_688 : vector<16xf32>
      %sub3A_691 = arith.constant 1.500000e+00 : f32
      %sub3A_692 = vector.broadcast %sub3A_691 : f32 to vector<16xf32>
      %sub3A_693 = arith.subf %sub3A_692, %mul3A_690 : vector<16xf32>
      %mul3A_694 = arith.mulf %mul3A_688, %sub3A_693 : vector<16xf32>
      %mul3A_695 = arith.mulf %add3A_671, %mul3A_694 : vector<16xf32>
      %add3A_696 = arith.constant 0 : i32
      %add3A_697 = arith.addi %mul3A_589, %add3A_696 : i32
      %swap3A_698 = arith.index_cast %add3A_697 : i32 to index
      %swap3A_699 = tpu.vector_load %arg13[%swap3A_698] {strides = array<i32>} : memref<10000xf32, #tpu.memory_space<vmem>>, vector<16xf32>,
      tpu.vector_store %arg13[%swap3A_698], %mul3A_695 {strides = array<i32>} : memref<10000xf32, #tpu.memory_space<vmem>>, vector<16xf32>,
      %parallel_loop3A_700 = arith.constant 0 : i32
      %parallel_loop3A_701 = arith.constant 16 : i32
      %parallel_loop3A_702 = arith.constant 1 : i32
      scf.for %parallel_loop3A_1718 = %parallel_loop3A_700 to %parallel_loop3A_701 step %parallel_loop3A_702  : i32 {
        %parallel_loop3A_1719 = arith.constant 16 : i32
        %parallel_loop3A_1720 = arith.addi %parallel_loop3A_1719, %parallel_loop3A_1718 : i32
        %parallel_loop3A_1721 = arith.constant 0.000000e+00 : f32
        %parallel_loop3A_1722 = vector.broadcast %parallel_loop3A_1721 : f32 to vector<16xf32>
        %parallel_loop3A_1723 = arith.index_cast %parallel_loop3A_1720 : i32 to index
        %parallel_loop3A_1724 = arith.constant 0 : index
        %parallel_loop3A_1725 = tpu.vector_load %arg8[%parallel_loop3A_1723, %parallel_loop3A_1724] {strides = array<i32>} : memref<80x128xf32, #tpu.memory_space<vmem>>, vector<16xf32>,
        %parallel_loop3A_1726 = arith.index_cast %parallel_loop3A_1720 : i32 to index
        %parallel_loop3A_1727 = arith.constant 0 : index
        %parallel_loop3A_1728 = tpu.vector_load %arg9[%parallel_loop3A_1726, %parallel_loop3A_1727] {strides = array<i32>} : memref<80x128xf32, #tpu.memory_space<vmem>>, vector<16xf32>,
        %parallel_loop3A_1729 = arith.subf %parallel_loop3A_1725, %parallel_loop3A_1728 : vector<16xf32>
        %parallel_loop3A_1730 = arith.constant 9.99999997E-7 : f32
        %parallel_loop3A_1731 = vector.broadcast %parallel_loop3A_1730 : f32 to vector<16xf32>
        %parallel_loop3A_1732 = arith.addf %parallel_loop3A_1729, %parallel_loop3A_1731 : vector<16xf32>
        %parallel_loop3A_1733 = arith.mulf %parallel_loop3A_1732, %parallel_loop3A_1732 : vector<16xf32>
        %parallel_loop3A_1734 = arith.addf %parallel_loop3A_1722, %parallel_loop3A_1733 : vector<16xf32>
        %parallel_loop3A_1735 = arith.index_cast %parallel_loop3A_1720 : i32 to index
        %parallel_loop3A_1736 = arith.constant 16 : index
        %parallel_loop3A_1737 = tpu.vector_load %arg8[%parallel_loop3A_1735, %parallel_loop3A_1736] {strides = array<i32>} : memref<80x128xf32, #tpu.memory_space<vmem>>, vector<16xf32>,
        %parallel_loop3A_1738 = arith.index_cast %parallel_loop3A_1720 : i32 to index
        %parallel_loop3A_1739 = arith.constant 16 : index
        %parallel_loop3A_1740 = tpu.vector_load %arg9[%parallel_loop3A_1738, %parallel_loop3A_1739] {strides = array<i32>} : memref<80x128xf32, #tpu.memory_space<vmem>>, vector<16xf32>,
        %parallel_loop3A_1741 = arith.subf %parallel_loop3A_1737, %parallel_loop3A_1740 : vector<16xf32>
        %parallel_loop3A_1742 = arith.constant 9.99999997E-7 : f32
        %parallel_loop3A_1743 = vector.broadcast %parallel_loop3A_1742 : f32 to vector<16xf32>
        %parallel_loop3A_1744 = arith.addf %parallel_loop3A_1741, %parallel_loop3A_1743 : vector<16xf32>
        %parallel_loop3A_1745 = arith.mulf %parallel_loop3A_1744, %parallel_loop3A_1744 : vector<16xf32>
        %parallel_loop3A_1746 = arith.addf %parallel_loop3A_1734, %parallel_loop3A_1745 : vector<16xf32>
        %parallel_loop3A_1747 = arith.index_cast %parallel_loop3A_1720 : i32 to index
        %parallel_loop3A_1748 = arith.constant 32 : index
        %parallel_loop3A_1749 = tpu.vector_load %arg8[%parallel_loop3A_1747, %parallel_loop3A_1748] {strides = array<i32>} : memref<80x128xf32, #tpu.memory_space<vmem>>, vector<16xf32>,
        %parallel_loop3A_1750 = arith.index_cast %parallel_loop3A_1720 : i32 to index
        %parallel_loop3A_1751 = arith.constant 32 : index
        %parallel_loop3A_1752 = tpu.vector_load %arg9[%parallel_loop3A_1750, %parallel_loop3A_1751] {strides = array<i32>} : memref<80x128xf32, #tpu.memory_space<vmem>>, vector<16xf32>,
        %parallel_loop3A_1753 = arith.subf %parallel_loop3A_1749, %parallel_loop3A_1752 : vector<16xf32>
        %parallel_loop3A_1754 = arith.constant 9.99999997E-7 : f32
        %parallel_loop3A_1755 = vector.broadcast %parallel_loop3A_1754 : f32 to vector<16xf32>
        %parallel_loop3A_1756 = arith.addf %parallel_loop3A_1753, %parallel_loop3A_1755 : vector<16xf32>
        %parallel_loop3A_1757 = arith.mulf %parallel_loop3A_1756, %parallel_loop3A_1756 : vector<16xf32>
        %parallel_loop3A_1758 = arith.addf %parallel_loop3A_1746, %parallel_loop3A_1757 : vector<16xf32>
        %parallel_loop3A_1759 = arith.index_cast %parallel_loop3A_1720 : i32 to index
        %parallel_loop3A_1760 = arith.constant 48 : index
        %parallel_loop3A_1761 = tpu.vector_load %arg8[%parallel_loop3A_1759, %parallel_loop3A_1760] {strides = array<i32>} : memref<80x128xf32, #tpu.memory_space<vmem>>, vector<16xf32>,
        %parallel_loop3A_1762 = arith.index_cast %parallel_loop3A_1720 : i32 to index
        %parallel_loop3A_1763 = arith.constant 48 : index
        %parallel_loop3A_1764 = tpu.vector_load %arg9[%parallel_loop3A_1762, %parallel_loop3A_1763] {strides = array<i32>} : memref<80x128xf32, #tpu.memory_space<vmem>>, vector<16xf32>,
        %parallel_loop3A_1765 = arith.subf %parallel_loop3A_1761, %parallel_loop3A_1764 : vector<16xf32>
        %parallel_loop3A_1766 = arith.constant 9.99999997E-7 : f32
        %parallel_loop3A_1767 = vector.broadcast %parallel_loop3A_1766 : f32 to vector<16xf32>
        %parallel_loop3A_1768 = arith.addf %parallel_loop3A_1765, %parallel_loop3A_1767 : vector<16xf32>
        %parallel_loop3A_1769 = arith.mulf %parallel_loop3A_1768, %parallel_loop3A_1768 : vector<16xf32>
        %parallel_loop3A_1770 = arith.addf %parallel_loop3A_1758, %parallel_loop3A_1769 : vector<16xf32>
        %parallel_loop3A_1771 = arith.index_cast %parallel_loop3A_1720 : i32 to index
        %parallel_loop3A_1772 = arith.constant 64 : index
        %parallel_loop3A_1773 = tpu.vector_load %arg8[%parallel_loop3A_1771, %parallel_loop3A_1772] {strides = array<i32>} : memref<80x128xf32, #tpu.memory_space<vmem>>, vector<16xf32>,
        %parallel_loop3A_1774 = arith.index_cast %parallel_loop3A_1720 : i32 to index
        %parallel_loop3A_1775 = arith.constant 64 : index
        %parallel_loop3A_1776 = tpu.vector_load %arg9[%parallel_loop3A_1774, %parallel_loop3A_1775] {strides = array<i32>} : memref<80x128xf32, #tpu.memory_space<vmem>>, vector<16xf32>,
        %parallel_loop3A_1777 = arith.subf %parallel_loop3A_1773, %parallel_loop3A_1776 : vector<16xf32>
        %parallel_loop3A_1778 = arith.constant 9.99999997E-7 : f32
        %parallel_loop3A_1779 = vector.broadcast %parallel_loop3A_1778 : f32 to vector<16xf32>
        %parallel_loop3A_1780 = arith.addf %parallel_loop3A_1777, %parallel_loop3A_1779 : vector<16xf32>
        %parallel_loop3A_1781 = arith.mulf %parallel_loop3A_1780, %parallel_loop3A_1780 : vector<16xf32>
        %parallel_loop3A_1782 = arith.addf %parallel_loop3A_1770, %parallel_loop3A_1781 : vector<16xf32>
        %parallel_loop3A_1783 = arith.index_cast %parallel_loop3A_1720 : i32 to index
        %parallel_loop3A_1784 = arith.constant 80 : index
        %parallel_loop3A_1785 = tpu.vector_load %arg8[%parallel_loop3A_1783, %parallel_loop3A_1784] {strides = array<i32>} : memref<80x128xf32, #tpu.memory_space<vmem>>, vector<16xf32>,
        %parallel_loop3A_1786 = arith.index_cast %parallel_loop3A_1720 : i32 to index
        %parallel_loop3A_1787 = arith.constant 80 : index
        %parallel_loop3A_1788 = tpu.vector_load %arg9[%parallel_loop3A_1786, %parallel_loop3A_1787] {strides = array<i32>} : memref<80x128xf32, #tpu.memory_space<vmem>>, vector<16xf32>,
        %parallel_loop3A_1789 = arith.subf %parallel_loop3A_1785, %parallel_loop3A_1788 : vector<16xf32>
        %parallel_loop3A_1790 = arith.constant 9.99999997E-7 : f32
        %parallel_loop3A_1791 = vector.broadcast %parallel_loop3A_1790 : f32 to vector<16xf32>
        %parallel_loop3A_1792 = arith.addf %parallel_loop3A_1789, %parallel_loop3A_1791 : vector<16xf32>
        %parallel_loop3A_1793 = arith.mulf %parallel_loop3A_1792, %parallel_loop3A_1792 : vector<16xf32>
        %parallel_loop3A_1794 = arith.addf %parallel_loop3A_1782, %parallel_loop3A_1793 : vector<16xf32>
        %parallel_loop3A_1795 = arith.index_cast %parallel_loop3A_1720 : i32 to index
        %parallel_loop3A_1796 = arith.constant 96 : index
        %parallel_loop3A_1797 = tpu.vector_load %arg8[%parallel_loop3A_1795, %parallel_loop3A_1796] {strides = array<i32>} : memref<80x128xf32, #tpu.memory_space<vmem>>, vector<16xf32>,
        %parallel_loop3A_1798 = arith.index_cast %parallel_loop3A_1720 : i32 to index
        %parallel_loop3A_1799 = arith.constant 96 : index
        %parallel_loop3A_1800 = tpu.vector_load %arg9[%parallel_loop3A_1798, %parallel_loop3A_1799] {strides = array<i32>} : memref<80x128xf32, #tpu.memory_space<vmem>>, vector<16xf32>,
        %parallel_loop3A_1801 = arith.subf %parallel_loop3A_1797, %parallel_loop3A_1800 : vector<16xf32>
        %parallel_loop3A_1802 = arith.constant 9.99999997E-7 : f32
        %parallel_loop3A_1803 = vector.broadcast %parallel_loop3A_1802 : f32 to vector<16xf32>
        %parallel_loop3A_1804 = arith.addf %parallel_loop3A_1801, %parallel_loop3A_1803 : vector<16xf32>
        %parallel_loop3A_1805 = arith.mulf %parallel_loop3A_1804, %parallel_loop3A_1804 : vector<16xf32>
        %parallel_loop3A_1806 = arith.addf %parallel_loop3A_1794, %parallel_loop3A_1805 : vector<16xf32>
        %parallel_loop3A_1807 = arith.index_cast %parallel_loop3A_1720 : i32 to index
        %parallel_loop3A_1808 = arith.constant 112 : index
        %parallel_loop3A_1809 = tpu.vector_load %arg8[%parallel_loop3A_1807, %parallel_loop3A_1808] {strides = array<i32>} : memref<80x128xf32, #tpu.memory_space<vmem>>, vector<16xf32>,
        %parallel_loop3A_1810 = arith.index_cast %parallel_loop3A_1720 : i32 to index
        %parallel_loop3A_1811 = arith.constant 112 : index
        %parallel_loop3A_1812 = tpu.vector_load %arg9[%parallel_loop3A_1810, %parallel_loop3A_1811] {strides = array<i32>} : memref<80x128xf32, #tpu.memory_space<vmem>>, vector<16xf32>,
        %parallel_loop3A_1813 = arith.subf %parallel_loop3A_1809, %parallel_loop3A_1812 : vector<16xf32>
        %parallel_loop3A_1814 = arith.constant 9.99999997E-7 : f32
        %parallel_loop3A_1815 = vector.broadcast %parallel_loop3A_1814 : f32 to vector<16xf32>
        %parallel_loop3A_1816 = arith.addf %parallel_loop3A_1813, %parallel_loop3A_1815 : vector<16xf32>
        %parallel_loop3A_1817 = arith.mulf %parallel_loop3A_1816, %parallel_loop3A_1816 : vector<16xf32>
        %parallel_loop3A_1818 = arith.addf %parallel_loop3A_1806, %parallel_loop3A_1817 : vector<16xf32>
        %parallel_loop3A_1819 = arith.constant 16 : i32
        %parallel_loop3A_1820 = arith.muli %parallel_loop3A_1718, %parallel_loop3A_1819 : i32
        %parallel_loop3A_1821 = arith.index_cast %parallel_loop3A_1820 : i32 to index
        %parallel_loop3A_1822 = tpu.vector_load %arg12[%parallel_loop3A_1821] {strides = array<i32>} : memref<256xf32, #tpu.memory_space<vmem>>, vector<16xf32>,
        tpu.vector_store %arg12[%parallel_loop3A_1821], %parallel_loop3A_1818 {strides = array<i32>} : memref<256xf32, #tpu.memory_space<vmem>>, vector<16xf32>,
      } {sc.loop_unroll_factor = 2 : i64, sc.parallel_access}
      %add3A_703 = arith.constant 0 : i32
      %add3A_704 = vector.broadcast %add3A_703 : i32 to vector<16xi32>
      %add3A_705 = arith.addi %mul3A_5, %add3A_704 : vector<16xi32>
      %gather3A_706 = tpu.vector_load_idx %arg12[%add3A_705] : memref<256xf32, #tpu.memory_space<vmem>>[vector<16xi32>], vector<16xf32>,
      %add3A_707 = arith.constant 1 : i32
      %add3A_708 = vector.broadcast %add3A_707 : i32 to vector<16xi32>
      %add3A_709 = arith.addi %mul3A_5, %add3A_708 : vector<16xi32>
      %gather3A_710 = tpu.vector_load_idx %arg12[%add3A_709] : memref<256xf32, #tpu.memory_space<vmem>>[vector<16xi32>], vector<16xf32>,
      %add3A_711 = arith.constant 2 : i32
      %add3A_712 = vector.broadcast %add3A_711 : i32 to vector<16xi32>
      %add3A_713 = arith.addi %mul3A_5, %add3A_712 : vector<16xi32>
      %gather3A_714 = tpu.vector_load_idx %arg12[%add3A_713] : memref<256xf32, #tpu.memory_space<vmem>>[vector<16xi32>], vector<16xf32>,
      %add3A_715 = arith.constant 3 : i32
      %add3A_716 = vector.broadcast %add3A_715 : i32 to vector<16xi32>
      %add3A_717 = arith.addi %mul3A_5, %add3A_716 : vector<16xi32>
      %gather3A_718 = tpu.vector_load_idx %arg12[%add3A_717] : memref<256xf32, #tpu.memory_space<vmem>>[vector<16xi32>], vector<16xf32>,
      %add3A_719 = arith.constant 4 : i32
      %add3A_720 = vector.broadcast %add3A_719 : i32 to vector<16xi32>
      %add3A_721 = arith.addi %mul3A_5, %add3A_720 : vector<16xi32>
      %gather3A_722 = tpu.vector_load_idx %arg12[%add3A_721] : memref<256xf32, #tpu.memory_space<vmem>>[vector<16xi32>], vector<16xf32>,
      %add3A_723 = arith.addf %gather3A_706, %gather3A_722 : vector<16xf32>
      %add3A_724 = arith.constant 5 : i32
      %add3A_725 = vector.broadcast %add3A_724 : i32 to vector<16xi32>
      %add3A_726 = arith.addi %mul3A_5, %add3A_725 : vector<16xi32>
      %gather3A_727 = tpu.vector_load_idx %arg12[%add3A_726] : memref<256xf32, #tpu.memory_space<vmem>>[vector<16xi32>], vector<16xf32>,
      %add3A_728 = arith.addf %gather3A_710, %gather3A_727 : vector<16xf32>
      %add3A_729 = arith.constant 6 : i32
      %add3A_730 = vector.broadcast %add3A_729 : i32 to vector<16xi32>
      %add3A_731 = arith.addi %mul3A_5, %add3A_730 : vector<16xi32>
      %gather3A_732 = tpu.vector_load_idx %arg12[%add3A_731] : memref<256xf32, #tpu.memory_space<vmem>>[vector<16xi32>], vector<16xf32>,
      %add3A_733 = arith.addf %gather3A_714, %gather3A_732 : vector<16xf32>
      %add3A_734 = arith.constant 7 : i32
      %add3A_735 = vector.broadcast %add3A_734 : i32 to vector<16xi32>
      %add3A_736 = arith.addi %mul3A_5, %add3A_735 : vector<16xi32>
      %gather3A_737 = tpu.vector_load_idx %arg12[%add3A_736] : memref<256xf32, #tpu.memory_space<vmem>>[vector<16xi32>], vector<16xf32>,
      %add3A_738 = arith.addf %gather3A_718, %gather3A_737 : vector<16xf32>
      %add3A_739 = arith.constant 8 : i32
      %add3A_740 = vector.broadcast %add3A_739 : i32 to vector<16xi32>
      %add3A_741 = arith.addi %mul3A_5, %add3A_740 : vector<16xi32>
      %gather3A_742 = tpu.vector_load_idx %arg12[%add3A_741] : memref<256xf32, #tpu.memory_space<vmem>>[vector<16xi32>], vector<16xf32>,
      %add3A_743 = arith.addf %add3A_723, %gather3A_742 : vector<16xf32>
      %add3A_744 = arith.constant 9 : i32
      %add3A_745 = vector.broadcast %add3A_744 : i32 to vector<16xi32>
      %add3A_746 = arith.addi %mul3A_5, %add3A_745 : vector<16xi32>
      %gather3A_747 = tpu.vector_load_idx %arg12[%add3A_746] : memref<256xf32, #tpu.memory_space<vmem>>[vector<16xi32>], vector<16xf32>,
      %add3A_748 = arith.addf %add3A_728, %gather3A_747 : vector<16xf32>
      %add3A_749 = arith.constant 10 : i32
      %add3A_750 = vector.broadcast %add3A_749 : i32 to vector<16xi32>
      %add3A_751 = arith.addi %mul3A_5, %add3A_750 : vector<16xi32>
      %gather3A_752 = tpu.vector_load_idx %arg12[%add3A_751] : memref<256xf32, #tpu.memory_space<vmem>>[vector<16xi32>], vector<16xf32>,
      %add3A_753 = arith.addf %add3A_733, %gather3A_752 : vector<16xf32>
      %add3A_754 = arith.constant 11 : i32
      %add3A_755 = vector.broadcast %add3A_754 : i32 to vector<16xi32>
      %add3A_756 = arith.addi %mul3A_5, %add3A_755 : vector<16xi32>
      %gather3A_757 = tpu.vector_load_idx %arg12[%add3A_756] : memref<256xf32, #tpu.memory_space<vmem>>[vector<16xi32>], vector<16xf32>,
      %add3A_758 = arith.addf %add3A_738, %gather3A_757 : vector<16xf32>
      %add3A_759 = arith.constant 12 : i32
      %add3A_760 = vector.broadcast %add3A_759 : i32 to vector<16xi32>
      %add3A_761 = arith.addi %mul3A_5, %add3A_760 : vector<16xi32>
      %gather3A_762 = tpu.vector_load_idx %arg12[%add3A_761] : memref<256xf32, #tpu.memory_space<vmem>>[vector<16xi32>], vector<16xf32>,
      %add3A_763 = arith.addf %add3A_743, %gather3A_762 : vector<16xf32>
      %add3A_764 = arith.constant 13 : i32
      %add3A_765 = vector.broadcast %add3A_764 : i32 to vector<16xi32>
      %add3A_766 = arith.addi %mul3A_5, %add3A_765 : vector<16xi32>
      %gather3A_767 = tpu.vector_load_idx %arg12[%add3A_766] : memref<256xf32, #tpu.memory_space<vmem>>[vector<16xi32>], vector<16xf32>,
      %add3A_768 = arith.addf %add3A_748, %gather3A_767 : vector<16xf32>
      %add3A_769 = arith.constant 14 : i32
      %add3A_770 = vector.broadcast %add3A_769 : i32 to vector<16xi32>
      %add3A_771 = arith.addi %mul3A_5, %add3A_770 : vector<16xi32>
      %gather3A_772 = tpu.vector_load_idx %arg12[%add3A_771] : memref<256xf32, #tpu.memory_space<vmem>>[vector<16xi32>], vector<16xf32>,
      %add3A_773 = arith.addf %add3A_753, %gather3A_772 : vector<16xf32>
      %add3A_774 = arith.constant 15 : i32
      %add3A_775 = vector.broadcast %add3A_774 : i32 to vector<16xi32>
      %add3A_776 = arith.addi %mul3A_5, %add3A_775 : vector<16xi32>
      %gather3A_777 = tpu.vector_load_idx %arg12[%add3A_776] : memref<256xf32, #tpu.memory_space<vmem>>[vector<16xi32>], vector<16xf32>,
      %add3A_778 = arith.addf %add3A_758, %gather3A_777 : vector<16xf32>
      %add3A_779 = arith.addf %add3A_763, %add3A_768 : vector<16xf32>
      %add3A_780 = arith.addf %add3A_773, %add3A_778 : vector<16xf32>
      %add3A_781 = arith.addf %add3A_779, %add3A_780 : vector<16xf32>
      %bitcast3A_782 = vector.bitcast %add3A_781 : vector<16xf32> to vector<16xi32>
      %shift_right_arithmetic3A_783 = arith.constant 1 : i32
      %shift_right_arithmetic3A_784 = vector.broadcast %shift_right_arithmetic3A_783 : i32 to vector<16xi32>
      %shift_right_arithmetic3A_785 = arith.shrsi %bitcast3A_782, %shift_right_arithmetic3A_784 : vector<16xi32>
      %sub3A_786 = arith.constant 1597463007 : i32
      %sub3A_787 = vector.broadcast %sub3A_786 : i32 to vector<16xi32>
      %sub3A_788 = arith.subi %sub3A_787, %shift_right_arithmetic3A_785 : vector<16xi32>
      %bitcast3A_789 = vector.bitcast %sub3A_788 : vector<16xi32> to vector<16xf32>
      %mul3A_790 = arith.constant 5.000000e-01 : f32
      %mul3A_791 = vector.broadcast %mul3A_790 : f32 to vector<16xf32>
      %mul3A_792 = arith.mulf %add3A_781, %mul3A_791 : vector<16xf32>
      %mul3A_793 = arith.mulf %mul3A_792, %bitcast3A_789 : vector<16xf32>
      %mul3A_794 = arith.mulf %mul3A_793, %bitcast3A_789 : vector<16xf32>
      %sub3A_795 = arith.constant 1.500000e+00 : f32
      %sub3A_796 = vector.broadcast %sub3A_795 : f32 to vector<16xf32>
      %sub3A_797 = arith.subf %sub3A_796, %mul3A_794 : vector<16xf32>
      %mul3A_798 = arith.mulf %bitcast3A_789, %sub3A_797 : vector<16xf32>
      %mul3A_799 = arith.mulf %mul3A_792, %mul3A_798 : vector<16xf32>
      %mul3A_800 = arith.mulf %mul3A_799, %mul3A_798 : vector<16xf32>
      %sub3A_801 = arith.constant 1.500000e+00 : f32
      %sub3A_802 = vector.broadcast %sub3A_801 : f32 to vector<16xf32>
      %sub3A_803 = arith.subf %sub3A_802, %mul3A_800 : vector<16xf32>
      %mul3A_804 = arith.mulf %mul3A_798, %sub3A_803 : vector<16xf32>
      %mul3A_805 = arith.mulf %add3A_781, %mul3A_804 : vector<16xf32>
      %add3A_806 = arith.constant 16 : i32
      %add3A_807 = arith.addi %mul3A_589, %add3A_806 : i32
      %swap3A_808 = arith.index_cast %add3A_807 : i32 to index
      %swap3A_809 = tpu.vector_load %arg13[%swap3A_808] {strides = array<i32>} : memref<10000xf32, #tpu.memory_space<vmem>>, vector<16xf32>,
      tpu.vector_store %arg13[%swap3A_808], %mul3A_805 {strides = array<i32>} : memref<10000xf32, #tpu.memory_space<vmem>>, vector<16xf32>,
      %parallel_loop3A_810 = arith.constant 0 : i32
      %parallel_loop3A_811 = arith.constant 16 : i32
      %parallel_loop3A_812 = arith.constant 1 : i32
      scf.for %parallel_loop3A_1718 = %parallel_loop3A_810 to %parallel_loop3A_811 step %parallel_loop3A_812  : i32 {
        %parallel_loop3A_1719 = arith.constant 32 : i32
        %parallel_loop3A_1720 = arith.addi %parallel_loop3A_1719, %parallel_loop3A_1718 : i32
        %parallel_loop3A_1721 = arith.constant 0.000000e+00 : f32
        %parallel_loop3A_1722 = vector.broadcast %parallel_loop3A_1721 : f32 to vector<16xf32>
        %parallel_loop3A_1723 = arith.index_cast %parallel_loop3A_1720 : i32 to index
        %parallel_loop3A_1724 = arith.constant 0 : index
        %parallel_loop3A_1725 = tpu.vector_load %arg8[%parallel_loop3A_1723, %parallel_loop3A_1724] {strides = array<i32>} : memref<80x128xf32, #tpu.memory_space<vmem>>, vector<16xf32>,
        %parallel_loop3A_1726 = arith.index_cast %parallel_loop3A_1720 : i32 to index
        %parallel_loop3A_1727 = arith.constant 0 : index
        %parallel_loop3A_1728 = tpu.vector_load %arg9[%parallel_loop3A_1726, %parallel_loop3A_1727] {strides = array<i32>} : memref<80x128xf32, #tpu.memory_space<vmem>>, vector<16xf32>,
        %parallel_loop3A_1729 = arith.subf %parallel_loop3A_1725, %parallel_loop3A_1728 : vector<16xf32>
        %parallel_loop3A_1730 = arith.constant 9.99999997E-7 : f32
        %parallel_loop3A_1731 = vector.broadcast %parallel_loop3A_1730 : f32 to vector<16xf32>
        %parallel_loop3A_1732 = arith.addf %parallel_loop3A_1729, %parallel_loop3A_1731 : vector<16xf32>
        %parallel_loop3A_1733 = arith.mulf %parallel_loop3A_1732, %parallel_loop3A_1732 : vector<16xf32>
        %parallel_loop3A_1734 = arith.addf %parallel_loop3A_1722, %parallel_loop3A_1733 : vector<16xf32>
        %parallel_loop3A_1735 = arith.index_cast %parallel_loop3A_1720 : i32 to index
        %parallel_loop3A_1736 = arith.constant 16 : index
        %parallel_loop3A_1737 = tpu.vector_load %arg8[%parallel_loop3A_1735, %parallel_loop3A_1736] {strides = array<i32>} : memref<80x128xf32, #tpu.memory_space<vmem>>, vector<16xf32>,
        %parallel_loop3A_1738 = arith.index_cast %parallel_loop3A_1720 : i32 to index
        %parallel_loop3A_1739 = arith.constant 16 : index
        %parallel_loop3A_1740 = tpu.vector_load %arg9[%parallel_loop3A_1738, %parallel_loop3A_1739] {strides = array<i32>} : memref<80x128xf32, #tpu.memory_space<vmem>>, vector<16xf32>,
        %parallel_loop3A_1741 = arith.subf %parallel_loop3A_1737, %parallel_loop3A_1740 : vector<16xf32>
        %parallel_loop3A_1742 = arith.constant 9.99999997E-7 : f32
        %parallel_loop3A_1743 = vector.broadcast %parallel_loop3A_1742 : f32 to vector<16xf32>
        %parallel_loop3A_1744 = arith.addf %parallel_loop3A_1741, %parallel_loop3A_1743 : vector<16xf32>
        %parallel_loop3A_1745 = arith.mulf %parallel_loop3A_1744, %parallel_loop3A_1744 : vector<16xf32>
        %parallel_loop3A_1746 = arith.addf %parallel_loop3A_1734, %parallel_loop3A_1745 : vector<16xf32>
        %parallel_loop3A_1747 = arith.index_cast %parallel_loop3A_1720 : i32 to index
        %parallel_loop3A_1748 = arith.constant 32 : index
        %parallel_loop3A_1749 = tpu.vector_load %arg8[%parallel_loop3A_1747, %parallel_loop3A_1748] {strides = array<i32>} : memref<80x128xf32, #tpu.memory_space<vmem>>, vector<16xf32>,
        %parallel_loop3A_1750 = arith.index_cast %parallel_loop3A_1720 : i32 to index
        %parallel_loop3A_1751 = arith.constant 32 : index
        %parallel_loop3A_1752 = tpu.vector_load %arg9[%parallel_loop3A_1750, %parallel_loop3A_1751] {strides = array<i32>} : memref<80x128xf32, #tpu.memory_space<vmem>>, vector<16xf32>,
        %parallel_loop3A_1753 = arith.subf %parallel_loop3A_1749, %parallel_loop3A_1752 : vector<16xf32>
        %parallel_loop3A_1754 = arith.constant 9.99999997E-7 : f32
        %parallel_loop3A_1755 = vector.broadcast %parallel_loop3A_1754 : f32 to vector<16xf32>
        %parallel_loop3A_1756 = arith.addf %parallel_loop3A_1753, %parallel_loop3A_1755 : vector<16xf32>
        %parallel_loop3A_1757 = arith.mulf %parallel_loop3A_1756, %parallel_loop3A_1756 : vector<16xf32>
        %parallel_loop3A_1758 = arith.addf %parallel_loop3A_1746, %parallel_loop3A_1757 : vector<16xf32>
        %parallel_loop3A_1759 = arith.index_cast %parallel_loop3A_1720 : i32 to index
        %parallel_loop3A_1760 = arith.constant 48 : index
        %parallel_loop3A_1761 = tpu.vector_load %arg8[%parallel_loop3A_1759, %parallel_loop3A_1760] {strides = array<i32>} : memref<80x128xf32, #tpu.memory_space<vmem>>, vector<16xf32>,
        %parallel_loop3A_1762 = arith.index_cast %parallel_loop3A_1720 : i32 to index
        %parallel_loop3A_1763 = arith.constant 48 : index
        %parallel_loop3A_1764 = tpu.vector_load %arg9[%parallel_loop3A_1762, %parallel_loop3A_1763] {strides = array<i32>} : memref<80x128xf32, #tpu.memory_space<vmem>>, vector<16xf32>,
        %parallel_loop3A_1765 = arith.subf %parallel_loop3A_1761, %parallel_loop3A_1764 : vector<16xf32>
        %parallel_loop3A_1766 = arith.constant 9.99999997E-7 : f32
        %parallel_loop3A_1767 = vector.broadcast %parallel_loop3A_1766 : f32 to vector<16xf32>
        %parallel_loop3A_1768 = arith.addf %parallel_loop3A_1765, %parallel_loop3A_1767 : vector<16xf32>
        %parallel_loop3A_1769 = arith.mulf %parallel_loop3A_1768, %parallel_loop3A_1768 : vector<16xf32>
        %parallel_loop3A_1770 = arith.addf %parallel_loop3A_1758, %parallel_loop3A_1769 : vector<16xf32>
        %parallel_loop3A_1771 = arith.index_cast %parallel_loop3A_1720 : i32 to index
        %parallel_loop3A_1772 = arith.constant 64 : index
        %parallel_loop3A_1773 = tpu.vector_load %arg8[%parallel_loop3A_1771, %parallel_loop3A_1772] {strides = array<i32>} : memref<80x128xf32, #tpu.memory_space<vmem>>, vector<16xf32>,
        %parallel_loop3A_1774 = arith.index_cast %parallel_loop3A_1720 : i32 to index
        %parallel_loop3A_1775 = arith.constant 64 : index
        %parallel_loop3A_1776 = tpu.vector_load %arg9[%parallel_loop3A_1774, %parallel_loop3A_1775] {strides = array<i32>} : memref<80x128xf32, #tpu.memory_space<vmem>>, vector<16xf32>,
        %parallel_loop3A_1777 = arith.subf %parallel_loop3A_1773, %parallel_loop3A_1776 : vector<16xf32>
        %parallel_loop3A_1778 = arith.constant 9.99999997E-7 : f32
        %parallel_loop3A_1779 = vector.broadcast %parallel_loop3A_1778 : f32 to vector<16xf32>
        %parallel_loop3A_1780 = arith.addf %parallel_loop3A_1777, %parallel_loop3A_1779 : vector<16xf32>
        %parallel_loop3A_1781 = arith.mulf %parallel_loop3A_1780, %parallel_loop3A_1780 : vector<16xf32>
        %parallel_loop3A_1782 = arith.addf %parallel_loop3A_1770, %parallel_loop3A_1781 : vector<16xf32>
        %parallel_loop3A_1783 = arith.index_cast %parallel_loop3A_1720 : i32 to index
        %parallel_loop3A_1784 = arith.constant 80 : index
        %parallel_loop3A_1785 = tpu.vector_load %arg8[%parallel_loop3A_1783, %parallel_loop3A_1784] {strides = array<i32>} : memref<80x128xf32, #tpu.memory_space<vmem>>, vector<16xf32>,
        %parallel_loop3A_1786 = arith.index_cast %parallel_loop3A_1720 : i32 to index
        %parallel_loop3A_1787 = arith.constant 80 : index
        %parallel_loop3A_1788 = tpu.vector_load %arg9[%parallel_loop3A_1786, %parallel_loop3A_1787] {strides = array<i32>} : memref<80x128xf32, #tpu.memory_space<vmem>>, vector<16xf32>,
        %parallel_loop3A_1789 = arith.subf %parallel_loop3A_1785, %parallel_loop3A_1788 : vector<16xf32>
        %parallel_loop3A_1790 = arith.constant 9.99999997E-7 : f32
        %parallel_loop3A_1791 = vector.broadcast %parallel_loop3A_1790 : f32 to vector<16xf32>
        %parallel_loop3A_1792 = arith.addf %parallel_loop3A_1789, %parallel_loop3A_1791 : vector<16xf32>
        %parallel_loop3A_1793 = arith.mulf %parallel_loop3A_1792, %parallel_loop3A_1792 : vector<16xf32>
        %parallel_loop3A_1794 = arith.addf %parallel_loop3A_1782, %parallel_loop3A_1793 : vector<16xf32>
        %parallel_loop3A_1795 = arith.index_cast %parallel_loop3A_1720 : i32 to index
        %parallel_loop3A_1796 = arith.constant 96 : index
        %parallel_loop3A_1797 = tpu.vector_load %arg8[%parallel_loop3A_1795, %parallel_loop3A_1796] {strides = array<i32>} : memref<80x128xf32, #tpu.memory_space<vmem>>, vector<16xf32>,
        %parallel_loop3A_1798 = arith.index_cast %parallel_loop3A_1720 : i32 to index
        %parallel_loop3A_1799 = arith.constant 96 : index
        %parallel_loop3A_1800 = tpu.vector_load %arg9[%parallel_loop3A_1798, %parallel_loop3A_1799] {strides = array<i32>} : memref<80x128xf32, #tpu.memory_space<vmem>>, vector<16xf32>,
        %parallel_loop3A_1801 = arith.subf %parallel_loop3A_1797, %parallel_loop3A_1800 : vector<16xf32>
        %parallel_loop3A_1802 = arith.constant 9.99999997E-7 : f32
        %parallel_loop3A_1803 = vector.broadcast %parallel_loop3A_1802 : f32 to vector<16xf32>
        %parallel_loop3A_1804 = arith.addf %parallel_loop3A_1801, %parallel_loop3A_1803 : vector<16xf32>
        %parallel_loop3A_1805 = arith.mulf %parallel_loop3A_1804, %parallel_loop3A_1804 : vector<16xf32>
        %parallel_loop3A_1806 = arith.addf %parallel_loop3A_1794, %parallel_loop3A_1805 : vector<16xf32>
        %parallel_loop3A_1807 = arith.index_cast %parallel_loop3A_1720 : i32 to index
        %parallel_loop3A_1808 = arith.constant 112 : index
        %parallel_loop3A_1809 = tpu.vector_load %arg8[%parallel_loop3A_1807, %parallel_loop3A_1808] {strides = array<i32>} : memref<80x128xf32, #tpu.memory_space<vmem>>, vector<16xf32>,
        %parallel_loop3A_1810 = arith.index_cast %parallel_loop3A_1720 : i32 to index
        %parallel_loop3A_1811 = arith.constant 112 : index
        %parallel_loop3A_1812 = tpu.vector_load %arg9[%parallel_loop3A_1810, %parallel_loop3A_1811] {strides = array<i32>} : memref<80x128xf32, #tpu.memory_space<vmem>>, vector<16xf32>,
        %parallel_loop3A_1813 = arith.subf %parallel_loop3A_1809, %parallel_loop3A_1812 : vector<16xf32>
        %parallel_loop3A_1814 = arith.constant 9.99999997E-7 : f32
        %parallel_loop3A_1815 = vector.broadcast %parallel_loop3A_1814 : f32 to vector<16xf32>
        %parallel_loop3A_1816 = arith.addf %parallel_loop3A_1813, %parallel_loop3A_1815 : vector<16xf32>
        %parallel_loop3A_1817 = arith.mulf %parallel_loop3A_1816, %parallel_loop3A_1816 : vector<16xf32>
        %parallel_loop3A_1818 = arith.addf %parallel_loop3A_1806, %parallel_loop3A_1817 : vector<16xf32>
        %parallel_loop3A_1819 = arith.constant 16 : i32
        %parallel_loop3A_1820 = arith.muli %parallel_loop3A_1718, %parallel_loop3A_1819 : i32
        %parallel_loop3A_1821 = arith.index_cast %parallel_loop3A_1820 : i32 to index
        %parallel_loop3A_1822 = tpu.vector_load %arg12[%parallel_loop3A_1821] {strides = array<i32>} : memref<256xf32, #tpu.memory_space<vmem>>, vector<16xf32>,
        tpu.vector_store %arg12[%parallel_loop3A_1821], %parallel_loop3A_1818 {strides = array<i32>} : memref<256xf32, #tpu.memory_space<vmem>>, vector<16xf32>,
      } {sc.loop_unroll_factor = 2 : i64, sc.parallel_access}
      %add3A_813 = arith.constant 0 : i32
      %add3A_814 = vector.broadcast %add3A_813 : i32 to vector<16xi32>
      %add3A_815 = arith.addi %mul3A_5, %add3A_814 : vector<16xi32>
      %gather3A_816 = tpu.vector_load_idx %arg12[%add3A_815] : memref<256xf32, #tpu.memory_space<vmem>>[vector<16xi32>], vector<16xf32>,
      %add3A_817 = arith.constant 1 : i32
      %add3A_818 = vector.broadcast %add3A_817 : i32 to vector<16xi32>
      %add3A_819 = arith.addi %mul3A_5, %add3A_818 : vector<16xi32>
      %gather3A_820 = tpu.vector_load_idx %arg12[%add3A_819] : memref<256xf32, #tpu.memory_space<vmem>>[vector<16xi32>], vector<16xf32>,
      %add3A_821 = arith.constant 2 : i32
      %add3A_822 = vector.broadcast %add3A_821 : i32 to vector<16xi32>
      %add3A_823 = arith.addi %mul3A_5, %add3A_822 : vector<16xi32>
      %gather3A_824 = tpu.vector_load_idx %arg12[%add3A_823] : memref<256xf32, #tpu.memory_space<vmem>>[vector<16xi32>], vector<16xf32>,
      %add3A_825 = arith.constant 3 : i32
      %add3A_826 = vector.broadcast %add3A_825 : i32 to vector<16xi32>
      %add3A_827 = arith.addi %mul3A_5, %add3A_826 : vector<16xi32>
      %gather3A_828 = tpu.vector_load_idx %arg12[%add3A_827] : memref<256xf32, #tpu.memory_space<vmem>>[vector<16xi32>], vector<16xf32>,
      %add3A_829 = arith.constant 4 : i32
      %add3A_830 = vector.broadcast %add3A_829 : i32 to vector<16xi32>
      %add3A_831 = arith.addi %mul3A_5, %add3A_830 : vector<16xi32>
      %gather3A_832 = tpu.vector_load_idx %arg12[%add3A_831] : memref<256xf32, #tpu.memory_space<vmem>>[vector<16xi32>], vector<16xf32>,
      %add3A_833 = arith.addf %gather3A_816, %gather3A_832 : vector<16xf32>
      %add3A_834 = arith.constant 5 : i32
      %add3A_835 = vector.broadcast %add3A_834 : i32 to vector<16xi32>
      %add3A_836 = arith.addi %mul3A_5, %add3A_835 : vector<16xi32>
      %gather3A_837 = tpu.vector_load_idx %arg12[%add3A_836] : memref<256xf32, #tpu.memory_space<vmem>>[vector<16xi32>], vector<16xf32>,
      %add3A_838 = arith.addf %gather3A_820, %gather3A_837 : vector<16xf32>
      %add3A_839 = arith.constant 6 : i32
      %add3A_840 = vector.broadcast %add3A_839 : i32 to vector<16xi32>
      %add3A_841 = arith.addi %mul3A_5, %add3A_840 : vector<16xi32>
      %gather3A_842 = tpu.vector_load_idx %arg12[%add3A_841] : memref<256xf32, #tpu.memory_space<vmem>>[vector<16xi32>], vector<16xf32>,
      %add3A_843 = arith.addf %gather3A_824, %gather3A_842 : vector<16xf32>
      %add3A_844 = arith.constant 7 : i32
      %add3A_845 = vector.broadcast %add3A_844 : i32 to vector<16xi32>
      %add3A_846 = arith.addi %mul3A_5, %add3A_845 : vector<16xi32>
      %gather3A_847 = tpu.vector_load_idx %arg12[%add3A_846] : memref<256xf32, #tpu.memory_space<vmem>>[vector<16xi32>], vector<16xf32>,
      %add3A_848 = arith.addf %gather3A_828, %gather3A_847 : vector<16xf32>
      %add3A_849 = arith.constant 8 : i32
      %add3A_850 = vector.broadcast %add3A_849 : i32 to vector<16xi32>
      %add3A_851 = arith.addi %mul3A_5, %add3A_850 : vector<16xi32>
      %gather3A_852 = tpu.vector_load_idx %arg12[%add3A_851] : memref<256xf32, #tpu.memory_space<vmem>>[vector<16xi32>], vector<16xf32>,
      %add3A_853 = arith.addf %add3A_833, %gather3A_852 : vector<16xf32>
      %add3A_854 = arith.constant 9 : i32
      %add3A_855 = vector.broadcast %add3A_854 : i32 to vector<16xi32>
      %add3A_856 = arith.addi %mul3A_5, %add3A_855 : vector<16xi32>
      %gather3A_857 = tpu.vector_load_idx %arg12[%add3A_856] : memref<256xf32, #tpu.memory_space<vmem>>[vector<16xi32>], vector<16xf32>,
      %add3A_858 = arith.addf %add3A_838, %gather3A_857 : vector<16xf32>
      %add3A_859 = arith.constant 10 : i32
      %add3A_860 = vector.broadcast %add3A_859 : i32 to vector<16xi32>
      %add3A_861 = arith.addi %mul3A_5, %add3A_860 : vector<16xi32>
      %gather3A_862 = tpu.vector_load_idx %arg12[%add3A_861] : memref<256xf32, #tpu.memory_space<vmem>>[vector<16xi32>], vector<16xf32>,
      %add3A_863 = arith.addf %add3A_843, %gather3A_862 : vector<16xf32>
      %add3A_864 = arith.constant 11 : i32
      %add3A_865 = vector.broadcast %add3A_864 : i32 to vector<16xi32>
      %add3A_866 = arith.addi %mul3A_5, %add3A_865 : vector<16xi32>
      %gather3A_867 = tpu.vector_load_idx %arg12[%add3A_866] : memref<256xf32, #tpu.memory_space<vmem>>[vector<16xi32>], vector<16xf32>,
      %add3A_868 = arith.addf %add3A_848, %gather3A_867 : vector<16xf32>
      %add3A_869 = arith.constant 12 : i32
      %add3A_870 = vector.broadcast %add3A_869 : i32 to vector<16xi32>
      %add3A_871 = arith.addi %mul3A_5, %add3A_870 : vector<16xi32>
      %gather3A_872 = tpu.vector_load_idx %arg12[%add3A_871] : memref<256xf32, #tpu.memory_space<vmem>>[vector<16xi32>], vector<16xf32>,
      %add3A_873 = arith.addf %add3A_853, %gather3A_872 : vector<16xf32>
      %add3A_874 = arith.constant 13 : i32
      %add3A_875 = vector.broadcast %add3A_874 : i32 to vector<16xi32>
      %add3A_876 = arith.addi %mul3A_5, %add3A_875 : vector<16xi32>
      %gather3A_877 = tpu.vector_load_idx %arg12[%add3A_876] : memref<256xf32, #tpu.memory_space<vmem>>[vector<16xi32>], vector<16xf32>,
      %add3A_878 = arith.addf %add3A_858, %gather3A_877 : vector<16xf32>
      %add3A_879 = arith.constant 14 : i32
      %add3A_880 = vector.broadcast %add3A_879 : i32 to vector<16xi32>
      %add3A_881 = arith.addi %mul3A_5, %add3A_880 : vector<16xi32>
      %gather3A_882 = tpu.vector_load_idx %arg12[%add3A_881] : memref<256xf32, #tpu.memory_space<vmem>>[vector<16xi32>], vector<16xf32>,
      %add3A_883 = arith.addf %add3A_863, %gather3A_882 : vector<16xf32>
      %add3A_884 = arith.constant 15 : i32
      %add3A_885 = vector.broadcast %add3A_884 : i32 to vector<16xi32>
      %add3A_886 = arith.addi %mul3A_5, %add3A_885 : vector<16xi32>
      %gather3A_887 = tpu.vector_load_idx %arg12[%add3A_886] : memref<256xf32, #tpu.memory_space<vmem>>[vector<16xi32>], vector<16xf32>,
      %add3A_888 = arith.addf %add3A_868, %gather3A_887 : vector<16xf32>
      %add3A_889 = arith.addf %add3A_873, %add3A_878 : vector<16xf32>
      %add3A_890 = arith.addf %add3A_883, %add3A_888 : vector<16xf32>
      %add3A_891 = arith.addf %add3A_889, %add3A_890 : vector<16xf32>
      %bitcast3A_892 = vector.bitcast %add3A_891 : vector<16xf32> to vector<16xi32>
      %shift_right_arithmetic3A_893 = arith.constant 1 : i32
      %shift_right_arithmetic3A_894 = vector.broadcast %shift_right_arithmetic3A_893 : i32 to vector<16xi32>
      %shift_right_arithmetic3A_895 = arith.shrsi %bitcast3A_892, %shift_right_arithmetic3A_894 : vector<16xi32>
      %sub3A_896 = arith.constant 1597463007 : i32
      %sub3A_897 = vector.broadcast %sub3A_896 : i32 to vector<16xi32>
      %sub3A_898 = arith.subi %sub3A_897, %shift_right_arithmetic3A_895 : vector<16xi32>
      %bitcast3A_899 = vector.bitcast %sub3A_898 : vector<16xi32> to vector<16xf32>
      %mul3A_900 = arith.constant 5.000000e-01 : f32
      %mul3A_901 = vector.broadcast %mul3A_900 : f32 to vector<16xf32>
      %mul3A_902 = arith.mulf %add3A_891, %mul3A_901 : vector<16xf32>
      %mul3A_903 = arith.mulf %mul3A_902, %bitcast3A_899 : vector<16xf32>
      %mul3A_904 = arith.mulf %mul3A_903, %bitcast3A_899 : vector<16xf32>
      %sub3A_905 = arith.constant 1.500000e+00 : f32
      %sub3A_906 = vector.broadcast %sub3A_905 : f32 to vector<16xf32>
      %sub3A_907 = arith.subf %sub3A_906, %mul3A_904 : vector<16xf32>
      %mul3A_908 = arith.mulf %bitcast3A_899, %sub3A_907 : vector<16xf32>
      %mul3A_909 = arith.mulf %mul3A_902, %mul3A_908 : vector<16xf32>
      %mul3A_910 = arith.mulf %mul3A_909, %mul3A_908 : vector<16xf32>
      %sub3A_911 = arith.constant 1.500000e+00 : f32
      %sub3A_912 = vector.broadcast %sub3A_911 : f32 to vector<16xf32>
      %sub3A_913 = arith.subf %sub3A_912, %mul3A_910 : vector<16xf32>
      %mul3A_914 = arith.mulf %mul3A_908, %sub3A_913 : vector<16xf32>
      %mul3A_915 = arith.mulf %add3A_891, %mul3A_914 : vector<16xf32>
      %add3A_916 = arith.constant 32 : i32
      %add3A_917 = arith.addi %mul3A_589, %add3A_916 : i32
      %swap3A_918 = arith.index_cast %add3A_917 : i32 to index
      %swap3A_919 = tpu.vector_load %arg13[%swap3A_918] {strides = array<i32>} : memref<10000xf32, #tpu.memory_space<vmem>>, vector<16xf32>,
      tpu.vector_store %arg13[%swap3A_918], %mul3A_915 {strides = array<i32>} : memref<10000xf32, #tpu.memory_space<vmem>>, vector<16xf32>,
      %parallel_loop3A_920 = arith.constant 0 : i32
      %parallel_loop3A_921 = arith.constant 16 : i32
      %parallel_loop3A_922 = arith.constant 1 : i32
      scf.for %parallel_loop3A_1718 = %parallel_loop3A_920 to %parallel_loop3A_921 step %parallel_loop3A_922  : i32 {
        %parallel_loop3A_1719 = arith.constant 48 : i32
        %parallel_loop3A_1720 = arith.addi %parallel_loop3A_1719, %parallel_loop3A_1718 : i32
        %parallel_loop3A_1721 = arith.constant 0.000000e+00 : f32
        %parallel_loop3A_1722 = vector.broadcast %parallel_loop3A_1721 : f32 to vector<16xf32>
        %parallel_loop3A_1723 = arith.index_cast %parallel_loop3A_1720 : i32 to index
        %parallel_loop3A_1724 = arith.constant 0 : index
        %parallel_loop3A_1725 = tpu.vector_load %arg8[%parallel_loop3A_1723, %parallel_loop3A_1724] {strides = array<i32>} : memref<80x128xf32, #tpu.memory_space<vmem>>, vector<16xf32>,
        %parallel_loop3A_1726 = arith.index_cast %parallel_loop3A_1720 : i32 to index
        %parallel_loop3A_1727 = arith.constant 0 : index
        %parallel_loop3A_1728 = tpu.vector_load %arg9[%parallel_loop3A_1726, %parallel_loop3A_1727] {strides = array<i32>} : memref<80x128xf32, #tpu.memory_space<vmem>>, vector<16xf32>,
        %parallel_loop3A_1729 = arith.subf %parallel_loop3A_1725, %parallel_loop3A_1728 : vector<16xf32>
        %parallel_loop3A_1730 = arith.constant 9.99999997E-7 : f32
        %parallel_loop3A_1731 = vector.broadcast %parallel_loop3A_1730 : f32 to vector<16xf32>
        %parallel_loop3A_1732 = arith.addf %parallel_loop3A_1729, %parallel_loop3A_1731 : vector<16xf32>
        %parallel_loop3A_1733 = arith.mulf %parallel_loop3A_1732, %parallel_loop3A_1732 : vector<16xf32>
        %parallel_loop3A_1734 = arith.addf %parallel_loop3A_1722, %parallel_loop3A_1733 : vector<16xf32>
        %parallel_loop3A_1735 = arith.index_cast %parallel_loop3A_1720 : i32 to index
        %parallel_loop3A_1736 = arith.constant 16 : index
        %parallel_loop3A_1737 = tpu.vector_load %arg8[%parallel_loop3A_1735, %parallel_loop3A_1736] {strides = array<i32>} : memref<80x128xf32, #tpu.memory_space<vmem>>, vector<16xf32>,
        %parallel_loop3A_1738 = arith.index_cast %parallel_loop3A_1720 : i32 to index
        %parallel_loop3A_1739 = arith.constant 16 : index
        %parallel_loop3A_1740 = tpu.vector_load %arg9[%parallel_loop3A_1738, %parallel_loop3A_1739] {strides = array<i32>} : memref<80x128xf32, #tpu.memory_space<vmem>>, vector<16xf32>,
        %parallel_loop3A_1741 = arith.subf %parallel_loop3A_1737, %parallel_loop3A_1740 : vector<16xf32>
        %parallel_loop3A_1742 = arith.constant 9.99999997E-7 : f32
        %parallel_loop3A_1743 = vector.broadcast %parallel_loop3A_1742 : f32 to vector<16xf32>
        %parallel_loop3A_1744 = arith.addf %parallel_loop3A_1741, %parallel_loop3A_1743 : vector<16xf32>
        %parallel_loop3A_1745 = arith.mulf %parallel_loop3A_1744, %parallel_loop3A_1744 : vector<16xf32>
        %parallel_loop3A_1746 = arith.addf %parallel_loop3A_1734, %parallel_loop3A_1745 : vector<16xf32>
        %parallel_loop3A_1747 = arith.index_cast %parallel_loop3A_1720 : i32 to index
        %parallel_loop3A_1748 = arith.constant 32 : index
        %parallel_loop3A_1749 = tpu.vector_load %arg8[%parallel_loop3A_1747, %parallel_loop3A_1748] {strides = array<i32>} : memref<80x128xf32, #tpu.memory_space<vmem>>, vector<16xf32>,
        %parallel_loop3A_1750 = arith.index_cast %parallel_loop3A_1720 : i32 to index
        %parallel_loop3A_1751 = arith.constant 32 : index
        %parallel_loop3A_1752 = tpu.vector_load %arg9[%parallel_loop3A_1750, %parallel_loop3A_1751] {strides = array<i32>} : memref<80x128xf32, #tpu.memory_space<vmem>>, vector<16xf32>,
        %parallel_loop3A_1753 = arith.subf %parallel_loop3A_1749, %parallel_loop3A_1752 : vector<16xf32>
        %parallel_loop3A_1754 = arith.constant 9.99999997E-7 : f32
        %parallel_loop3A_1755 = vector.broadcast %parallel_loop3A_1754 : f32 to vector<16xf32>
        %parallel_loop3A_1756 = arith.addf %parallel_loop3A_1753, %parallel_loop3A_1755 : vector<16xf32>
        %parallel_loop3A_1757 = arith.mulf %parallel_loop3A_1756, %parallel_loop3A_1756 : vector<16xf32>
        %parallel_loop3A_1758 = arith.addf %parallel_loop3A_1746, %parallel_loop3A_1757 : vector<16xf32>
        %parallel_loop3A_1759 = arith.index_cast %parallel_loop3A_1720 : i32 to index
        %parallel_loop3A_1760 = arith.constant 48 : index
        %parallel_loop3A_1761 = tpu.vector_load %arg8[%parallel_loop3A_1759, %parallel_loop3A_1760] {strides = array<i32>} : memref<80x128xf32, #tpu.memory_space<vmem>>, vector<16xf32>,
        %parallel_loop3A_1762 = arith.index_cast %parallel_loop3A_1720 : i32 to index
        %parallel_loop3A_1763 = arith.constant 48 : index
        %parallel_loop3A_1764 = tpu.vector_load %arg9[%parallel_loop3A_1762, %parallel_loop3A_1763] {strides = array<i32>} : memref<80x128xf32, #tpu.memory_space<vmem>>, vector<16xf32>,
        %parallel_loop3A_1765 = arith.subf %parallel_loop3A_1761, %parallel_loop3A_1764 : vector<16xf32>
        %parallel_loop3A_1766 = arith.constant 9.99999997E-7 : f32
        %parallel_loop3A_1767 = vector.broadcast %parallel_loop3A_1766 : f32 to vector<16xf32>
        %parallel_loop3A_1768 = arith.addf %parallel_loop3A_1765, %parallel_loop3A_1767 : vector<16xf32>
        %parallel_loop3A_1769 = arith.mulf %parallel_loop3A_1768, %parallel_loop3A_1768 : vector<16xf32>
        %parallel_loop3A_1770 = arith.addf %parallel_loop3A_1758, %parallel_loop3A_1769 : vector<16xf32>
        %parallel_loop3A_1771 = arith.index_cast %parallel_loop3A_1720 : i32 to index
        %parallel_loop3A_1772 = arith.constant 64 : index
        %parallel_loop3A_1773 = tpu.vector_load %arg8[%parallel_loop3A_1771, %parallel_loop3A_1772] {strides = array<i32>} : memref<80x128xf32, #tpu.memory_space<vmem>>, vector<16xf32>,
        %parallel_loop3A_1774 = arith.index_cast %parallel_loop3A_1720 : i32 to index
        %parallel_loop3A_1775 = arith.constant 64 : index
        %parallel_loop3A_1776 = tpu.vector_load %arg9[%parallel_loop3A_1774, %parallel_loop3A_1775] {strides = array<i32>} : memref<80x128xf32, #tpu.memory_space<vmem>>, vector<16xf32>,
        %parallel_loop3A_1777 = arith.subf %parallel_loop3A_1773, %parallel_loop3A_1776 : vector<16xf32>
        %parallel_loop3A_1778 = arith.constant 9.99999997E-7 : f32
        %parallel_loop3A_1779 = vector.broadcast %parallel_loop3A_1778 : f32 to vector<16xf32>
        %parallel_loop3A_1780 = arith.addf %parallel_loop3A_1777, %parallel_loop3A_1779 : vector<16xf32>
        %parallel_loop3A_1781 = arith.mulf %parallel_loop3A_1780, %parallel_loop3A_1780 : vector<16xf32>
        %parallel_loop3A_1782 = arith.addf %parallel_loop3A_1770, %parallel_loop3A_1781 : vector<16xf32>
        %parallel_loop3A_1783 = arith.index_cast %parallel_loop3A_1720 : i32 to index
        %parallel_loop3A_1784 = arith.constant 80 : index
        %parallel_loop3A_1785 = tpu.vector_load %arg8[%parallel_loop3A_1783, %parallel_loop3A_1784] {strides = array<i32>} : memref<80x128xf32, #tpu.memory_space<vmem>>, vector<16xf32>,
        %parallel_loop3A_1786 = arith.index_cast %parallel_loop3A_1720 : i32 to index
        %parallel_loop3A_1787 = arith.constant 80 : index
        %parallel_loop3A_1788 = tpu.vector_load %arg9[%parallel_loop3A_1786, %parallel_loop3A_1787] {strides = array<i32>} : memref<80x128xf32, #tpu.memory_space<vmem>>, vector<16xf32>,
        %parallel_loop3A_1789 = arith.subf %parallel_loop3A_1785, %parallel_loop3A_1788 : vector<16xf32>
        %parallel_loop3A_1790 = arith.constant 9.99999997E-7 : f32
        %parallel_loop3A_1791 = vector.broadcast %parallel_loop3A_1790 : f32 to vector<16xf32>
        %parallel_loop3A_1792 = arith.addf %parallel_loop3A_1789, %parallel_loop3A_1791 : vector<16xf32>
        %parallel_loop3A_1793 = arith.mulf %parallel_loop3A_1792, %parallel_loop3A_1792 : vector<16xf32>
        %parallel_loop3A_1794 = arith.addf %parallel_loop3A_1782, %parallel_loop3A_1793 : vector<16xf32>
        %parallel_loop3A_1795 = arith.index_cast %parallel_loop3A_1720 : i32 to index
        %parallel_loop3A_1796 = arith.constant 96 : index
        %parallel_loop3A_1797 = tpu.vector_load %arg8[%parallel_loop3A_1795, %parallel_loop3A_1796] {strides = array<i32>} : memref<80x128xf32, #tpu.memory_space<vmem>>, vector<16xf32>,
        %parallel_loop3A_1798 = arith.index_cast %parallel_loop3A_1720 : i32 to index
        %parallel_loop3A_1799 = arith.constant 96 : index
        %parallel_loop3A_1800 = tpu.vector_load %arg9[%parallel_loop3A_1798, %parallel_loop3A_1799] {strides = array<i32>} : memref<80x128xf32, #tpu.memory_space<vmem>>, vector<16xf32>,
        %parallel_loop3A_1801 = arith.subf %parallel_loop3A_1797, %parallel_loop3A_1800 : vector<16xf32>
        %parallel_loop3A_1802 = arith.constant 9.99999997E-7 : f32
        %parallel_loop3A_1803 = vector.broadcast %parallel_loop3A_1802 : f32 to vector<16xf32>
        %parallel_loop3A_1804 = arith.addf %parallel_loop3A_1801, %parallel_loop3A_1803 : vector<16xf32>
        %parallel_loop3A_1805 = arith.mulf %parallel_loop3A_1804, %parallel_loop3A_1804 : vector<16xf32>
        %parallel_loop3A_1806 = arith.addf %parallel_loop3A_1794, %parallel_loop3A_1805 : vector<16xf32>
        %parallel_loop3A_1807 = arith.index_cast %parallel_loop3A_1720 : i32 to index
        %parallel_loop3A_1808 = arith.constant 112 : index
        %parallel_loop3A_1809 = tpu.vector_load %arg8[%parallel_loop3A_1807, %parallel_loop3A_1808] {strides = array<i32>} : memref<80x128xf32, #tpu.memory_space<vmem>>, vector<16xf32>,
        %parallel_loop3A_1810 = arith.index_cast %parallel_loop3A_1720 : i32 to index
        %parallel_loop3A_1811 = arith.constant 112 : index
        %parallel_loop3A_1812 = tpu.vector_load %arg9[%parallel_loop3A_1810, %parallel_loop3A_1811] {strides = array<i32>} : memref<80x128xf32, #tpu.memory_space<vmem>>, vector<16xf32>,
        %parallel_loop3A_1813 = arith.subf %parallel_loop3A_1809, %parallel_loop3A_1812 : vector<16xf32>
        %parallel_loop3A_1814 = arith.constant 9.99999997E-7 : f32
        %parallel_loop3A_1815 = vector.broadcast %parallel_loop3A_1814 : f32 to vector<16xf32>
        %parallel_loop3A_1816 = arith.addf %parallel_loop3A_1813, %parallel_loop3A_1815 : vector<16xf32>
        %parallel_loop3A_1817 = arith.mulf %parallel_loop3A_1816, %parallel_loop3A_1816 : vector<16xf32>
        %parallel_loop3A_1818 = arith.addf %parallel_loop3A_1806, %parallel_loop3A_1817 : vector<16xf32>
        %parallel_loop3A_1819 = arith.constant 16 : i32
        %parallel_loop3A_1820 = arith.muli %parallel_loop3A_1718, %parallel_loop3A_1819 : i32
        %parallel_loop3A_1821 = arith.index_cast %parallel_loop3A_1820 : i32 to index
        %parallel_loop3A_1822 = tpu.vector_load %arg12[%parallel_loop3A_1821] {strides = array<i32>} : memref<256xf32, #tpu.memory_space<vmem>>, vector<16xf32>,
        tpu.vector_store %arg12[%parallel_loop3A_1821], %parallel_loop3A_1818 {strides = array<i32>} : memref<256xf32, #tpu.memory_space<vmem>>, vector<16xf32>,
      } {sc.loop_unroll_factor = 2 : i64, sc.parallel_access}
      %add3A_923 = arith.constant 0 : i32
      %add3A_924 = vector.broadcast %add3A_923 : i32 to vector<16xi32>
      %add3A_925 = arith.addi %mul3A_5, %add3A_924 : vector<16xi32>
      %gather3A_926 = tpu.vector_load_idx %arg12[%add3A_925] : memref<256xf32, #tpu.memory_space<vmem>>[vector<16xi32>], vector<16xf32>,
      %add3A_927 = arith.constant 1 : i32
      %add3A_928 = vector.broadcast %add3A_927 : i32 to vector<16xi32>
      %add3A_929 = arith.addi %mul3A_5, %add3A_928 : vector<16xi32>
      %gather3A_930 = tpu.vector_load_idx %arg12[%add3A_929] : memref<256xf32, #tpu.memory_space<vmem>>[vector<16xi32>], vector<16xf32>,
      %add3A_931 = arith.constant 2 : i32
      %add3A_932 = vector.broadcast %add3A_931 : i32 to vector<16xi32>
      %add3A_933 = arith.addi %mul3A_5, %add3A_932 : vector<16xi32>
      %gather3A_934 = tpu.vector_load_idx %arg12[%add3A_933] : memref<256xf32, #tpu.memory_space<vmem>>[vector<16xi32>], vector<16xf32>,
      %add3A_935 = arith.constant 3 : i32
      %add3A_936 = vector.broadcast %add3A_935 : i32 to vector<16xi32>
      %add3A_937 = arith.addi %mul3A_5, %add3A_936 : vector<16xi32>
      %gather3A_938 = tpu.vector_load_idx %arg12[%add3A_937] : memref<256xf32, #tpu.memory_space<vmem>>[vector<16xi32>], vector<16xf32>,
      %add3A_939 = arith.constant 4 : i32
      %add3A_940 = vector.broadcast %add3A_939 : i32 to vector<16xi32>
      %add3A_941 = arith.addi %mul3A_5, %add3A_940 : vector<16xi32>
      %gather3A_942 = tpu.vector_load_idx %arg12[%add3A_941] : memref<256xf32, #tpu.memory_space<vmem>>[vector<16xi32>], vector<16xf32>,
      %add3A_943 = arith.addf %gather3A_926, %gather3A_942 : vector<16xf32>
      %add3A_944 = arith.constant 5 : i32
      %add3A_945 = vector.broadcast %add3A_944 : i32 to vector<16xi32>
      %add3A_946 = arith.addi %mul3A_5, %add3A_945 : vector<16xi32>
      %gather3A_947 = tpu.vector_load_idx %arg12[%add3A_946] : memref<256xf32, #tpu.memory_space<vmem>>[vector<16xi32>], vector<16xf32>,
      %add3A_948 = arith.addf %gather3A_930, %gather3A_947 : vector<16xf32>
      %add3A_949 = arith.constant 6 : i32
      %add3A_950 = vector.broadcast %add3A_949 : i32 to vector<16xi32>
      %add3A_951 = arith.addi %mul3A_5, %add3A_950 : vector<16xi32>
      %gather3A_952 = tpu.vector_load_idx %arg12[%add3A_951] : memref<256xf32, #tpu.memory_space<vmem>>[vector<16xi32>], vector<16xf32>,
      %add3A_953 = arith.addf %gather3A_934, %gather3A_952 : vector<16xf32>
      %add3A_954 = arith.constant 7 : i32
      %add3A_955 = vector.broadcast %add3A_954 : i32 to vector<16xi32>
      %add3A_956 = arith.addi %mul3A_5, %add3A_955 : vector<16xi32>
      %gather3A_957 = tpu.vector_load_idx %arg12[%add3A_956] : memref<256xf32, #tpu.memory_space<vmem>>[vector<16xi32>], vector<16xf32>,
      %add3A_958 = arith.addf %gather3A_938, %gather3A_957 : vector<16xf32>
      %add3A_959 = arith.constant 8 : i32
      %add3A_960 = vector.broadcast %add3A_959 : i32 to vector<16xi32>
      %add3A_961 = arith.addi %mul3A_5, %add3A_960 : vector<16xi32>
      %gather3A_962 = tpu.vector_load_idx %arg12[%add3A_961] : memref<256xf32, #tpu.memory_space<vmem>>[vector<16xi32>], vector<16xf32>,
      %add3A_963 = arith.addf %add3A_943, %gather3A_962 : vector<16xf32>
      %add3A_964 = arith.constant 9 : i32
      %add3A_965 = vector.broadcast %add3A_964 : i32 to vector<16xi32>
      %add3A_966 = arith.addi %mul3A_5, %add3A_965 : vector<16xi32>
      %gather3A_967 = tpu.vector_load_idx %arg12[%add3A_966] : memref<256xf32, #tpu.memory_space<vmem>>[vector<16xi32>], vector<16xf32>,
      %add3A_968 = arith.addf %add3A_948, %gather3A_967 : vector<16xf32>
      %add3A_969 = arith.constant 10 : i32
      %add3A_970 = vector.broadcast %add3A_969 : i32 to vector<16xi32>
      %add3A_971 = arith.addi %mul3A_5, %add3A_970 : vector<16xi32>
      %gather3A_972 = tpu.vector_load_idx %arg12[%add3A_971] : memref<256xf32, #tpu.memory_space<vmem>>[vector<16xi32>], vector<16xf32>,
      %add3A_973 = arith.addf %add3A_953, %gather3A_972 : vector<16xf32>
      %add3A_974 = arith.constant 11 : i32
      %add3A_975 = vector.broadcast %add3A_974 : i32 to vector<16xi32>
      %add3A_976 = arith.addi %mul3A_5, %add3A_975 : vector<16xi32>
      %gather3A_977 = tpu.vector_load_idx %arg12[%add3A_976] : memref<256xf32, #tpu.memory_space<vmem>>[vector<16xi32>], vector<16xf32>,
      %add3A_978 = arith.addf %add3A_958, %gather3A_977 : vector<16xf32>
      %add3A_979 = arith.constant 12 : i32
      %add3A_980 = vector.broadcast %add3A_979 : i32 to vector<16xi32>
      %add3A_981 = arith.addi %mul3A_5, %add3A_980 : vector<16xi32>
      %gather3A_982 = tpu.vector_load_idx %arg12[%add3A_981] : memref<256xf32, #tpu.memory_space<vmem>>[vector<16xi32>], vector<16xf32>,
      %add3A_983 = arith.addf %add3A_963, %gather3A_982 : vector<16xf32>
      %add3A_984 = arith.constant 13 : i32
      %add3A_985 = vector.broadcast %add3A_984 : i32 to vector<16xi32>
      %add3A_986 = arith.addi %mul3A_5, %add3A_985 : vector<16xi32>
      %gather3A_987 = tpu.vector_load_idx %arg12[%add3A_986] : memref<256xf32, #tpu.memory_space<vmem>>[vector<16xi32>], vector<16xf32>,
      %add3A_988 = arith.addf %add3A_968, %gather3A_987 : vector<16xf32>
      %add3A_989 = arith.constant 14 : i32
      %add3A_990 = vector.broadcast %add3A_989 : i32 to vector<16xi32>
      %add3A_991 = arith.addi %mul3A_5, %add3A_990 : vector<16xi32>
      %gather3A_992 = tpu.vector_load_idx %arg12[%add3A_991] : memref<256xf32, #tpu.memory_space<vmem>>[vector<16xi32>], vector<16xf32>,
      %add3A_993 = arith.addf %add3A_973, %gather3A_992 : vector<16xf32>
      %add3A_994 = arith.constant 15 : i32
      %add3A_995 = vector.broadcast %add3A_994 : i32 to vector<16xi32>
      %add3A_996 = arith.addi %mul3A_5, %add3A_995 : vector<16xi32>
      %gather3A_997 = tpu.vector_load_idx %arg12[%add3A_996] : memref<256xf32, #tpu.memory_space<vmem>>[vector<16xi32>], vector<16xf32>,
      %add3A_998 = arith.addf %add3A_978, %gather3A_997 : vector<16xf32>
      %add3A_999 = arith.addf %add3A_983, %add3A_988 : vector<16xf32>
      %add3A_1000 = arith.addf %add3A_993, %add3A_998 : vector<16xf32>
      %add3A_1001 = arith.addf %add3A_999, %add3A_1000 : vector<16xf32>
      %bitcast3A_1002 = vector.bitcast %add3A_1001 : vector<16xf32> to vector<16xi32>
      %shift_right_arithmetic3A_1003 = arith.constant 1 : i32
      %shift_right_arithmetic3A_1004 = vector.broadcast %shift_right_arithmetic3A_1003 : i32 to vector<16xi32>
      %shift_right_arithmetic3A_1005 = arith.shrsi %bitcast3A_1002, %shift_right_arithmetic3A_1004 : vector<16xi32>
      %sub3A_1006 = arith.constant 1597463007 : i32
      %sub3A_1007 = vector.broadcast %sub3A_1006 : i32 to vector<16xi32>
      %sub3A_1008 = arith.subi %sub3A_1007, %shift_right_arithmetic3A_1005 : vector<16xi32>
      %bitcast3A_1009 = vector.bitcast %sub3A_1008 : vector<16xi32> to vector<16xf32>
      %mul3A_1010 = arith.constant 5.000000e-01 : f32
      %mul3A_1011 = vector.broadcast %mul3A_1010 : f32 to vector<16xf32>
      %mul3A_1012 = arith.mulf %add3A_1001, %mul3A_1011 : vector<16xf32>
      %mul3A_1013 = arith.mulf %mul3A_1012, %bitcast3A_1009 : vector<16xf32>
      %mul3A_1014 = arith.mulf %mul3A_1013, %bitcast3A_1009 : vector<16xf32>
      %sub3A_1015 = arith.constant 1.500000e+00 : f32
      %sub3A_1016 = vector.broadcast %sub3A_1015 : f32 to vector<16xf32>
      %sub3A_1017 = arith.subf %sub3A_1016, %mul3A_1014 : vector<16xf32>
      %mul3A_1018 = arith.mulf %bitcast3A_1009, %sub3A_1017 : vector<16xf32>
      %mul3A_1019 = arith.mulf %mul3A_1012, %mul3A_1018 : vector<16xf32>
      %mul3A_1020 = arith.mulf %mul3A_1019, %mul3A_1018 : vector<16xf32>
      %sub3A_1021 = arith.constant 1.500000e+00 : f32
      %sub3A_1022 = vector.broadcast %sub3A_1021 : f32 to vector<16xf32>
      %sub3A_1023 = arith.subf %sub3A_1022, %mul3A_1020 : vector<16xf32>
      %mul3A_1024 = arith.mulf %mul3A_1018, %sub3A_1023 : vector<16xf32>
      %mul3A_1025 = arith.mulf %add3A_1001, %mul3A_1024 : vector<16xf32>
      %add3A_1026 = arith.constant 48 : i32
      %add3A_1027 = arith.addi %mul3A_589, %add3A_1026 : i32
      %swap3A_1028 = arith.index_cast %add3A_1027 : i32 to index
      %swap3A_1029 = tpu.vector_load %arg13[%swap3A_1028] {strides = array<i32>} : memref<10000xf32, #tpu.memory_space<vmem>>, vector<16xf32>,
      tpu.vector_store %arg13[%swap3A_1028], %mul3A_1025 {strides = array<i32>} : memref<10000xf32, #tpu.memory_space<vmem>>, vector<16xf32>,
      %parallel_loop3A_1030 = arith.constant 0 : i32
      %parallel_loop3A_1031 = arith.constant 16 : i32
      %parallel_loop3A_1032 = arith.constant 1 : i32
      scf.for %parallel_loop3A_1718 = %parallel_loop3A_1030 to %parallel_loop3A_1031 step %parallel_loop3A_1032  : i32 {
        %parallel_loop3A_1719 = arith.constant 64 : i32
        %parallel_loop3A_1720 = arith.addi %parallel_loop3A_1719, %parallel_loop3A_1718 : i32
        %parallel_loop3A_1721 = arith.constant 0.000000e+00 : f32
        %parallel_loop3A_1722 = vector.broadcast %parallel_loop3A_1721 : f32 to vector<16xf32>
        %parallel_loop3A_1723 = arith.index_cast %parallel_loop3A_1720 : i32 to index
        %parallel_loop3A_1724 = arith.constant 0 : index
        %parallel_loop3A_1725 = tpu.vector_load %arg8[%parallel_loop3A_1723, %parallel_loop3A_1724] {strides = array<i32>} : memref<80x128xf32, #tpu.memory_space<vmem>>, vector<16xf32>,
        %parallel_loop3A_1726 = arith.index_cast %parallel_loop3A_1720 : i32 to index
        %parallel_loop3A_1727 = arith.constant 0 : index
        %parallel_loop3A_1728 = tpu.vector_load %arg9[%parallel_loop3A_1726, %parallel_loop3A_1727] {strides = array<i32>} : memref<80x128xf32, #tpu.memory_space<vmem>>, vector<16xf32>,
        %parallel_loop3A_1729 = arith.subf %parallel_loop3A_1725, %parallel_loop3A_1728 : vector<16xf32>
        %parallel_loop3A_1730 = arith.constant 9.99999997E-7 : f32
        %parallel_loop3A_1731 = vector.broadcast %parallel_loop3A_1730 : f32 to vector<16xf32>
        %parallel_loop3A_1732 = arith.addf %parallel_loop3A_1729, %parallel_loop3A_1731 : vector<16xf32>
        %parallel_loop3A_1733 = arith.mulf %parallel_loop3A_1732, %parallel_loop3A_1732 : vector<16xf32>
        %parallel_loop3A_1734 = arith.addf %parallel_loop3A_1722, %parallel_loop3A_1733 : vector<16xf32>
        %parallel_loop3A_1735 = arith.index_cast %parallel_loop3A_1720 : i32 to index
        %parallel_loop3A_1736 = arith.constant 16 : index
        %parallel_loop3A_1737 = tpu.vector_load %arg8[%parallel_loop3A_1735, %parallel_loop3A_1736] {strides = array<i32>} : memref<80x128xf32, #tpu.memory_space<vmem>>, vector<16xf32>,
        %parallel_loop3A_1738 = arith.index_cast %parallel_loop3A_1720 : i32 to index
        %parallel_loop3A_1739 = arith.constant 16 : index
        %parallel_loop3A_1740 = tpu.vector_load %arg9[%parallel_loop3A_1738, %parallel_loop3A_1739] {strides = array<i32>} : memref<80x128xf32, #tpu.memory_space<vmem>>, vector<16xf32>,
        %parallel_loop3A_1741 = arith.subf %parallel_loop3A_1737, %parallel_loop3A_1740 : vector<16xf32>
        %parallel_loop3A_1742 = arith.constant 9.99999997E-7 : f32
        %parallel_loop3A_1743 = vector.broadcast %parallel_loop3A_1742 : f32 to vector<16xf32>
        %parallel_loop3A_1744 = arith.addf %parallel_loop3A_1741, %parallel_loop3A_1743 : vector<16xf32>
        %parallel_loop3A_1745 = arith.mulf %parallel_loop3A_1744, %parallel_loop3A_1744 : vector<16xf32>
        %parallel_loop3A_1746 = arith.addf %parallel_loop3A_1734, %parallel_loop3A_1745 : vector<16xf32>
        %parallel_loop3A_1747 = arith.index_cast %parallel_loop3A_1720 : i32 to index
        %parallel_loop3A_1748 = arith.constant 32 : index
        %parallel_loop3A_1749 = tpu.vector_load %arg8[%parallel_loop3A_1747, %parallel_loop3A_1748] {strides = array<i32>} : memref<80x128xf32, #tpu.memory_space<vmem>>, vector<16xf32>,
        %parallel_loop3A_1750 = arith.index_cast %parallel_loop3A_1720 : i32 to index
        %parallel_loop3A_1751 = arith.constant 32 : index
        %parallel_loop3A_1752 = tpu.vector_load %arg9[%parallel_loop3A_1750, %parallel_loop3A_1751] {strides = array<i32>} : memref<80x128xf32, #tpu.memory_space<vmem>>, vector<16xf32>,
        %parallel_loop3A_1753 = arith.subf %parallel_loop3A_1749, %parallel_loop3A_1752 : vector<16xf32>
        %parallel_loop3A_1754 = arith.constant 9.99999997E-7 : f32
        %parallel_loop3A_1755 = vector.broadcast %parallel_loop3A_1754 : f32 to vector<16xf32>
        %parallel_loop3A_1756 = arith.addf %parallel_loop3A_1753, %parallel_loop3A_1755 : vector<16xf32>
        %parallel_loop3A_1757 = arith.mulf %parallel_loop3A_1756, %parallel_loop3A_1756 : vector<16xf32>
        %parallel_loop3A_1758 = arith.addf %parallel_loop3A_1746, %parallel_loop3A_1757 : vector<16xf32>
        %parallel_loop3A_1759 = arith.index_cast %parallel_loop3A_1720 : i32 to index
        %parallel_loop3A_1760 = arith.constant 48 : index
        %parallel_loop3A_1761 = tpu.vector_load %arg8[%parallel_loop3A_1759, %parallel_loop3A_1760] {strides = array<i32>} : memref<80x128xf32, #tpu.memory_space<vmem>>, vector<16xf32>,
        %parallel_loop3A_1762 = arith.index_cast %parallel_loop3A_1720 : i32 to index
        %parallel_loop3A_1763 = arith.constant 48 : index
        %parallel_loop3A_1764 = tpu.vector_load %arg9[%parallel_loop3A_1762, %parallel_loop3A_1763] {strides = array<i32>} : memref<80x128xf32, #tpu.memory_space<vmem>>, vector<16xf32>,
        %parallel_loop3A_1765 = arith.subf %parallel_loop3A_1761, %parallel_loop3A_1764 : vector<16xf32>
        %parallel_loop3A_1766 = arith.constant 9.99999997E-7 : f32
        %parallel_loop3A_1767 = vector.broadcast %parallel_loop3A_1766 : f32 to vector<16xf32>
        %parallel_loop3A_1768 = arith.addf %parallel_loop3A_1765, %parallel_loop3A_1767 : vector<16xf32>
        %parallel_loop3A_1769 = arith.mulf %parallel_loop3A_1768, %parallel_loop3A_1768 : vector<16xf32>
        %parallel_loop3A_1770 = arith.addf %parallel_loop3A_1758, %parallel_loop3A_1769 : vector<16xf32>
        %parallel_loop3A_1771 = arith.index_cast %parallel_loop3A_1720 : i32 to index
        %parallel_loop3A_1772 = arith.constant 64 : index
        %parallel_loop3A_1773 = tpu.vector_load %arg8[%parallel_loop3A_1771, %parallel_loop3A_1772] {strides = array<i32>} : memref<80x128xf32, #tpu.memory_space<vmem>>, vector<16xf32>,
        %parallel_loop3A_1774 = arith.index_cast %parallel_loop3A_1720 : i32 to index
        %parallel_loop3A_1775 = arith.constant 64 : index
        %parallel_loop3A_1776 = tpu.vector_load %arg9[%parallel_loop3A_1774, %parallel_loop3A_1775] {strides = array<i32>} : memref<80x128xf32, #tpu.memory_space<vmem>>, vector<16xf32>,
        %parallel_loop3A_1777 = arith.subf %parallel_loop3A_1773, %parallel_loop3A_1776 : vector<16xf32>
        %parallel_loop3A_1778 = arith.constant 9.99999997E-7 : f32
        %parallel_loop3A_1779 = vector.broadcast %parallel_loop3A_1778 : f32 to vector<16xf32>
        %parallel_loop3A_1780 = arith.addf %parallel_loop3A_1777, %parallel_loop3A_1779 : vector<16xf32>
        %parallel_loop3A_1781 = arith.mulf %parallel_loop3A_1780, %parallel_loop3A_1780 : vector<16xf32>
        %parallel_loop3A_1782 = arith.addf %parallel_loop3A_1770, %parallel_loop3A_1781 : vector<16xf32>
        %parallel_loop3A_1783 = arith.index_cast %parallel_loop3A_1720 : i32 to index
        %parallel_loop3A_1784 = arith.constant 80 : index
        %parallel_loop3A_1785 = tpu.vector_load %arg8[%parallel_loop3A_1783, %parallel_loop3A_1784] {strides = array<i32>} : memref<80x128xf32, #tpu.memory_space<vmem>>, vector<16xf32>,
        %parallel_loop3A_1786 = arith.index_cast %parallel_loop3A_1720 : i32 to index
        %parallel_loop3A_1787 = arith.constant 80 : index
        %parallel_loop3A_1788 = tpu.vector_load %arg9[%parallel_loop3A_1786, %parallel_loop3A_1787] {strides = array<i32>} : memref<80x128xf32, #tpu.memory_space<vmem>>, vector<16xf32>,
        %parallel_loop3A_1789 = arith.subf %parallel_loop3A_1785, %parallel_loop3A_1788 : vector<16xf32>
        %parallel_loop3A_1790 = arith.constant 9.99999997E-7 : f32
        %parallel_loop3A_1791 = vector.broadcast %parallel_loop3A_1790 : f32 to vector<16xf32>
        %parallel_loop3A_1792 = arith.addf %parallel_loop3A_1789, %parallel_loop3A_1791 : vector<16xf32>
        %parallel_loop3A_1793 = arith.mulf %parallel_loop3A_1792, %parallel_loop3A_1792 : vector<16xf32>
        %parallel_loop3A_1794 = arith.addf %parallel_loop3A_1782, %parallel_loop3A_1793 : vector<16xf32>
        %parallel_loop3A_1795 = arith.index_cast %parallel_loop3A_1720 : i32 to index
        %parallel_loop3A_1796 = arith.constant 96 : index
        %parallel_loop3A_1797 = tpu.vector_load %arg8[%parallel_loop3A_1795, %parallel_loop3A_1796] {strides = array<i32>} : memref<80x128xf32, #tpu.memory_space<vmem>>, vector<16xf32>,
        %parallel_loop3A_1798 = arith.index_cast %parallel_loop3A_1720 : i32 to index
        %parallel_loop3A_1799 = arith.constant 96 : index
        %parallel_loop3A_1800 = tpu.vector_load %arg9[%parallel_loop3A_1798, %parallel_loop3A_1799] {strides = array<i32>} : memref<80x128xf32, #tpu.memory_space<vmem>>, vector<16xf32>,
        %parallel_loop3A_1801 = arith.subf %parallel_loop3A_1797, %parallel_loop3A_1800 : vector<16xf32>
        %parallel_loop3A_1802 = arith.constant 9.99999997E-7 : f32
        %parallel_loop3A_1803 = vector.broadcast %parallel_loop3A_1802 : f32 to vector<16xf32>
        %parallel_loop3A_1804 = arith.addf %parallel_loop3A_1801, %parallel_loop3A_1803 : vector<16xf32>
        %parallel_loop3A_1805 = arith.mulf %parallel_loop3A_1804, %parallel_loop3A_1804 : vector<16xf32>
        %parallel_loop3A_1806 = arith.addf %parallel_loop3A_1794, %parallel_loop3A_1805 : vector<16xf32>
        %parallel_loop3A_1807 = arith.index_cast %parallel_loop3A_1720 : i32 to index
        %parallel_loop3A_1808 = arith.constant 112 : index
        %parallel_loop3A_1809 = tpu.vector_load %arg8[%parallel_loop3A_1807, %parallel_loop3A_1808] {strides = array<i32>} : memref<80x128xf32, #tpu.memory_space<vmem>>, vector<16xf32>,
        %parallel_loop3A_1810 = arith.index_cast %parallel_loop3A_1720 : i32 to index
        %parallel_loop3A_1811 = arith.constant 112 : index
        %parallel_loop3A_1812 = tpu.vector_load %arg9[%parallel_loop3A_1810, %parallel_loop3A_1811] {strides = array<i32>} : memref<80x128xf32, #tpu.memory_space<vmem>>, vector<16xf32>,
        %parallel_loop3A_1813 = arith.subf %parallel_loop3A_1809, %parallel_loop3A_1812 : vector<16xf32>
        %parallel_loop3A_1814 = arith.constant 9.99999997E-7 : f32
        %parallel_loop3A_1815 = vector.broadcast %parallel_loop3A_1814 : f32 to vector<16xf32>
        %parallel_loop3A_1816 = arith.addf %parallel_loop3A_1813, %parallel_loop3A_1815 : vector<16xf32>
        %parallel_loop3A_1817 = arith.mulf %parallel_loop3A_1816, %parallel_loop3A_1816 : vector<16xf32>
        %parallel_loop3A_1818 = arith.addf %parallel_loop3A_1806, %parallel_loop3A_1817 : vector<16xf32>
        %parallel_loop3A_1819 = arith.constant 16 : i32
        %parallel_loop3A_1820 = arith.muli %parallel_loop3A_1718, %parallel_loop3A_1819 : i32
        %parallel_loop3A_1821 = arith.index_cast %parallel_loop3A_1820 : i32 to index
        %parallel_loop3A_1822 = tpu.vector_load %arg12[%parallel_loop3A_1821] {strides = array<i32>} : memref<256xf32, #tpu.memory_space<vmem>>, vector<16xf32>,
        tpu.vector_store %arg12[%parallel_loop3A_1821], %parallel_loop3A_1818 {strides = array<i32>} : memref<256xf32, #tpu.memory_space<vmem>>, vector<16xf32>,
      } {sc.loop_unroll_factor = 2 : i64, sc.parallel_access}
      %add3A_1033 = arith.constant 0 : i32
      %add3A_1034 = vector.broadcast %add3A_1033 : i32 to vector<16xi32>
      %add3A_1035 = arith.addi %mul3A_5, %add3A_1034 : vector<16xi32>
      %gather3A_1036 = tpu.vector_load_idx %arg12[%add3A_1035] : memref<256xf32, #tpu.memory_space<vmem>>[vector<16xi32>], vector<16xf32>,
      %add3A_1037 = arith.constant 1 : i32
      %add3A_1038 = vector.broadcast %add3A_1037 : i32 to vector<16xi32>
      %add3A_1039 = arith.addi %mul3A_5, %add3A_1038 : vector<16xi32>
      %gather3A_1040 = tpu.vector_load_idx %arg12[%add3A_1039] : memref<256xf32, #tpu.memory_space<vmem>>[vector<16xi32>], vector<16xf32>,
      %add3A_1041 = arith.constant 2 : i32
      %add3A_1042 = vector.broadcast %add3A_1041 : i32 to vector<16xi32>
      %add3A_1043 = arith.addi %mul3A_5, %add3A_1042 : vector<16xi32>
      %gather3A_1044 = tpu.vector_load_idx %arg12[%add3A_1043] : memref<256xf32, #tpu.memory_space<vmem>>[vector<16xi32>], vector<16xf32>,
      %add3A_1045 = arith.constant 3 : i32
      %add3A_1046 = vector.broadcast %add3A_1045 : i32 to vector<16xi32>
      %add3A_1047 = arith.addi %mul3A_5, %add3A_1046 : vector<16xi32>
      %gather3A_1048 = tpu.vector_load_idx %arg12[%add3A_1047] : memref<256xf32, #tpu.memory_space<vmem>>[vector<16xi32>], vector<16xf32>,
      %add3A_1049 = arith.constant 4 : i32
      %add3A_1050 = vector.broadcast %add3A_1049 : i32 to vector<16xi32>
      %add3A_1051 = arith.addi %mul3A_5, %add3A_1050 : vector<16xi32>
      %gather3A_1052 = tpu.vector_load_idx %arg12[%add3A_1051] : memref<256xf32, #tpu.memory_space<vmem>>[vector<16xi32>], vector<16xf32>,
      %add3A_1053 = arith.addf %gather3A_1036, %gather3A_1052 : vector<16xf32>
      %add3A_1054 = arith.constant 5 : i32
      %add3A_1055 = vector.broadcast %add3A_1054 : i32 to vector<16xi32>
      %add3A_1056 = arith.addi %mul3A_5, %add3A_1055 : vector<16xi32>
      %gather3A_1057 = tpu.vector_load_idx %arg12[%add3A_1056] : memref<256xf32, #tpu.memory_space<vmem>>[vector<16xi32>], vector<16xf32>,
      %add3A_1058 = arith.addf %gather3A_1040, %gather3A_1057 : vector<16xf32>
      %add3A_1059 = arith.constant 6 : i32
      %add3A_1060 = vector.broadcast %add3A_1059 : i32 to vector<16xi32>
      %add3A_1061 = arith.addi %mul3A_5, %add3A_1060 : vector<16xi32>
      %gather3A_1062 = tpu.vector_load_idx %arg12[%add3A_1061] : memref<256xf32, #tpu.memory_space<vmem>>[vector<16xi32>], vector<16xf32>,
      %add3A_1063 = arith.addf %gather3A_1044, %gather3A_1062 : vector<16xf32>
      %add3A_1064 = arith.constant 7 : i32
      %add3A_1065 = vector.broadcast %add3A_1064 : i32 to vector<16xi32>
      %add3A_1066 = arith.addi %mul3A_5, %add3A_1065 : vector<16xi32>
      %gather3A_1067 = tpu.vector_load_idx %arg12[%add3A_1066] : memref<256xf32, #tpu.memory_space<vmem>>[vector<16xi32>], vector<16xf32>,
      %add3A_1068 = arith.addf %gather3A_1048, %gather3A_1067 : vector<16xf32>
      %add3A_1069 = arith.constant 8 : i32
      %add3A_1070 = vector.broadcast %add3A_1069 : i32 to vector<16xi32>
      %add3A_1071 = arith.addi %mul3A_5, %add3A_1070 : vector<16xi32>
      %gather3A_1072 = tpu.vector_load_idx %arg12[%add3A_1071] : memref<256xf32, #tpu.memory_space<vmem>>[vector<16xi32>], vector<16xf32>,
      %add3A_1073 = arith.addf %add3A_1053, %gather3A_1072 : vector<16xf32>
      %add3A_1074 = arith.constant 9 : i32
      %add3A_1075 = vector.broadcast %add3A_1074 : i32 to vector<16xi32>
      %add3A_1076 = arith.addi %mul3A_5, %add3A_1075 : vector<16xi32>
      %gather3A_1077 = tpu.vector_load_idx %arg12[%add3A_1076] : memref<256xf32, #tpu.memory_space<vmem>>[vector<16xi32>], vector<16xf32>,
      %add3A_1078 = arith.addf %add3A_1058, %gather3A_1077 : vector<16xf32>
      %add3A_1079 = arith.constant 10 : i32
      %add3A_1080 = vector.broadcast %add3A_1079 : i32 to vector<16xi32>
      %add3A_1081 = arith.addi %mul3A_5, %add3A_1080 : vector<16xi32>
      %gather3A_1082 = tpu.vector_load_idx %arg12[%add3A_1081] : memref<256xf32, #tpu.memory_space<vmem>>[vector<16xi32>], vector<16xf32>,
      %add3A_1083 = arith.addf %add3A_1063, %gather3A_1082 : vector<16xf32>
      %add3A_1084 = arith.constant 11 : i32
      %add3A_1085 = vector.broadcast %add3A_1084 : i32 to vector<16xi32>
      %add3A_1086 = arith.addi %mul3A_5, %add3A_1085 : vector<16xi32>
      %gather3A_1087 = tpu.vector_load_idx %arg12[%add3A_1086] : memref<256xf32, #tpu.memory_space<vmem>>[vector<16xi32>], vector<16xf32>,
      %add3A_1088 = arith.addf %add3A_1068, %gather3A_1087 : vector<16xf32>
      %add3A_1089 = arith.constant 12 : i32
      %add3A_1090 = vector.broadcast %add3A_1089 : i32 to vector<16xi32>
      %add3A_1091 = arith.addi %mul3A_5, %add3A_1090 : vector<16xi32>
      %gather3A_1092 = tpu.vector_load_idx %arg12[%add3A_1091] : memref<256xf32, #tpu.memory_space<vmem>>[vector<16xi32>], vector<16xf32>,
      %add3A_1093 = arith.addf %add3A_1073, %gather3A_1092 : vector<16xf32>
      %add3A_1094 = arith.constant 13 : i32
      %add3A_1095 = vector.broadcast %add3A_1094 : i32 to vector<16xi32>
      %add3A_1096 = arith.addi %mul3A_5, %add3A_1095 : vector<16xi32>
      %gather3A_1097 = tpu.vector_load_idx %arg12[%add3A_1096] : memref<256xf32, #tpu.memory_space<vmem>>[vector<16xi32>], vector<16xf32>,
      %add3A_1098 = arith.addf %add3A_1078, %gather3A_1097 : vector<16xf32>
      %add3A_1099 = arith.constant 14 : i32
      %add3A_1100 = vector.broadcast %add3A_1099 : i32 to vector<16xi32>
      %add3A_1101 = arith.addi %mul3A_5, %add3A_1100 : vector<16xi32>
      %gather3A_1102 = tpu.vector_load_idx %arg12[%add3A_1101] : memref<256xf32, #tpu.memory_space<vmem>>[vector<16xi32>], vector<16xf32>,
      %add3A_1103 = arith.addf %add3A_1083, %gather3A_1102 : vector<16xf32>
      %add3A_1104 = arith.constant 15 : i32
      %add3A_1105 = vector.broadcast %add3A_1104 : i32 to vector<16xi32>
      %add3A_1106 = arith.addi %mul3A_5, %add3A_1105 : vector<16xi32>
      %gather3A_1107 = tpu.vector_load_idx %arg12[%add3A_1106] : memref<256xf32, #tpu.memory_space<vmem>>[vector<16xi32>], vector<16xf32>,
      %add3A_1108 = arith.addf %add3A_1088, %gather3A_1107 : vector<16xf32>
      %add3A_1109 = arith.addf %add3A_1093, %add3A_1098 : vector<16xf32>
      %add3A_1110 = arith.addf %add3A_1103, %add3A_1108 : vector<16xf32>
      %add3A_1111 = arith.addf %add3A_1109, %add3A_1110 : vector<16xf32>
      %bitcast3A_1112 = vector.bitcast %add3A_1111 : vector<16xf32> to vector<16xi32>
      %shift_right_arithmetic3A_1113 = arith.constant 1 : i32
      %shift_right_arithmetic3A_1114 = vector.broadcast %shift_right_arithmetic3A_1113 : i32 to vector<16xi32>
      %shift_right_arithmetic3A_1115 = arith.shrsi %bitcast3A_1112, %shift_right_arithmetic3A_1114 : vector<16xi32>
      %sub3A_1116 = arith.constant 1597463007 : i32
      %sub3A_1117 = vector.broadcast %sub3A_1116 : i32 to vector<16xi32>
      %sub3A_1118 = arith.subi %sub3A_1117, %shift_right_arithmetic3A_1115 : vector<16xi32>
      %bitcast3A_1119 = vector.bitcast %sub3A_1118 : vector<16xi32> to vector<16xf32>
      %mul3A_1120 = arith.constant 5.000000e-01 : f32
      %mul3A_1121 = vector.broadcast %mul3A_1120 : f32 to vector<16xf32>
      %mul3A_1122 = arith.mulf %add3A_1111, %mul3A_1121 : vector<16xf32>
      %mul3A_1123 = arith.mulf %mul3A_1122, %bitcast3A_1119 : vector<16xf32>
      %mul3A_1124 = arith.mulf %mul3A_1123, %bitcast3A_1119 : vector<16xf32>
      %sub3A_1125 = arith.constant 1.500000e+00 : f32
      %sub3A_1126 = vector.broadcast %sub3A_1125 : f32 to vector<16xf32>
      %sub3A_1127 = arith.subf %sub3A_1126, %mul3A_1124 : vector<16xf32>
      %mul3A_1128 = arith.mulf %bitcast3A_1119, %sub3A_1127 : vector<16xf32>
      %mul3A_1129 = arith.mulf %mul3A_1122, %mul3A_1128 : vector<16xf32>
      %mul3A_1130 = arith.mulf %mul3A_1129, %mul3A_1128 : vector<16xf32>
      %sub3A_1131 = arith.constant 1.500000e+00 : f32
      %sub3A_1132 = vector.broadcast %sub3A_1131 : f32 to vector<16xf32>
      %sub3A_1133 = arith.subf %sub3A_1132, %mul3A_1130 : vector<16xf32>
      %mul3A_1134 = arith.mulf %mul3A_1128, %sub3A_1133 : vector<16xf32>
      %mul3A_1135 = arith.mulf %add3A_1111, %mul3A_1134 : vector<16xf32>
      %add3A_1136 = arith.constant 64 : i32
      %add3A_1137 = arith.addi %mul3A_589, %add3A_1136 : i32
      %swap3A_1138 = arith.index_cast %add3A_1137 : i32 to index
      %swap3A_1139 = tpu.vector_load %arg13[%swap3A_1138] {strides = array<i32>} : memref<10000xf32, #tpu.memory_space<vmem>>, vector<16xf32>,
      tpu.vector_store %arg13[%swap3A_1138], %mul3A_1135 {strides = array<i32>} : memref<10000xf32, #tpu.memory_space<vmem>>, vector<16xf32>,
      %add3A_1140 = arith.constant 2 : i32
      %add3A_1141 = arith.addi %mul3A_565, %add3A_1140 : i32
      %mul3A_1142 = arith.constant 80 : i32
      %mul3A_1143 = arith.muli %add3A_1141, %mul3A_1142 : i32
      %dma_start3A_1144 = tpu.memref_slice %arg6[%mul3A_1143] : memref<10000xi32, #tpu.memory_space<vmem>> -> memref<80xi32, #tpu.memory_space<vmem>>
      %dma_start3A_1145 = arith.constant 0 : i32
      %dma_start3A_1146 = arith.constant 0 : i32
      %dma_start3A_1147 = tpu.memref_slice %arg4[%dma_start3A_1145, %dma_start3A_1146] : memref<10000x128xf32, #tpu.memory_space<hbm>> -> memref<10000x128xf32, #tpu.memory_space<hbm>>
      tpu.enqueue_indirect_dma source(%dma_start3A_1147 : memref<10000x128xf32, #tpu.memory_space<hbm>>) target(%arg8 : memref<80x128xf32, #tpu.memory_space<vmem>>) offsets(%dma_start3A_1144 : memref<80xi32, #tpu.memory_space<vmem>>) semaphore(%arg14 : memref<!tpu.dma_semaphore, #tpu.memory_space<semaphore_mem>>)
      %dma_start3A_1148 = tpu.memref_slice %arg7[%mul3A_1143] : memref<10000xi32, #tpu.memory_space<vmem>> -> memref<80xi32, #tpu.memory_space<vmem>>
      %dma_start3A_1149 = arith.constant 0 : i32
      %dma_start3A_1150 = arith.constant 0 : i32
      %dma_start3A_1151 = tpu.memref_slice %arg4[%dma_start3A_1149, %dma_start3A_1150] : memref<10000x128xf32, #tpu.memory_space<hbm>> -> memref<10000x128xf32, #tpu.memory_space<hbm>>
      tpu.enqueue_indirect_dma source(%dma_start3A_1151 : memref<10000x128xf32, #tpu.memory_space<hbm>>) target(%arg9 : memref<80x128xf32, #tpu.memory_space<vmem>>) offsets(%dma_start3A_1148 : memref<80xi32, #tpu.memory_space<vmem>>) semaphore(%arg15 : memref<!tpu.dma_semaphore, #tpu.memory_space<semaphore_mem>>)
      %add3A_1152 = arith.constant 1 : i32
      %add3A_1153 = arith.addi %mul3A_565, %add3A_1152 : i32
      %mul3A_1154 = arith.constant 80 : i32
      %mul3A_1155 = arith.muli %add3A_1153, %mul3A_1154 : i32
      %dma_wait3A_1156 = tpu.memref_slice %arg6[%mul3A_1155] : memref<10000xi32, #tpu.memory_space<vmem>> -> memref<80xi32, #tpu.memory_space<vmem>>
      %dma_wait3A_1157 = arith.constant 0 : i32
      %dma_wait3A_1158 = arith.constant 0 : i32
      %dma_wait3A_1159 = tpu.memref_slice %arg4[%dma_wait3A_1157, %dma_wait3A_1158] : memref<10000x128xf32, #tpu.memory_space<hbm>> -> memref<10000x128xf32, #tpu.memory_space<hbm>>
      tpu.wait_indirect_dma semaphore(%arg16 : memref<!tpu.dma_semaphore, #tpu.memory_space<semaphore_mem>>) src(%dma_wait3A_1159 : memref<10000x128xf32, #tpu.memory_space<hbm>>) dst(%arg10 : memref<80x128xf32, #tpu.memory_space<vmem>>)
      %dma_wait3A_1160 = tpu.memref_slice %arg7[%mul3A_1155] : memref<10000xi32, #tpu.memory_space<vmem>> -> memref<80xi32, #tpu.memory_space<vmem>>
      %dma_wait3A_1161 = arith.constant 0 : i32
      %dma_wait3A_1162 = arith.constant 0 : i32
      %dma_wait3A_1163 = tpu.memref_slice %arg4[%dma_wait3A_1161, %dma_wait3A_1162] : memref<10000x128xf32, #tpu.memory_space<hbm>> -> memref<10000x128xf32, #tpu.memory_space<hbm>>
      tpu.wait_indirect_dma semaphore(%arg17 : memref<!tpu.dma_semaphore, #tpu.memory_space<semaphore_mem>>) src(%dma_wait3A_1163 : memref<10000x128xf32, #tpu.memory_space<hbm>>) dst(%arg11 : memref<80x128xf32, #tpu.memory_space<vmem>>)
      %add3A_1164 = arith.constant 1 : i32
      %add3A_1165 = arith.addi %mul3A_565, %add3A_1164 : i32
      %mul3A_1166 = arith.constant 80 : i32
      %mul3A_1167 = arith.muli %add3A_1165, %mul3A_1166 : i32
      %parallel_loop3A_1168 = arith.constant 0 : i32
      %parallel_loop3A_1169 = arith.constant 16 : i32
      %parallel_loop3A_1170 = arith.constant 1 : i32
      scf.for %parallel_loop3A_1718 = %parallel_loop3A_1168 to %parallel_loop3A_1169 step %parallel_loop3A_1170  : i32 {
        %parallel_loop3A_1719 = arith.constant 0 : i32
        %parallel_loop3A_1720 = arith.addi %parallel_loop3A_1719, %parallel_loop3A_1718 : i32
        %parallel_loop3A_1721 = arith.constant 0.000000e+00 : f32
        %parallel_loop3A_1722 = vector.broadcast %parallel_loop3A_1721 : f32 to vector<16xf32>
        %parallel_loop3A_1723 = arith.index_cast %parallel_loop3A_1720 : i32 to index
        %parallel_loop3A_1724 = arith.constant 0 : index
        %parallel_loop3A_1725 = tpu.vector_load %arg10[%parallel_loop3A_1723, %parallel_loop3A_1724] {strides = array<i32>} : memref<80x128xf32, #tpu.memory_space<vmem>>, vector<16xf32>,
        %parallel_loop3A_1726 = arith.index_cast %parallel_loop3A_1720 : i32 to index
        %parallel_loop3A_1727 = arith.constant 0 : index
        %parallel_loop3A_1728 = tpu.vector_load %arg11[%parallel_loop3A_1726, %parallel_loop3A_1727] {strides = array<i32>} : memref<80x128xf32, #tpu.memory_space<vmem>>, vector<16xf32>,
        %parallel_loop3A_1729 = arith.subf %parallel_loop3A_1725, %parallel_loop3A_1728 : vector<16xf32>
        %parallel_loop3A_1730 = arith.constant 9.99999997E-7 : f32
        %parallel_loop3A_1731 = vector.broadcast %parallel_loop3A_1730 : f32 to vector<16xf32>
        %parallel_loop3A_1732 = arith.addf %parallel_loop3A_1729, %parallel_loop3A_1731 : vector<16xf32>
        %parallel_loop3A_1733 = arith.mulf %parallel_loop3A_1732, %parallel_loop3A_1732 : vector<16xf32>
        %parallel_loop3A_1734 = arith.addf %parallel_loop3A_1722, %parallel_loop3A_1733 : vector<16xf32>
        %parallel_loop3A_1735 = arith.index_cast %parallel_loop3A_1720 : i32 to index
        %parallel_loop3A_1736 = arith.constant 16 : index
        %parallel_loop3A_1737 = tpu.vector_load %arg10[%parallel_loop3A_1735, %parallel_loop3A_1736] {strides = array<i32>} : memref<80x128xf32, #tpu.memory_space<vmem>>, vector<16xf32>,
        %parallel_loop3A_1738 = arith.index_cast %parallel_loop3A_1720 : i32 to index
        %parallel_loop3A_1739 = arith.constant 16 : index
        %parallel_loop3A_1740 = tpu.vector_load %arg11[%parallel_loop3A_1738, %parallel_loop3A_1739] {strides = array<i32>} : memref<80x128xf32, #tpu.memory_space<vmem>>, vector<16xf32>,
        %parallel_loop3A_1741 = arith.subf %parallel_loop3A_1737, %parallel_loop3A_1740 : vector<16xf32>
        %parallel_loop3A_1742 = arith.constant 9.99999997E-7 : f32
        %parallel_loop3A_1743 = vector.broadcast %parallel_loop3A_1742 : f32 to vector<16xf32>
        %parallel_loop3A_1744 = arith.addf %parallel_loop3A_1741, %parallel_loop3A_1743 : vector<16xf32>
        %parallel_loop3A_1745 = arith.mulf %parallel_loop3A_1744, %parallel_loop3A_1744 : vector<16xf32>
        %parallel_loop3A_1746 = arith.addf %parallel_loop3A_1734, %parallel_loop3A_1745 : vector<16xf32>
        %parallel_loop3A_1747 = arith.index_cast %parallel_loop3A_1720 : i32 to index
        %parallel_loop3A_1748 = arith.constant 32 : index
        %parallel_loop3A_1749 = tpu.vector_load %arg10[%parallel_loop3A_1747, %parallel_loop3A_1748] {strides = array<i32>} : memref<80x128xf32, #tpu.memory_space<vmem>>, vector<16xf32>,
        %parallel_loop3A_1750 = arith.index_cast %parallel_loop3A_1720 : i32 to index
        %parallel_loop3A_1751 = arith.constant 32 : index
        %parallel_loop3A_1752 = tpu.vector_load %arg11[%parallel_loop3A_1750, %parallel_loop3A_1751] {strides = array<i32>} : memref<80x128xf32, #tpu.memory_space<vmem>>, vector<16xf32>,
        %parallel_loop3A_1753 = arith.subf %parallel_loop3A_1749, %parallel_loop3A_1752 : vector<16xf32>
        %parallel_loop3A_1754 = arith.constant 9.99999997E-7 : f32
        %parallel_loop3A_1755 = vector.broadcast %parallel_loop3A_1754 : f32 to vector<16xf32>
        %parallel_loop3A_1756 = arith.addf %parallel_loop3A_1753, %parallel_loop3A_1755 : vector<16xf32>
        %parallel_loop3A_1757 = arith.mulf %parallel_loop3A_1756, %parallel_loop3A_1756 : vector<16xf32>
        %parallel_loop3A_1758 = arith.addf %parallel_loop3A_1746, %parallel_loop3A_1757 : vector<16xf32>
        %parallel_loop3A_1759 = arith.index_cast %parallel_loop3A_1720 : i32 to index
        %parallel_loop3A_1760 = arith.constant 48 : index
        %parallel_loop3A_1761 = tpu.vector_load %arg10[%parallel_loop3A_1759, %parallel_loop3A_1760] {strides = array<i32>} : memref<80x128xf32, #tpu.memory_space<vmem>>, vector<16xf32>,
        %parallel_loop3A_1762 = arith.index_cast %parallel_loop3A_1720 : i32 to index
        %parallel_loop3A_1763 = arith.constant 48 : index
        %parallel_loop3A_1764 = tpu.vector_load %arg11[%parallel_loop3A_1762, %parallel_loop3A_1763] {strides = array<i32>} : memref<80x128xf32, #tpu.memory_space<vmem>>, vector<16xf32>,
        %parallel_loop3A_1765 = arith.subf %parallel_loop3A_1761, %parallel_loop3A_1764 : vector<16xf32>
        %parallel_loop3A_1766 = arith.constant 9.99999997E-7 : f32
        %parallel_loop3A_1767 = vector.broadcast %parallel_loop3A_1766 : f32 to vector<16xf32>
        %parallel_loop3A_1768 = arith.addf %parallel_loop3A_1765, %parallel_loop3A_1767 : vector<16xf32>
        %parallel_loop3A_1769 = arith.mulf %parallel_loop3A_1768, %parallel_loop3A_1768 : vector<16xf32>
        %parallel_loop3A_1770 = arith.addf %parallel_loop3A_1758, %parallel_loop3A_1769 : vector<16xf32>
        %parallel_loop3A_1771 = arith.index_cast %parallel_loop3A_1720 : i32 to index
        %parallel_loop3A_1772 = arith.constant 64 : index
        %parallel_loop3A_1773 = tpu.vector_load %arg10[%parallel_loop3A_1771, %parallel_loop3A_1772] {strides = array<i32>} : memref<80x128xf32, #tpu.memory_space<vmem>>, vector<16xf32>,
        %parallel_loop3A_1774 = arith.index_cast %parallel_loop3A_1720 : i32 to index
        %parallel_loop3A_1775 = arith.constant 64 : index
        %parallel_loop3A_1776 = tpu.vector_load %arg11[%parallel_loop3A_1774, %parallel_loop3A_1775] {strides = array<i32>} : memref<80x128xf32, #tpu.memory_space<vmem>>, vector<16xf32>,
        %parallel_loop3A_1777 = arith.subf %parallel_loop3A_1773, %parallel_loop3A_1776 : vector<16xf32>
        %parallel_loop3A_1778 = arith.constant 9.99999997E-7 : f32
        %parallel_loop3A_1779 = vector.broadcast %parallel_loop3A_1778 : f32 to vector<16xf32>
        %parallel_loop3A_1780 = arith.addf %parallel_loop3A_1777, %parallel_loop3A_1779 : vector<16xf32>
        %parallel_loop3A_1781 = arith.mulf %parallel_loop3A_1780, %parallel_loop3A_1780 : vector<16xf32>
        %parallel_loop3A_1782 = arith.addf %parallel_loop3A_1770, %parallel_loop3A_1781 : vector<16xf32>
        %parallel_loop3A_1783 = arith.index_cast %parallel_loop3A_1720 : i32 to index
        %parallel_loop3A_1784 = arith.constant 80 : index
        %parallel_loop3A_1785 = tpu.vector_load %arg10[%parallel_loop3A_1783, %parallel_loop3A_1784] {strides = array<i32>} : memref<80x128xf32, #tpu.memory_space<vmem>>, vector<16xf32>,
        %parallel_loop3A_1786 = arith.index_cast %parallel_loop3A_1720 : i32 to index
        %parallel_loop3A_1787 = arith.constant 80 : index
        %parallel_loop3A_1788 = tpu.vector_load %arg11[%parallel_loop3A_1786, %parallel_loop3A_1787] {strides = array<i32>} : memref<80x128xf32, #tpu.memory_space<vmem>>, vector<16xf32>,
        %parallel_loop3A_1789 = arith.subf %parallel_loop3A_1785, %parallel_loop3A_1788 : vector<16xf32>
        %parallel_loop3A_1790 = arith.constant 9.99999997E-7 : f32
        %parallel_loop3A_1791 = vector.broadcast %parallel_loop3A_1790 : f32 to vector<16xf32>
        %parallel_loop3A_1792 = arith.addf %parallel_loop3A_1789, %parallel_loop3A_1791 : vector<16xf32>
        %parallel_loop3A_1793 = arith.mulf %parallel_loop3A_1792, %parallel_loop3A_1792 : vector<16xf32>
        %parallel_loop3A_1794 = arith.addf %parallel_loop3A_1782, %parallel_loop3A_1793 : vector<16xf32>
        %parallel_loop3A_1795 = arith.index_cast %parallel_loop3A_1720 : i32 to index
        %parallel_loop3A_1796 = arith.constant 96 : index
        %parallel_loop3A_1797 = tpu.vector_load %arg10[%parallel_loop3A_1795, %parallel_loop3A_1796] {strides = array<i32>} : memref<80x128xf32, #tpu.memory_space<vmem>>, vector<16xf32>,
        %parallel_loop3A_1798 = arith.index_cast %parallel_loop3A_1720 : i32 to index
        %parallel_loop3A_1799 = arith.constant 96 : index
        %parallel_loop3A_1800 = tpu.vector_load %arg11[%parallel_loop3A_1798, %parallel_loop3A_1799] {strides = array<i32>} : memref<80x128xf32, #tpu.memory_space<vmem>>, vector<16xf32>,
        %parallel_loop3A_1801 = arith.subf %parallel_loop3A_1797, %parallel_loop3A_1800 : vector<16xf32>
        %parallel_loop3A_1802 = arith.constant 9.99999997E-7 : f32
        %parallel_loop3A_1803 = vector.broadcast %parallel_loop3A_1802 : f32 to vector<16xf32>
        %parallel_loop3A_1804 = arith.addf %parallel_loop3A_1801, %parallel_loop3A_1803 : vector<16xf32>
        %parallel_loop3A_1805 = arith.mulf %parallel_loop3A_1804, %parallel_loop3A_1804 : vector<16xf32>
        %parallel_loop3A_1806 = arith.addf %parallel_loop3A_1794, %parallel_loop3A_1805 : vector<16xf32>
        %parallel_loop3A_1807 = arith.index_cast %parallel_loop3A_1720 : i32 to index
        %parallel_loop3A_1808 = arith.constant 112 : index
        %parallel_loop3A_1809 = tpu.vector_load %arg10[%parallel_loop3A_1807, %parallel_loop3A_1808] {strides = array<i32>} : memref<80x128xf32, #tpu.memory_space<vmem>>, vector<16xf32>,
        %parallel_loop3A_1810 = arith.index_cast %parallel_loop3A_1720 : i32 to index
        %parallel_loop3A_1811 = arith.constant 112 : index
        %parallel_loop3A_1812 = tpu.vector_load %arg11[%parallel_loop3A_1810, %parallel_loop3A_1811] {strides = array<i32>} : memref<80x128xf32, #tpu.memory_space<vmem>>, vector<16xf32>,
        %parallel_loop3A_1813 = arith.subf %parallel_loop3A_1809, %parallel_loop3A_1812 : vector<16xf32>
        %parallel_loop3A_1814 = arith.constant 9.99999997E-7 : f32
        %parallel_loop3A_1815 = vector.broadcast %parallel_loop3A_1814 : f32 to vector<16xf32>
        %parallel_loop3A_1816 = arith.addf %parallel_loop3A_1813, %parallel_loop3A_1815 : vector<16xf32>
        %parallel_loop3A_1817 = arith.mulf %parallel_loop3A_1816, %parallel_loop3A_1816 : vector<16xf32>
        %parallel_loop3A_1818 = arith.addf %parallel_loop3A_1806, %parallel_loop3A_1817 : vector<16xf32>
        %parallel_loop3A_1819 = arith.constant 16 : i32
        %parallel_loop3A_1820 = arith.muli %parallel_loop3A_1718, %parallel_loop3A_1819 : i32
        %parallel_loop3A_1821 = arith.index_cast %parallel_loop3A_1820 : i32 to index
        %parallel_loop3A_1822 = tpu.vector_load %arg12[%parallel_loop3A_1821] {strides = array<i32>} : memref<256xf32, #tpu.memory_space<vmem>>, vector<16xf32>,
        tpu.vector_store %arg12[%parallel_loop3A_1821], %parallel_loop3A_1818 {strides = array<i32>} : memref<256xf32, #tpu.memory_space<vmem>>, vector<16xf32>,
      } {sc.loop_unroll_factor = 2 : i64, sc.parallel_access}
      %add3A_1171 = arith.constant 0 : i32
      %add3A_1172 = vector.broadcast %add3A_1171 : i32 to vector<16xi32>
      %add3A_1173 = arith.addi %mul3A_5, %add3A_1172 : vector<16xi32>
      %gather3A_1174 = tpu.vector_load_idx %arg12[%add3A_1173] : memref<256xf32, #tpu.memory_space<vmem>>[vector<16xi32>], vector<16xf32>,
      %add3A_1175 = arith.constant 1 : i32
      %add3A_1176 = vector.broadcast %add3A_1175 : i32 to vector<16xi32>
      %add3A_1177 = arith.addi %mul3A_5, %add3A_1176 : vector<16xi32>
      %gather3A_1178 = tpu.vector_load_idx %arg12[%add3A_1177] : memref<256xf32, #tpu.memory_space<vmem>>[vector<16xi32>], vector<16xf32>,
      %add3A_1179 = arith.constant 2 : i32
      %add3A_1180 = vector.broadcast %add3A_1179 : i32 to vector<16xi32>
      %add3A_1181 = arith.addi %mul3A_5, %add3A_1180 : vector<16xi32>
      %gather3A_1182 = tpu.vector_load_idx %arg12[%add3A_1181] : memref<256xf32, #tpu.memory_space<vmem>>[vector<16xi32>], vector<16xf32>,
      %add3A_1183 = arith.constant 3 : i32
      %add3A_1184 = vector.broadcast %add3A_1183 : i32 to vector<16xi32>
      %add3A_1185 = arith.addi %mul3A_5, %add3A_1184 : vector<16xi32>
      %gather3A_1186 = tpu.vector_load_idx %arg12[%add3A_1185] : memref<256xf32, #tpu.memory_space<vmem>>[vector<16xi32>], vector<16xf32>,
      %add3A_1187 = arith.constant 4 : i32
      %add3A_1188 = vector.broadcast %add3A_1187 : i32 to vector<16xi32>
      %add3A_1189 = arith.addi %mul3A_5, %add3A_1188 : vector<16xi32>
      %gather3A_1190 = tpu.vector_load_idx %arg12[%add3A_1189] : memref<256xf32, #tpu.memory_space<vmem>>[vector<16xi32>], vector<16xf32>,
      %add3A_1191 = arith.addf %gather3A_1174, %gather3A_1190 : vector<16xf32>
      %add3A_1192 = arith.constant 5 : i32
      %add3A_1193 = vector.broadcast %add3A_1192 : i32 to vector<16xi32>
      %add3A_1194 = arith.addi %mul3A_5, %add3A_1193 : vector<16xi32>
      %gather3A_1195 = tpu.vector_load_idx %arg12[%add3A_1194] : memref<256xf32, #tpu.memory_space<vmem>>[vector<16xi32>], vector<16xf32>,
      %add3A_1196 = arith.addf %gather3A_1178, %gather3A_1195 : vector<16xf32>
      %add3A_1197 = arith.constant 6 : i32
      %add3A_1198 = vector.broadcast %add3A_1197 : i32 to vector<16xi32>
      %add3A_1199 = arith.addi %mul3A_5, %add3A_1198 : vector<16xi32>
      %gather3A_1200 = tpu.vector_load_idx %arg12[%add3A_1199] : memref<256xf32, #tpu.memory_space<vmem>>[vector<16xi32>], vector<16xf32>,
      %add3A_1201 = arith.addf %gather3A_1182, %gather3A_1200 : vector<16xf32>
      %add3A_1202 = arith.constant 7 : i32
      %add3A_1203 = vector.broadcast %add3A_1202 : i32 to vector<16xi32>
      %add3A_1204 = arith.addi %mul3A_5, %add3A_1203 : vector<16xi32>
      %gather3A_1205 = tpu.vector_load_idx %arg12[%add3A_1204] : memref<256xf32, #tpu.memory_space<vmem>>[vector<16xi32>], vector<16xf32>,
      %add3A_1206 = arith.addf %gather3A_1186, %gather3A_1205 : vector<16xf32>
      %add3A_1207 = arith.constant 8 : i32
      %add3A_1208 = vector.broadcast %add3A_1207 : i32 to vector<16xi32>
      %add3A_1209 = arith.addi %mul3A_5, %add3A_1208 : vector<16xi32>
      %gather3A_1210 = tpu.vector_load_idx %arg12[%add3A_1209] : memref<256xf32, #tpu.memory_space<vmem>>[vector<16xi32>], vector<16xf32>,
      %add3A_1211 = arith.addf %add3A_1191, %gather3A_1210 : vector<16xf32>
      %add3A_1212 = arith.constant 9 : i32
      %add3A_1213 = vector.broadcast %add3A_1212 : i32 to vector<16xi32>
      %add3A_1214 = arith.addi %mul3A_5, %add3A_1213 : vector<16xi32>
      %gather3A_1215 = tpu.vector_load_idx %arg12[%add3A_1214] : memref<256xf32, #tpu.memory_space<vmem>>[vector<16xi32>], vector<16xf32>,
      %add3A_1216 = arith.addf %add3A_1196, %gather3A_1215 : vector<16xf32>
      %add3A_1217 = arith.constant 10 : i32
      %add3A_1218 = vector.broadcast %add3A_1217 : i32 to vector<16xi32>
      %add3A_1219 = arith.addi %mul3A_5, %add3A_1218 : vector<16xi32>
      %gather3A_1220 = tpu.vector_load_idx %arg12[%add3A_1219] : memref<256xf32, #tpu.memory_space<vmem>>[vector<16xi32>], vector<16xf32>,
      %add3A_1221 = arith.addf %add3A_1201, %gather3A_1220 : vector<16xf32>
      %add3A_1222 = arith.constant 11 : i32
      %add3A_1223 = vector.broadcast %add3A_1222 : i32 to vector<16xi32>
      %add3A_1224 = arith.addi %mul3A_5, %add3A_1223 : vector<16xi32>
      %gather3A_1225 = tpu.vector_load_idx %arg12[%add3A_1224] : memref<256xf32, #tpu.memory_space<vmem>>[vector<16xi32>], vector<16xf32>,
      %add3A_1226 = arith.addf %add3A_1206, %gather3A_1225 : vector<16xf32>
      %add3A_1227 = arith.constant 12 : i32
      %add3A_1228 = vector.broadcast %add3A_1227 : i32 to vector<16xi32>
      %add3A_1229 = arith.addi %mul3A_5, %add3A_1228 : vector<16xi32>
      %gather3A_1230 = tpu.vector_load_idx %arg12[%add3A_1229] : memref<256xf32, #tpu.memory_space<vmem>>[vector<16xi32>], vector<16xf32>,
      %add3A_1231 = arith.addf %add3A_1211, %gather3A_1230 : vector<16xf32>
      %add3A_1232 = arith.constant 13 : i32
      %add3A_1233 = vector.broadcast %add3A_1232 : i32 to vector<16xi32>
      %add3A_1234 = arith.addi %mul3A_5, %add3A_1233 : vector<16xi32>
      %gather3A_1235 = tpu.vector_load_idx %arg12[%add3A_1234] : memref<256xf32, #tpu.memory_space<vmem>>[vector<16xi32>], vector<16xf32>,
      %add3A_1236 = arith.addf %add3A_1216, %gather3A_1235 : vector<16xf32>
      %add3A_1237 = arith.constant 14 : i32
      %add3A_1238 = vector.broadcast %add3A_1237 : i32 to vector<16xi32>
      %add3A_1239 = arith.addi %mul3A_5, %add3A_1238 : vector<16xi32>
      %gather3A_1240 = tpu.vector_load_idx %arg12[%add3A_1239] : memref<256xf32, #tpu.memory_space<vmem>>[vector<16xi32>], vector<16xf32>,
      %add3A_1241 = arith.addf %add3A_1221, %gather3A_1240 : vector<16xf32>
      %add3A_1242 = arith.constant 15 : i32
      %add3A_1243 = vector.broadcast %add3A_1242 : i32 to vector<16xi32>
      %add3A_1244 = arith.addi %mul3A_5, %add3A_1243 : vector<16xi32>
      %gather3A_1245 = tpu.vector_load_idx %arg12[%add3A_1244] : memref<256xf32, #tpu.memory_space<vmem>>[vector<16xi32>], vector<16xf32>,
      %add3A_1246 = arith.addf %add3A_1226, %gather3A_1245 : vector<16xf32>
      %add3A_1247 = arith.addf %add3A_1231, %add3A_1236 : vector<16xf32>
      %add3A_1248 = arith.addf %add3A_1241, %add3A_1246 : vector<16xf32>
      %add3A_1249 = arith.addf %add3A_1247, %add3A_1248 : vector<16xf32>
      %bitcast3A_1250 = vector.bitcast %add3A_1249 : vector<16xf32> to vector<16xi32>
      %shift_right_arithmetic3A_1251 = arith.constant 1 : i32
      %shift_right_arithmetic3A_1252 = vector.broadcast %shift_right_arithmetic3A_1251 : i32 to vector<16xi32>
      %shift_right_arithmetic3A_1253 = arith.shrsi %bitcast3A_1250, %shift_right_arithmetic3A_1252 : vector<16xi32>
      %sub3A_1254 = arith.constant 1597463007 : i32
      %sub3A_1255 = vector.broadcast %sub3A_1254 : i32 to vector<16xi32>
      %sub3A_1256 = arith.subi %sub3A_1255, %shift_right_arithmetic3A_1253 : vector<16xi32>
      %bitcast3A_1257 = vector.bitcast %sub3A_1256 : vector<16xi32> to vector<16xf32>
      %mul3A_1258 = arith.constant 5.000000e-01 : f32
      %mul3A_1259 = vector.broadcast %mul3A_1258 : f32 to vector<16xf32>
      %mul3A_1260 = arith.mulf %add3A_1249, %mul3A_1259 : vector<16xf32>
      %mul3A_1261 = arith.mulf %mul3A_1260, %bitcast3A_1257 : vector<16xf32>
      %mul3A_1262 = arith.mulf %mul3A_1261, %bitcast3A_1257 : vector<16xf32>
      %sub3A_1263 = arith.constant 1.500000e+00 : f32
      %sub3A_1264 = vector.broadcast %sub3A_1263 : f32 to vector<16xf32>
      %sub3A_1265 = arith.subf %sub3A_1264, %mul3A_1262 : vector<16xf32>
      %mul3A_1266 = arith.mulf %bitcast3A_1257, %sub3A_1265 : vector<16xf32>
      %mul3A_1267 = arith.mulf %mul3A_1260, %mul3A_1266 : vector<16xf32>
      %mul3A_1268 = arith.mulf %mul3A_1267, %mul3A_1266 : vector<16xf32>
      %sub3A_1269 = arith.constant 1.500000e+00 : f32
      %sub3A_1270 = vector.broadcast %sub3A_1269 : f32 to vector<16xf32>
      %sub3A_1271 = arith.subf %sub3A_1270, %mul3A_1268 : vector<16xf32>
      %mul3A_1272 = arith.mulf %mul3A_1266, %sub3A_1271 : vector<16xf32>
      %mul3A_1273 = arith.mulf %add3A_1249, %mul3A_1272 : vector<16xf32>
      %add3A_1274 = arith.constant 0 : i32
      %add3A_1275 = arith.addi %mul3A_1167, %add3A_1274 : i32
      %swap3A_1276 = arith.index_cast %add3A_1275 : i32 to index
      %swap3A_1277 = tpu.vector_load %arg13[%swap3A_1276] {strides = array<i32>} : memref<10000xf32, #tpu.memory_space<vmem>>, vector<16xf32>,
      tpu.vector_store %arg13[%swap3A_1276], %mul3A_1273 {strides = array<i32>} : memref<10000xf32, #tpu.memory_space<vmem>>, vector<16xf32>,
      %parallel_loop3A_1278 = arith.constant 0 : i32
      %parallel_loop3A_1279 = arith.constant 16 : i32
      %parallel_loop3A_1280 = arith.constant 1 : i32
      scf.for %parallel_loop3A_1718 = %parallel_loop3A_1278 to %parallel_loop3A_1279 step %parallel_loop3A_1280  : i32 {
        %parallel_loop3A_1719 = arith.constant 16 : i32
        %parallel_loop3A_1720 = arith.addi %parallel_loop3A_1719, %parallel_loop3A_1718 : i32
        %parallel_loop3A_1721 = arith.constant 0.000000e+00 : f32
        %parallel_loop3A_1722 = vector.broadcast %parallel_loop3A_1721 : f32 to vector<16xf32>
        %parallel_loop3A_1723 = arith.index_cast %parallel_loop3A_1720 : i32 to index
        %parallel_loop3A_1724 = arith.constant 0 : index
        %parallel_loop3A_1725 = tpu.vector_load %arg10[%parallel_loop3A_1723, %parallel_loop3A_1724] {strides = array<i32>} : memref<80x128xf32, #tpu.memory_space<vmem>>, vector<16xf32>,
        %parallel_loop3A_1726 = arith.index_cast %parallel_loop3A_1720 : i32 to index
        %parallel_loop3A_1727 = arith.constant 0 : index
        %parallel_loop3A_1728 = tpu.vector_load %arg11[%parallel_loop3A_1726, %parallel_loop3A_1727] {strides = array<i32>} : memref<80x128xf32, #tpu.memory_space<vmem>>, vector<16xf32>,
        %parallel_loop3A_1729 = arith.subf %parallel_loop3A_1725, %parallel_loop3A_1728 : vector<16xf32>
        %parallel_loop3A_1730 = arith.constant 9.99999997E-7 : f32
        %parallel_loop3A_1731 = vector.broadcast %parallel_loop3A_1730 : f32 to vector<16xf32>
        %parallel_loop3A_1732 = arith.addf %parallel_loop3A_1729, %parallel_loop3A_1731 : vector<16xf32>
        %parallel_loop3A_1733 = arith.mulf %parallel_loop3A_1732, %parallel_loop3A_1732 : vector<16xf32>
        %parallel_loop3A_1734 = arith.addf %parallel_loop3A_1722, %parallel_loop3A_1733 : vector<16xf32>
        %parallel_loop3A_1735 = arith.index_cast %parallel_loop3A_1720 : i32 to index
        %parallel_loop3A_1736 = arith.constant 16 : index
        %parallel_loop3A_1737 = tpu.vector_load %arg10[%parallel_loop3A_1735, %parallel_loop3A_1736] {strides = array<i32>} : memref<80x128xf32, #tpu.memory_space<vmem>>, vector<16xf32>,
        %parallel_loop3A_1738 = arith.index_cast %parallel_loop3A_1720 : i32 to index
        %parallel_loop3A_1739 = arith.constant 16 : index
        %parallel_loop3A_1740 = tpu.vector_load %arg11[%parallel_loop3A_1738, %parallel_loop3A_1739] {strides = array<i32>} : memref<80x128xf32, #tpu.memory_space<vmem>>, vector<16xf32>,
        %parallel_loop3A_1741 = arith.subf %parallel_loop3A_1737, %parallel_loop3A_1740 : vector<16xf32>
        %parallel_loop3A_1742 = arith.constant 9.99999997E-7 : f32
        %parallel_loop3A_1743 = vector.broadcast %parallel_loop3A_1742 : f32 to vector<16xf32>
        %parallel_loop3A_1744 = arith.addf %parallel_loop3A_1741, %parallel_loop3A_1743 : vector<16xf32>
        %parallel_loop3A_1745 = arith.mulf %parallel_loop3A_1744, %parallel_loop3A_1744 : vector<16xf32>
        %parallel_loop3A_1746 = arith.addf %parallel_loop3A_1734, %parallel_loop3A_1745 : vector<16xf32>
        %parallel_loop3A_1747 = arith.index_cast %parallel_loop3A_1720 : i32 to index
        %parallel_loop3A_1748 = arith.constant 32 : index
        %parallel_loop3A_1749 = tpu.vector_load %arg10[%parallel_loop3A_1747, %parallel_loop3A_1748] {strides = array<i32>} : memref<80x128xf32, #tpu.memory_space<vmem>>, vector<16xf32>,
        %parallel_loop3A_1750 = arith.index_cast %parallel_loop3A_1720 : i32 to index
        %parallel_loop3A_1751 = arith.constant 32 : index
        %parallel_loop3A_1752 = tpu.vector_load %arg11[%parallel_loop3A_1750, %parallel_loop3A_1751] {strides = array<i32>} : memref<80x128xf32, #tpu.memory_space<vmem>>, vector<16xf32>,
        %parallel_loop3A_1753 = arith.subf %parallel_loop3A_1749, %parallel_loop3A_1752 : vector<16xf32>
        %parallel_loop3A_1754 = arith.constant 9.99999997E-7 : f32
        %parallel_loop3A_1755 = vector.broadcast %parallel_loop3A_1754 : f32 to vector<16xf32>
        %parallel_loop3A_1756 = arith.addf %parallel_loop3A_1753, %parallel_loop3A_1755 : vector<16xf32>
        %parallel_loop3A_1757 = arith.mulf %parallel_loop3A_1756, %parallel_loop3A_1756 : vector<16xf32>
        %parallel_loop3A_1758 = arith.addf %parallel_loop3A_1746, %parallel_loop3A_1757 : vector<16xf32>
        %parallel_loop3A_1759 = arith.index_cast %parallel_loop3A_1720 : i32 to index
        %parallel_loop3A_1760 = arith.constant 48 : index
        %parallel_loop3A_1761 = tpu.vector_load %arg10[%parallel_loop3A_1759, %parallel_loop3A_1760] {strides = array<i32>} : memref<80x128xf32, #tpu.memory_space<vmem>>, vector<16xf32>,
        %parallel_loop3A_1762 = arith.index_cast %parallel_loop3A_1720 : i32 to index
        %parallel_loop3A_1763 = arith.constant 48 : index
        %parallel_loop3A_1764 = tpu.vector_load %arg11[%parallel_loop3A_1762, %parallel_loop3A_1763] {strides = array<i32>} : memref<80x128xf32, #tpu.memory_space<vmem>>, vector<16xf32>,
        %parallel_loop3A_1765 = arith.subf %parallel_loop3A_1761, %parallel_loop3A_1764 : vector<16xf32>
        %parallel_loop3A_1766 = arith.constant 9.99999997E-7 : f32
        %parallel_loop3A_1767 = vector.broadcast %parallel_loop3A_1766 : f32 to vector<16xf32>
        %parallel_loop3A_1768 = arith.addf %parallel_loop3A_1765, %parallel_loop3A_1767 : vector<16xf32>
        %parallel_loop3A_1769 = arith.mulf %parallel_loop3A_1768, %parallel_loop3A_1768 : vector<16xf32>
        %parallel_loop3A_1770 = arith.addf %parallel_loop3A_1758, %parallel_loop3A_1769 : vector<16xf32>
        %parallel_loop3A_1771 = arith.index_cast %parallel_loop3A_1720 : i32 to index
        %parallel_loop3A_1772 = arith.constant 64 : index
        %parallel_loop3A_1773 = tpu.vector_load %arg10[%parallel_loop3A_1771, %parallel_loop3A_1772] {strides = array<i32>} : memref<80x128xf32, #tpu.memory_space<vmem>>, vector<16xf32>,
        %parallel_loop3A_1774 = arith.index_cast %parallel_loop3A_1720 : i32 to index
        %parallel_loop3A_1775 = arith.constant 64 : index
        %parallel_loop3A_1776 = tpu.vector_load %arg11[%parallel_loop3A_1774, %parallel_loop3A_1775] {strides = array<i32>} : memref<80x128xf32, #tpu.memory_space<vmem>>, vector<16xf32>,
        %parallel_loop3A_1777 = arith.subf %parallel_loop3A_1773, %parallel_loop3A_1776 : vector<16xf32>
        %parallel_loop3A_1778 = arith.constant 9.99999997E-7 : f32
        %parallel_loop3A_1779 = vector.broadcast %parallel_loop3A_1778 : f32 to vector<16xf32>
        %parallel_loop3A_1780 = arith.addf %parallel_loop3A_1777, %parallel_loop3A_1779 : vector<16xf32>
        %parallel_loop3A_1781 = arith.mulf %parallel_loop3A_1780, %parallel_loop3A_1780 : vector<16xf32>
        %parallel_loop3A_1782 = arith.addf %parallel_loop3A_1770, %parallel_loop3A_1781 : vector<16xf32>
        %parallel_loop3A_1783 = arith.index_cast %parallel_loop3A_1720 : i32 to index
        %parallel_loop3A_1784 = arith.constant 80 : index
        %parallel_loop3A_1785 = tpu.vector_load %arg10[%parallel_loop3A_1783, %parallel_loop3A_1784] {strides = array<i32>} : memref<80x128xf32, #tpu.memory_space<vmem>>, vector<16xf32>,
        %parallel_loop3A_1786 = arith.index_cast %parallel_loop3A_1720 : i32 to index
        %parallel_loop3A_1787 = arith.constant 80 : index
        %parallel_loop3A_1788 = tpu.vector_load %arg11[%parallel_loop3A_1786, %parallel_loop3A_1787] {strides = array<i32>} : memref<80x128xf32, #tpu.memory_space<vmem>>, vector<16xf32>,
        %parallel_loop3A_1789 = arith.subf %parallel_loop3A_1785, %parallel_loop3A_1788 : vector<16xf32>
        %parallel_loop3A_1790 = arith.constant 9.99999997E-7 : f32
        %parallel_loop3A_1791 = vector.broadcast %parallel_loop3A_1790 : f32 to vector<16xf32>
        %parallel_loop3A_1792 = arith.addf %parallel_loop3A_1789, %parallel_loop3A_1791 : vector<16xf32>
        %parallel_loop3A_1793 = arith.mulf %parallel_loop3A_1792, %parallel_loop3A_1792 : vector<16xf32>
        %parallel_loop3A_1794 = arith.addf %parallel_loop3A_1782, %parallel_loop3A_1793 : vector<16xf32>
        %parallel_loop3A_1795 = arith.index_cast %parallel_loop3A_1720 : i32 to index
        %parallel_loop3A_1796 = arith.constant 96 : index
        %parallel_loop3A_1797 = tpu.vector_load %arg10[%parallel_loop3A_1795, %parallel_loop3A_1796] {strides = array<i32>} : memref<80x128xf32, #tpu.memory_space<vmem>>, vector<16xf32>,
        %parallel_loop3A_1798 = arith.index_cast %parallel_loop3A_1720 : i32 to index
        %parallel_loop3A_1799 = arith.constant 96 : index
        %parallel_loop3A_1800 = tpu.vector_load %arg11[%parallel_loop3A_1798, %parallel_loop3A_1799] {strides = array<i32>} : memref<80x128xf32, #tpu.memory_space<vmem>>, vector<16xf32>,
        %parallel_loop3A_1801 = arith.subf %parallel_loop3A_1797, %parallel_loop3A_1800 : vector<16xf32>
        %parallel_loop3A_1802 = arith.constant 9.99999997E-7 : f32
        %parallel_loop3A_1803 = vector.broadcast %parallel_loop3A_1802 : f32 to vector<16xf32>
        %parallel_loop3A_1804 = arith.addf %parallel_loop3A_1801, %parallel_loop3A_1803 : vector<16xf32>
        %parallel_loop3A_1805 = arith.mulf %parallel_loop3A_1804, %parallel_loop3A_1804 : vector<16xf32>
        %parallel_loop3A_1806 = arith.addf %parallel_loop3A_1794, %parallel_loop3A_1805 : vector<16xf32>
        %parallel_loop3A_1807 = arith.index_cast %parallel_loop3A_1720 : i32 to index
        %parallel_loop3A_1808 = arith.constant 112 : index
        %parallel_loop3A_1809 = tpu.vector_load %arg10[%parallel_loop3A_1807, %parallel_loop3A_1808] {strides = array<i32>} : memref<80x128xf32, #tpu.memory_space<vmem>>, vector<16xf32>,
        %parallel_loop3A_1810 = arith.index_cast %parallel_loop3A_1720 : i32 to index
        %parallel_loop3A_1811 = arith.constant 112 : index
        %parallel_loop3A_1812 = tpu.vector_load %arg11[%parallel_loop3A_1810, %parallel_loop3A_1811] {strides = array<i32>} : memref<80x128xf32, #tpu.memory_space<vmem>>, vector<16xf32>,
        %parallel_loop3A_1813 = arith.subf %parallel_loop3A_1809, %parallel_loop3A_1812 : vector<16xf32>
        %parallel_loop3A_1814 = arith.constant 9.99999997E-7 : f32
        %parallel_loop3A_1815 = vector.broadcast %parallel_loop3A_1814 : f32 to vector<16xf32>
        %parallel_loop3A_1816 = arith.addf %parallel_loop3A_1813, %parallel_loop3A_1815 : vector<16xf32>
        %parallel_loop3A_1817 = arith.mulf %parallel_loop3A_1816, %parallel_loop3A_1816 : vector<16xf32>
        %parallel_loop3A_1818 = arith.addf %parallel_loop3A_1806, %parallel_loop3A_1817 : vector<16xf32>
        %parallel_loop3A_1819 = arith.constant 16 : i32
        %parallel_loop3A_1820 = arith.muli %parallel_loop3A_1718, %parallel_loop3A_1819 : i32
        %parallel_loop3A_1821 = arith.index_cast %parallel_loop3A_1820 : i32 to index
        %parallel_loop3A_1822 = tpu.vector_load %arg12[%parallel_loop3A_1821] {strides = array<i32>} : memref<256xf32, #tpu.memory_space<vmem>>, vector<16xf32>,
        tpu.vector_store %arg12[%parallel_loop3A_1821], %parallel_loop3A_1818 {strides = array<i32>} : memref<256xf32, #tpu.memory_space<vmem>>, vector<16xf32>,
      } {sc.loop_unroll_factor = 2 : i64, sc.parallel_access}
      %add3A_1281 = arith.constant 0 : i32
      %add3A_1282 = vector.broadcast %add3A_1281 : i32 to vector<16xi32>
      %add3A_1283 = arith.addi %mul3A_5, %add3A_1282 : vector<16xi32>
      %gather3A_1284 = tpu.vector_load_idx %arg12[%add3A_1283] : memref<256xf32, #tpu.memory_space<vmem>>[vector<16xi32>], vector<16xf32>,
      %add3A_1285 = arith.constant 1 : i32
      %add3A_1286 = vector.broadcast %add3A_1285 : i32 to vector<16xi32>
      %add3A_1287 = arith.addi %mul3A_5, %add3A_1286 : vector<16xi32>
      %gather3A_1288 = tpu.vector_load_idx %arg12[%add3A_1287] : memref<256xf32, #tpu.memory_space<vmem>>[vector<16xi32>], vector<16xf32>,
      %add3A_1289 = arith.constant 2 : i32
      %add3A_1290 = vector.broadcast %add3A_1289 : i32 to vector<16xi32>
      %add3A_1291 = arith.addi %mul3A_5, %add3A_1290 : vector<16xi32>
      %gather3A_1292 = tpu.vector_load_idx %arg12[%add3A_1291] : memref<256xf32, #tpu.memory_space<vmem>>[vector<16xi32>], vector<16xf32>,
      %add3A_1293 = arith.constant 3 : i32
      %add3A_1294 = vector.broadcast %add3A_1293 : i32 to vector<16xi32>
      %add3A_1295 = arith.addi %mul3A_5, %add3A_1294 : vector<16xi32>
      %gather3A_1296 = tpu.vector_load_idx %arg12[%add3A_1295] : memref<256xf32, #tpu.memory_space<vmem>>[vector<16xi32>], vector<16xf32>,
      %add3A_1297 = arith.constant 4 : i32
      %add3A_1298 = vector.broadcast %add3A_1297 : i32 to vector<16xi32>
      %add3A_1299 = arith.addi %mul3A_5, %add3A_1298 : vector<16xi32>
      %gather3A_1300 = tpu.vector_load_idx %arg12[%add3A_1299] : memref<256xf32, #tpu.memory_space<vmem>>[vector<16xi32>], vector<16xf32>,
      %add3A_1301 = arith.addf %gather3A_1284, %gather3A_1300 : vector<16xf32>
      %add3A_1302 = arith.constant 5 : i32
      %add3A_1303 = vector.broadcast %add3A_1302 : i32 to vector<16xi32>
      %add3A_1304 = arith.addi %mul3A_5, %add3A_1303 : vector<16xi32>
      %gather3A_1305 = tpu.vector_load_idx %arg12[%add3A_1304] : memref<256xf32, #tpu.memory_space<vmem>>[vector<16xi32>], vector<16xf32>,
      %add3A_1306 = arith.addf %gather3A_1288, %gather3A_1305 : vector<16xf32>
      %add3A_1307 = arith.constant 6 : i32
      %add3A_1308 = vector.broadcast %add3A_1307 : i32 to vector<16xi32>
      %add3A_1309 = arith.addi %mul3A_5, %add3A_1308 : vector<16xi32>
      %gather3A_1310 = tpu.vector_load_idx %arg12[%add3A_1309] : memref<256xf32, #tpu.memory_space<vmem>>[vector<16xi32>], vector<16xf32>,
      %add3A_1311 = arith.addf %gather3A_1292, %gather3A_1310 : vector<16xf32>
      %add3A_1312 = arith.constant 7 : i32
      %add3A_1313 = vector.broadcast %add3A_1312 : i32 to vector<16xi32>
      %add3A_1314 = arith.addi %mul3A_5, %add3A_1313 : vector<16xi32>
      %gather3A_1315 = tpu.vector_load_idx %arg12[%add3A_1314] : memref<256xf32, #tpu.memory_space<vmem>>[vector<16xi32>], vector<16xf32>,
      %add3A_1316 = arith.addf %gather3A_1296, %gather3A_1315 : vector<16xf32>
      %add3A_1317 = arith.constant 8 : i32
      %add3A_1318 = vector.broadcast %add3A_1317 : i32 to vector<16xi32>
      %add3A_1319 = arith.addi %mul3A_5, %add3A_1318 : vector<16xi32>
      %gather3A_1320 = tpu.vector_load_idx %arg12[%add3A_1319] : memref<256xf32, #tpu.memory_space<vmem>>[vector<16xi32>], vector<16xf32>,
      %add3A_1321 = arith.addf %add3A_1301, %gather3A_1320 : vector<16xf32>
      %add3A_1322 = arith.constant 9 : i32
      %add3A_1323 = vector.broadcast %add3A_1322 : i32 to vector<16xi32>
      %add3A_1324 = arith.addi %mul3A_5, %add3A_1323 : vector<16xi32>
      %gather3A_1325 = tpu.vector_load_idx %arg12[%add3A_1324] : memref<256xf32, #tpu.memory_space<vmem>>[vector<16xi32>], vector<16xf32>,
      %add3A_1326 = arith.addf %add3A_1306, %gather3A_1325 : vector<16xf32>
      %add3A_1327 = arith.constant 10 : i32
      %add3A_1328 = vector.broadcast %add3A_1327 : i32 to vector<16xi32>
      %add3A_1329 = arith.addi %mul3A_5, %add3A_1328 : vector<16xi32>
      %gather3A_1330 = tpu.vector_load_idx %arg12[%add3A_1329] : memref<256xf32, #tpu.memory_space<vmem>>[vector<16xi32>], vector<16xf32>,
      %add3A_1331 = arith.addf %add3A_1311, %gather3A_1330 : vector<16xf32>
      %add3A_1332 = arith.constant 11 : i32
      %add3A_1333 = vector.broadcast %add3A_1332 : i32 to vector<16xi32>
      %add3A_1334 = arith.addi %mul3A_5, %add3A_1333 : vector<16xi32>
      %gather3A_1335 = tpu.vector_load_idx %arg12[%add3A_1334] : memref<256xf32, #tpu.memory_space<vmem>>[vector<16xi32>], vector<16xf32>,
      %add3A_1336 = arith.addf %add3A_1316, %gather3A_1335 : vector<16xf32>
      %add3A_1337 = arith.constant 12 : i32
      %add3A_1338 = vector.broadcast %add3A_1337 : i32 to vector<16xi32>
      %add3A_1339 = arith.addi %mul3A_5, %add3A_1338 : vector<16xi32>
      %gather3A_1340 = tpu.vector_load_idx %arg12[%add3A_1339] : memref<256xf32, #tpu.memory_space<vmem>>[vector<16xi32>], vector<16xf32>,
      %add3A_1341 = arith.addf %add3A_1321, %gather3A_1340 : vector<16xf32>
      %add3A_1342 = arith.constant 13 : i32
      %add3A_1343 = vector.broadcast %add3A_1342 : i32 to vector<16xi32>
      %add3A_1344 = arith.addi %mul3A_5, %add3A_1343 : vector<16xi32>
      %gather3A_1345 = tpu.vector_load_idx %arg12[%add3A_1344] : memref<256xf32, #tpu.memory_space<vmem>>[vector<16xi32>], vector<16xf32>,
      %add3A_1346 = arith.addf %add3A_1326, %gather3A_1345 : vector<16xf32>
      %add3A_1347 = arith.constant 14 : i32
      %add3A_1348 = vector.broadcast %add3A_1347 : i32 to vector<16xi32>
      %add3A_1349 = arith.addi %mul3A_5, %add3A_1348 : vector<16xi32>
      %gather3A_1350 = tpu.vector_load_idx %arg12[%add3A_1349] : memref<256xf32, #tpu.memory_space<vmem>>[vector<16xi32>], vector<16xf32>,
      %add3A_1351 = arith.addf %add3A_1331, %gather3A_1350 : vector<16xf32>
      %add3A_1352 = arith.constant 15 : i32
      %add3A_1353 = vector.broadcast %add3A_1352 : i32 to vector<16xi32>
      %add3A_1354 = arith.addi %mul3A_5, %add3A_1353 : vector<16xi32>
      %gather3A_1355 = tpu.vector_load_idx %arg12[%add3A_1354] : memref<256xf32, #tpu.memory_space<vmem>>[vector<16xi32>], vector<16xf32>,
      %add3A_1356 = arith.addf %add3A_1336, %gather3A_1355 : vector<16xf32>
      %add3A_1357 = arith.addf %add3A_1341, %add3A_1346 : vector<16xf32>
      %add3A_1358 = arith.addf %add3A_1351, %add3A_1356 : vector<16xf32>
      %add3A_1359 = arith.addf %add3A_1357, %add3A_1358 : vector<16xf32>
      %bitcast3A_1360 = vector.bitcast %add3A_1359 : vector<16xf32> to vector<16xi32>
      %shift_right_arithmetic3A_1361 = arith.constant 1 : i32
      %shift_right_arithmetic3A_1362 = vector.broadcast %shift_right_arithmetic3A_1361 : i32 to vector<16xi32>
      %shift_right_arithmetic3A_1363 = arith.shrsi %bitcast3A_1360, %shift_right_arithmetic3A_1362 : vector<16xi32>
      %sub3A_1364 = arith.constant 1597463007 : i32
      %sub3A_1365 = vector.broadcast %sub3A_1364 : i32 to vector<16xi32>
      %sub3A_1366 = arith.subi %sub3A_1365, %shift_right_arithmetic3A_1363 : vector<16xi32>
      %bitcast3A_1367 = vector.bitcast %sub3A_1366 : vector<16xi32> to vector<16xf32>
      %mul3A_1368 = arith.constant 5.000000e-01 : f32
      %mul3A_1369 = vector.broadcast %mul3A_1368 : f32 to vector<16xf32>
      %mul3A_1370 = arith.mulf %add3A_1359, %mul3A_1369 : vector<16xf32>
      %mul3A_1371 = arith.mulf %mul3A_1370, %bitcast3A_1367 : vector<16xf32>
      %mul3A_1372 = arith.mulf %mul3A_1371, %bitcast3A_1367 : vector<16xf32>
      %sub3A_1373 = arith.constant 1.500000e+00 : f32
      %sub3A_1374 = vector.broadcast %sub3A_1373 : f32 to vector<16xf32>
      %sub3A_1375 = arith.subf %sub3A_1374, %mul3A_1372 : vector<16xf32>
      %mul3A_1376 = arith.mulf %bitcast3A_1367, %sub3A_1375 : vector<16xf32>
      %mul3A_1377 = arith.mulf %mul3A_1370, %mul3A_1376 : vector<16xf32>
      %mul3A_1378 = arith.mulf %mul3A_1377, %mul3A_1376 : vector<16xf32>
      %sub3A_1379 = arith.constant 1.500000e+00 : f32
      %sub3A_1380 = vector.broadcast %sub3A_1379 : f32 to vector<16xf32>
      %sub3A_1381 = arith.subf %sub3A_1380, %mul3A_1378 : vector<16xf32>
      %mul3A_1382 = arith.mulf %mul3A_1376, %sub3A_1381 : vector<16xf32>
      %mul3A_1383 = arith.mulf %add3A_1359, %mul3A_1382 : vector<16xf32>
      %add3A_1384 = arith.constant 16 : i32
      %add3A_1385 = arith.addi %mul3A_1167, %add3A_1384 : i32
      %swap3A_1386 = arith.index_cast %add3A_1385 : i32 to index
      %swap3A_1387 = tpu.vector_load %arg13[%swap3A_1386] {strides = array<i32>} : memref<10000xf32, #tpu.memory_space<vmem>>, vector<16xf32>,
      tpu.vector_store %arg13[%swap3A_1386], %mul3A_1383 {strides = array<i32>} : memref<10000xf32, #tpu.memory_space<vmem>>, vector<16xf32>,
      %parallel_loop3A_1388 = arith.constant 0 : i32
      %parallel_loop3A_1389 = arith.constant 16 : i32
      %parallel_loop3A_1390 = arith.constant 1 : i32
      scf.for %parallel_loop3A_1718 = %parallel_loop3A_1388 to %parallel_loop3A_1389 step %parallel_loop3A_1390  : i32 {
        %parallel_loop3A_1719 = arith.constant 32 : i32
        %parallel_loop3A_1720 = arith.addi %parallel_loop3A_1719, %parallel_loop3A_1718 : i32
        %parallel_loop3A_1721 = arith.constant 0.000000e+00 : f32
        %parallel_loop3A_1722 = vector.broadcast %parallel_loop3A_1721 : f32 to vector<16xf32>
        %parallel_loop3A_1723 = arith.index_cast %parallel_loop3A_1720 : i32 to index
        %parallel_loop3A_1724 = arith.constant 0 : index
        %parallel_loop3A_1725 = tpu.vector_load %arg10[%parallel_loop3A_1723, %parallel_loop3A_1724] {strides = array<i32>} : memref<80x128xf32, #tpu.memory_space<vmem>>, vector<16xf32>,
        %parallel_loop3A_1726 = arith.index_cast %parallel_loop3A_1720 : i32 to index
        %parallel_loop3A_1727 = arith.constant 0 : index
        %parallel_loop3A_1728 = tpu.vector_load %arg11[%parallel_loop3A_1726, %parallel_loop3A_1727] {strides = array<i32>} : memref<80x128xf32, #tpu.memory_space<vmem>>, vector<16xf32>,
        %parallel_loop3A_1729 = arith.subf %parallel_loop3A_1725, %parallel_loop3A_1728 : vector<16xf32>
        %parallel_loop3A_1730 = arith.constant 9.99999997E-7 : f32
        %parallel_loop3A_1731 = vector.broadcast %parallel_loop3A_1730 : f32 to vector<16xf32>
        %parallel_loop3A_1732 = arith.addf %parallel_loop3A_1729, %parallel_loop3A_1731 : vector<16xf32>
        %parallel_loop3A_1733 = arith.mulf %parallel_loop3A_1732, %parallel_loop3A_1732 : vector<16xf32>
        %parallel_loop3A_1734 = arith.addf %parallel_loop3A_1722, %parallel_loop3A_1733 : vector<16xf32>
        %parallel_loop3A_1735 = arith.index_cast %parallel_loop3A_1720 : i32 to index
        %parallel_loop3A_1736 = arith.constant 16 : index
        %parallel_loop3A_1737 = tpu.vector_load %arg10[%parallel_loop3A_1735, %parallel_loop3A_1736] {strides = array<i32>} : memref<80x128xf32, #tpu.memory_space<vmem>>, vector<16xf32>,
        %parallel_loop3A_1738 = arith.index_cast %parallel_loop3A_1720 : i32 to index
        %parallel_loop3A_1739 = arith.constant 16 : index
        %parallel_loop3A_1740 = tpu.vector_load %arg11[%parallel_loop3A_1738, %parallel_loop3A_1739] {strides = array<i32>} : memref<80x128xf32, #tpu.memory_space<vmem>>, vector<16xf32>,
        %parallel_loop3A_1741 = arith.subf %parallel_loop3A_1737, %parallel_loop3A_1740 : vector<16xf32>
        %parallel_loop3A_1742 = arith.constant 9.99999997E-7 : f32
        %parallel_loop3A_1743 = vector.broadcast %parallel_loop3A_1742 : f32 to vector<16xf32>
        %parallel_loop3A_1744 = arith.addf %parallel_loop3A_1741, %parallel_loop3A_1743 : vector<16xf32>
        %parallel_loop3A_1745 = arith.mulf %parallel_loop3A_1744, %parallel_loop3A_1744 : vector<16xf32>
        %parallel_loop3A_1746 = arith.addf %parallel_loop3A_1734, %parallel_loop3A_1745 : vector<16xf32>
        %parallel_loop3A_1747 = arith.index_cast %parallel_loop3A_1720 : i32 to index
        %parallel_loop3A_1748 = arith.constant 32 : index
        %parallel_loop3A_1749 = tpu.vector_load %arg10[%parallel_loop3A_1747, %parallel_loop3A_1748] {strides = array<i32>} : memref<80x128xf32, #tpu.memory_space<vmem>>, vector<16xf32>,
        %parallel_loop3A_1750 = arith.index_cast %parallel_loop3A_1720 : i32 to index
        %parallel_loop3A_1751 = arith.constant 32 : index
        %parallel_loop3A_1752 = tpu.vector_load %arg11[%parallel_loop3A_1750, %parallel_loop3A_1751] {strides = array<i32>} : memref<80x128xf32, #tpu.memory_space<vmem>>, vector<16xf32>,
        %parallel_loop3A_1753 = arith.subf %parallel_loop3A_1749, %parallel_loop3A_1752 : vector<16xf32>
        %parallel_loop3A_1754 = arith.constant 9.99999997E-7 : f32
        %parallel_loop3A_1755 = vector.broadcast %parallel_loop3A_1754 : f32 to vector<16xf32>
        %parallel_loop3A_1756 = arith.addf %parallel_loop3A_1753, %parallel_loop3A_1755 : vector<16xf32>
        %parallel_loop3A_1757 = arith.mulf %parallel_loop3A_1756, %parallel_loop3A_1756 : vector<16xf32>
        %parallel_loop3A_1758 = arith.addf %parallel_loop3A_1746, %parallel_loop3A_1757 : vector<16xf32>
        %parallel_loop3A_1759 = arith.index_cast %parallel_loop3A_1720 : i32 to index
        %parallel_loop3A_1760 = arith.constant 48 : index
        %parallel_loop3A_1761 = tpu.vector_load %arg10[%parallel_loop3A_1759, %parallel_loop3A_1760] {strides = array<i32>} : memref<80x128xf32, #tpu.memory_space<vmem>>, vector<16xf32>,
        %parallel_loop3A_1762 = arith.index_cast %parallel_loop3A_1720 : i32 to index
        %parallel_loop3A_1763 = arith.constant 48 : index
        %parallel_loop3A_1764 = tpu.vector_load %arg11[%parallel_loop3A_1762, %parallel_loop3A_1763] {strides = array<i32>} : memref<80x128xf32, #tpu.memory_space<vmem>>, vector<16xf32>,
        %parallel_loop3A_1765 = arith.subf %parallel_loop3A_1761, %parallel_loop3A_1764 : vector<16xf32>
        %parallel_loop3A_1766 = arith.constant 9.99999997E-7 : f32
        %parallel_loop3A_1767 = vector.broadcast %parallel_loop3A_1766 : f32 to vector<16xf32>
        %parallel_loop3A_1768 = arith.addf %parallel_loop3A_1765, %parallel_loop3A_1767 : vector<16xf32>
        %parallel_loop3A_1769 = arith.mulf %parallel_loop3A_1768, %parallel_loop3A_1768 : vector<16xf32>
        %parallel_loop3A_1770 = arith.addf %parallel_loop3A_1758, %parallel_loop3A_1769 : vector<16xf32>
        %parallel_loop3A_1771 = arith.index_cast %parallel_loop3A_1720 : i32 to index
        %parallel_loop3A_1772 = arith.constant 64 : index
        %parallel_loop3A_1773 = tpu.vector_load %arg10[%parallel_loop3A_1771, %parallel_loop3A_1772] {strides = array<i32>} : memref<80x128xf32, #tpu.memory_space<vmem>>, vector<16xf32>,
        %parallel_loop3A_1774 = arith.index_cast %parallel_loop3A_1720 : i32 to index
        %parallel_loop3A_1775 = arith.constant 64 : index
        %parallel_loop3A_1776 = tpu.vector_load %arg11[%parallel_loop3A_1774, %parallel_loop3A_1775] {strides = array<i32>} : memref<80x128xf32, #tpu.memory_space<vmem>>, vector<16xf32>,
        %parallel_loop3A_1777 = arith.subf %parallel_loop3A_1773, %parallel_loop3A_1776 : vector<16xf32>
        %parallel_loop3A_1778 = arith.constant 9.99999997E-7 : f32
        %parallel_loop3A_1779 = vector.broadcast %parallel_loop3A_1778 : f32 to vector<16xf32>
        %parallel_loop3A_1780 = arith.addf %parallel_loop3A_1777, %parallel_loop3A_1779 : vector<16xf32>
        %parallel_loop3A_1781 = arith.mulf %parallel_loop3A_1780, %parallel_loop3A_1780 : vector<16xf32>
        %parallel_loop3A_1782 = arith.addf %parallel_loop3A_1770, %parallel_loop3A_1781 : vector<16xf32>
        %parallel_loop3A_1783 = arith.index_cast %parallel_loop3A_1720 : i32 to index
        %parallel_loop3A_1784 = arith.constant 80 : index
        %parallel_loop3A_1785 = tpu.vector_load %arg10[%parallel_loop3A_1783, %parallel_loop3A_1784] {strides = array<i32>} : memref<80x128xf32, #tpu.memory_space<vmem>>, vector<16xf32>,
        %parallel_loop3A_1786 = arith.index_cast %parallel_loop3A_1720 : i32 to index
        %parallel_loop3A_1787 = arith.constant 80 : index
        %parallel_loop3A_1788 = tpu.vector_load %arg11[%parallel_loop3A_1786, %parallel_loop3A_1787] {strides = array<i32>} : memref<80x128xf32, #tpu.memory_space<vmem>>, vector<16xf32>,
        %parallel_loop3A_1789 = arith.subf %parallel_loop3A_1785, %parallel_loop3A_1788 : vector<16xf32>
        %parallel_loop3A_1790 = arith.constant 9.99999997E-7 : f32
        %parallel_loop3A_1791 = vector.broadcast %parallel_loop3A_1790 : f32 to vector<16xf32>
        %parallel_loop3A_1792 = arith.addf %parallel_loop3A_1789, %parallel_loop3A_1791 : vector<16xf32>
        %parallel_loop3A_1793 = arith.mulf %parallel_loop3A_1792, %parallel_loop3A_1792 : vector<16xf32>
        %parallel_loop3A_1794 = arith.addf %parallel_loop3A_1782, %parallel_loop3A_1793 : vector<16xf32>
        %parallel_loop3A_1795 = arith.index_cast %parallel_loop3A_1720 : i32 to index
        %parallel_loop3A_1796 = arith.constant 96 : index
        %parallel_loop3A_1797 = tpu.vector_load %arg10[%parallel_loop3A_1795, %parallel_loop3A_1796] {strides = array<i32>} : memref<80x128xf32, #tpu.memory_space<vmem>>, vector<16xf32>,
        %parallel_loop3A_1798 = arith.index_cast %parallel_loop3A_1720 : i32 to index
        %parallel_loop3A_1799 = arith.constant 96 : index
        %parallel_loop3A_1800 = tpu.vector_load %arg11[%parallel_loop3A_1798, %parallel_loop3A_1799] {strides = array<i32>} : memref<80x128xf32, #tpu.memory_space<vmem>>, vector<16xf32>,
        %parallel_loop3A_1801 = arith.subf %parallel_loop3A_1797, %parallel_loop3A_1800 : vector<16xf32>
        %parallel_loop3A_1802 = arith.constant 9.99999997E-7 : f32
        %parallel_loop3A_1803 = vector.broadcast %parallel_loop3A_1802 : f32 to vector<16xf32>
        %parallel_loop3A_1804 = arith.addf %parallel_loop3A_1801, %parallel_loop3A_1803 : vector<16xf32>
        %parallel_loop3A_1805 = arith.mulf %parallel_loop3A_1804, %parallel_loop3A_1804 : vector<16xf32>
        %parallel_loop3A_1806 = arith.addf %parallel_loop3A_1794, %parallel_loop3A_1805 : vector<16xf32>
        %parallel_loop3A_1807 = arith.index_cast %parallel_loop3A_1720 : i32 to index
        %parallel_loop3A_1808 = arith.constant 112 : index
        %parallel_loop3A_1809 = tpu.vector_load %arg10[%parallel_loop3A_1807, %parallel_loop3A_1808] {strides = array<i32>} : memref<80x128xf32, #tpu.memory_space<vmem>>, vector<16xf32>,
        %parallel_loop3A_1810 = arith.index_cast %parallel_loop3A_1720 : i32 to index
        %parallel_loop3A_1811 = arith.constant 112 : index
        %parallel_loop3A_1812 = tpu.vector_load %arg11[%parallel_loop3A_1810, %parallel_loop3A_1811] {strides = array<i32>} : memref<80x128xf32, #tpu.memory_space<vmem>>, vector<16xf32>,
        %parallel_loop3A_1813 = arith.subf %parallel_loop3A_1809, %parallel_loop3A_1812 : vector<16xf32>
        %parallel_loop3A_1814 = arith.constant 9.99999997E-7 : f32
        %parallel_loop3A_1815 = vector.broadcast %parallel_loop3A_1814 : f32 to vector<16xf32>
        %parallel_loop3A_1816 = arith.addf %parallel_loop3A_1813, %parallel_loop3A_1815 : vector<16xf32>
        %parallel_loop3A_1817 = arith.mulf %parallel_loop3A_1816, %parallel_loop3A_1816 : vector<16xf32>
        %parallel_loop3A_1818 = arith.addf %parallel_loop3A_1806, %parallel_loop3A_1817 : vector<16xf32>
        %parallel_loop3A_1819 = arith.constant 16 : i32
        %parallel_loop3A_1820 = arith.muli %parallel_loop3A_1718, %parallel_loop3A_1819 : i32
        %parallel_loop3A_1821 = arith.index_cast %parallel_loop3A_1820 : i32 to index
        %parallel_loop3A_1822 = tpu.vector_load %arg12[%parallel_loop3A_1821] {strides = array<i32>} : memref<256xf32, #tpu.memory_space<vmem>>, vector<16xf32>,
        tpu.vector_store %arg12[%parallel_loop3A_1821], %parallel_loop3A_1818 {strides = array<i32>} : memref<256xf32, #tpu.memory_space<vmem>>, vector<16xf32>,
      } {sc.loop_unroll_factor = 2 : i64, sc.parallel_access}
      %add3A_1391 = arith.constant 0 : i32
      %add3A_1392 = vector.broadcast %add3A_1391 : i32 to vector<16xi32>
      %add3A_1393 = arith.addi %mul3A_5, %add3A_1392 : vector<16xi32>
      %gather3A_1394 = tpu.vector_load_idx %arg12[%add3A_1393] : memref<256xf32, #tpu.memory_space<vmem>>[vector<16xi32>], vector<16xf32>,
      %add3A_1395 = arith.constant 1 : i32
      %add3A_1396 = vector.broadcast %add3A_1395 : i32 to vector<16xi32>
      %add3A_1397 = arith.addi %mul3A_5, %add3A_1396 : vector<16xi32>
      %gather3A_1398 = tpu.vector_load_idx %arg12[%add3A_1397] : memref<256xf32, #tpu.memory_space<vmem>>[vector<16xi32>], vector<16xf32>,
      %add3A_1399 = arith.constant 2 : i32
      %add3A_1400 = vector.broadcast %add3A_1399 : i32 to vector<16xi32>
      %add3A_1401 = arith.addi %mul3A_5, %add3A_1400 : vector<16xi32>
      %gather3A_1402 = tpu.vector_load_idx %arg12[%add3A_1401] : memref<256xf32, #tpu.memory_space<vmem>>[vector<16xi32>], vector<16xf32>,
      %add3A_1403 = arith.constant 3 : i32
      %add3A_1404 = vector.broadcast %add3A_1403 : i32 to vector<16xi32>
      %add3A_1405 = arith.addi %mul3A_5, %add3A_1404 : vector<16xi32>
      %gather3A_1406 = tpu.vector_load_idx %arg12[%add3A_1405] : memref<256xf32, #tpu.memory_space<vmem>>[vector<16xi32>], vector<16xf32>,
      %add3A_1407 = arith.constant 4 : i32
      %add3A_1408 = vector.broadcast %add3A_1407 : i32 to vector<16xi32>
      %add3A_1409 = arith.addi %mul3A_5, %add3A_1408 : vector<16xi32>
      %gather3A_1410 = tpu.vector_load_idx %arg12[%add3A_1409] : memref<256xf32, #tpu.memory_space<vmem>>[vector<16xi32>], vector<16xf32>,
      %add3A_1411 = arith.addf %gather3A_1394, %gather3A_1410 : vector<16xf32>
      %add3A_1412 = arith.constant 5 : i32
      %add3A_1413 = vector.broadcast %add3A_1412 : i32 to vector<16xi32>
      %add3A_1414 = arith.addi %mul3A_5, %add3A_1413 : vector<16xi32>
      %gather3A_1415 = tpu.vector_load_idx %arg12[%add3A_1414] : memref<256xf32, #tpu.memory_space<vmem>>[vector<16xi32>], vector<16xf32>,
      %add3A_1416 = arith.addf %gather3A_1398, %gather3A_1415 : vector<16xf32>
      %add3A_1417 = arith.constant 6 : i32
      %add3A_1418 = vector.broadcast %add3A_1417 : i32 to vector<16xi32>
      %add3A_1419 = arith.addi %mul3A_5, %add3A_1418 : vector<16xi32>
      %gather3A_1420 = tpu.vector_load_idx %arg12[%add3A_1419] : memref<256xf32, #tpu.memory_space<vmem>>[vector<16xi32>], vector<16xf32>,
      %add3A_1421 = arith.addf %gather3A_1402, %gather3A_1420 : vector<16xf32>
      %add3A_1422 = arith.constant 7 : i32
      %add3A_1423 = vector.broadcast %add3A_1422 : i32 to vector<16xi32>
      %add3A_1424 = arith.addi %mul3A_5, %add3A_1423 : vector<16xi32>
      %gather3A_1425 = tpu.vector_load_idx %arg12[%add3A_1424] : memref<256xf32, #tpu.memory_space<vmem>>[vector<16xi32>], vector<16xf32>,
      %add3A_1426 = arith.addf %gather3A_1406, %gather3A_1425 : vector<16xf32>
      %add3A_1427 = arith.constant 8 : i32
      %add3A_1428 = vector.broadcast %add3A_1427 : i32 to vector<16xi32>
      %add3A_1429 = arith.addi %mul3A_5, %add3A_1428 : vector<16xi32>
      %gather3A_1430 = tpu.vector_load_idx %arg12[%add3A_1429] : memref<256xf32, #tpu.memory_space<vmem>>[vector<16xi32>], vector<16xf32>,
      %add3A_1431 = arith.addf %add3A_1411, %gather3A_1430 : vector<16xf32>
      %add3A_1432 = arith.constant 9 : i32
      %add3A_1433 = vector.broadcast %add3A_1432 : i32 to vector<16xi32>
      %add3A_1434 = arith.addi %mul3A_5, %add3A_1433 : vector<16xi32>
      %gather3A_1435 = tpu.vector_load_idx %arg12[%add3A_1434] : memref<256xf32, #tpu.memory_space<vmem>>[vector<16xi32>], vector<16xf32>,
      %add3A_1436 = arith.addf %add3A_1416, %gather3A_1435 : vector<16xf32>
      %add3A_1437 = arith.constant 10 : i32
      %add3A_1438 = vector.broadcast %add3A_1437 : i32 to vector<16xi32>
      %add3A_1439 = arith.addi %mul3A_5, %add3A_1438 : vector<16xi32>
      %gather3A_1440 = tpu.vector_load_idx %arg12[%add3A_1439] : memref<256xf32, #tpu.memory_space<vmem>>[vector<16xi32>], vector<16xf32>,
      %add3A_1441 = arith.addf %add3A_1421, %gather3A_1440 : vector<16xf32>
      %add3A_1442 = arith.constant 11 : i32
      %add3A_1443 = vector.broadcast %add3A_1442 : i32 to vector<16xi32>
      %add3A_1444 = arith.addi %mul3A_5, %add3A_1443 : vector<16xi32>
      %gather3A_1445 = tpu.vector_load_idx %arg12[%add3A_1444] : memref<256xf32, #tpu.memory_space<vmem>>[vector<16xi32>], vector<16xf32>,
      %add3A_1446 = arith.addf %add3A_1426, %gather3A_1445 : vector<16xf32>
      %add3A_1447 = arith.constant 12 : i32
      %add3A_1448 = vector.broadcast %add3A_1447 : i32 to vector<16xi32>
      %add3A_1449 = arith.addi %mul3A_5, %add3A_1448 : vector<16xi32>
      %gather3A_1450 = tpu.vector_load_idx %arg12[%add3A_1449] : memref<256xf32, #tpu.memory_space<vmem>>[vector<16xi32>], vector<16xf32>,
      %add3A_1451 = arith.addf %add3A_1431, %gather3A_1450 : vector<16xf32>
      %add3A_1452 = arith.constant 13 : i32
      %add3A_1453 = vector.broadcast %add3A_1452 : i32 to vector<16xi32>
      %add3A_1454 = arith.addi %mul3A_5, %add3A_1453 : vector<16xi32>
      %gather3A_1455 = tpu.vector_load_idx %arg12[%add3A_1454] : memref<256xf32, #tpu.memory_space<vmem>>[vector<16xi32>], vector<16xf32>,
      %add3A_1456 = arith.addf %add3A_1436, %gather3A_1455 : vector<16xf32>
      %add3A_1457 = arith.constant 14 : i32
      %add3A_1458 = vector.broadcast %add3A_1457 : i32 to vector<16xi32>
      %add3A_1459 = arith.addi %mul3A_5, %add3A_1458 : vector<16xi32>
      %gather3A_1460 = tpu.vector_load_idx %arg12[%add3A_1459] : memref<256xf32, #tpu.memory_space<vmem>>[vector<16xi32>], vector<16xf32>,
      %add3A_1461 = arith.addf %add3A_1441, %gather3A_1460 : vector<16xf32>
      %add3A_1462 = arith.constant 15 : i32
      %add3A_1463 = vector.broadcast %add3A_1462 : i32 to vector<16xi32>
      %add3A_1464 = arith.addi %mul3A_5, %add3A_1463 : vector<16xi32>
      %gather3A_1465 = tpu.vector_load_idx %arg12[%add3A_1464] : memref<256xf32, #tpu.memory_space<vmem>>[vector<16xi32>], vector<16xf32>,
      %add3A_1466 = arith.addf %add3A_1446, %gather3A_1465 : vector<16xf32>
      %add3A_1467 = arith.addf %add3A_1451, %add3A_1456 : vector<16xf32>
      %add3A_1468 = arith.addf %add3A_1461, %add3A_1466 : vector<16xf32>
      %add3A_1469 = arith.addf %add3A_1467, %add3A_1468 : vector<16xf32>
      %bitcast3A_1470 = vector.bitcast %add3A_1469 : vector<16xf32> to vector<16xi32>
      %shift_right_arithmetic3A_1471 = arith.constant 1 : i32
      %shift_right_arithmetic3A_1472 = vector.broadcast %shift_right_arithmetic3A_1471 : i32 to vector<16xi32>
      %shift_right_arithmetic3A_1473 = arith.shrsi %bitcast3A_1470, %shift_right_arithmetic3A_1472 : vector<16xi32>
      %sub3A_1474 = arith.constant 1597463007 : i32
      %sub3A_1475 = vector.broadcast %sub3A_1474 : i32 to vector<16xi32>
      %sub3A_1476 = arith.subi %sub3A_1475, %shift_right_arithmetic3A_1473 : vector<16xi32>
      %bitcast3A_1477 = vector.bitcast %sub3A_1476 : vector<16xi32> to vector<16xf32>
      %mul3A_1478 = arith.constant 5.000000e-01 : f32
      %mul3A_1479 = vector.broadcast %mul3A_1478 : f32 to vector<16xf32>
      %mul3A_1480 = arith.mulf %add3A_1469, %mul3A_1479 : vector<16xf32>
      %mul3A_1481 = arith.mulf %mul3A_1480, %bitcast3A_1477 : vector<16xf32>
      %mul3A_1482 = arith.mulf %mul3A_1481, %bitcast3A_1477 : vector<16xf32>
      %sub3A_1483 = arith.constant 1.500000e+00 : f32
      %sub3A_1484 = vector.broadcast %sub3A_1483 : f32 to vector<16xf32>
      %sub3A_1485 = arith.subf %sub3A_1484, %mul3A_1482 : vector<16xf32>
      %mul3A_1486 = arith.mulf %bitcast3A_1477, %sub3A_1485 : vector<16xf32>
      %mul3A_1487 = arith.mulf %mul3A_1480, %mul3A_1486 : vector<16xf32>
      %mul3A_1488 = arith.mulf %mul3A_1487, %mul3A_1486 : vector<16xf32>
      %sub3A_1489 = arith.constant 1.500000e+00 : f32
      %sub3A_1490 = vector.broadcast %sub3A_1489 : f32 to vector<16xf32>
      %sub3A_1491 = arith.subf %sub3A_1490, %mul3A_1488 : vector<16xf32>
      %mul3A_1492 = arith.mulf %mul3A_1486, %sub3A_1491 : vector<16xf32>
      %mul3A_1493 = arith.mulf %add3A_1469, %mul3A_1492 : vector<16xf32>
      %add3A_1494 = arith.constant 32 : i32
      %add3A_1495 = arith.addi %mul3A_1167, %add3A_1494 : i32
      %swap3A_1496 = arith.index_cast %add3A_1495 : i32 to index
      %swap3A_1497 = tpu.vector_load %arg13[%swap3A_1496] {strides = array<i32>} : memref<10000xf32, #tpu.memory_space<vmem>>, vector<16xf32>,
      tpu.vector_store %arg13[%swap3A_1496], %mul3A_1493 {strides = array<i32>} : memref<10000xf32, #tpu.memory_space<vmem>>, vector<16xf32>,
      %parallel_loop3A_1498 = arith.constant 0 : i32
      %parallel_loop3A_1499 = arith.constant 16 : i32
      %parallel_loop3A_1500 = arith.constant 1 : i32
      scf.for %parallel_loop3A_1718 = %parallel_loop3A_1498 to %parallel_loop3A_1499 step %parallel_loop3A_1500  : i32 {
        %parallel_loop3A_1719 = arith.constant 48 : i32
        %parallel_loop3A_1720 = arith.addi %parallel_loop3A_1719, %parallel_loop3A_1718 : i32
        %parallel_loop3A_1721 = arith.constant 0.000000e+00 : f32
        %parallel_loop3A_1722 = vector.broadcast %parallel_loop3A_1721 : f32 to vector<16xf32>
        %parallel_loop3A_1723 = arith.index_cast %parallel_loop3A_1720 : i32 to index
        %parallel_loop3A_1724 = arith.constant 0 : index
        %parallel_loop3A_1725 = tpu.vector_load %arg10[%parallel_loop3A_1723, %parallel_loop3A_1724] {strides = array<i32>} : memref<80x128xf32, #tpu.memory_space<vmem>>, vector<16xf32>,
        %parallel_loop3A_1726 = arith.index_cast %parallel_loop3A_1720 : i32 to index
        %parallel_loop3A_1727 = arith.constant 0 : index
        %parallel_loop3A_1728 = tpu.vector_load %arg11[%parallel_loop3A_1726, %parallel_loop3A_1727] {strides = array<i32>} : memref<80x128xf32, #tpu.memory_space<vmem>>, vector<16xf32>,
        %parallel_loop3A_1729 = arith.subf %parallel_loop3A_1725, %parallel_loop3A_1728 : vector<16xf32>
        %parallel_loop3A_1730 = arith.constant 9.99999997E-7 : f32
        %parallel_loop3A_1731 = vector.broadcast %parallel_loop3A_1730 : f32 to vector<16xf32>
        %parallel_loop3A_1732 = arith.addf %parallel_loop3A_1729, %parallel_loop3A_1731 : vector<16xf32>
        %parallel_loop3A_1733 = arith.mulf %parallel_loop3A_1732, %parallel_loop3A_1732 : vector<16xf32>
        %parallel_loop3A_1734 = arith.addf %parallel_loop3A_1722, %parallel_loop3A_1733 : vector<16xf32>
        %parallel_loop3A_1735 = arith.index_cast %parallel_loop3A_1720 : i32 to index
        %parallel_loop3A_1736 = arith.constant 16 : index
        %parallel_loop3A_1737 = tpu.vector_load %arg10[%parallel_loop3A_1735, %parallel_loop3A_1736] {strides = array<i32>} : memref<80x128xf32, #tpu.memory_space<vmem>>, vector<16xf32>,
        %parallel_loop3A_1738 = arith.index_cast %parallel_loop3A_1720 : i32 to index
        %parallel_loop3A_1739 = arith.constant 16 : index
        %parallel_loop3A_1740 = tpu.vector_load %arg11[%parallel_loop3A_1738, %parallel_loop3A_1739] {strides = array<i32>} : memref<80x128xf32, #tpu.memory_space<vmem>>, vector<16xf32>,
        %parallel_loop3A_1741 = arith.subf %parallel_loop3A_1737, %parallel_loop3A_1740 : vector<16xf32>
        %parallel_loop3A_1742 = arith.constant 9.99999997E-7 : f32
        %parallel_loop3A_1743 = vector.broadcast %parallel_loop3A_1742 : f32 to vector<16xf32>
        %parallel_loop3A_1744 = arith.addf %parallel_loop3A_1741, %parallel_loop3A_1743 : vector<16xf32>
        %parallel_loop3A_1745 = arith.mulf %parallel_loop3A_1744, %parallel_loop3A_1744 : vector<16xf32>
        %parallel_loop3A_1746 = arith.addf %parallel_loop3A_1734, %parallel_loop3A_1745 : vector<16xf32>
        %parallel_loop3A_1747 = arith.index_cast %parallel_loop3A_1720 : i32 to index
        %parallel_loop3A_1748 = arith.constant 32 : index
        %parallel_loop3A_1749 = tpu.vector_load %arg10[%parallel_loop3A_1747, %parallel_loop3A_1748] {strides = array<i32>} : memref<80x128xf32, #tpu.memory_space<vmem>>, vector<16xf32>,
        %parallel_loop3A_1750 = arith.index_cast %parallel_loop3A_1720 : i32 to index
        %parallel_loop3A_1751 = arith.constant 32 : index
        %parallel_loop3A_1752 = tpu.vector_load %arg11[%parallel_loop3A_1750, %parallel_loop3A_1751] {strides = array<i32>} : memref<80x128xf32, #tpu.memory_space<vmem>>, vector<16xf32>,
        %parallel_loop3A_1753 = arith.subf %parallel_loop3A_1749, %parallel_loop3A_1752 : vector<16xf32>
        %parallel_loop3A_1754 = arith.constant 9.99999997E-7 : f32
        %parallel_loop3A_1755 = vector.broadcast %parallel_loop3A_1754 : f32 to vector<16xf32>
        %parallel_loop3A_1756 = arith.addf %parallel_loop3A_1753, %parallel_loop3A_1755 : vector<16xf32>
        %parallel_loop3A_1757 = arith.mulf %parallel_loop3A_1756, %parallel_loop3A_1756 : vector<16xf32>
        %parallel_loop3A_1758 = arith.addf %parallel_loop3A_1746, %parallel_loop3A_1757 : vector<16xf32>
        %parallel_loop3A_1759 = arith.index_cast %parallel_loop3A_1720 : i32 to index
        %parallel_loop3A_1760 = arith.constant 48 : index
        %parallel_loop3A_1761 = tpu.vector_load %arg10[%parallel_loop3A_1759, %parallel_loop3A_1760] {strides = array<i32>} : memref<80x128xf32, #tpu.memory_space<vmem>>, vector<16xf32>,
        %parallel_loop3A_1762 = arith.index_cast %parallel_loop3A_1720 : i32 to index
        %parallel_loop3A_1763 = arith.constant 48 : index
        %parallel_loop3A_1764 = tpu.vector_load %arg11[%parallel_loop3A_1762, %parallel_loop3A_1763] {strides = array<i32>} : memref<80x128xf32, #tpu.memory_space<vmem>>, vector<16xf32>,
        %parallel_loop3A_1765 = arith.subf %parallel_loop3A_1761, %parallel_loop3A_1764 : vector<16xf32>
        %parallel_loop3A_1766 = arith.constant 9.99999997E-7 : f32
        %parallel_loop3A_1767 = vector.broadcast %parallel_loop3A_1766 : f32 to vector<16xf32>
        %parallel_loop3A_1768 = arith.addf %parallel_loop3A_1765, %parallel_loop3A_1767 : vector<16xf32>
        %parallel_loop3A_1769 = arith.mulf %parallel_loop3A_1768, %parallel_loop3A_1768 : vector<16xf32>
        %parallel_loop3A_1770 = arith.addf %parallel_loop3A_1758, %parallel_loop3A_1769 : vector<16xf32>
        %parallel_loop3A_1771 = arith.index_cast %parallel_loop3A_1720 : i32 to index
        %parallel_loop3A_1772 = arith.constant 64 : index
        %parallel_loop3A_1773 = tpu.vector_load %arg10[%parallel_loop3A_1771, %parallel_loop3A_1772] {strides = array<i32>} : memref<80x128xf32, #tpu.memory_space<vmem>>, vector<16xf32>,
        %parallel_loop3A_1774 = arith.index_cast %parallel_loop3A_1720 : i32 to index
        %parallel_loop3A_1775 = arith.constant 64 : index
        %parallel_loop3A_1776 = tpu.vector_load %arg11[%parallel_loop3A_1774, %parallel_loop3A_1775] {strides = array<i32>} : memref<80x128xf32, #tpu.memory_space<vmem>>, vector<16xf32>,
        %parallel_loop3A_1777 = arith.subf %parallel_loop3A_1773, %parallel_loop3A_1776 : vector<16xf32>
        %parallel_loop3A_1778 = arith.constant 9.99999997E-7 : f32
        %parallel_loop3A_1779 = vector.broadcast %parallel_loop3A_1778 : f32 to vector<16xf32>
        %parallel_loop3A_1780 = arith.addf %parallel_loop3A_1777, %parallel_loop3A_1779 : vector<16xf32>
        %parallel_loop3A_1781 = arith.mulf %parallel_loop3A_1780, %parallel_loop3A_1780 : vector<16xf32>
        %parallel_loop3A_1782 = arith.addf %parallel_loop3A_1770, %parallel_loop3A_1781 : vector<16xf32>
        %parallel_loop3A_1783 = arith.index_cast %parallel_loop3A_1720 : i32 to index
        %parallel_loop3A_1784 = arith.constant 80 : index
        %parallel_loop3A_1785 = tpu.vector_load %arg10[%parallel_loop3A_1783, %parallel_loop3A_1784] {strides = array<i32>} : memref<80x128xf32, #tpu.memory_space<vmem>>, vector<16xf32>,
        %parallel_loop3A_1786 = arith.index_cast %parallel_loop3A_1720 : i32 to index
        %parallel_loop3A_1787 = arith.constant 80 : index
        %parallel_loop3A_1788 = tpu.vector_load %arg11[%parallel_loop3A_1786, %parallel_loop3A_1787] {strides = array<i32>} : memref<80x128xf32, #tpu.memory_space<vmem>>, vector<16xf32>,
        %parallel_loop3A_1789 = arith.subf %parallel_loop3A_1785, %parallel_loop3A_1788 : vector<16xf32>
        %parallel_loop3A_1790 = arith.constant 9.99999997E-7 : f32
        %parallel_loop3A_1791 = vector.broadcast %parallel_loop3A_1790 : f32 to vector<16xf32>
        %parallel_loop3A_1792 = arith.addf %parallel_loop3A_1789, %parallel_loop3A_1791 : vector<16xf32>
        %parallel_loop3A_1793 = arith.mulf %parallel_loop3A_1792, %parallel_loop3A_1792 : vector<16xf32>
        %parallel_loop3A_1794 = arith.addf %parallel_loop3A_1782, %parallel_loop3A_1793 : vector<16xf32>
        %parallel_loop3A_1795 = arith.index_cast %parallel_loop3A_1720 : i32 to index
        %parallel_loop3A_1796 = arith.constant 96 : index
        %parallel_loop3A_1797 = tpu.vector_load %arg10[%parallel_loop3A_1795, %parallel_loop3A_1796] {strides = array<i32>} : memref<80x128xf32, #tpu.memory_space<vmem>>, vector<16xf32>,
        %parallel_loop3A_1798 = arith.index_cast %parallel_loop3A_1720 : i32 to index
        %parallel_loop3A_1799 = arith.constant 96 : index
        %parallel_loop3A_1800 = tpu.vector_load %arg11[%parallel_loop3A_1798, %parallel_loop3A_1799] {strides = array<i32>} : memref<80x128xf32, #tpu.memory_space<vmem>>, vector<16xf32>,
        %parallel_loop3A_1801 = arith.subf %parallel_loop3A_1797, %parallel_loop3A_1800 : vector<16xf32>
        %parallel_loop3A_1802 = arith.constant 9.99999997E-7 : f32
        %parallel_loop3A_1803 = vector.broadcast %parallel_loop3A_1802 : f32 to vector<16xf32>
        %parallel_loop3A_1804 = arith.addf %parallel_loop3A_1801, %parallel_loop3A_1803 : vector<16xf32>
        %parallel_loop3A_1805 = arith.mulf %parallel_loop3A_1804, %parallel_loop3A_1804 : vector<16xf32>
        %parallel_loop3A_1806 = arith.addf %parallel_loop3A_1794, %parallel_loop3A_1805 : vector<16xf32>
        %parallel_loop3A_1807 = arith.index_cast %parallel_loop3A_1720 : i32 to index
        %parallel_loop3A_1808 = arith.constant 112 : index
        %parallel_loop3A_1809 = tpu.vector_load %arg10[%parallel_loop3A_1807, %parallel_loop3A_1808] {strides = array<i32>} : memref<80x128xf32, #tpu.memory_space<vmem>>, vector<16xf32>,
        %parallel_loop3A_1810 = arith.index_cast %parallel_loop3A_1720 : i32 to index
        %parallel_loop3A_1811 = arith.constant 112 : index
        %parallel_loop3A_1812 = tpu.vector_load %arg11[%parallel_loop3A_1810, %parallel_loop3A_1811] {strides = array<i32>} : memref<80x128xf32, #tpu.memory_space<vmem>>, vector<16xf32>,
        %parallel_loop3A_1813 = arith.subf %parallel_loop3A_1809, %parallel_loop3A_1812 : vector<16xf32>
        %parallel_loop3A_1814 = arith.constant 9.99999997E-7 : f32
        %parallel_loop3A_1815 = vector.broadcast %parallel_loop3A_1814 : f32 to vector<16xf32>
        %parallel_loop3A_1816 = arith.addf %parallel_loop3A_1813, %parallel_loop3A_1815 : vector<16xf32>
        %parallel_loop3A_1817 = arith.mulf %parallel_loop3A_1816, %parallel_loop3A_1816 : vector<16xf32>
        %parallel_loop3A_1818 = arith.addf %parallel_loop3A_1806, %parallel_loop3A_1817 : vector<16xf32>
        %parallel_loop3A_1819 = arith.constant 16 : i32
        %parallel_loop3A_1820 = arith.muli %parallel_loop3A_1718, %parallel_loop3A_1819 : i32
        %parallel_loop3A_1821 = arith.index_cast %parallel_loop3A_1820 : i32 to index
        %parallel_loop3A_1822 = tpu.vector_load %arg12[%parallel_loop3A_1821] {strides = array<i32>} : memref<256xf32, #tpu.memory_space<vmem>>, vector<16xf32>,
        tpu.vector_store %arg12[%parallel_loop3A_1821], %parallel_loop3A_1818 {strides = array<i32>} : memref<256xf32, #tpu.memory_space<vmem>>, vector<16xf32>,
      } {sc.loop_unroll_factor = 2 : i64, sc.parallel_access}
      %add3A_1501 = arith.constant 0 : i32
      %add3A_1502 = vector.broadcast %add3A_1501 : i32 to vector<16xi32>
      %add3A_1503 = arith.addi %mul3A_5, %add3A_1502 : vector<16xi32>
      %gather3A_1504 = tpu.vector_load_idx %arg12[%add3A_1503] : memref<256xf32, #tpu.memory_space<vmem>>[vector<16xi32>], vector<16xf32>,
      %add3A_1505 = arith.constant 1 : i32
      %add3A_1506 = vector.broadcast %add3A_1505 : i32 to vector<16xi32>
      %add3A_1507 = arith.addi %mul3A_5, %add3A_1506 : vector<16xi32>
      %gather3A_1508 = tpu.vector_load_idx %arg12[%add3A_1507] : memref<256xf32, #tpu.memory_space<vmem>>[vector<16xi32>], vector<16xf32>,
      %add3A_1509 = arith.constant 2 : i32
      %add3A_1510 = vector.broadcast %add3A_1509 : i32 to vector<16xi32>
      %add3A_1511 = arith.addi %mul3A_5, %add3A_1510 : vector<16xi32>
      %gather3A_1512 = tpu.vector_load_idx %arg12[%add3A_1511] : memref<256xf32, #tpu.memory_space<vmem>>[vector<16xi32>], vector<16xf32>,
      %add3A_1513 = arith.constant 3 : i32
      %add3A_1514 = vector.broadcast %add3A_1513 : i32 to vector<16xi32>
      %add3A_1515 = arith.addi %mul3A_5, %add3A_1514 : vector<16xi32>
      %gather3A_1516 = tpu.vector_load_idx %arg12[%add3A_1515] : memref<256xf32, #tpu.memory_space<vmem>>[vector<16xi32>], vector<16xf32>,
      %add3A_1517 = arith.constant 4 : i32
      %add3A_1518 = vector.broadcast %add3A_1517 : i32 to vector<16xi32>
      %add3A_1519 = arith.addi %mul3A_5, %add3A_1518 : vector<16xi32>
      %gather3A_1520 = tpu.vector_load_idx %arg12[%add3A_1519] : memref<256xf32, #tpu.memory_space<vmem>>[vector<16xi32>], vector<16xf32>,
      %add3A_1521 = arith.addf %gather3A_1504, %gather3A_1520 : vector<16xf32>
      %add3A_1522 = arith.constant 5 : i32
      %add3A_1523 = vector.broadcast %add3A_1522 : i32 to vector<16xi32>
      %add3A_1524 = arith.addi %mul3A_5, %add3A_1523 : vector<16xi32>
      %gather3A_1525 = tpu.vector_load_idx %arg12[%add3A_1524] : memref<256xf32, #tpu.memory_space<vmem>>[vector<16xi32>], vector<16xf32>,
      %add3A_1526 = arith.addf %gather3A_1508, %gather3A_1525 : vector<16xf32>
      %add3A_1527 = arith.constant 6 : i32
      %add3A_1528 = vector.broadcast %add3A_1527 : i32 to vector<16xi32>
      %add3A_1529 = arith.addi %mul3A_5, %add3A_1528 : vector<16xi32>
      %gather3A_1530 = tpu.vector_load_idx %arg12[%add3A_1529] : memref<256xf32, #tpu.memory_space<vmem>>[vector<16xi32>], vector<16xf32>,
      %add3A_1531 = arith.addf %gather3A_1512, %gather3A_1530 : vector<16xf32>
      %add3A_1532 = arith.constant 7 : i32
      %add3A_1533 = vector.broadcast %add3A_1532 : i32 to vector<16xi32>
      %add3A_1534 = arith.addi %mul3A_5, %add3A_1533 : vector<16xi32>
      %gather3A_1535 = tpu.vector_load_idx %arg12[%add3A_1534] : memref<256xf32, #tpu.memory_space<vmem>>[vector<16xi32>], vector<16xf32>,
      %add3A_1536 = arith.addf %gather3A_1516, %gather3A_1535 : vector<16xf32>
      %add3A_1537 = arith.constant 8 : i32
      %add3A_1538 = vector.broadcast %add3A_1537 : i32 to vector<16xi32>
      %add3A_1539 = arith.addi %mul3A_5, %add3A_1538 : vector<16xi32>
      %gather3A_1540 = tpu.vector_load_idx %arg12[%add3A_1539] : memref<256xf32, #tpu.memory_space<vmem>>[vector<16xi32>], vector<16xf32>,
      %add3A_1541 = arith.addf %add3A_1521, %gather3A_1540 : vector<16xf32>
      %add3A_1542 = arith.constant 9 : i32
      %add3A_1543 = vector.broadcast %add3A_1542 : i32 to vector<16xi32>
      %add3A_1544 = arith.addi %mul3A_5, %add3A_1543 : vector<16xi32>
      %gather3A_1545 = tpu.vector_load_idx %arg12[%add3A_1544] : memref<256xf32, #tpu.memory_space<vmem>>[vector<16xi32>], vector<16xf32>,
      %add3A_1546 = arith.addf %add3A_1526, %gather3A_1545 : vector<16xf32>
      %add3A_1547 = arith.constant 10 : i32
      %add3A_1548 = vector.broadcast %add3A_1547 : i32 to vector<16xi32>
      %add3A_1549 = arith.addi %mul3A_5, %add3A_1548 : vector<16xi32>
      %gather3A_1550 = tpu.vector_load_idx %arg12[%add3A_1549] : memref<256xf32, #tpu.memory_space<vmem>>[vector<16xi32>], vector<16xf32>,
      %add3A_1551 = arith.addf %add3A_1531, %gather3A_1550 : vector<16xf32>
      %add3A_1552 = arith.constant 11 : i32
      %add3A_1553 = vector.broadcast %add3A_1552 : i32 to vector<16xi32>
      %add3A_1554 = arith.addi %mul3A_5, %add3A_1553 : vector<16xi32>
      %gather3A_1555 = tpu.vector_load_idx %arg12[%add3A_1554] : memref<256xf32, #tpu.memory_space<vmem>>[vector<16xi32>], vector<16xf32>,
      %add3A_1556 = arith.addf %add3A_1536, %gather3A_1555 : vector<16xf32>
      %add3A_1557 = arith.constant 12 : i32
      %add3A_1558 = vector.broadcast %add3A_1557 : i32 to vector<16xi32>
      %add3A_1559 = arith.addi %mul3A_5, %add3A_1558 : vector<16xi32>
      %gather3A_1560 = tpu.vector_load_idx %arg12[%add3A_1559] : memref<256xf32, #tpu.memory_space<vmem>>[vector<16xi32>], vector<16xf32>,
      %add3A_1561 = arith.addf %add3A_1541, %gather3A_1560 : vector<16xf32>
      %add3A_1562 = arith.constant 13 : i32
      %add3A_1563 = vector.broadcast %add3A_1562 : i32 to vector<16xi32>
      %add3A_1564 = arith.addi %mul3A_5, %add3A_1563 : vector<16xi32>
      %gather3A_1565 = tpu.vector_load_idx %arg12[%add3A_1564] : memref<256xf32, #tpu.memory_space<vmem>>[vector<16xi32>], vector<16xf32>,
      %add3A_1566 = arith.addf %add3A_1546, %gather3A_1565 : vector<16xf32>
      %add3A_1567 = arith.constant 14 : i32
      %add3A_1568 = vector.broadcast %add3A_1567 : i32 to vector<16xi32>
      %add3A_1569 = arith.addi %mul3A_5, %add3A_1568 : vector<16xi32>
      %gather3A_1570 = tpu.vector_load_idx %arg12[%add3A_1569] : memref<256xf32, #tpu.memory_space<vmem>>[vector<16xi32>], vector<16xf32>,
      %add3A_1571 = arith.addf %add3A_1551, %gather3A_1570 : vector<16xf32>
      %add3A_1572 = arith.constant 15 : i32
      %add3A_1573 = vector.broadcast %add3A_1572 : i32 to vector<16xi32>
      %add3A_1574 = arith.addi %mul3A_5, %add3A_1573 : vector<16xi32>
      %gather3A_1575 = tpu.vector_load_idx %arg12[%add3A_1574] : memref<256xf32, #tpu.memory_space<vmem>>[vector<16xi32>], vector<16xf32>,
      %add3A_1576 = arith.addf %add3A_1556, %gather3A_1575 : vector<16xf32>
      %add3A_1577 = arith.addf %add3A_1561, %add3A_1566 : vector<16xf32>
      %add3A_1578 = arith.addf %add3A_1571, %add3A_1576 : vector<16xf32>
      %add3A_1579 = arith.addf %add3A_1577, %add3A_1578 : vector<16xf32>
      %bitcast3A_1580 = vector.bitcast %add3A_1579 : vector<16xf32> to vector<16xi32>
      %shift_right_arithmetic3A_1581 = arith.constant 1 : i32
      %shift_right_arithmetic3A_1582 = vector.broadcast %shift_right_arithmetic3A_1581 : i32 to vector<16xi32>
      %shift_right_arithmetic3A_1583 = arith.shrsi %bitcast3A_1580, %shift_right_arithmetic3A_1582 : vector<16xi32>
      %sub3A_1584 = arith.constant 1597463007 : i32
      %sub3A_1585 = vector.broadcast %sub3A_1584 : i32 to vector<16xi32>
      %sub3A_1586 = arith.subi %sub3A_1585, %shift_right_arithmetic3A_1583 : vector<16xi32>
      %bitcast3A_1587 = vector.bitcast %sub3A_1586 : vector<16xi32> to vector<16xf32>
      %mul3A_1588 = arith.constant 5.000000e-01 : f32
      %mul3A_1589 = vector.broadcast %mul3A_1588 : f32 to vector<16xf32>
      %mul3A_1590 = arith.mulf %add3A_1579, %mul3A_1589 : vector<16xf32>
      %mul3A_1591 = arith.mulf %mul3A_1590, %bitcast3A_1587 : vector<16xf32>
      %mul3A_1592 = arith.mulf %mul3A_1591, %bitcast3A_1587 : vector<16xf32>
      %sub3A_1593 = arith.constant 1.500000e+00 : f32
      %sub3A_1594 = vector.broadcast %sub3A_1593 : f32 to vector<16xf32>
      %sub3A_1595 = arith.subf %sub3A_1594, %mul3A_1592 : vector<16xf32>
      %mul3A_1596 = arith.mulf %bitcast3A_1587, %sub3A_1595 : vector<16xf32>
      %mul3A_1597 = arith.mulf %mul3A_1590, %mul3A_1596 : vector<16xf32>
      %mul3A_1598 = arith.mulf %mul3A_1597, %mul3A_1596 : vector<16xf32>
      %sub3A_1599 = arith.constant 1.500000e+00 : f32
      %sub3A_1600 = vector.broadcast %sub3A_1599 : f32 to vector<16xf32>
      %sub3A_1601 = arith.subf %sub3A_1600, %mul3A_1598 : vector<16xf32>
      %mul3A_1602 = arith.mulf %mul3A_1596, %sub3A_1601 : vector<16xf32>
      %mul3A_1603 = arith.mulf %add3A_1579, %mul3A_1602 : vector<16xf32>
      %add3A_1604 = arith.constant 48 : i32
      %add3A_1605 = arith.addi %mul3A_1167, %add3A_1604 : i32
      %swap3A_1606 = arith.index_cast %add3A_1605 : i32 to index
      %swap3A_1607 = tpu.vector_load %arg13[%swap3A_1606] {strides = array<i32>} : memref<10000xf32, #tpu.memory_space<vmem>>, vector<16xf32>,
      tpu.vector_store %arg13[%swap3A_1606], %mul3A_1603 {strides = array<i32>} : memref<10000xf32, #tpu.memory_space<vmem>>, vector<16xf32>,
      %parallel_loop3A_1608 = arith.constant 0 : i32
      %parallel_loop3A_1609 = arith.constant 16 : i32
      %parallel_loop3A_1610 = arith.constant 1 : i32
      scf.for %parallel_loop3A_1718 = %parallel_loop3A_1608 to %parallel_loop3A_1609 step %parallel_loop3A_1610  : i32 {
        %parallel_loop3A_1719 = arith.constant 64 : i32
        %parallel_loop3A_1720 = arith.addi %parallel_loop3A_1719, %parallel_loop3A_1718 : i32
        %parallel_loop3A_1721 = arith.constant 0.000000e+00 : f32
        %parallel_loop3A_1722 = vector.broadcast %parallel_loop3A_1721 : f32 to vector<16xf32>
        %parallel_loop3A_1723 = arith.index_cast %parallel_loop3A_1720 : i32 to index
        %parallel_loop3A_1724 = arith.constant 0 : index
        %parallel_loop3A_1725 = tpu.vector_load %arg10[%parallel_loop3A_1723, %parallel_loop3A_1724] {strides = array<i32>} : memref<80x128xf32, #tpu.memory_space<vmem>>, vector<16xf32>,
        %parallel_loop3A_1726 = arith.index_cast %parallel_loop3A_1720 : i32 to index
        %parallel_loop3A_1727 = arith.constant 0 : index
        %parallel_loop3A_1728 = tpu.vector_load %arg11[%parallel_loop3A_1726, %parallel_loop3A_1727] {strides = array<i32>} : memref<80x128xf32, #tpu.memory_space<vmem>>, vector<16xf32>,
        %parallel_loop3A_1729 = arith.subf %parallel_loop3A_1725, %parallel_loop3A_1728 : vector<16xf32>
        %parallel_loop3A_1730 = arith.constant 9.99999997E-7 : f32
        %parallel_loop3A_1731 = vector.broadcast %parallel_loop3A_1730 : f32 to vector<16xf32>
        %parallel_loop3A_1732 = arith.addf %parallel_loop3A_1729, %parallel_loop3A_1731 : vector<16xf32>
        %parallel_loop3A_1733 = arith.mulf %parallel_loop3A_1732, %parallel_loop3A_1732 : vector<16xf32>
        %parallel_loop3A_1734 = arith.addf %parallel_loop3A_1722, %parallel_loop3A_1733 : vector<16xf32>
        %parallel_loop3A_1735 = arith.index_cast %parallel_loop3A_1720 : i32 to index
        %parallel_loop3A_1736 = arith.constant 16 : index
        %parallel_loop3A_1737 = tpu.vector_load %arg10[%parallel_loop3A_1735, %parallel_loop3A_1736] {strides = array<i32>} : memref<80x128xf32, #tpu.memory_space<vmem>>, vector<16xf32>,
        %parallel_loop3A_1738 = arith.index_cast %parallel_loop3A_1720 : i32 to index
        %parallel_loop3A_1739 = arith.constant 16 : index
        %parallel_loop3A_1740 = tpu.vector_load %arg11[%parallel_loop3A_1738, %parallel_loop3A_1739] {strides = array<i32>} : memref<80x128xf32, #tpu.memory_space<vmem>>, vector<16xf32>,
        %parallel_loop3A_1741 = arith.subf %parallel_loop3A_1737, %parallel_loop3A_1740 : vector<16xf32>
        %parallel_loop3A_1742 = arith.constant 9.99999997E-7 : f32
        %parallel_loop3A_1743 = vector.broadcast %parallel_loop3A_1742 : f32 to vector<16xf32>
        %parallel_loop3A_1744 = arith.addf %parallel_loop3A_1741, %parallel_loop3A_1743 : vector<16xf32>
        %parallel_loop3A_1745 = arith.mulf %parallel_loop3A_1744, %parallel_loop3A_1744 : vector<16xf32>
        %parallel_loop3A_1746 = arith.addf %parallel_loop3A_1734, %parallel_loop3A_1745 : vector<16xf32>
        %parallel_loop3A_1747 = arith.index_cast %parallel_loop3A_1720 : i32 to index
        %parallel_loop3A_1748 = arith.constant 32 : index
        %parallel_loop3A_1749 = tpu.vector_load %arg10[%parallel_loop3A_1747, %parallel_loop3A_1748] {strides = array<i32>} : memref<80x128xf32, #tpu.memory_space<vmem>>, vector<16xf32>,
        %parallel_loop3A_1750 = arith.index_cast %parallel_loop3A_1720 : i32 to index
        %parallel_loop3A_1751 = arith.constant 32 : index
        %parallel_loop3A_1752 = tpu.vector_load %arg11[%parallel_loop3A_1750, %parallel_loop3A_1751] {strides = array<i32>} : memref<80x128xf32, #tpu.memory_space<vmem>>, vector<16xf32>,
        %parallel_loop3A_1753 = arith.subf %parallel_loop3A_1749, %parallel_loop3A_1752 : vector<16xf32>
        %parallel_loop3A_1754 = arith.constant 9.99999997E-7 : f32
        %parallel_loop3A_1755 = vector.broadcast %parallel_loop3A_1754 : f32 to vector<16xf32>
        %parallel_loop3A_1756 = arith.addf %parallel_loop3A_1753, %parallel_loop3A_1755 : vector<16xf32>
        %parallel_loop3A_1757 = arith.mulf %parallel_loop3A_1756, %parallel_loop3A_1756 : vector<16xf32>
        %parallel_loop3A_1758 = arith.addf %parallel_loop3A_1746, %parallel_loop3A_1757 : vector<16xf32>
        %parallel_loop3A_1759 = arith.index_cast %parallel_loop3A_1720 : i32 to index
        %parallel_loop3A_1760 = arith.constant 48 : index
        %parallel_loop3A_1761 = tpu.vector_load %arg10[%parallel_loop3A_1759, %parallel_loop3A_1760] {strides = array<i32>} : memref<80x128xf32, #tpu.memory_space<vmem>>, vector<16xf32>,
        %parallel_loop3A_1762 = arith.index_cast %parallel_loop3A_1720 : i32 to index
        %parallel_loop3A_1763 = arith.constant 48 : index
        %parallel_loop3A_1764 = tpu.vector_load %arg11[%parallel_loop3A_1762, %parallel_loop3A_1763] {strides = array<i32>} : memref<80x128xf32, #tpu.memory_space<vmem>>, vector<16xf32>,
        %parallel_loop3A_1765 = arith.subf %parallel_loop3A_1761, %parallel_loop3A_1764 : vector<16xf32>
        %parallel_loop3A_1766 = arith.constant 9.99999997E-7 : f32
        %parallel_loop3A_1767 = vector.broadcast %parallel_loop3A_1766 : f32 to vector<16xf32>
        %parallel_loop3A_1768 = arith.addf %parallel_loop3A_1765, %parallel_loop3A_1767 : vector<16xf32>
        %parallel_loop3A_1769 = arith.mulf %parallel_loop3A_1768, %parallel_loop3A_1768 : vector<16xf32>
        %parallel_loop3A_1770 = arith.addf %parallel_loop3A_1758, %parallel_loop3A_1769 : vector<16xf32>
        %parallel_loop3A_1771 = arith.index_cast %parallel_loop3A_1720 : i32 to index
        %parallel_loop3A_1772 = arith.constant 64 : index
        %parallel_loop3A_1773 = tpu.vector_load %arg10[%parallel_loop3A_1771, %parallel_loop3A_1772] {strides = array<i32>} : memref<80x128xf32, #tpu.memory_space<vmem>>, vector<16xf32>,
        %parallel_loop3A_1774 = arith.index_cast %parallel_loop3A_1720 : i32 to index
        %parallel_loop3A_1775 = arith.constant 64 : index
        %parallel_loop3A_1776 = tpu.vector_load %arg11[%parallel_loop3A_1774, %parallel_loop3A_1775] {strides = array<i32>} : memref<80x128xf32, #tpu.memory_space<vmem>>, vector<16xf32>,
        %parallel_loop3A_1777 = arith.subf %parallel_loop3A_1773, %parallel_loop3A_1776 : vector<16xf32>
        %parallel_loop3A_1778 = arith.constant 9.99999997E-7 : f32
        %parallel_loop3A_1779 = vector.broadcast %parallel_loop3A_1778 : f32 to vector<16xf32>
        %parallel_loop3A_1780 = arith.addf %parallel_loop3A_1777, %parallel_loop3A_1779 : vector<16xf32>
        %parallel_loop3A_1781 = arith.mulf %parallel_loop3A_1780, %parallel_loop3A_1780 : vector<16xf32>
        %parallel_loop3A_1782 = arith.addf %parallel_loop3A_1770, %parallel_loop3A_1781 : vector<16xf32>
        %parallel_loop3A_1783 = arith.index_cast %parallel_loop3A_1720 : i32 to index
        %parallel_loop3A_1784 = arith.constant 80 : index
        %parallel_loop3A_1785 = tpu.vector_load %arg10[%parallel_loop3A_1783, %parallel_loop3A_1784] {strides = array<i32>} : memref<80x128xf32, #tpu.memory_space<vmem>>, vector<16xf32>,
        %parallel_loop3A_1786 = arith.index_cast %parallel_loop3A_1720 : i32 to index
        %parallel_loop3A_1787 = arith.constant 80 : index
        %parallel_loop3A_1788 = tpu.vector_load %arg11[%parallel_loop3A_1786, %parallel_loop3A_1787] {strides = array<i32>} : memref<80x128xf32, #tpu.memory_space<vmem>>, vector<16xf32>,
        %parallel_loop3A_1789 = arith.subf %parallel_loop3A_1785, %parallel_loop3A_1788 : vector<16xf32>
        %parallel_loop3A_1790 = arith.constant 9.99999997E-7 : f32
        %parallel_loop3A_1791 = vector.broadcast %parallel_loop3A_1790 : f32 to vector<16xf32>
        %parallel_loop3A_1792 = arith.addf %parallel_loop3A_1789, %parallel_loop3A_1791 : vector<16xf32>
        %parallel_loop3A_1793 = arith.mulf %parallel_loop3A_1792, %parallel_loop3A_1792 : vector<16xf32>
        %parallel_loop3A_1794 = arith.addf %parallel_loop3A_1782, %parallel_loop3A_1793 : vector<16xf32>
        %parallel_loop3A_1795 = arith.index_cast %parallel_loop3A_1720 : i32 to index
        %parallel_loop3A_1796 = arith.constant 96 : index
        %parallel_loop3A_1797 = tpu.vector_load %arg10[%parallel_loop3A_1795, %parallel_loop3A_1796] {strides = array<i32>} : memref<80x128xf32, #tpu.memory_space<vmem>>, vector<16xf32>,
        %parallel_loop3A_1798 = arith.index_cast %parallel_loop3A_1720 : i32 to index
        %parallel_loop3A_1799 = arith.constant 96 : index
        %parallel_loop3A_1800 = tpu.vector_load %arg11[%parallel_loop3A_1798, %parallel_loop3A_1799] {strides = array<i32>} : memref<80x128xf32, #tpu.memory_space<vmem>>, vector<16xf32>,
        %parallel_loop3A_1801 = arith.subf %parallel_loop3A_1797, %parallel_loop3A_1800 : vector<16xf32>
        %parallel_loop3A_1802 = arith.constant 9.99999997E-7 : f32
        %parallel_loop3A_1803 = vector.broadcast %parallel_loop3A_1802 : f32 to vector<16xf32>
        %parallel_loop3A_1804 = arith.addf %parallel_loop3A_1801, %parallel_loop3A_1803 : vector<16xf32>
        %parallel_loop3A_1805 = arith.mulf %parallel_loop3A_1804, %parallel_loop3A_1804 : vector<16xf32>
        %parallel_loop3A_1806 = arith.addf %parallel_loop3A_1794, %parallel_loop3A_1805 : vector<16xf32>
        %parallel_loop3A_1807 = arith.index_cast %parallel_loop3A_1720 : i32 to index
        %parallel_loop3A_1808 = arith.constant 112 : index
        %parallel_loop3A_1809 = tpu.vector_load %arg10[%parallel_loop3A_1807, %parallel_loop3A_1808] {strides = array<i32>} : memref<80x128xf32, #tpu.memory_space<vmem>>, vector<16xf32>,
        %parallel_loop3A_1810 = arith.index_cast %parallel_loop3A_1720 : i32 to index
        %parallel_loop3A_1811 = arith.constant 112 : index
        %parallel_loop3A_1812 = tpu.vector_load %arg11[%parallel_loop3A_1810, %parallel_loop3A_1811] {strides = array<i32>} : memref<80x128xf32, #tpu.memory_space<vmem>>, vector<16xf32>,
        %parallel_loop3A_1813 = arith.subf %parallel_loop3A_1809, %parallel_loop3A_1812 : vector<16xf32>
        %parallel_loop3A_1814 = arith.constant 9.99999997E-7 : f32
        %parallel_loop3A_1815 = vector.broadcast %parallel_loop3A_1814 : f32 to vector<16xf32>
        %parallel_loop3A_1816 = arith.addf %parallel_loop3A_1813, %parallel_loop3A_1815 : vector<16xf32>
        %parallel_loop3A_1817 = arith.mulf %parallel_loop3A_1816, %parallel_loop3A_1816 : vector<16xf32>
        %parallel_loop3A_1818 = arith.addf %parallel_loop3A_1806, %parallel_loop3A_1817 : vector<16xf32>
        %parallel_loop3A_1819 = arith.constant 16 : i32
        %parallel_loop3A_1820 = arith.muli %parallel_loop3A_1718, %parallel_loop3A_1819 : i32
        %parallel_loop3A_1821 = arith.index_cast %parallel_loop3A_1820 : i32 to index
        %parallel_loop3A_1822 = tpu.vector_load %arg12[%parallel_loop3A_1821] {strides = array<i32>} : memref<256xf32, #tpu.memory_space<vmem>>, vector<16xf32>,
        tpu.vector_store %arg12[%parallel_loop3A_1821], %parallel_loop3A_1818 {strides = array<i32>} : memref<256xf32, #tpu.memory_space<vmem>>, vector<16xf32>,
      } {sc.loop_unroll_factor = 2 : i64, sc.parallel_access}
      %add3A_1611 = arith.constant 0 : i32
      %add3A_1612 = vector.broadcast %add3A_1611 : i32 to vector<16xi32>
      %add3A_1613 = arith.addi %mul3A_5, %add3A_1612 : vector<16xi32>
      %gather3A_1614 = tpu.vector_load_idx %arg12[%add3A_1613] : memref<256xf32, #tpu.memory_space<vmem>>[vector<16xi32>], vector<16xf32>,
      %add3A_1615 = arith.constant 1 : i32
      %add3A_1616 = vector.broadcast %add3A_1615 : i32 to vector<16xi32>
      %add3A_1617 = arith.addi %mul3A_5, %add3A_1616 : vector<16xi32>
      %gather3A_1618 = tpu.vector_load_idx %arg12[%add3A_1617] : memref<256xf32, #tpu.memory_space<vmem>>[vector<16xi32>], vector<16xf32>,
      %add3A_1619 = arith.constant 2 : i32
      %add3A_1620 = vector.broadcast %add3A_1619 : i32 to vector<16xi32>
      %add3A_1621 = arith.addi %mul3A_5, %add3A_1620 : vector<16xi32>
      %gather3A_1622 = tpu.vector_load_idx %arg12[%add3A_1621] : memref<256xf32, #tpu.memory_space<vmem>>[vector<16xi32>], vector<16xf32>,
      %add3A_1623 = arith.constant 3 : i32
      %add3A_1624 = vector.broadcast %add3A_1623 : i32 to vector<16xi32>
      %add3A_1625 = arith.addi %mul3A_5, %add3A_1624 : vector<16xi32>
      %gather3A_1626 = tpu.vector_load_idx %arg12[%add3A_1625] : memref<256xf32, #tpu.memory_space<vmem>>[vector<16xi32>], vector<16xf32>,
      %add3A_1627 = arith.constant 4 : i32
      %add3A_1628 = vector.broadcast %add3A_1627 : i32 to vector<16xi32>
      %add3A_1629 = arith.addi %mul3A_5, %add3A_1628 : vector<16xi32>
      %gather3A_1630 = tpu.vector_load_idx %arg12[%add3A_1629] : memref<256xf32, #tpu.memory_space<vmem>>[vector<16xi32>], vector<16xf32>,
      %add3A_1631 = arith.addf %gather3A_1614, %gather3A_1630 : vector<16xf32>
      %add3A_1632 = arith.constant 5 : i32
      %add3A_1633 = vector.broadcast %add3A_1632 : i32 to vector<16xi32>
      %add3A_1634 = arith.addi %mul3A_5, %add3A_1633 : vector<16xi32>
      %gather3A_1635 = tpu.vector_load_idx %arg12[%add3A_1634] : memref<256xf32, #tpu.memory_space<vmem>>[vector<16xi32>], vector<16xf32>,
      %add3A_1636 = arith.addf %gather3A_1618, %gather3A_1635 : vector<16xf32>
      %add3A_1637 = arith.constant 6 : i32
      %add3A_1638 = vector.broadcast %add3A_1637 : i32 to vector<16xi32>
      %add3A_1639 = arith.addi %mul3A_5, %add3A_1638 : vector<16xi32>
      %gather3A_1640 = tpu.vector_load_idx %arg12[%add3A_1639] : memref<256xf32, #tpu.memory_space<vmem>>[vector<16xi32>], vector<16xf32>,
      %add3A_1641 = arith.addf %gather3A_1622, %gather3A_1640 : vector<16xf32>
      %add3A_1642 = arith.constant 7 : i32
      %add3A_1643 = vector.broadcast %add3A_1642 : i32 to vector<16xi32>
      %add3A_1644 = arith.addi %mul3A_5, %add3A_1643 : vector<16xi32>
      %gather3A_1645 = tpu.vector_load_idx %arg12[%add3A_1644] : memref<256xf32, #tpu.memory_space<vmem>>[vector<16xi32>], vector<16xf32>,
      %add3A_1646 = arith.addf %gather3A_1626, %gather3A_1645 : vector<16xf32>
      %add3A_1647 = arith.constant 8 : i32
      %add3A_1648 = vector.broadcast %add3A_1647 : i32 to vector<16xi32>
      %add3A_1649 = arith.addi %mul3A_5, %add3A_1648 : vector<16xi32>
      %gather3A_1650 = tpu.vector_load_idx %arg12[%add3A_1649] : memref<256xf32, #tpu.memory_space<vmem>>[vector<16xi32>], vector<16xf32>,
      %add3A_1651 = arith.addf %add3A_1631, %gather3A_1650 : vector<16xf32>
      %add3A_1652 = arith.constant 9 : i32
      %add3A_1653 = vector.broadcast %add3A_1652 : i32 to vector<16xi32>
      %add3A_1654 = arith.addi %mul3A_5, %add3A_1653 : vector<16xi32>
      %gather3A_1655 = tpu.vector_load_idx %arg12[%add3A_1654] : memref<256xf32, #tpu.memory_space<vmem>>[vector<16xi32>], vector<16xf32>,
      %add3A_1656 = arith.addf %add3A_1636, %gather3A_1655 : vector<16xf32>
      %add3A_1657 = arith.constant 10 : i32
      %add3A_1658 = vector.broadcast %add3A_1657 : i32 to vector<16xi32>
      %add3A_1659 = arith.addi %mul3A_5, %add3A_1658 : vector<16xi32>
      %gather3A_1660 = tpu.vector_load_idx %arg12[%add3A_1659] : memref<256xf32, #tpu.memory_space<vmem>>[vector<16xi32>], vector<16xf32>,
      %add3A_1661 = arith.addf %add3A_1641, %gather3A_1660 : vector<16xf32>
      %add3A_1662 = arith.constant 11 : i32
      %add3A_1663 = vector.broadcast %add3A_1662 : i32 to vector<16xi32>
      %add3A_1664 = arith.addi %mul3A_5, %add3A_1663 : vector<16xi32>
      %gather3A_1665 = tpu.vector_load_idx %arg12[%add3A_1664] : memref<256xf32, #tpu.memory_space<vmem>>[vector<16xi32>], vector<16xf32>,
      %add3A_1666 = arith.addf %add3A_1646, %gather3A_1665 : vector<16xf32>
      %add3A_1667 = arith.constant 12 : i32
      %add3A_1668 = vector.broadcast %add3A_1667 : i32 to vector<16xi32>
      %add3A_1669 = arith.addi %mul3A_5, %add3A_1668 : vector<16xi32>
      %gather3A_1670 = tpu.vector_load_idx %arg12[%add3A_1669] : memref<256xf32, #tpu.memory_space<vmem>>[vector<16xi32>], vector<16xf32>,
      %add3A_1671 = arith.addf %add3A_1651, %gather3A_1670 : vector<16xf32>
      %add3A_1672 = arith.constant 13 : i32
      %add3A_1673 = vector.broadcast %add3A_1672 : i32 to vector<16xi32>
      %add3A_1674 = arith.addi %mul3A_5, %add3A_1673 : vector<16xi32>
      %gather3A_1675 = tpu.vector_load_idx %arg12[%add3A_1674] : memref<256xf32, #tpu.memory_space<vmem>>[vector<16xi32>], vector<16xf32>,
      %add3A_1676 = arith.addf %add3A_1656, %gather3A_1675 : vector<16xf32>
      %add3A_1677 = arith.constant 14 : i32
      %add3A_1678 = vector.broadcast %add3A_1677 : i32 to vector<16xi32>
      %add3A_1679 = arith.addi %mul3A_5, %add3A_1678 : vector<16xi32>
      %gather3A_1680 = tpu.vector_load_idx %arg12[%add3A_1679] : memref<256xf32, #tpu.memory_space<vmem>>[vector<16xi32>], vector<16xf32>,
      %add3A_1681 = arith.addf %add3A_1661, %gather3A_1680 : vector<16xf32>
      %add3A_1682 = arith.constant 15 : i32
      %add3A_1683 = vector.broadcast %add3A_1682 : i32 to vector<16xi32>
      %add3A_1684 = arith.addi %mul3A_5, %add3A_1683 : vector<16xi32>
      %gather3A_1685 = tpu.vector_load_idx %arg12[%add3A_1684] : memref<256xf32, #tpu.memory_space<vmem>>[vector<16xi32>], vector<16xf32>,
      %add3A_1686 = arith.addf %add3A_1666, %gather3A_1685 : vector<16xf32>
      %add3A_1687 = arith.addf %add3A_1671, %add3A_1676 : vector<16xf32>
      %add3A_1688 = arith.addf %add3A_1681, %add3A_1686 : vector<16xf32>
      %add3A_1689 = arith.addf %add3A_1687, %add3A_1688 : vector<16xf32>
      %bitcast3A_1690 = vector.bitcast %add3A_1689 : vector<16xf32> to vector<16xi32>
      %shift_right_arithmetic3A_1691 = arith.constant 1 : i32
      %shift_right_arithmetic3A_1692 = vector.broadcast %shift_right_arithmetic3A_1691 : i32 to vector<16xi32>
      %shift_right_arithmetic3A_1693 = arith.shrsi %bitcast3A_1690, %shift_right_arithmetic3A_1692 : vector<16xi32>
      %sub3A_1694 = arith.constant 1597463007 : i32
      %sub3A_1695 = vector.broadcast %sub3A_1694 : i32 to vector<16xi32>
      %sub3A_1696 = arith.subi %sub3A_1695, %shift_right_arithmetic3A_1693 : vector<16xi32>
      %bitcast3A_1697 = vector.bitcast %sub3A_1696 : vector<16xi32> to vector<16xf32>
      %mul3A_1698 = arith.constant 5.000000e-01 : f32
      %mul3A_1699 = vector.broadcast %mul3A_1698 : f32 to vector<16xf32>
      %mul3A_1700 = arith.mulf %add3A_1689, %mul3A_1699 : vector<16xf32>
      %mul3A_1701 = arith.mulf %mul3A_1700, %bitcast3A_1697 : vector<16xf32>
      %mul3A_1702 = arith.mulf %mul3A_1701, %bitcast3A_1697 : vector<16xf32>
      %sub3A_1703 = arith.constant 1.500000e+00 : f32
      %sub3A_1704 = vector.broadcast %sub3A_1703 : f32 to vector<16xf32>
      %sub3A_1705 = arith.subf %sub3A_1704, %mul3A_1702 : vector<16xf32>
      %mul3A_1706 = arith.mulf %bitcast3A_1697, %sub3A_1705 : vector<16xf32>
      %mul3A_1707 = arith.mulf %mul3A_1700, %mul3A_1706 : vector<16xf32>
      %mul3A_1708 = arith.mulf %mul3A_1707, %mul3A_1706 : vector<16xf32>
      %sub3A_1709 = arith.constant 1.500000e+00 : f32
      %sub3A_1710 = vector.broadcast %sub3A_1709 : f32 to vector<16xf32>
      %sub3A_1711 = arith.subf %sub3A_1710, %mul3A_1708 : vector<16xf32>
      %mul3A_1712 = arith.mulf %mul3A_1706, %sub3A_1711 : vector<16xf32>
      %mul3A_1713 = arith.mulf %add3A_1689, %mul3A_1712 : vector<16xf32>
      %add3A_1714 = arith.constant 64 : i32
      %add3A_1715 = arith.addi %mul3A_1167, %add3A_1714 : i32
      %swap3A_1716 = arith.index_cast %add3A_1715 : i32 to index
      %swap3A_1717 = tpu.vector_load %arg13[%swap3A_1716] {strides = array<i32>} : memref<10000xf32, #tpu.memory_space<vmem>>, vector<16xf32>,
      tpu.vector_store %arg13[%swap3A_1716], %mul3A_1713 {strides = array<i32>} : memref<10000xf32, #tpu.memory_space<vmem>>, vector<16xf32>,
    }
    %scan3A_19 = arith.constant 62 : i32
    %dma_wait3A = arith.constant 9920 : i32
    %dma_wait3A_20 = tpu.memref_slice %arg6[%dma_wait3A] : memref<10000xi32, #tpu.memory_space<vmem>> -> memref<80xi32, #tpu.memory_space<vmem>>
    %dma_wait3A_21 = arith.constant 0 : i32
    %dma_wait3A_22 = arith.constant 0 : i32
    %dma_wait3A_23 = tpu.memref_slice %arg4[%dma_wait3A_21, %dma_wait3A_22] : memref<10000x128xf32, #tpu.memory_space<hbm>> -> memref<10000x128xf32, #tpu.memory_space<hbm>>
    tpu.wait_indirect_dma semaphore(%arg14 : memref<!tpu.dma_semaphore, #tpu.memory_space<semaphore_mem>>) src(%dma_wait3A_23 : memref<10000x128xf32, #tpu.memory_space<hbm>>) dst(%arg8 : memref<80x128xf32, #tpu.memory_space<vmem>>)
    %dma_wait3A_24 = arith.constant 9920 : i32
    %dma_wait3A_25 = tpu.memref_slice %arg7[%dma_wait3A_24] : memref<10000xi32, #tpu.memory_space<vmem>> -> memref<80xi32, #tpu.memory_space<vmem>>
    %dma_wait3A_26 = arith.constant 0 : i32
    %dma_wait3A_27 = arith.constant 0 : i32
    %dma_wait3A_28 = tpu.memref_slice %arg4[%dma_wait3A_26, %dma_wait3A_27] : memref<10000x128xf32, #tpu.memory_space<hbm>> -> memref<10000x128xf32, #tpu.memory_space<hbm>>
    tpu.wait_indirect_dma semaphore(%arg15 : memref<!tpu.dma_semaphore, #tpu.memory_space<semaphore_mem>>) src(%dma_wait3A_28 : memref<10000x128xf32, #tpu.memory_space<hbm>>) dst(%arg9 : memref<80x128xf32, #tpu.memory_space<vmem>>)
    %parallel_loop3A = arith.constant 0 : i32
    %parallel_loop3A_29 = arith.constant 16 : i32
    %parallel_loop3A_30 = arith.constant 1 : i32
    scf.for %parallel_loop3A_563 = %parallel_loop3A to %parallel_loop3A_29 step %parallel_loop3A_30  : i32 {
      %parallel_loop3A_564 = arith.constant 0 : i32
      %parallel_loop3A_565 = arith.addi %parallel_loop3A_564, %parallel_loop3A_563 : i32
      %parallel_loop3A_566 = arith.constant 0.000000e+00 : f32
      %parallel_loop3A_567 = vector.broadcast %parallel_loop3A_566 : f32 to vector<16xf32>
      %parallel_loop3A_568 = arith.index_cast %parallel_loop3A_565 : i32 to index
      %parallel_loop3A_569 = arith.constant 0 : index
      %parallel_loop3A_570 = tpu.vector_load %arg8[%parallel_loop3A_568, %parallel_loop3A_569] {strides = array<i32>} : memref<80x128xf32, #tpu.memory_space<vmem>>, vector<16xf32>,
      %parallel_loop3A_571 = arith.index_cast %parallel_loop3A_565 : i32 to index
      %parallel_loop3A_572 = arith.constant 0 : index
      %parallel_loop3A_573 = tpu.vector_load %arg9[%parallel_loop3A_571, %parallel_loop3A_572] {strides = array<i32>} : memref<80x128xf32, #tpu.memory_space<vmem>>, vector<16xf32>,
      %parallel_loop3A_574 = arith.subf %parallel_loop3A_570, %parallel_loop3A_573 : vector<16xf32>
      %parallel_loop3A_575 = arith.constant 9.99999997E-7 : f32
      %parallel_loop3A_576 = vector.broadcast %parallel_loop3A_575 : f32 to vector<16xf32>
      %parallel_loop3A_577 = arith.addf %parallel_loop3A_574, %parallel_loop3A_576 : vector<16xf32>
      %parallel_loop3A_578 = arith.mulf %parallel_loop3A_577, %parallel_loop3A_577 : vector<16xf32>
      %parallel_loop3A_579 = arith.addf %parallel_loop3A_567, %parallel_loop3A_578 : vector<16xf32>
      %parallel_loop3A_580 = arith.index_cast %parallel_loop3A_565 : i32 to index
      %parallel_loop3A_581 = arith.constant 16 : index
      %parallel_loop3A_582 = tpu.vector_load %arg8[%parallel_loop3A_580, %parallel_loop3A_581] {strides = array<i32>} : memref<80x128xf32, #tpu.memory_space<vmem>>, vector<16xf32>,
      %parallel_loop3A_583 = arith.index_cast %parallel_loop3A_565 : i32 to index
      %parallel_loop3A_584 = arith.constant 16 : index
      %parallel_loop3A_585 = tpu.vector_load %arg9[%parallel_loop3A_583, %parallel_loop3A_584] {strides = array<i32>} : memref<80x128xf32, #tpu.memory_space<vmem>>, vector<16xf32>,
      %parallel_loop3A_586 = arith.subf %parallel_loop3A_582, %parallel_loop3A_585 : vector<16xf32>
      %parallel_loop3A_587 = arith.constant 9.99999997E-7 : f32
      %parallel_loop3A_588 = vector.broadcast %parallel_loop3A_587 : f32 to vector<16xf32>
      %parallel_loop3A_589 = arith.addf %parallel_loop3A_586, %parallel_loop3A_588 : vector<16xf32>
      %parallel_loop3A_590 = arith.mulf %parallel_loop3A_589, %parallel_loop3A_589 : vector<16xf32>
      %parallel_loop3A_591 = arith.addf %parallel_loop3A_579, %parallel_loop3A_590 : vector<16xf32>
      %parallel_loop3A_592 = arith.index_cast %parallel_loop3A_565 : i32 to index
      %parallel_loop3A_593 = arith.constant 32 : index
      %parallel_loop3A_594 = tpu.vector_load %arg8[%parallel_loop3A_592, %parallel_loop3A_593] {strides = array<i32>} : memref<80x128xf32, #tpu.memory_space<vmem>>, vector<16xf32>,
      %parallel_loop3A_595 = arith.index_cast %parallel_loop3A_565 : i32 to index
      %parallel_loop3A_596 = arith.constant 32 : index
      %parallel_loop3A_597 = tpu.vector_load %arg9[%parallel_loop3A_595, %parallel_loop3A_596] {strides = array<i32>} : memref<80x128xf32, #tpu.memory_space<vmem>>, vector<16xf32>,
      %parallel_loop3A_598 = arith.subf %parallel_loop3A_594, %parallel_loop3A_597 : vector<16xf32>
      %parallel_loop3A_599 = arith.constant 9.99999997E-7 : f32
      %parallel_loop3A_600 = vector.broadcast %parallel_loop3A_599 : f32 to vector<16xf32>
      %parallel_loop3A_601 = arith.addf %parallel_loop3A_598, %parallel_loop3A_600 : vector<16xf32>
      %parallel_loop3A_602 = arith.mulf %parallel_loop3A_601, %parallel_loop3A_601 : vector<16xf32>
      %parallel_loop3A_603 = arith.addf %parallel_loop3A_591, %parallel_loop3A_602 : vector<16xf32>
      %parallel_loop3A_604 = arith.index_cast %parallel_loop3A_565 : i32 to index
      %parallel_loop3A_605 = arith.constant 48 : index
      %parallel_loop3A_606 = tpu.vector_load %arg8[%parallel_loop3A_604, %parallel_loop3A_605] {strides = array<i32>} : memref<80x128xf32, #tpu.memory_space<vmem>>, vector<16xf32>,
      %parallel_loop3A_607 = arith.index_cast %parallel_loop3A_565 : i32 to index
      %parallel_loop3A_608 = arith.constant 48 : index
      %parallel_loop3A_609 = tpu.vector_load %arg9[%parallel_loop3A_607, %parallel_loop3A_608] {strides = array<i32>} : memref<80x128xf32, #tpu.memory_space<vmem>>, vector<16xf32>,
      %parallel_loop3A_610 = arith.subf %parallel_loop3A_606, %parallel_loop3A_609 : vector<16xf32>
      %parallel_loop3A_611 = arith.constant 9.99999997E-7 : f32
      %parallel_loop3A_612 = vector.broadcast %parallel_loop3A_611 : f32 to vector<16xf32>
      %parallel_loop3A_613 = arith.addf %parallel_loop3A_610, %parallel_loop3A_612 : vector<16xf32>
      %parallel_loop3A_614 = arith.mulf %parallel_loop3A_613, %parallel_loop3A_613 : vector<16xf32>
      %parallel_loop3A_615 = arith.addf %parallel_loop3A_603, %parallel_loop3A_614 : vector<16xf32>
      %parallel_loop3A_616 = arith.index_cast %parallel_loop3A_565 : i32 to index
      %parallel_loop3A_617 = arith.constant 64 : index
      %parallel_loop3A_618 = tpu.vector_load %arg8[%parallel_loop3A_616, %parallel_loop3A_617] {strides = array<i32>} : memref<80x128xf32, #tpu.memory_space<vmem>>, vector<16xf32>,
      %parallel_loop3A_619 = arith.index_cast %parallel_loop3A_565 : i32 to index
      %parallel_loop3A_620 = arith.constant 64 : index
      %parallel_loop3A_621 = tpu.vector_load %arg9[%parallel_loop3A_619, %parallel_loop3A_620] {strides = array<i32>} : memref<80x128xf32, #tpu.memory_space<vmem>>, vector<16xf32>,
      %parallel_loop3A_622 = arith.subf %parallel_loop3A_618, %parallel_loop3A_621 : vector<16xf32>
      %parallel_loop3A_623 = arith.constant 9.99999997E-7 : f32
      %parallel_loop3A_624 = vector.broadcast %parallel_loop3A_623 : f32 to vector<16xf32>
      %parallel_loop3A_625 = arith.addf %parallel_loop3A_622, %parallel_loop3A_624 : vector<16xf32>
      %parallel_loop3A_626 = arith.mulf %parallel_loop3A_625, %parallel_loop3A_625 : vector<16xf32>
      %parallel_loop3A_627 = arith.addf %parallel_loop3A_615, %parallel_loop3A_626 : vector<16xf32>
      %parallel_loop3A_628 = arith.index_cast %parallel_loop3A_565 : i32 to index
      %parallel_loop3A_629 = arith.constant 80 : index
      %parallel_loop3A_630 = tpu.vector_load %arg8[%parallel_loop3A_628, %parallel_loop3A_629] {strides = array<i32>} : memref<80x128xf32, #tpu.memory_space<vmem>>, vector<16xf32>,
      %parallel_loop3A_631 = arith.index_cast %parallel_loop3A_565 : i32 to index
      %parallel_loop3A_632 = arith.constant 80 : index
      %parallel_loop3A_633 = tpu.vector_load %arg9[%parallel_loop3A_631, %parallel_loop3A_632] {strides = array<i32>} : memref<80x128xf32, #tpu.memory_space<vmem>>, vector<16xf32>,
      %parallel_loop3A_634 = arith.subf %parallel_loop3A_630, %parallel_loop3A_633 : vector<16xf32>
      %parallel_loop3A_635 = arith.constant 9.99999997E-7 : f32
      %parallel_loop3A_636 = vector.broadcast %parallel_loop3A_635 : f32 to vector<16xf32>
      %parallel_loop3A_637 = arith.addf %parallel_loop3A_634, %parallel_loop3A_636 : vector<16xf32>
      %parallel_loop3A_638 = arith.mulf %parallel_loop3A_637, %parallel_loop3A_637 : vector<16xf32>
      %parallel_loop3A_639 = arith.addf %parallel_loop3A_627, %parallel_loop3A_638 : vector<16xf32>
      %parallel_loop3A_640 = arith.index_cast %parallel_loop3A_565 : i32 to index
      %parallel_loop3A_641 = arith.constant 96 : index
      %parallel_loop3A_642 = tpu.vector_load %arg8[%parallel_loop3A_640, %parallel_loop3A_641] {strides = array<i32>} : memref<80x128xf32, #tpu.memory_space<vmem>>, vector<16xf32>,
      %parallel_loop3A_643 = arith.index_cast %parallel_loop3A_565 : i32 to index
      %parallel_loop3A_644 = arith.constant 96 : index
      %parallel_loop3A_645 = tpu.vector_load %arg9[%parallel_loop3A_643, %parallel_loop3A_644] {strides = array<i32>} : memref<80x128xf32, #tpu.memory_space<vmem>>, vector<16xf32>,
      %parallel_loop3A_646 = arith.subf %parallel_loop3A_642, %parallel_loop3A_645 : vector<16xf32>
      %parallel_loop3A_647 = arith.constant 9.99999997E-7 : f32
      %parallel_loop3A_648 = vector.broadcast %parallel_loop3A_647 : f32 to vector<16xf32>
      %parallel_loop3A_649 = arith.addf %parallel_loop3A_646, %parallel_loop3A_648 : vector<16xf32>
      %parallel_loop3A_650 = arith.mulf %parallel_loop3A_649, %parallel_loop3A_649 : vector<16xf32>
      %parallel_loop3A_651 = arith.addf %parallel_loop3A_639, %parallel_loop3A_650 : vector<16xf32>
      %parallel_loop3A_652 = arith.index_cast %parallel_loop3A_565 : i32 to index
      %parallel_loop3A_653 = arith.constant 112 : index
      %parallel_loop3A_654 = tpu.vector_load %arg8[%parallel_loop3A_652, %parallel_loop3A_653] {strides = array<i32>} : memref<80x128xf32, #tpu.memory_space<vmem>>, vector<16xf32>,
      %parallel_loop3A_655 = arith.index_cast %parallel_loop3A_565 : i32 to index
      %parallel_loop3A_656 = arith.constant 112 : index
      %parallel_loop3A_657 = tpu.vector_load %arg9[%parallel_loop3A_655, %parallel_loop3A_656] {strides = array<i32>} : memref<80x128xf32, #tpu.memory_space<vmem>>, vector<16xf32>,
      %parallel_loop3A_658 = arith.subf %parallel_loop3A_654, %parallel_loop3A_657 : vector<16xf32>
      %parallel_loop3A_659 = arith.constant 9.99999997E-7 : f32
      %parallel_loop3A_660 = vector.broadcast %parallel_loop3A_659 : f32 to vector<16xf32>
      %parallel_loop3A_661 = arith.addf %parallel_loop3A_658, %parallel_loop3A_660 : vector<16xf32>
      %parallel_loop3A_662 = arith.mulf %parallel_loop3A_661, %parallel_loop3A_661 : vector<16xf32>
      %parallel_loop3A_663 = arith.addf %parallel_loop3A_651, %parallel_loop3A_662 : vector<16xf32>
      %parallel_loop3A_664 = arith.constant 16 : i32
      %parallel_loop3A_665 = arith.muli %parallel_loop3A_563, %parallel_loop3A_664 : i32
      %parallel_loop3A_666 = arith.index_cast %parallel_loop3A_665 : i32 to index
      %parallel_loop3A_667 = tpu.vector_load %arg12[%parallel_loop3A_666] {strides = array<i32>} : memref<256xf32, #tpu.memory_space<vmem>>, vector<16xf32>,
      tpu.vector_store %arg12[%parallel_loop3A_666], %parallel_loop3A_663 {strides = array<i32>} : memref<256xf32, #tpu.memory_space<vmem>>, vector<16xf32>,
    } {sc.loop_unroll_factor = 2 : i64, sc.parallel_access}
    %add3A_31 = arith.constant 0 : i32
    %add3A_32 = vector.broadcast %add3A_31 : i32 to vector<16xi32>
    %add3A_33 = arith.addi %mul3A_5, %add3A_32 : vector<16xi32>
    %gather3A = tpu.vector_load_idx %arg12[%add3A_33] : memref<256xf32, #tpu.memory_space<vmem>>[vector<16xi32>], vector<16xf32>,
    %add3A_34 = arith.constant 1 : i32
    %add3A_35 = vector.broadcast %add3A_34 : i32 to vector<16xi32>
    %add3A_36 = arith.addi %mul3A_5, %add3A_35 : vector<16xi32>
    %gather3A_37 = tpu.vector_load_idx %arg12[%add3A_36] : memref<256xf32, #tpu.memory_space<vmem>>[vector<16xi32>], vector<16xf32>,
    %add3A_38 = arith.constant 2 : i32
    %add3A_39 = vector.broadcast %add3A_38 : i32 to vector<16xi32>
    %add3A_40 = arith.addi %mul3A_5, %add3A_39 : vector<16xi32>
    %gather3A_41 = tpu.vector_load_idx %arg12[%add3A_40] : memref<256xf32, #tpu.memory_space<vmem>>[vector<16xi32>], vector<16xf32>,
    %add3A_42 = arith.constant 3 : i32
    %add3A_43 = vector.broadcast %add3A_42 : i32 to vector<16xi32>
    %add3A_44 = arith.addi %mul3A_5, %add3A_43 : vector<16xi32>
    %gather3A_45 = tpu.vector_load_idx %arg12[%add3A_44] : memref<256xf32, #tpu.memory_space<vmem>>[vector<16xi32>], vector<16xf32>,
    %add3A_46 = arith.constant 4 : i32
    %add3A_47 = vector.broadcast %add3A_46 : i32 to vector<16xi32>
    %add3A_48 = arith.addi %mul3A_5, %add3A_47 : vector<16xi32>
    %gather3A_49 = tpu.vector_load_idx %arg12[%add3A_48] : memref<256xf32, #tpu.memory_space<vmem>>[vector<16xi32>], vector<16xf32>,
    %add3A_50 = arith.addf %gather3A, %gather3A_49 : vector<16xf32>
    %add3A_51 = arith.constant 5 : i32
    %add3A_52 = vector.broadcast %add3A_51 : i32 to vector<16xi32>
    %add3A_53 = arith.addi %mul3A_5, %add3A_52 : vector<16xi32>
    %gather3A_54 = tpu.vector_load_idx %arg12[%add3A_53] : memref<256xf32, #tpu.memory_space<vmem>>[vector<16xi32>], vector<16xf32>,
    %add3A_55 = arith.addf %gather3A_37, %gather3A_54 : vector<16xf32>
    %add3A_56 = arith.constant 6 : i32
    %add3A_57 = vector.broadcast %add3A_56 : i32 to vector<16xi32>
    %add3A_58 = arith.addi %mul3A_5, %add3A_57 : vector<16xi32>
    %gather3A_59 = tpu.vector_load_idx %arg12[%add3A_58] : memref<256xf32, #tpu.memory_space<vmem>>[vector<16xi32>], vector<16xf32>,
    %add3A_60 = arith.addf %gather3A_41, %gather3A_59 : vector<16xf32>
    %add3A_61 = arith.constant 7 : i32
    %add3A_62 = vector.broadcast %add3A_61 : i32 to vector<16xi32>
    %add3A_63 = arith.addi %mul3A_5, %add3A_62 : vector<16xi32>
    %gather3A_64 = tpu.vector_load_idx %arg12[%add3A_63] : memref<256xf32, #tpu.memory_space<vmem>>[vector<16xi32>], vector<16xf32>,
    %add3A_65 = arith.addf %gather3A_45, %gather3A_64 : vector<16xf32>
    %add3A_66 = arith.constant 8 : i32
    %add3A_67 = vector.broadcast %add3A_66 : i32 to vector<16xi32>
    %add3A_68 = arith.addi %mul3A_5, %add3A_67 : vector<16xi32>
    %gather3A_69 = tpu.vector_load_idx %arg12[%add3A_68] : memref<256xf32, #tpu.memory_space<vmem>>[vector<16xi32>], vector<16xf32>,
    %add3A_70 = arith.addf %add3A_50, %gather3A_69 : vector<16xf32>
    %add3A_71 = arith.constant 9 : i32
    %add3A_72 = vector.broadcast %add3A_71 : i32 to vector<16xi32>
    %add3A_73 = arith.addi %mul3A_5, %add3A_72 : vector<16xi32>
    %gather3A_74 = tpu.vector_load_idx %arg12[%add3A_73] : memref<256xf32, #tpu.memory_space<vmem>>[vector<16xi32>], vector<16xf32>,
    %add3A_75 = arith.addf %add3A_55, %gather3A_74 : vector<16xf32>
    %add3A_76 = arith.constant 10 : i32
    %add3A_77 = vector.broadcast %add3A_76 : i32 to vector<16xi32>
    %add3A_78 = arith.addi %mul3A_5, %add3A_77 : vector<16xi32>
    %gather3A_79 = tpu.vector_load_idx %arg12[%add3A_78] : memref<256xf32, #tpu.memory_space<vmem>>[vector<16xi32>], vector<16xf32>,
    %add3A_80 = arith.addf %add3A_60, %gather3A_79 : vector<16xf32>
    %add3A_81 = arith.constant 11 : i32
    %add3A_82 = vector.broadcast %add3A_81 : i32 to vector<16xi32>
    %add3A_83 = arith.addi %mul3A_5, %add3A_82 : vector<16xi32>
    %gather3A_84 = tpu.vector_load_idx %arg12[%add3A_83] : memref<256xf32, #tpu.memory_space<vmem>>[vector<16xi32>], vector<16xf32>,
    %add3A_85 = arith.addf %add3A_65, %gather3A_84 : vector<16xf32>
    %add3A_86 = arith.constant 12 : i32
    %add3A_87 = vector.broadcast %add3A_86 : i32 to vector<16xi32>
    %add3A_88 = arith.addi %mul3A_5, %add3A_87 : vector<16xi32>
    %gather3A_89 = tpu.vector_load_idx %arg12[%add3A_88] : memref<256xf32, #tpu.memory_space<vmem>>[vector<16xi32>], vector<16xf32>,
    %add3A_90 = arith.addf %add3A_70, %gather3A_89 : vector<16xf32>
    %add3A_91 = arith.constant 13 : i32
    %add3A_92 = vector.broadcast %add3A_91 : i32 to vector<16xi32>
    %add3A_93 = arith.addi %mul3A_5, %add3A_92 : vector<16xi32>
    %gather3A_94 = tpu.vector_load_idx %arg12[%add3A_93] : memref<256xf32, #tpu.memory_space<vmem>>[vector<16xi32>], vector<16xf32>,
    %add3A_95 = arith.addf %add3A_75, %gather3A_94 : vector<16xf32>
    %add3A_96 = arith.constant 14 : i32
    %add3A_97 = vector.broadcast %add3A_96 : i32 to vector<16xi32>
    %add3A_98 = arith.addi %mul3A_5, %add3A_97 : vector<16xi32>
    %gather3A_99 = tpu.vector_load_idx %arg12[%add3A_98] : memref<256xf32, #tpu.memory_space<vmem>>[vector<16xi32>], vector<16xf32>,
    %add3A_100 = arith.addf %add3A_80, %gather3A_99 : vector<16xf32>
    %add3A_101 = arith.constant 15 : i32
    %add3A_102 = vector.broadcast %add3A_101 : i32 to vector<16xi32>
    %add3A_103 = arith.addi %mul3A_5, %add3A_102 : vector<16xi32>
    %gather3A_104 = tpu.vector_load_idx %arg12[%add3A_103] : memref<256xf32, #tpu.memory_space<vmem>>[vector<16xi32>], vector<16xf32>,
    %add3A_105 = arith.addf %add3A_85, %gather3A_104 : vector<16xf32>
    %add3A_106 = arith.addf %add3A_90, %add3A_95 : vector<16xf32>
    %add3A_107 = arith.addf %add3A_100, %add3A_105 : vector<16xf32>
    %add3A_108 = arith.addf %add3A_106, %add3A_107 : vector<16xf32>
    %bitcast3A = vector.bitcast %add3A_108 : vector<16xf32> to vector<16xi32>
    %shift_right_arithmetic3A = arith.constant 1 : i32
    %shift_right_arithmetic3A_109 = vector.broadcast %shift_right_arithmetic3A : i32 to vector<16xi32>
    %shift_right_arithmetic3A_110 = arith.shrsi %bitcast3A, %shift_right_arithmetic3A_109 : vector<16xi32>
    %sub3A = arith.constant 1597463007 : i32
    %sub3A_111 = vector.broadcast %sub3A : i32 to vector<16xi32>
    %sub3A_112 = arith.subi %sub3A_111, %shift_right_arithmetic3A_110 : vector<16xi32>
    %bitcast3A_113 = vector.bitcast %sub3A_112 : vector<16xi32> to vector<16xf32>
    %mul3A_114 = arith.constant 5.000000e-01 : f32
    %mul3A_115 = vector.broadcast %mul3A_114 : f32 to vector<16xf32>
    %mul3A_116 = arith.mulf %add3A_108, %mul3A_115 : vector<16xf32>
    %mul3A_117 = arith.mulf %mul3A_116, %bitcast3A_113 : vector<16xf32>
    %mul3A_118 = arith.mulf %mul3A_117, %bitcast3A_113 : vector<16xf32>
    %sub3A_119 = arith.constant 1.500000e+00 : f32
    %sub3A_120 = vector.broadcast %sub3A_119 : f32 to vector<16xf32>
    %sub3A_121 = arith.subf %sub3A_120, %mul3A_118 : vector<16xf32>
    %mul3A_122 = arith.mulf %bitcast3A_113, %sub3A_121 : vector<16xf32>
    %mul3A_123 = arith.mulf %mul3A_116, %mul3A_122 : vector<16xf32>
    %mul3A_124 = arith.mulf %mul3A_123, %mul3A_122 : vector<16xf32>
    %sub3A_125 = arith.constant 1.500000e+00 : f32
    %sub3A_126 = vector.broadcast %sub3A_125 : f32 to vector<16xf32>
    %sub3A_127 = arith.subf %sub3A_126, %mul3A_124 : vector<16xf32>
    %mul3A_128 = arith.mulf %mul3A_122, %sub3A_127 : vector<16xf32>
    %mul3A_129 = arith.mulf %add3A_108, %mul3A_128 : vector<16xf32>
    %swap3A = arith.constant 9920 : index
    %swap3A_130 = tpu.vector_load %arg13[%swap3A] {strides = array<i32>} : memref<10000xf32, #tpu.memory_space<vmem>>, vector<16xf32>,
    tpu.vector_store %arg13[%swap3A], %mul3A_129 {strides = array<i32>} : memref<10000xf32, #tpu.memory_space<vmem>>, vector<16xf32>,
    %parallel_loop3A_131 = arith.constant 0 : i32
    %parallel_loop3A_132 = arith.constant 16 : i32
    %parallel_loop3A_133 = arith.constant 1 : i32
    scf.for %parallel_loop3A_563 = %parallel_loop3A_131 to %parallel_loop3A_132 step %parallel_loop3A_133  : i32 {
      %parallel_loop3A_564 = arith.constant 16 : i32
      %parallel_loop3A_565 = arith.addi %parallel_loop3A_564, %parallel_loop3A_563 : i32
      %parallel_loop3A_566 = arith.constant 0.000000e+00 : f32
      %parallel_loop3A_567 = vector.broadcast %parallel_loop3A_566 : f32 to vector<16xf32>
      %parallel_loop3A_568 = arith.index_cast %parallel_loop3A_565 : i32 to index
      %parallel_loop3A_569 = arith.constant 0 : index
      %parallel_loop3A_570 = tpu.vector_load %arg8[%parallel_loop3A_568, %parallel_loop3A_569] {strides = array<i32>} : memref<80x128xf32, #tpu.memory_space<vmem>>, vector<16xf32>,
      %parallel_loop3A_571 = arith.index_cast %parallel_loop3A_565 : i32 to index
      %parallel_loop3A_572 = arith.constant 0 : index
      %parallel_loop3A_573 = tpu.vector_load %arg9[%parallel_loop3A_571, %parallel_loop3A_572] {strides = array<i32>} : memref<80x128xf32, #tpu.memory_space<vmem>>, vector<16xf32>,
      %parallel_loop3A_574 = arith.subf %parallel_loop3A_570, %parallel_loop3A_573 : vector<16xf32>
      %parallel_loop3A_575 = arith.constant 9.99999997E-7 : f32
      %parallel_loop3A_576 = vector.broadcast %parallel_loop3A_575 : f32 to vector<16xf32>
      %parallel_loop3A_577 = arith.addf %parallel_loop3A_574, %parallel_loop3A_576 : vector<16xf32>
      %parallel_loop3A_578 = arith.mulf %parallel_loop3A_577, %parallel_loop3A_577 : vector<16xf32>
      %parallel_loop3A_579 = arith.addf %parallel_loop3A_567, %parallel_loop3A_578 : vector<16xf32>
      %parallel_loop3A_580 = arith.index_cast %parallel_loop3A_565 : i32 to index
      %parallel_loop3A_581 = arith.constant 16 : index
      %parallel_loop3A_582 = tpu.vector_load %arg8[%parallel_loop3A_580, %parallel_loop3A_581] {strides = array<i32>} : memref<80x128xf32, #tpu.memory_space<vmem>>, vector<16xf32>,
      %parallel_loop3A_583 = arith.index_cast %parallel_loop3A_565 : i32 to index
      %parallel_loop3A_584 = arith.constant 16 : index
      %parallel_loop3A_585 = tpu.vector_load %arg9[%parallel_loop3A_583, %parallel_loop3A_584] {strides = array<i32>} : memref<80x128xf32, #tpu.memory_space<vmem>>, vector<16xf32>,
      %parallel_loop3A_586 = arith.subf %parallel_loop3A_582, %parallel_loop3A_585 : vector<16xf32>
      %parallel_loop3A_587 = arith.constant 9.99999997E-7 : f32
      %parallel_loop3A_588 = vector.broadcast %parallel_loop3A_587 : f32 to vector<16xf32>
      %parallel_loop3A_589 = arith.addf %parallel_loop3A_586, %parallel_loop3A_588 : vector<16xf32>
      %parallel_loop3A_590 = arith.mulf %parallel_loop3A_589, %parallel_loop3A_589 : vector<16xf32>
      %parallel_loop3A_591 = arith.addf %parallel_loop3A_579, %parallel_loop3A_590 : vector<16xf32>
      %parallel_loop3A_592 = arith.index_cast %parallel_loop3A_565 : i32 to index
      %parallel_loop3A_593 = arith.constant 32 : index
      %parallel_loop3A_594 = tpu.vector_load %arg8[%parallel_loop3A_592, %parallel_loop3A_593] {strides = array<i32>} : memref<80x128xf32, #tpu.memory_space<vmem>>, vector<16xf32>,
      %parallel_loop3A_595 = arith.index_cast %parallel_loop3A_565 : i32 to index
      %parallel_loop3A_596 = arith.constant 32 : index
      %parallel_loop3A_597 = tpu.vector_load %arg9[%parallel_loop3A_595, %parallel_loop3A_596] {strides = array<i32>} : memref<80x128xf32, #tpu.memory_space<vmem>>, vector<16xf32>,
      %parallel_loop3A_598 = arith.subf %parallel_loop3A_594, %parallel_loop3A_597 : vector<16xf32>
      %parallel_loop3A_599 = arith.constant 9.99999997E-7 : f32
      %parallel_loop3A_600 = vector.broadcast %parallel_loop3A_599 : f32 to vector<16xf32>
      %parallel_loop3A_601 = arith.addf %parallel_loop3A_598, %parallel_loop3A_600 : vector<16xf32>
      %parallel_loop3A_602 = arith.mulf %parallel_loop3A_601, %parallel_loop3A_601 : vector<16xf32>
      %parallel_loop3A_603 = arith.addf %parallel_loop3A_591, %parallel_loop3A_602 : vector<16xf32>
      %parallel_loop3A_604 = arith.index_cast %parallel_loop3A_565 : i32 to index
      %parallel_loop3A_605 = arith.constant 48 : index
      %parallel_loop3A_606 = tpu.vector_load %arg8[%parallel_loop3A_604, %parallel_loop3A_605] {strides = array<i32>} : memref<80x128xf32, #tpu.memory_space<vmem>>, vector<16xf32>,
      %parallel_loop3A_607 = arith.index_cast %parallel_loop3A_565 : i32 to index
      %parallel_loop3A_608 = arith.constant 48 : index
      %parallel_loop3A_609 = tpu.vector_load %arg9[%parallel_loop3A_607, %parallel_loop3A_608] {strides = array<i32>} : memref<80x128xf32, #tpu.memory_space<vmem>>, vector<16xf32>,
      %parallel_loop3A_610 = arith.subf %parallel_loop3A_606, %parallel_loop3A_609 : vector<16xf32>
      %parallel_loop3A_611 = arith.constant 9.99999997E-7 : f32
      %parallel_loop3A_612 = vector.broadcast %parallel_loop3A_611 : f32 to vector<16xf32>
      %parallel_loop3A_613 = arith.addf %parallel_loop3A_610, %parallel_loop3A_612 : vector<16xf32>
      %parallel_loop3A_614 = arith.mulf %parallel_loop3A_613, %parallel_loop3A_613 : vector<16xf32>
      %parallel_loop3A_615 = arith.addf %parallel_loop3A_603, %parallel_loop3A_614 : vector<16xf32>
      %parallel_loop3A_616 = arith.index_cast %parallel_loop3A_565 : i32 to index
      %parallel_loop3A_617 = arith.constant 64 : index
      %parallel_loop3A_618 = tpu.vector_load %arg8[%parallel_loop3A_616, %parallel_loop3A_617] {strides = array<i32>} : memref<80x128xf32, #tpu.memory_space<vmem>>, vector<16xf32>,
      %parallel_loop3A_619 = arith.index_cast %parallel_loop3A_565 : i32 to index
      %parallel_loop3A_620 = arith.constant 64 : index
      %parallel_loop3A_621 = tpu.vector_load %arg9[%parallel_loop3A_619, %parallel_loop3A_620] {strides = array<i32>} : memref<80x128xf32, #tpu.memory_space<vmem>>, vector<16xf32>,
      %parallel_loop3A_622 = arith.subf %parallel_loop3A_618, %parallel_loop3A_621 : vector<16xf32>
      %parallel_loop3A_623 = arith.constant 9.99999997E-7 : f32
      %parallel_loop3A_624 = vector.broadcast %parallel_loop3A_623 : f32 to vector<16xf32>
      %parallel_loop3A_625 = arith.addf %parallel_loop3A_622, %parallel_loop3A_624 : vector<16xf32>
      %parallel_loop3A_626 = arith.mulf %parallel_loop3A_625, %parallel_loop3A_625 : vector<16xf32>
      %parallel_loop3A_627 = arith.addf %parallel_loop3A_615, %parallel_loop3A_626 : vector<16xf32>
      %parallel_loop3A_628 = arith.index_cast %parallel_loop3A_565 : i32 to index
      %parallel_loop3A_629 = arith.constant 80 : index
      %parallel_loop3A_630 = tpu.vector_load %arg8[%parallel_loop3A_628, %parallel_loop3A_629] {strides = array<i32>} : memref<80x128xf32, #tpu.memory_space<vmem>>, vector<16xf32>,
      %parallel_loop3A_631 = arith.index_cast %parallel_loop3A_565 : i32 to index
      %parallel_loop3A_632 = arith.constant 80 : index
      %parallel_loop3A_633 = tpu.vector_load %arg9[%parallel_loop3A_631, %parallel_loop3A_632] {strides = array<i32>} : memref<80x128xf32, #tpu.memory_space<vmem>>, vector<16xf32>,
      %parallel_loop3A_634 = arith.subf %parallel_loop3A_630, %parallel_loop3A_633 : vector<16xf32>
      %parallel_loop3A_635 = arith.constant 9.99999997E-7 : f32
      %parallel_loop3A_636 = vector.broadcast %parallel_loop3A_635 : f32 to vector<16xf32>
      %parallel_loop3A_637 = arith.addf %parallel_loop3A_634, %parallel_loop3A_636 : vector<16xf32>
      %parallel_loop3A_638 = arith.mulf %parallel_loop3A_637, %parallel_loop3A_637 : vector<16xf32>
      %parallel_loop3A_639 = arith.addf %parallel_loop3A_627, %parallel_loop3A_638 : vector<16xf32>
      %parallel_loop3A_640 = arith.index_cast %parallel_loop3A_565 : i32 to index
      %parallel_loop3A_641 = arith.constant 96 : index
      %parallel_loop3A_642 = tpu.vector_load %arg8[%parallel_loop3A_640, %parallel_loop3A_641] {strides = array<i32>} : memref<80x128xf32, #tpu.memory_space<vmem>>, vector<16xf32>,
      %parallel_loop3A_643 = arith.index_cast %parallel_loop3A_565 : i32 to index
      %parallel_loop3A_644 = arith.constant 96 : index
      %parallel_loop3A_645 = tpu.vector_load %arg9[%parallel_loop3A_643, %parallel_loop3A_644] {strides = array<i32>} : memref<80x128xf32, #tpu.memory_space<vmem>>, vector<16xf32>,
      %parallel_loop3A_646 = arith.subf %parallel_loop3A_642, %parallel_loop3A_645 : vector<16xf32>
      %parallel_loop3A_647 = arith.constant 9.99999997E-7 : f32
      %parallel_loop3A_648 = vector.broadcast %parallel_loop3A_647 : f32 to vector<16xf32>
      %parallel_loop3A_649 = arith.addf %parallel_loop3A_646, %parallel_loop3A_648 : vector<16xf32>
      %parallel_loop3A_650 = arith.mulf %parallel_loop3A_649, %parallel_loop3A_649 : vector<16xf32>
      %parallel_loop3A_651 = arith.addf %parallel_loop3A_639, %parallel_loop3A_650 : vector<16xf32>
      %parallel_loop3A_652 = arith.index_cast %parallel_loop3A_565 : i32 to index
      %parallel_loop3A_653 = arith.constant 112 : index
      %parallel_loop3A_654 = tpu.vector_load %arg8[%parallel_loop3A_652, %parallel_loop3A_653] {strides = array<i32>} : memref<80x128xf32, #tpu.memory_space<vmem>>, vector<16xf32>,
      %parallel_loop3A_655 = arith.index_cast %parallel_loop3A_565 : i32 to index
      %parallel_loop3A_656 = arith.constant 112 : index
      %parallel_loop3A_657 = tpu.vector_load %arg9[%parallel_loop3A_655, %parallel_loop3A_656] {strides = array<i32>} : memref<80x128xf32, #tpu.memory_space<vmem>>, vector<16xf32>,
      %parallel_loop3A_658 = arith.subf %parallel_loop3A_654, %parallel_loop3A_657 : vector<16xf32>
      %parallel_loop3A_659 = arith.constant 9.99999997E-7 : f32
      %parallel_loop3A_660 = vector.broadcast %parallel_loop3A_659 : f32 to vector<16xf32>
      %parallel_loop3A_661 = arith.addf %parallel_loop3A_658, %parallel_loop3A_660 : vector<16xf32>
      %parallel_loop3A_662 = arith.mulf %parallel_loop3A_661, %parallel_loop3A_661 : vector<16xf32>
      %parallel_loop3A_663 = arith.addf %parallel_loop3A_651, %parallel_loop3A_662 : vector<16xf32>
      %parallel_loop3A_664 = arith.constant 16 : i32
      %parallel_loop3A_665 = arith.muli %parallel_loop3A_563, %parallel_loop3A_664 : i32
      %parallel_loop3A_666 = arith.index_cast %parallel_loop3A_665 : i32 to index
      %parallel_loop3A_667 = tpu.vector_load %arg12[%parallel_loop3A_666] {strides = array<i32>} : memref<256xf32, #tpu.memory_space<vmem>>, vector<16xf32>,
      tpu.vector_store %arg12[%parallel_loop3A_666], %parallel_loop3A_663 {strides = array<i32>} : memref<256xf32, #tpu.memory_space<vmem>>, vector<16xf32>,
    } {sc.loop_unroll_factor = 2 : i64, sc.parallel_access}
    %add3A_134 = arith.constant 0 : i32
    %add3A_135 = vector.broadcast %add3A_134 : i32 to vector<16xi32>
    %add3A_136 = arith.addi %mul3A_5, %add3A_135 : vector<16xi32>
    %gather3A_137 = tpu.vector_load_idx %arg12[%add3A_136] : memref<256xf32, #tpu.memory_space<vmem>>[vector<16xi32>], vector<16xf32>,
    %add3A_138 = arith.constant 1 : i32
    %add3A_139 = vector.broadcast %add3A_138 : i32 to vector<16xi32>
    %add3A_140 = arith.addi %mul3A_5, %add3A_139 : vector<16xi32>
    %gather3A_141 = tpu.vector_load_idx %arg12[%add3A_140] : memref<256xf32, #tpu.memory_space<vmem>>[vector<16xi32>], vector<16xf32>,
    %add3A_142 = arith.constant 2 : i32
    %add3A_143 = vector.broadcast %add3A_142 : i32 to vector<16xi32>
    %add3A_144 = arith.addi %mul3A_5, %add3A_143 : vector<16xi32>
    %gather3A_145 = tpu.vector_load_idx %arg12[%add3A_144] : memref<256xf32, #tpu.memory_space<vmem>>[vector<16xi32>], vector<16xf32>,
    %add3A_146 = arith.constant 3 : i32
    %add3A_147 = vector.broadcast %add3A_146 : i32 to vector<16xi32>
    %add3A_148 = arith.addi %mul3A_5, %add3A_147 : vector<16xi32>
    %gather3A_149 = tpu.vector_load_idx %arg12[%add3A_148] : memref<256xf32, #tpu.memory_space<vmem>>[vector<16xi32>], vector<16xf32>,
    %add3A_150 = arith.constant 4 : i32
    %add3A_151 = vector.broadcast %add3A_150 : i32 to vector<16xi32>
    %add3A_152 = arith.addi %mul3A_5, %add3A_151 : vector<16xi32>
    %gather3A_153 = tpu.vector_load_idx %arg12[%add3A_152] : memref<256xf32, #tpu.memory_space<vmem>>[vector<16xi32>], vector<16xf32>,
    %add3A_154 = arith.addf %gather3A_137, %gather3A_153 : vector<16xf32>
    %add3A_155 = arith.constant 5 : i32
    %add3A_156 = vector.broadcast %add3A_155 : i32 to vector<16xi32>
    %add3A_157 = arith.addi %mul3A_5, %add3A_156 : vector<16xi32>
    %gather3A_158 = tpu.vector_load_idx %arg12[%add3A_157] : memref<256xf32, #tpu.memory_space<vmem>>[vector<16xi32>], vector<16xf32>,
    %add3A_159 = arith.addf %gather3A_141, %gather3A_158 : vector<16xf32>
    %add3A_160 = arith.constant 6 : i32
    %add3A_161 = vector.broadcast %add3A_160 : i32 to vector<16xi32>
    %add3A_162 = arith.addi %mul3A_5, %add3A_161 : vector<16xi32>
    %gather3A_163 = tpu.vector_load_idx %arg12[%add3A_162] : memref<256xf32, #tpu.memory_space<vmem>>[vector<16xi32>], vector<16xf32>,
    %add3A_164 = arith.addf %gather3A_145, %gather3A_163 : vector<16xf32>
    %add3A_165 = arith.constant 7 : i32
    %add3A_166 = vector.broadcast %add3A_165 : i32 to vector<16xi32>
    %add3A_167 = arith.addi %mul3A_5, %add3A_166 : vector<16xi32>
    %gather3A_168 = tpu.vector_load_idx %arg12[%add3A_167] : memref<256xf32, #tpu.memory_space<vmem>>[vector<16xi32>], vector<16xf32>,
    %add3A_169 = arith.addf %gather3A_149, %gather3A_168 : vector<16xf32>
    %add3A_170 = arith.constant 8 : i32
    %add3A_171 = vector.broadcast %add3A_170 : i32 to vector<16xi32>
    %add3A_172 = arith.addi %mul3A_5, %add3A_171 : vector<16xi32>
    %gather3A_173 = tpu.vector_load_idx %arg12[%add3A_172] : memref<256xf32, #tpu.memory_space<vmem>>[vector<16xi32>], vector<16xf32>,
    %add3A_174 = arith.addf %add3A_154, %gather3A_173 : vector<16xf32>
    %add3A_175 = arith.constant 9 : i32
    %add3A_176 = vector.broadcast %add3A_175 : i32 to vector<16xi32>
    %add3A_177 = arith.addi %mul3A_5, %add3A_176 : vector<16xi32>
    %gather3A_178 = tpu.vector_load_idx %arg12[%add3A_177] : memref<256xf32, #tpu.memory_space<vmem>>[vector<16xi32>], vector<16xf32>,
    %add3A_179 = arith.addf %add3A_159, %gather3A_178 : vector<16xf32>
    %add3A_180 = arith.constant 10 : i32
    %add3A_181 = vector.broadcast %add3A_180 : i32 to vector<16xi32>
    %add3A_182 = arith.addi %mul3A_5, %add3A_181 : vector<16xi32>
    %gather3A_183 = tpu.vector_load_idx %arg12[%add3A_182] : memref<256xf32, #tpu.memory_space<vmem>>[vector<16xi32>], vector<16xf32>,
    %add3A_184 = arith.addf %add3A_164, %gather3A_183 : vector<16xf32>
    %add3A_185 = arith.constant 11 : i32
    %add3A_186 = vector.broadcast %add3A_185 : i32 to vector<16xi32>
    %add3A_187 = arith.addi %mul3A_5, %add3A_186 : vector<16xi32>
    %gather3A_188 = tpu.vector_load_idx %arg12[%add3A_187] : memref<256xf32, #tpu.memory_space<vmem>>[vector<16xi32>], vector<16xf32>,
    %add3A_189 = arith.addf %add3A_169, %gather3A_188 : vector<16xf32>
    %add3A_190 = arith.constant 12 : i32
    %add3A_191 = vector.broadcast %add3A_190 : i32 to vector<16xi32>
    %add3A_192 = arith.addi %mul3A_5, %add3A_191 : vector<16xi32>
    %gather3A_193 = tpu.vector_load_idx %arg12[%add3A_192] : memref<256xf32, #tpu.memory_space<vmem>>[vector<16xi32>], vector<16xf32>,
    %add3A_194 = arith.addf %add3A_174, %gather3A_193 : vector<16xf32>
    %add3A_195 = arith.constant 13 : i32
    %add3A_196 = vector.broadcast %add3A_195 : i32 to vector<16xi32>
    %add3A_197 = arith.addi %mul3A_5, %add3A_196 : vector<16xi32>
    %gather3A_198 = tpu.vector_load_idx %arg12[%add3A_197] : memref<256xf32, #tpu.memory_space<vmem>>[vector<16xi32>], vector<16xf32>,
    %add3A_199 = arith.addf %add3A_179, %gather3A_198 : vector<16xf32>
    %add3A_200 = arith.constant 14 : i32
    %add3A_201 = vector.broadcast %add3A_200 : i32 to vector<16xi32>
    %add3A_202 = arith.addi %mul3A_5, %add3A_201 : vector<16xi32>
    %gather3A_203 = tpu.vector_load_idx %arg12[%add3A_202] : memref<256xf32, #tpu.memory_space<vmem>>[vector<16xi32>], vector<16xf32>,
    %add3A_204 = arith.addf %add3A_184, %gather3A_203 : vector<16xf32>
    %add3A_205 = arith.constant 15 : i32
    %add3A_206 = vector.broadcast %add3A_205 : i32 to vector<16xi32>
    %add3A_207 = arith.addi %mul3A_5, %add3A_206 : vector<16xi32>
    %gather3A_208 = tpu.vector_load_idx %arg12[%add3A_207] : memref<256xf32, #tpu.memory_space<vmem>>[vector<16xi32>], vector<16xf32>,
    %add3A_209 = arith.addf %add3A_189, %gather3A_208 : vector<16xf32>
    %add3A_210 = arith.addf %add3A_194, %add3A_199 : vector<16xf32>
    %add3A_211 = arith.addf %add3A_204, %add3A_209 : vector<16xf32>
    %add3A_212 = arith.addf %add3A_210, %add3A_211 : vector<16xf32>
    %bitcast3A_213 = vector.bitcast %add3A_212 : vector<16xf32> to vector<16xi32>
    %shift_right_arithmetic3A_214 = arith.constant 1 : i32
    %shift_right_arithmetic3A_215 = vector.broadcast %shift_right_arithmetic3A_214 : i32 to vector<16xi32>
    %shift_right_arithmetic3A_216 = arith.shrsi %bitcast3A_213, %shift_right_arithmetic3A_215 : vector<16xi32>
    %sub3A_217 = arith.constant 1597463007 : i32
    %sub3A_218 = vector.broadcast %sub3A_217 : i32 to vector<16xi32>
    %sub3A_219 = arith.subi %sub3A_218, %shift_right_arithmetic3A_216 : vector<16xi32>
    %bitcast3A_220 = vector.bitcast %sub3A_219 : vector<16xi32> to vector<16xf32>
    %mul3A_221 = arith.constant 5.000000e-01 : f32
    %mul3A_222 = vector.broadcast %mul3A_221 : f32 to vector<16xf32>
    %mul3A_223 = arith.mulf %add3A_212, %mul3A_222 : vector<16xf32>
    %mul3A_224 = arith.mulf %mul3A_223, %bitcast3A_220 : vector<16xf32>
    %mul3A_225 = arith.mulf %mul3A_224, %bitcast3A_220 : vector<16xf32>
    %sub3A_226 = arith.constant 1.500000e+00 : f32
    %sub3A_227 = vector.broadcast %sub3A_226 : f32 to vector<16xf32>
    %sub3A_228 = arith.subf %sub3A_227, %mul3A_225 : vector<16xf32>
    %mul3A_229 = arith.mulf %bitcast3A_220, %sub3A_228 : vector<16xf32>
    %mul3A_230 = arith.mulf %mul3A_223, %mul3A_229 : vector<16xf32>
    %mul3A_231 = arith.mulf %mul3A_230, %mul3A_229 : vector<16xf32>
    %sub3A_232 = arith.constant 1.500000e+00 : f32
    %sub3A_233 = vector.broadcast %sub3A_232 : f32 to vector<16xf32>
    %sub3A_234 = arith.subf %sub3A_233, %mul3A_231 : vector<16xf32>
    %mul3A_235 = arith.mulf %mul3A_229, %sub3A_234 : vector<16xf32>
    %mul3A_236 = arith.mulf %add3A_212, %mul3A_235 : vector<16xf32>
    %swap3A_237 = arith.constant 9936 : index
    %swap3A_238 = tpu.vector_load %arg13[%swap3A_237] {strides = array<i32>} : memref<10000xf32, #tpu.memory_space<vmem>>, vector<16xf32>,
    tpu.vector_store %arg13[%swap3A_237], %mul3A_236 {strides = array<i32>} : memref<10000xf32, #tpu.memory_space<vmem>>, vector<16xf32>,
    %parallel_loop3A_239 = arith.constant 0 : i32
    %parallel_loop3A_240 = arith.constant 16 : i32
    %parallel_loop3A_241 = arith.constant 1 : i32
    scf.for %parallel_loop3A_563 = %parallel_loop3A_239 to %parallel_loop3A_240 step %parallel_loop3A_241  : i32 {
      %parallel_loop3A_564 = arith.constant 32 : i32
      %parallel_loop3A_565 = arith.addi %parallel_loop3A_564, %parallel_loop3A_563 : i32
      %parallel_loop3A_566 = arith.constant 0.000000e+00 : f32
      %parallel_loop3A_567 = vector.broadcast %parallel_loop3A_566 : f32 to vector<16xf32>
      %parallel_loop3A_568 = arith.index_cast %parallel_loop3A_565 : i32 to index
      %parallel_loop3A_569 = arith.constant 0 : index
      %parallel_loop3A_570 = tpu.vector_load %arg8[%parallel_loop3A_568, %parallel_loop3A_569] {strides = array<i32>} : memref<80x128xf32, #tpu.memory_space<vmem>>, vector<16xf32>,
      %parallel_loop3A_571 = arith.index_cast %parallel_loop3A_565 : i32 to index
      %parallel_loop3A_572 = arith.constant 0 : index
      %parallel_loop3A_573 = tpu.vector_load %arg9[%parallel_loop3A_571, %parallel_loop3A_572] {strides = array<i32>} : memref<80x128xf32, #tpu.memory_space<vmem>>, vector<16xf32>,
      %parallel_loop3A_574 = arith.subf %parallel_loop3A_570, %parallel_loop3A_573 : vector<16xf32>
      %parallel_loop3A_575 = arith.constant 9.99999997E-7 : f32
      %parallel_loop3A_576 = vector.broadcast %parallel_loop3A_575 : f32 to vector<16xf32>
      %parallel_loop3A_577 = arith.addf %parallel_loop3A_574, %parallel_loop3A_576 : vector<16xf32>
      %parallel_loop3A_578 = arith.mulf %parallel_loop3A_577, %parallel_loop3A_577 : vector<16xf32>
      %parallel_loop3A_579 = arith.addf %parallel_loop3A_567, %parallel_loop3A_578 : vector<16xf32>
      %parallel_loop3A_580 = arith.index_cast %parallel_loop3A_565 : i32 to index
      %parallel_loop3A_581 = arith.constant 16 : index
      %parallel_loop3A_582 = tpu.vector_load %arg8[%parallel_loop3A_580, %parallel_loop3A_581] {strides = array<i32>} : memref<80x128xf32, #tpu.memory_space<vmem>>, vector<16xf32>,
      %parallel_loop3A_583 = arith.index_cast %parallel_loop3A_565 : i32 to index
      %parallel_loop3A_584 = arith.constant 16 : index
      %parallel_loop3A_585 = tpu.vector_load %arg9[%parallel_loop3A_583, %parallel_loop3A_584] {strides = array<i32>} : memref<80x128xf32, #tpu.memory_space<vmem>>, vector<16xf32>,
      %parallel_loop3A_586 = arith.subf %parallel_loop3A_582, %parallel_loop3A_585 : vector<16xf32>
      %parallel_loop3A_587 = arith.constant 9.99999997E-7 : f32
      %parallel_loop3A_588 = vector.broadcast %parallel_loop3A_587 : f32 to vector<16xf32>
      %parallel_loop3A_589 = arith.addf %parallel_loop3A_586, %parallel_loop3A_588 : vector<16xf32>
      %parallel_loop3A_590 = arith.mulf %parallel_loop3A_589, %parallel_loop3A_589 : vector<16xf32>
      %parallel_loop3A_591 = arith.addf %parallel_loop3A_579, %parallel_loop3A_590 : vector<16xf32>
      %parallel_loop3A_592 = arith.index_cast %parallel_loop3A_565 : i32 to index
      %parallel_loop3A_593 = arith.constant 32 : index
      %parallel_loop3A_594 = tpu.vector_load %arg8[%parallel_loop3A_592, %parallel_loop3A_593] {strides = array<i32>} : memref<80x128xf32, #tpu.memory_space<vmem>>, vector<16xf32>,
      %parallel_loop3A_595 = arith.index_cast %parallel_loop3A_565 : i32 to index
      %parallel_loop3A_596 = arith.constant 32 : index
      %parallel_loop3A_597 = tpu.vector_load %arg9[%parallel_loop3A_595, %parallel_loop3A_596] {strides = array<i32>} : memref<80x128xf32, #tpu.memory_space<vmem>>, vector<16xf32>,
      %parallel_loop3A_598 = arith.subf %parallel_loop3A_594, %parallel_loop3A_597 : vector<16xf32>
      %parallel_loop3A_599 = arith.constant 9.99999997E-7 : f32
      %parallel_loop3A_600 = vector.broadcast %parallel_loop3A_599 : f32 to vector<16xf32>
      %parallel_loop3A_601 = arith.addf %parallel_loop3A_598, %parallel_loop3A_600 : vector<16xf32>
      %parallel_loop3A_602 = arith.mulf %parallel_loop3A_601, %parallel_loop3A_601 : vector<16xf32>
      %parallel_loop3A_603 = arith.addf %parallel_loop3A_591, %parallel_loop3A_602 : vector<16xf32>
      %parallel_loop3A_604 = arith.index_cast %parallel_loop3A_565 : i32 to index
      %parallel_loop3A_605 = arith.constant 48 : index
      %parallel_loop3A_606 = tpu.vector_load %arg8[%parallel_loop3A_604, %parallel_loop3A_605] {strides = array<i32>} : memref<80x128xf32, #tpu.memory_space<vmem>>, vector<16xf32>,
      %parallel_loop3A_607 = arith.index_cast %parallel_loop3A_565 : i32 to index
      %parallel_loop3A_608 = arith.constant 48 : index
      %parallel_loop3A_609 = tpu.vector_load %arg9[%parallel_loop3A_607, %parallel_loop3A_608] {strides = array<i32>} : memref<80x128xf32, #tpu.memory_space<vmem>>, vector<16xf32>,
      %parallel_loop3A_610 = arith.subf %parallel_loop3A_606, %parallel_loop3A_609 : vector<16xf32>
      %parallel_loop3A_611 = arith.constant 9.99999997E-7 : f32
      %parallel_loop3A_612 = vector.broadcast %parallel_loop3A_611 : f32 to vector<16xf32>
      %parallel_loop3A_613 = arith.addf %parallel_loop3A_610, %parallel_loop3A_612 : vector<16xf32>
      %parallel_loop3A_614 = arith.mulf %parallel_loop3A_613, %parallel_loop3A_613 : vector<16xf32>
      %parallel_loop3A_615 = arith.addf %parallel_loop3A_603, %parallel_loop3A_614 : vector<16xf32>
      %parallel_loop3A_616 = arith.index_cast %parallel_loop3A_565 : i32 to index
      %parallel_loop3A_617 = arith.constant 64 : index
      %parallel_loop3A_618 = tpu.vector_load %arg8[%parallel_loop3A_616, %parallel_loop3A_617] {strides = array<i32>} : memref<80x128xf32, #tpu.memory_space<vmem>>, vector<16xf32>,
      %parallel_loop3A_619 = arith.index_cast %parallel_loop3A_565 : i32 to index
      %parallel_loop3A_620 = arith.constant 64 : index
      %parallel_loop3A_621 = tpu.vector_load %arg9[%parallel_loop3A_619, %parallel_loop3A_620] {strides = array<i32>} : memref<80x128xf32, #tpu.memory_space<vmem>>, vector<16xf32>,
      %parallel_loop3A_622 = arith.subf %parallel_loop3A_618, %parallel_loop3A_621 : vector<16xf32>
      %parallel_loop3A_623 = arith.constant 9.99999997E-7 : f32
      %parallel_loop3A_624 = vector.broadcast %parallel_loop3A_623 : f32 to vector<16xf32>
      %parallel_loop3A_625 = arith.addf %parallel_loop3A_622, %parallel_loop3A_624 : vector<16xf32>
      %parallel_loop3A_626 = arith.mulf %parallel_loop3A_625, %parallel_loop3A_625 : vector<16xf32>
      %parallel_loop3A_627 = arith.addf %parallel_loop3A_615, %parallel_loop3A_626 : vector<16xf32>
      %parallel_loop3A_628 = arith.index_cast %parallel_loop3A_565 : i32 to index
      %parallel_loop3A_629 = arith.constant 80 : index
      %parallel_loop3A_630 = tpu.vector_load %arg8[%parallel_loop3A_628, %parallel_loop3A_629] {strides = array<i32>} : memref<80x128xf32, #tpu.memory_space<vmem>>, vector<16xf32>,
      %parallel_loop3A_631 = arith.index_cast %parallel_loop3A_565 : i32 to index
      %parallel_loop3A_632 = arith.constant 80 : index
      %parallel_loop3A_633 = tpu.vector_load %arg9[%parallel_loop3A_631, %parallel_loop3A_632] {strides = array<i32>} : memref<80x128xf32, #tpu.memory_space<vmem>>, vector<16xf32>,
      %parallel_loop3A_634 = arith.subf %parallel_loop3A_630, %parallel_loop3A_633 : vector<16xf32>
      %parallel_loop3A_635 = arith.constant 9.99999997E-7 : f32
      %parallel_loop3A_636 = vector.broadcast %parallel_loop3A_635 : f32 to vector<16xf32>
      %parallel_loop3A_637 = arith.addf %parallel_loop3A_634, %parallel_loop3A_636 : vector<16xf32>
      %parallel_loop3A_638 = arith.mulf %parallel_loop3A_637, %parallel_loop3A_637 : vector<16xf32>
      %parallel_loop3A_639 = arith.addf %parallel_loop3A_627, %parallel_loop3A_638 : vector<16xf32>
      %parallel_loop3A_640 = arith.index_cast %parallel_loop3A_565 : i32 to index
      %parallel_loop3A_641 = arith.constant 96 : index
      %parallel_loop3A_642 = tpu.vector_load %arg8[%parallel_loop3A_640, %parallel_loop3A_641] {strides = array<i32>} : memref<80x128xf32, #tpu.memory_space<vmem>>, vector<16xf32>,
      %parallel_loop3A_643 = arith.index_cast %parallel_loop3A_565 : i32 to index
      %parallel_loop3A_644 = arith.constant 96 : index
      %parallel_loop3A_645 = tpu.vector_load %arg9[%parallel_loop3A_643, %parallel_loop3A_644] {strides = array<i32>} : memref<80x128xf32, #tpu.memory_space<vmem>>, vector<16xf32>,
      %parallel_loop3A_646 = arith.subf %parallel_loop3A_642, %parallel_loop3A_645 : vector<16xf32>
      %parallel_loop3A_647 = arith.constant 9.99999997E-7 : f32
      %parallel_loop3A_648 = vector.broadcast %parallel_loop3A_647 : f32 to vector<16xf32>
      %parallel_loop3A_649 = arith.addf %parallel_loop3A_646, %parallel_loop3A_648 : vector<16xf32>
      %parallel_loop3A_650 = arith.mulf %parallel_loop3A_649, %parallel_loop3A_649 : vector<16xf32>
      %parallel_loop3A_651 = arith.addf %parallel_loop3A_639, %parallel_loop3A_650 : vector<16xf32>
      %parallel_loop3A_652 = arith.index_cast %parallel_loop3A_565 : i32 to index
      %parallel_loop3A_653 = arith.constant 112 : index
      %parallel_loop3A_654 = tpu.vector_load %arg8[%parallel_loop3A_652, %parallel_loop3A_653] {strides = array<i32>} : memref<80x128xf32, #tpu.memory_space<vmem>>, vector<16xf32>,
      %parallel_loop3A_655 = arith.index_cast %parallel_loop3A_565 : i32 to index
      %parallel_loop3A_656 = arith.constant 112 : index
      %parallel_loop3A_657 = tpu.vector_load %arg9[%parallel_loop3A_655, %parallel_loop3A_656] {strides = array<i32>} : memref<80x128xf32, #tpu.memory_space<vmem>>, vector<16xf32>,
      %parallel_loop3A_658 = arith.subf %parallel_loop3A_654, %parallel_loop3A_657 : vector<16xf32>
      %parallel_loop3A_659 = arith.constant 9.99999997E-7 : f32
      %parallel_loop3A_660 = vector.broadcast %parallel_loop3A_659 : f32 to vector<16xf32>
      %parallel_loop3A_661 = arith.addf %parallel_loop3A_658, %parallel_loop3A_660 : vector<16xf32>
      %parallel_loop3A_662 = arith.mulf %parallel_loop3A_661, %parallel_loop3A_661 : vector<16xf32>
      %parallel_loop3A_663 = arith.addf %parallel_loop3A_651, %parallel_loop3A_662 : vector<16xf32>
      %parallel_loop3A_664 = arith.constant 16 : i32
      %parallel_loop3A_665 = arith.muli %parallel_loop3A_563, %parallel_loop3A_664 : i32
      %parallel_loop3A_666 = arith.index_cast %parallel_loop3A_665 : i32 to index
      %parallel_loop3A_667 = tpu.vector_load %arg12[%parallel_loop3A_666] {strides = array<i32>} : memref<256xf32, #tpu.memory_space<vmem>>, vector<16xf32>,
      tpu.vector_store %arg12[%parallel_loop3A_666], %parallel_loop3A_663 {strides = array<i32>} : memref<256xf32, #tpu.memory_space<vmem>>, vector<16xf32>,
    } {sc.loop_unroll_factor = 2 : i64, sc.parallel_access}
    %add3A_242 = arith.constant 0 : i32
    %add3A_243 = vector.broadcast %add3A_242 : i32 to vector<16xi32>
    %add3A_244 = arith.addi %mul3A_5, %add3A_243 : vector<16xi32>
    %gather3A_245 = tpu.vector_load_idx %arg12[%add3A_244] : memref<256xf32, #tpu.memory_space<vmem>>[vector<16xi32>], vector<16xf32>,
    %add3A_246 = arith.constant 1 : i32
    %add3A_247 = vector.broadcast %add3A_246 : i32 to vector<16xi32>
    %add3A_248 = arith.addi %mul3A_5, %add3A_247 : vector<16xi32>
    %gather3A_249 = tpu.vector_load_idx %arg12[%add3A_248] : memref<256xf32, #tpu.memory_space<vmem>>[vector<16xi32>], vector<16xf32>,
    %add3A_250 = arith.constant 2 : i32
    %add3A_251 = vector.broadcast %add3A_250 : i32 to vector<16xi32>
    %add3A_252 = arith.addi %mul3A_5, %add3A_251 : vector<16xi32>
    %gather3A_253 = tpu.vector_load_idx %arg12[%add3A_252] : memref<256xf32, #tpu.memory_space<vmem>>[vector<16xi32>], vector<16xf32>,
    %add3A_254 = arith.constant 3 : i32
    %add3A_255 = vector.broadcast %add3A_254 : i32 to vector<16xi32>
    %add3A_256 = arith.addi %mul3A_5, %add3A_255 : vector<16xi32>
    %gather3A_257 = tpu.vector_load_idx %arg12[%add3A_256] : memref<256xf32, #tpu.memory_space<vmem>>[vector<16xi32>], vector<16xf32>,
    %add3A_258 = arith.constant 4 : i32
    %add3A_259 = vector.broadcast %add3A_258 : i32 to vector<16xi32>
    %add3A_260 = arith.addi %mul3A_5, %add3A_259 : vector<16xi32>
    %gather3A_261 = tpu.vector_load_idx %arg12[%add3A_260] : memref<256xf32, #tpu.memory_space<vmem>>[vector<16xi32>], vector<16xf32>,
    %add3A_262 = arith.addf %gather3A_245, %gather3A_261 : vector<16xf32>
    %add3A_263 = arith.constant 5 : i32
    %add3A_264 = vector.broadcast %add3A_263 : i32 to vector<16xi32>
    %add3A_265 = arith.addi %mul3A_5, %add3A_264 : vector<16xi32>
    %gather3A_266 = tpu.vector_load_idx %arg12[%add3A_265] : memref<256xf32, #tpu.memory_space<vmem>>[vector<16xi32>], vector<16xf32>,
    %add3A_267 = arith.addf %gather3A_249, %gather3A_266 : vector<16xf32>
    %add3A_268 = arith.constant 6 : i32
    %add3A_269 = vector.broadcast %add3A_268 : i32 to vector<16xi32>
    %add3A_270 = arith.addi %mul3A_5, %add3A_269 : vector<16xi32>
    %gather3A_271 = tpu.vector_load_idx %arg12[%add3A_270] : memref<256xf32, #tpu.memory_space<vmem>>[vector<16xi32>], vector<16xf32>,
    %add3A_272 = arith.addf %gather3A_253, %gather3A_271 : vector<16xf32>
    %add3A_273 = arith.constant 7 : i32
    %add3A_274 = vector.broadcast %add3A_273 : i32 to vector<16xi32>
    %add3A_275 = arith.addi %mul3A_5, %add3A_274 : vector<16xi32>
    %gather3A_276 = tpu.vector_load_idx %arg12[%add3A_275] : memref<256xf32, #tpu.memory_space<vmem>>[vector<16xi32>], vector<16xf32>,
    %add3A_277 = arith.addf %gather3A_257, %gather3A_276 : vector<16xf32>
    %add3A_278 = arith.constant 8 : i32
    %add3A_279 = vector.broadcast %add3A_278 : i32 to vector<16xi32>
    %add3A_280 = arith.addi %mul3A_5, %add3A_279 : vector<16xi32>
    %gather3A_281 = tpu.vector_load_idx %arg12[%add3A_280] : memref<256xf32, #tpu.memory_space<vmem>>[vector<16xi32>], vector<16xf32>,
    %add3A_282 = arith.addf %add3A_262, %gather3A_281 : vector<16xf32>
    %add3A_283 = arith.constant 9 : i32
    %add3A_284 = vector.broadcast %add3A_283 : i32 to vector<16xi32>
    %add3A_285 = arith.addi %mul3A_5, %add3A_284 : vector<16xi32>
    %gather3A_286 = tpu.vector_load_idx %arg12[%add3A_285] : memref<256xf32, #tpu.memory_space<vmem>>[vector<16xi32>], vector<16xf32>,
    %add3A_287 = arith.addf %add3A_267, %gather3A_286 : vector<16xf32>
    %add3A_288 = arith.constant 10 : i32
    %add3A_289 = vector.broadcast %add3A_288 : i32 to vector<16xi32>
    %add3A_290 = arith.addi %mul3A_5, %add3A_289 : vector<16xi32>
    %gather3A_291 = tpu.vector_load_idx %arg12[%add3A_290] : memref<256xf32, #tpu.memory_space<vmem>>[vector<16xi32>], vector<16xf32>,
    %add3A_292 = arith.addf %add3A_272, %gather3A_291 : vector<16xf32>
    %add3A_293 = arith.constant 11 : i32
    %add3A_294 = vector.broadcast %add3A_293 : i32 to vector<16xi32>
    %add3A_295 = arith.addi %mul3A_5, %add3A_294 : vector<16xi32>
    %gather3A_296 = tpu.vector_load_idx %arg12[%add3A_295] : memref<256xf32, #tpu.memory_space<vmem>>[vector<16xi32>], vector<16xf32>,
    %add3A_297 = arith.addf %add3A_277, %gather3A_296 : vector<16xf32>
    %add3A_298 = arith.constant 12 : i32
    %add3A_299 = vector.broadcast %add3A_298 : i32 to vector<16xi32>
    %add3A_300 = arith.addi %mul3A_5, %add3A_299 : vector<16xi32>
    %gather3A_301 = tpu.vector_load_idx %arg12[%add3A_300] : memref<256xf32, #tpu.memory_space<vmem>>[vector<16xi32>], vector<16xf32>,
    %add3A_302 = arith.addf %add3A_282, %gather3A_301 : vector<16xf32>
    %add3A_303 = arith.constant 13 : i32
    %add3A_304 = vector.broadcast %add3A_303 : i32 to vector<16xi32>
    %add3A_305 = arith.addi %mul3A_5, %add3A_304 : vector<16xi32>
    %gather3A_306 = tpu.vector_load_idx %arg12[%add3A_305] : memref<256xf32, #tpu.memory_space<vmem>>[vector<16xi32>], vector<16xf32>,
    %add3A_307 = arith.addf %add3A_287, %gather3A_306 : vector<16xf32>
    %add3A_308 = arith.constant 14 : i32
    %add3A_309 = vector.broadcast %add3A_308 : i32 to vector<16xi32>
    %add3A_310 = arith.addi %mul3A_5, %add3A_309 : vector<16xi32>
    %gather3A_311 = tpu.vector_load_idx %arg12[%add3A_310] : memref<256xf32, #tpu.memory_space<vmem>>[vector<16xi32>], vector<16xf32>,
    %add3A_312 = arith.addf %add3A_292, %gather3A_311 : vector<16xf32>
    %add3A_313 = arith.constant 15 : i32
    %add3A_314 = vector.broadcast %add3A_313 : i32 to vector<16xi32>
    %add3A_315 = arith.addi %mul3A_5, %add3A_314 : vector<16xi32>
    %gather3A_316 = tpu.vector_load_idx %arg12[%add3A_315] : memref<256xf32, #tpu.memory_space<vmem>>[vector<16xi32>], vector<16xf32>,
    %add3A_317 = arith.addf %add3A_297, %gather3A_316 : vector<16xf32>
    %add3A_318 = arith.addf %add3A_302, %add3A_307 : vector<16xf32>
    %add3A_319 = arith.addf %add3A_312, %add3A_317 : vector<16xf32>
    %add3A_320 = arith.addf %add3A_318, %add3A_319 : vector<16xf32>
    %bitcast3A_321 = vector.bitcast %add3A_320 : vector<16xf32> to vector<16xi32>
    %shift_right_arithmetic3A_322 = arith.constant 1 : i32
    %shift_right_arithmetic3A_323 = vector.broadcast %shift_right_arithmetic3A_322 : i32 to vector<16xi32>
    %shift_right_arithmetic3A_324 = arith.shrsi %bitcast3A_321, %shift_right_arithmetic3A_323 : vector<16xi32>
    %sub3A_325 = arith.constant 1597463007 : i32
    %sub3A_326 = vector.broadcast %sub3A_325 : i32 to vector<16xi32>
    %sub3A_327 = arith.subi %sub3A_326, %shift_right_arithmetic3A_324 : vector<16xi32>
    %bitcast3A_328 = vector.bitcast %sub3A_327 : vector<16xi32> to vector<16xf32>
    %mul3A_329 = arith.constant 5.000000e-01 : f32
    %mul3A_330 = vector.broadcast %mul3A_329 : f32 to vector<16xf32>
    %mul3A_331 = arith.mulf %add3A_320, %mul3A_330 : vector<16xf32>
    %mul3A_332 = arith.mulf %mul3A_331, %bitcast3A_328 : vector<16xf32>
    %mul3A_333 = arith.mulf %mul3A_332, %bitcast3A_328 : vector<16xf32>
    %sub3A_334 = arith.constant 1.500000e+00 : f32
    %sub3A_335 = vector.broadcast %sub3A_334 : f32 to vector<16xf32>
    %sub3A_336 = arith.subf %sub3A_335, %mul3A_333 : vector<16xf32>
    %mul3A_337 = arith.mulf %bitcast3A_328, %sub3A_336 : vector<16xf32>
    %mul3A_338 = arith.mulf %mul3A_331, %mul3A_337 : vector<16xf32>
    %mul3A_339 = arith.mulf %mul3A_338, %mul3A_337 : vector<16xf32>
    %sub3A_340 = arith.constant 1.500000e+00 : f32
    %sub3A_341 = vector.broadcast %sub3A_340 : f32 to vector<16xf32>
    %sub3A_342 = arith.subf %sub3A_341, %mul3A_339 : vector<16xf32>
    %mul3A_343 = arith.mulf %mul3A_337, %sub3A_342 : vector<16xf32>
    %mul3A_344 = arith.mulf %add3A_320, %mul3A_343 : vector<16xf32>
    %swap3A_345 = arith.constant 9952 : index
    %swap3A_346 = tpu.vector_load %arg13[%swap3A_345] {strides = array<i32>} : memref<10000xf32, #tpu.memory_space<vmem>>, vector<16xf32>,
    tpu.vector_store %arg13[%swap3A_345], %mul3A_344 {strides = array<i32>} : memref<10000xf32, #tpu.memory_space<vmem>>, vector<16xf32>,
    %parallel_loop3A_347 = arith.constant 0 : i32
    %parallel_loop3A_348 = arith.constant 16 : i32
    %parallel_loop3A_349 = arith.constant 1 : i32
    scf.for %parallel_loop3A_563 = %parallel_loop3A_347 to %parallel_loop3A_348 step %parallel_loop3A_349  : i32 {
      %parallel_loop3A_564 = arith.constant 48 : i32
      %parallel_loop3A_565 = arith.addi %parallel_loop3A_564, %parallel_loop3A_563 : i32
      %parallel_loop3A_566 = arith.constant 0.000000e+00 : f32
      %parallel_loop3A_567 = vector.broadcast %parallel_loop3A_566 : f32 to vector<16xf32>
      %parallel_loop3A_568 = arith.index_cast %parallel_loop3A_565 : i32 to index
      %parallel_loop3A_569 = arith.constant 0 : index
      %parallel_loop3A_570 = tpu.vector_load %arg8[%parallel_loop3A_568, %parallel_loop3A_569] {strides = array<i32>} : memref<80x128xf32, #tpu.memory_space<vmem>>, vector<16xf32>,
      %parallel_loop3A_571 = arith.index_cast %parallel_loop3A_565 : i32 to index
      %parallel_loop3A_572 = arith.constant 0 : index
      %parallel_loop3A_573 = tpu.vector_load %arg9[%parallel_loop3A_571, %parallel_loop3A_572] {strides = array<i32>} : memref<80x128xf32, #tpu.memory_space<vmem>>, vector<16xf32>,
      %parallel_loop3A_574 = arith.subf %parallel_loop3A_570, %parallel_loop3A_573 : vector<16xf32>
      %parallel_loop3A_575 = arith.constant 9.99999997E-7 : f32
      %parallel_loop3A_576 = vector.broadcast %parallel_loop3A_575 : f32 to vector<16xf32>
      %parallel_loop3A_577 = arith.addf %parallel_loop3A_574, %parallel_loop3A_576 : vector<16xf32>
      %parallel_loop3A_578 = arith.mulf %parallel_loop3A_577, %parallel_loop3A_577 : vector<16xf32>
      %parallel_loop3A_579 = arith.addf %parallel_loop3A_567, %parallel_loop3A_578 : vector<16xf32>
      %parallel_loop3A_580 = arith.index_cast %parallel_loop3A_565 : i32 to index
      %parallel_loop3A_581 = arith.constant 16 : index
      %parallel_loop3A_582 = tpu.vector_load %arg8[%parallel_loop3A_580, %parallel_loop3A_581] {strides = array<i32>} : memref<80x128xf32, #tpu.memory_space<vmem>>, vector<16xf32>,
      %parallel_loop3A_583 = arith.index_cast %parallel_loop3A_565 : i32 to index
      %parallel_loop3A_584 = arith.constant 16 : index
      %parallel_loop3A_585 = tpu.vector_load %arg9[%parallel_loop3A_583, %parallel_loop3A_584] {strides = array<i32>} : memref<80x128xf32, #tpu.memory_space<vmem>>, vector<16xf32>,
      %parallel_loop3A_586 = arith.subf %parallel_loop3A_582, %parallel_loop3A_585 : vector<16xf32>
      %parallel_loop3A_587 = arith.constant 9.99999997E-7 : f32
      %parallel_loop3A_588 = vector.broadcast %parallel_loop3A_587 : f32 to vector<16xf32>
      %parallel_loop3A_589 = arith.addf %parallel_loop3A_586, %parallel_loop3A_588 : vector<16xf32>
      %parallel_loop3A_590 = arith.mulf %parallel_loop3A_589, %parallel_loop3A_589 : vector<16xf32>
      %parallel_loop3A_591 = arith.addf %parallel_loop3A_579, %parallel_loop3A_590 : vector<16xf32>
      %parallel_loop3A_592 = arith.index_cast %parallel_loop3A_565 : i32 to index
      %parallel_loop3A_593 = arith.constant 32 : index
      %parallel_loop3A_594 = tpu.vector_load %arg8[%parallel_loop3A_592, %parallel_loop3A_593] {strides = array<i32>} : memref<80x128xf32, #tpu.memory_space<vmem>>, vector<16xf32>,
      %parallel_loop3A_595 = arith.index_cast %parallel_loop3A_565 : i32 to index
      %parallel_loop3A_596 = arith.constant 32 : index
      %parallel_loop3A_597 = tpu.vector_load %arg9[%parallel_loop3A_595, %parallel_loop3A_596] {strides = array<i32>} : memref<80x128xf32, #tpu.memory_space<vmem>>, vector<16xf32>,
      %parallel_loop3A_598 = arith.subf %parallel_loop3A_594, %parallel_loop3A_597 : vector<16xf32>
      %parallel_loop3A_599 = arith.constant 9.99999997E-7 : f32
      %parallel_loop3A_600 = vector.broadcast %parallel_loop3A_599 : f32 to vector<16xf32>
      %parallel_loop3A_601 = arith.addf %parallel_loop3A_598, %parallel_loop3A_600 : vector<16xf32>
      %parallel_loop3A_602 = arith.mulf %parallel_loop3A_601, %parallel_loop3A_601 : vector<16xf32>
      %parallel_loop3A_603 = arith.addf %parallel_loop3A_591, %parallel_loop3A_602 : vector<16xf32>
      %parallel_loop3A_604 = arith.index_cast %parallel_loop3A_565 : i32 to index
      %parallel_loop3A_605 = arith.constant 48 : index
      %parallel_loop3A_606 = tpu.vector_load %arg8[%parallel_loop3A_604, %parallel_loop3A_605] {strides = array<i32>} : memref<80x128xf32, #tpu.memory_space<vmem>>, vector<16xf32>,
      %parallel_loop3A_607 = arith.index_cast %parallel_loop3A_565 : i32 to index
      %parallel_loop3A_608 = arith.constant 48 : index
      %parallel_loop3A_609 = tpu.vector_load %arg9[%parallel_loop3A_607, %parallel_loop3A_608] {strides = array<i32>} : memref<80x128xf32, #tpu.memory_space<vmem>>, vector<16xf32>,
      %parallel_loop3A_610 = arith.subf %parallel_loop3A_606, %parallel_loop3A_609 : vector<16xf32>
      %parallel_loop3A_611 = arith.constant 9.99999997E-7 : f32
      %parallel_loop3A_612 = vector.broadcast %parallel_loop3A_611 : f32 to vector<16xf32>
      %parallel_loop3A_613 = arith.addf %parallel_loop3A_610, %parallel_loop3A_612 : vector<16xf32>
      %parallel_loop3A_614 = arith.mulf %parallel_loop3A_613, %parallel_loop3A_613 : vector<16xf32>
      %parallel_loop3A_615 = arith.addf %parallel_loop3A_603, %parallel_loop3A_614 : vector<16xf32>
      %parallel_loop3A_616 = arith.index_cast %parallel_loop3A_565 : i32 to index
      %parallel_loop3A_617 = arith.constant 64 : index
      %parallel_loop3A_618 = tpu.vector_load %arg8[%parallel_loop3A_616, %parallel_loop3A_617] {strides = array<i32>} : memref<80x128xf32, #tpu.memory_space<vmem>>, vector<16xf32>,
      %parallel_loop3A_619 = arith.index_cast %parallel_loop3A_565 : i32 to index
      %parallel_loop3A_620 = arith.constant 64 : index
      %parallel_loop3A_621 = tpu.vector_load %arg9[%parallel_loop3A_619, %parallel_loop3A_620] {strides = array<i32>} : memref<80x128xf32, #tpu.memory_space<vmem>>, vector<16xf32>,
      %parallel_loop3A_622 = arith.subf %parallel_loop3A_618, %parallel_loop3A_621 : vector<16xf32>
      %parallel_loop3A_623 = arith.constant 9.99999997E-7 : f32
      %parallel_loop3A_624 = vector.broadcast %parallel_loop3A_623 : f32 to vector<16xf32>
      %parallel_loop3A_625 = arith.addf %parallel_loop3A_622, %parallel_loop3A_624 : vector<16xf32>
      %parallel_loop3A_626 = arith.mulf %parallel_loop3A_625, %parallel_loop3A_625 : vector<16xf32>
      %parallel_loop3A_627 = arith.addf %parallel_loop3A_615, %parallel_loop3A_626 : vector<16xf32>
      %parallel_loop3A_628 = arith.index_cast %parallel_loop3A_565 : i32 to index
      %parallel_loop3A_629 = arith.constant 80 : index
      %parallel_loop3A_630 = tpu.vector_load %arg8[%parallel_loop3A_628, %parallel_loop3A_629] {strides = array<i32>} : memref<80x128xf32, #tpu.memory_space<vmem>>, vector<16xf32>,
      %parallel_loop3A_631 = arith.index_cast %parallel_loop3A_565 : i32 to index
      %parallel_loop3A_632 = arith.constant 80 : index
      %parallel_loop3A_633 = tpu.vector_load %arg9[%parallel_loop3A_631, %parallel_loop3A_632] {strides = array<i32>} : memref<80x128xf32, #tpu.memory_space<vmem>>, vector<16xf32>,
      %parallel_loop3A_634 = arith.subf %parallel_loop3A_630, %parallel_loop3A_633 : vector<16xf32>
      %parallel_loop3A_635 = arith.constant 9.99999997E-7 : f32
      %parallel_loop3A_636 = vector.broadcast %parallel_loop3A_635 : f32 to vector<16xf32>
      %parallel_loop3A_637 = arith.addf %parallel_loop3A_634, %parallel_loop3A_636 : vector<16xf32>
      %parallel_loop3A_638 = arith.mulf %parallel_loop3A_637, %parallel_loop3A_637 : vector<16xf32>
      %parallel_loop3A_639 = arith.addf %parallel_loop3A_627, %parallel_loop3A_638 : vector<16xf32>
      %parallel_loop3A_640 = arith.index_cast %parallel_loop3A_565 : i32 to index
      %parallel_loop3A_641 = arith.constant 96 : index
      %parallel_loop3A_642 = tpu.vector_load %arg8[%parallel_loop3A_640, %parallel_loop3A_641] {strides = array<i32>} : memref<80x128xf32, #tpu.memory_space<vmem>>, vector<16xf32>,
      %parallel_loop3A_643 = arith.index_cast %parallel_loop3A_565 : i32 to index
      %parallel_loop3A_644 = arith.constant 96 : index
      %parallel_loop3A_645 = tpu.vector_load %arg9[%parallel_loop3A_643, %parallel_loop3A_644] {strides = array<i32>} : memref<80x128xf32, #tpu.memory_space<vmem>>, vector<16xf32>,
      %parallel_loop3A_646 = arith.subf %parallel_loop3A_642, %parallel_loop3A_645 : vector<16xf32>
      %parallel_loop3A_647 = arith.constant 9.99999997E-7 : f32
      %parallel_loop3A_648 = vector.broadcast %parallel_loop3A_647 : f32 to vector<16xf32>
      %parallel_loop3A_649 = arith.addf %parallel_loop3A_646, %parallel_loop3A_648 : vector<16xf32>
      %parallel_loop3A_650 = arith.mulf %parallel_loop3A_649, %parallel_loop3A_649 : vector<16xf32>
      %parallel_loop3A_651 = arith.addf %parallel_loop3A_639, %parallel_loop3A_650 : vector<16xf32>
      %parallel_loop3A_652 = arith.index_cast %parallel_loop3A_565 : i32 to index
      %parallel_loop3A_653 = arith.constant 112 : index
      %parallel_loop3A_654 = tpu.vector_load %arg8[%parallel_loop3A_652, %parallel_loop3A_653] {strides = array<i32>} : memref<80x128xf32, #tpu.memory_space<vmem>>, vector<16xf32>,
      %parallel_loop3A_655 = arith.index_cast %parallel_loop3A_565 : i32 to index
      %parallel_loop3A_656 = arith.constant 112 : index
      %parallel_loop3A_657 = tpu.vector_load %arg9[%parallel_loop3A_655, %parallel_loop3A_656] {strides = array<i32>} : memref<80x128xf32, #tpu.memory_space<vmem>>, vector<16xf32>,
      %parallel_loop3A_658 = arith.subf %parallel_loop3A_654, %parallel_loop3A_657 : vector<16xf32>
      %parallel_loop3A_659 = arith.constant 9.99999997E-7 : f32
      %parallel_loop3A_660 = vector.broadcast %parallel_loop3A_659 : f32 to vector<16xf32>
      %parallel_loop3A_661 = arith.addf %parallel_loop3A_658, %parallel_loop3A_660 : vector<16xf32>
      %parallel_loop3A_662 = arith.mulf %parallel_loop3A_661, %parallel_loop3A_661 : vector<16xf32>
      %parallel_loop3A_663 = arith.addf %parallel_loop3A_651, %parallel_loop3A_662 : vector<16xf32>
      %parallel_loop3A_664 = arith.constant 16 : i32
      %parallel_loop3A_665 = arith.muli %parallel_loop3A_563, %parallel_loop3A_664 : i32
      %parallel_loop3A_666 = arith.index_cast %parallel_loop3A_665 : i32 to index
      %parallel_loop3A_667 = tpu.vector_load %arg12[%parallel_loop3A_666] {strides = array<i32>} : memref<256xf32, #tpu.memory_space<vmem>>, vector<16xf32>,
      tpu.vector_store %arg12[%parallel_loop3A_666], %parallel_loop3A_663 {strides = array<i32>} : memref<256xf32, #tpu.memory_space<vmem>>, vector<16xf32>,
    } {sc.loop_unroll_factor = 2 : i64, sc.parallel_access}
    %add3A_350 = arith.constant 0 : i32
    %add3A_351 = vector.broadcast %add3A_350 : i32 to vector<16xi32>
    %add3A_352 = arith.addi %mul3A_5, %add3A_351 : vector<16xi32>
    %gather3A_353 = tpu.vector_load_idx %arg12[%add3A_352] : memref<256xf32, #tpu.memory_space<vmem>>[vector<16xi32>], vector<16xf32>,
    %add3A_354 = arith.constant 1 : i32
    %add3A_355 = vector.broadcast %add3A_354 : i32 to vector<16xi32>
    %add3A_356 = arith.addi %mul3A_5, %add3A_355 : vector<16xi32>
    %gather3A_357 = tpu.vector_load_idx %arg12[%add3A_356] : memref<256xf32, #tpu.memory_space<vmem>>[vector<16xi32>], vector<16xf32>,
    %add3A_358 = arith.constant 2 : i32
    %add3A_359 = vector.broadcast %add3A_358 : i32 to vector<16xi32>
    %add3A_360 = arith.addi %mul3A_5, %add3A_359 : vector<16xi32>
    %gather3A_361 = tpu.vector_load_idx %arg12[%add3A_360] : memref<256xf32, #tpu.memory_space<vmem>>[vector<16xi32>], vector<16xf32>,
    %add3A_362 = arith.constant 3 : i32
    %add3A_363 = vector.broadcast %add3A_362 : i32 to vector<16xi32>
    %add3A_364 = arith.addi %mul3A_5, %add3A_363 : vector<16xi32>
    %gather3A_365 = tpu.vector_load_idx %arg12[%add3A_364] : memref<256xf32, #tpu.memory_space<vmem>>[vector<16xi32>], vector<16xf32>,
    %add3A_366 = arith.constant 4 : i32
    %add3A_367 = vector.broadcast %add3A_366 : i32 to vector<16xi32>
    %add3A_368 = arith.addi %mul3A_5, %add3A_367 : vector<16xi32>
    %gather3A_369 = tpu.vector_load_idx %arg12[%add3A_368] : memref<256xf32, #tpu.memory_space<vmem>>[vector<16xi32>], vector<16xf32>,
    %add3A_370 = arith.addf %gather3A_353, %gather3A_369 : vector<16xf32>
    %add3A_371 = arith.constant 5 : i32
    %add3A_372 = vector.broadcast %add3A_371 : i32 to vector<16xi32>
    %add3A_373 = arith.addi %mul3A_5, %add3A_372 : vector<16xi32>
    %gather3A_374 = tpu.vector_load_idx %arg12[%add3A_373] : memref<256xf32, #tpu.memory_space<vmem>>[vector<16xi32>], vector<16xf32>,
    %add3A_375 = arith.addf %gather3A_357, %gather3A_374 : vector<16xf32>
    %add3A_376 = arith.constant 6 : i32
    %add3A_377 = vector.broadcast %add3A_376 : i32 to vector<16xi32>
    %add3A_378 = arith.addi %mul3A_5, %add3A_377 : vector<16xi32>
    %gather3A_379 = tpu.vector_load_idx %arg12[%add3A_378] : memref<256xf32, #tpu.memory_space<vmem>>[vector<16xi32>], vector<16xf32>,
    %add3A_380 = arith.addf %gather3A_361, %gather3A_379 : vector<16xf32>
    %add3A_381 = arith.constant 7 : i32
    %add3A_382 = vector.broadcast %add3A_381 : i32 to vector<16xi32>
    %add3A_383 = arith.addi %mul3A_5, %add3A_382 : vector<16xi32>
    %gather3A_384 = tpu.vector_load_idx %arg12[%add3A_383] : memref<256xf32, #tpu.memory_space<vmem>>[vector<16xi32>], vector<16xf32>,
    %add3A_385 = arith.addf %gather3A_365, %gather3A_384 : vector<16xf32>
    %add3A_386 = arith.constant 8 : i32
    %add3A_387 = vector.broadcast %add3A_386 : i32 to vector<16xi32>
    %add3A_388 = arith.addi %mul3A_5, %add3A_387 : vector<16xi32>
    %gather3A_389 = tpu.vector_load_idx %arg12[%add3A_388] : memref<256xf32, #tpu.memory_space<vmem>>[vector<16xi32>], vector<16xf32>,
    %add3A_390 = arith.addf %add3A_370, %gather3A_389 : vector<16xf32>
    %add3A_391 = arith.constant 9 : i32
    %add3A_392 = vector.broadcast %add3A_391 : i32 to vector<16xi32>
    %add3A_393 = arith.addi %mul3A_5, %add3A_392 : vector<16xi32>
    %gather3A_394 = tpu.vector_load_idx %arg12[%add3A_393] : memref<256xf32, #tpu.memory_space<vmem>>[vector<16xi32>], vector<16xf32>,
    %add3A_395 = arith.addf %add3A_375, %gather3A_394 : vector<16xf32>
    %add3A_396 = arith.constant 10 : i32
    %add3A_397 = vector.broadcast %add3A_396 : i32 to vector<16xi32>
    %add3A_398 = arith.addi %mul3A_5, %add3A_397 : vector<16xi32>
    %gather3A_399 = tpu.vector_load_idx %arg12[%add3A_398] : memref<256xf32, #tpu.memory_space<vmem>>[vector<16xi32>], vector<16xf32>,
    %add3A_400 = arith.addf %add3A_380, %gather3A_399 : vector<16xf32>
    %add3A_401 = arith.constant 11 : i32
    %add3A_402 = vector.broadcast %add3A_401 : i32 to vector<16xi32>
    %add3A_403 = arith.addi %mul3A_5, %add3A_402 : vector<16xi32>
    %gather3A_404 = tpu.vector_load_idx %arg12[%add3A_403] : memref<256xf32, #tpu.memory_space<vmem>>[vector<16xi32>], vector<16xf32>,
    %add3A_405 = arith.addf %add3A_385, %gather3A_404 : vector<16xf32>
    %add3A_406 = arith.constant 12 : i32
    %add3A_407 = vector.broadcast %add3A_406 : i32 to vector<16xi32>
    %add3A_408 = arith.addi %mul3A_5, %add3A_407 : vector<16xi32>
    %gather3A_409 = tpu.vector_load_idx %arg12[%add3A_408] : memref<256xf32, #tpu.memory_space<vmem>>[vector<16xi32>], vector<16xf32>,
    %add3A_410 = arith.addf %add3A_390, %gather3A_409 : vector<16xf32>
    %add3A_411 = arith.constant 13 : i32
    %add3A_412 = vector.broadcast %add3A_411 : i32 to vector<16xi32>
    %add3A_413 = arith.addi %mul3A_5, %add3A_412 : vector<16xi32>
    %gather3A_414 = tpu.vector_load_idx %arg12[%add3A_413] : memref<256xf32, #tpu.memory_space<vmem>>[vector<16xi32>], vector<16xf32>,
    %add3A_415 = arith.addf %add3A_395, %gather3A_414 : vector<16xf32>
    %add3A_416 = arith.constant 14 : i32
    %add3A_417 = vector.broadcast %add3A_416 : i32 to vector<16xi32>
    %add3A_418 = arith.addi %mul3A_5, %add3A_417 : vector<16xi32>
    %gather3A_419 = tpu.vector_load_idx %arg12[%add3A_418] : memref<256xf32, #tpu.memory_space<vmem>>[vector<16xi32>], vector<16xf32>,
    %add3A_420 = arith.addf %add3A_400, %gather3A_419 : vector<16xf32>
    %add3A_421 = arith.constant 15 : i32
    %add3A_422 = vector.broadcast %add3A_421 : i32 to vector<16xi32>
    %add3A_423 = arith.addi %mul3A_5, %add3A_422 : vector<16xi32>
    %gather3A_424 = tpu.vector_load_idx %arg12[%add3A_423] : memref<256xf32, #tpu.memory_space<vmem>>[vector<16xi32>], vector<16xf32>,
    %add3A_425 = arith.addf %add3A_405, %gather3A_424 : vector<16xf32>
    %add3A_426 = arith.addf %add3A_410, %add3A_415 : vector<16xf32>
    %add3A_427 = arith.addf %add3A_420, %add3A_425 : vector<16xf32>
    %add3A_428 = arith.addf %add3A_426, %add3A_427 : vector<16xf32>
    %bitcast3A_429 = vector.bitcast %add3A_428 : vector<16xf32> to vector<16xi32>
    %shift_right_arithmetic3A_430 = arith.constant 1 : i32
    %shift_right_arithmetic3A_431 = vector.broadcast %shift_right_arithmetic3A_430 : i32 to vector<16xi32>
    %shift_right_arithmetic3A_432 = arith.shrsi %bitcast3A_429, %shift_right_arithmetic3A_431 : vector<16xi32>
    %sub3A_433 = arith.constant 1597463007 : i32
    %sub3A_434 = vector.broadcast %sub3A_433 : i32 to vector<16xi32>
    %sub3A_435 = arith.subi %sub3A_434, %shift_right_arithmetic3A_432 : vector<16xi32>
    %bitcast3A_436 = vector.bitcast %sub3A_435 : vector<16xi32> to vector<16xf32>
    %mul3A_437 = arith.constant 5.000000e-01 : f32
    %mul3A_438 = vector.broadcast %mul3A_437 : f32 to vector<16xf32>
    %mul3A_439 = arith.mulf %add3A_428, %mul3A_438 : vector<16xf32>
    %mul3A_440 = arith.mulf %mul3A_439, %bitcast3A_436 : vector<16xf32>
    %mul3A_441 = arith.mulf %mul3A_440, %bitcast3A_436 : vector<16xf32>
    %sub3A_442 = arith.constant 1.500000e+00 : f32
    %sub3A_443 = vector.broadcast %sub3A_442 : f32 to vector<16xf32>
    %sub3A_444 = arith.subf %sub3A_443, %mul3A_441 : vector<16xf32>
    %mul3A_445 = arith.mulf %bitcast3A_436, %sub3A_444 : vector<16xf32>
    %mul3A_446 = arith.mulf %mul3A_439, %mul3A_445 : vector<16xf32>
    %mul3A_447 = arith.mulf %mul3A_446, %mul3A_445 : vector<16xf32>
    %sub3A_448 = arith.constant 1.500000e+00 : f32
    %sub3A_449 = vector.broadcast %sub3A_448 : f32 to vector<16xf32>
    %sub3A_450 = arith.subf %sub3A_449, %mul3A_447 : vector<16xf32>
    %mul3A_451 = arith.mulf %mul3A_445, %sub3A_450 : vector<16xf32>
    %mul3A_452 = arith.mulf %add3A_428, %mul3A_451 : vector<16xf32>
    %swap3A_453 = arith.constant 9968 : index
    %swap3A_454 = tpu.vector_load %arg13[%swap3A_453] {strides = array<i32>} : memref<10000xf32, #tpu.memory_space<vmem>>, vector<16xf32>,
    tpu.vector_store %arg13[%swap3A_453], %mul3A_452 {strides = array<i32>} : memref<10000xf32, #tpu.memory_space<vmem>>, vector<16xf32>,
    %parallel_loop3A_455 = arith.constant 0 : i32
    %parallel_loop3A_456 = arith.constant 16 : i32
    %parallel_loop3A_457 = arith.constant 1 : i32
    scf.for %parallel_loop3A_563 = %parallel_loop3A_455 to %parallel_loop3A_456 step %parallel_loop3A_457  : i32 {
      %parallel_loop3A_564 = arith.constant 64 : i32
      %parallel_loop3A_565 = arith.addi %parallel_loop3A_564, %parallel_loop3A_563 : i32
      %parallel_loop3A_566 = arith.constant 0.000000e+00 : f32
      %parallel_loop3A_567 = vector.broadcast %parallel_loop3A_566 : f32 to vector<16xf32>
      %parallel_loop3A_568 = arith.index_cast %parallel_loop3A_565 : i32 to index
      %parallel_loop3A_569 = arith.constant 0 : index
      %parallel_loop3A_570 = tpu.vector_load %arg8[%parallel_loop3A_568, %parallel_loop3A_569] {strides = array<i32>} : memref<80x128xf32, #tpu.memory_space<vmem>>, vector<16xf32>,
      %parallel_loop3A_571 = arith.index_cast %parallel_loop3A_565 : i32 to index
      %parallel_loop3A_572 = arith.constant 0 : index
      %parallel_loop3A_573 = tpu.vector_load %arg9[%parallel_loop3A_571, %parallel_loop3A_572] {strides = array<i32>} : memref<80x128xf32, #tpu.memory_space<vmem>>, vector<16xf32>,
      %parallel_loop3A_574 = arith.subf %parallel_loop3A_570, %parallel_loop3A_573 : vector<16xf32>
      %parallel_loop3A_575 = arith.constant 9.99999997E-7 : f32
      %parallel_loop3A_576 = vector.broadcast %parallel_loop3A_575 : f32 to vector<16xf32>
      %parallel_loop3A_577 = arith.addf %parallel_loop3A_574, %parallel_loop3A_576 : vector<16xf32>
      %parallel_loop3A_578 = arith.mulf %parallel_loop3A_577, %parallel_loop3A_577 : vector<16xf32>
      %parallel_loop3A_579 = arith.addf %parallel_loop3A_567, %parallel_loop3A_578 : vector<16xf32>
      %parallel_loop3A_580 = arith.index_cast %parallel_loop3A_565 : i32 to index
      %parallel_loop3A_581 = arith.constant 16 : index
      %parallel_loop3A_582 = tpu.vector_load %arg8[%parallel_loop3A_580, %parallel_loop3A_581] {strides = array<i32>} : memref<80x128xf32, #tpu.memory_space<vmem>>, vector<16xf32>,
      %parallel_loop3A_583 = arith.index_cast %parallel_loop3A_565 : i32 to index
      %parallel_loop3A_584 = arith.constant 16 : index
      %parallel_loop3A_585 = tpu.vector_load %arg9[%parallel_loop3A_583, %parallel_loop3A_584] {strides = array<i32>} : memref<80x128xf32, #tpu.memory_space<vmem>>, vector<16xf32>,
      %parallel_loop3A_586 = arith.subf %parallel_loop3A_582, %parallel_loop3A_585 : vector<16xf32>
      %parallel_loop3A_587 = arith.constant 9.99999997E-7 : f32
      %parallel_loop3A_588 = vector.broadcast %parallel_loop3A_587 : f32 to vector<16xf32>
      %parallel_loop3A_589 = arith.addf %parallel_loop3A_586, %parallel_loop3A_588 : vector<16xf32>
      %parallel_loop3A_590 = arith.mulf %parallel_loop3A_589, %parallel_loop3A_589 : vector<16xf32>
      %parallel_loop3A_591 = arith.addf %parallel_loop3A_579, %parallel_loop3A_590 : vector<16xf32>
      %parallel_loop3A_592 = arith.index_cast %parallel_loop3A_565 : i32 to index
      %parallel_loop3A_593 = arith.constant 32 : index
      %parallel_loop3A_594 = tpu.vector_load %arg8[%parallel_loop3A_592, %parallel_loop3A_593] {strides = array<i32>} : memref<80x128xf32, #tpu.memory_space<vmem>>, vector<16xf32>,
      %parallel_loop3A_595 = arith.index_cast %parallel_loop3A_565 : i32 to index
      %parallel_loop3A_596 = arith.constant 32 : index
      %parallel_loop3A_597 = tpu.vector_load %arg9[%parallel_loop3A_595, %parallel_loop3A_596] {strides = array<i32>} : memref<80x128xf32, #tpu.memory_space<vmem>>, vector<16xf32>,
      %parallel_loop3A_598 = arith.subf %parallel_loop3A_594, %parallel_loop3A_597 : vector<16xf32>
      %parallel_loop3A_599 = arith.constant 9.99999997E-7 : f32
      %parallel_loop3A_600 = vector.broadcast %parallel_loop3A_599 : f32 to vector<16xf32>
      %parallel_loop3A_601 = arith.addf %parallel_loop3A_598, %parallel_loop3A_600 : vector<16xf32>
      %parallel_loop3A_602 = arith.mulf %parallel_loop3A_601, %parallel_loop3A_601 : vector<16xf32>
      %parallel_loop3A_603 = arith.addf %parallel_loop3A_591, %parallel_loop3A_602 : vector<16xf32>
      %parallel_loop3A_604 = arith.index_cast %parallel_loop3A_565 : i32 to index
      %parallel_loop3A_605 = arith.constant 48 : index
      %parallel_loop3A_606 = tpu.vector_load %arg8[%parallel_loop3A_604, %parallel_loop3A_605] {strides = array<i32>} : memref<80x128xf32, #tpu.memory_space<vmem>>, vector<16xf32>,
      %parallel_loop3A_607 = arith.index_cast %parallel_loop3A_565 : i32 to index
      %parallel_loop3A_608 = arith.constant 48 : index
      %parallel_loop3A_609 = tpu.vector_load %arg9[%parallel_loop3A_607, %parallel_loop3A_608] {strides = array<i32>} : memref<80x128xf32, #tpu.memory_space<vmem>>, vector<16xf32>,
      %parallel_loop3A_610 = arith.subf %parallel_loop3A_606, %parallel_loop3A_609 : vector<16xf32>
      %parallel_loop3A_611 = arith.constant 9.99999997E-7 : f32
      %parallel_loop3A_612 = vector.broadcast %parallel_loop3A_611 : f32 to vector<16xf32>
      %parallel_loop3A_613 = arith.addf %parallel_loop3A_610, %parallel_loop3A_612 : vector<16xf32>
      %parallel_loop3A_614 = arith.mulf %parallel_loop3A_613, %parallel_loop3A_613 : vector<16xf32>
      %parallel_loop3A_615 = arith.addf %parallel_loop3A_603, %parallel_loop3A_614 : vector<16xf32>
      %parallel_loop3A_616 = arith.index_cast %parallel_loop3A_565 : i32 to index
      %parallel_loop3A_617 = arith.constant 64 : index
      %parallel_loop3A_618 = tpu.vector_load %arg8[%parallel_loop3A_616, %parallel_loop3A_617] {strides = array<i32>} : memref<80x128xf32, #tpu.memory_space<vmem>>, vector<16xf32>,
      %parallel_loop3A_619 = arith.index_cast %parallel_loop3A_565 : i32 to index
      %parallel_loop3A_620 = arith.constant 64 : index
      %parallel_loop3A_621 = tpu.vector_load %arg9[%parallel_loop3A_619, %parallel_loop3A_620] {strides = array<i32>} : memref<80x128xf32, #tpu.memory_space<vmem>>, vector<16xf32>,
      %parallel_loop3A_622 = arith.subf %parallel_loop3A_618, %parallel_loop3A_621 : vector<16xf32>
      %parallel_loop3A_623 = arith.constant 9.99999997E-7 : f32
      %parallel_loop3A_624 = vector.broadcast %parallel_loop3A_623 : f32 to vector<16xf32>
      %parallel_loop3A_625 = arith.addf %parallel_loop3A_622, %parallel_loop3A_624 : vector<16xf32>
      %parallel_loop3A_626 = arith.mulf %parallel_loop3A_625, %parallel_loop3A_625 : vector<16xf32>
      %parallel_loop3A_627 = arith.addf %parallel_loop3A_615, %parallel_loop3A_626 : vector<16xf32>
      %parallel_loop3A_628 = arith.index_cast %parallel_loop3A_565 : i32 to index
      %parallel_loop3A_629 = arith.constant 80 : index
      %parallel_loop3A_630 = tpu.vector_load %arg8[%parallel_loop3A_628, %parallel_loop3A_629] {strides = array<i32>} : memref<80x128xf32, #tpu.memory_space<vmem>>, vector<16xf32>,
      %parallel_loop3A_631 = arith.index_cast %parallel_loop3A_565 : i32 to index
      %parallel_loop3A_632 = arith.constant 80 : index
      %parallel_loop3A_633 = tpu.vector_load %arg9[%parallel_loop3A_631, %parallel_loop3A_632] {strides = array<i32>} : memref<80x128xf32, #tpu.memory_space<vmem>>, vector<16xf32>,
      %parallel_loop3A_634 = arith.subf %parallel_loop3A_630, %parallel_loop3A_633 : vector<16xf32>
      %parallel_loop3A_635 = arith.constant 9.99999997E-7 : f32
      %parallel_loop3A_636 = vector.broadcast %parallel_loop3A_635 : f32 to vector<16xf32>
      %parallel_loop3A_637 = arith.addf %parallel_loop3A_634, %parallel_loop3A_636 : vector<16xf32>
      %parallel_loop3A_638 = arith.mulf %parallel_loop3A_637, %parallel_loop3A_637 : vector<16xf32>
      %parallel_loop3A_639 = arith.addf %parallel_loop3A_627, %parallel_loop3A_638 : vector<16xf32>
      %parallel_loop3A_640 = arith.index_cast %parallel_loop3A_565 : i32 to index
      %parallel_loop3A_641 = arith.constant 96 : index
      %parallel_loop3A_642 = tpu.vector_load %arg8[%parallel_loop3A_640, %parallel_loop3A_641] {strides = array<i32>} : memref<80x128xf32, #tpu.memory_space<vmem>>, vector<16xf32>,
      %parallel_loop3A_643 = arith.index_cast %parallel_loop3A_565 : i32 to index
      %parallel_loop3A_644 = arith.constant 96 : index
      %parallel_loop3A_645 = tpu.vector_load %arg9[%parallel_loop3A_643, %parallel_loop3A_644] {strides = array<i32>} : memref<80x128xf32, #tpu.memory_space<vmem>>, vector<16xf32>,
      %parallel_loop3A_646 = arith.subf %parallel_loop3A_642, %parallel_loop3A_645 : vector<16xf32>
      %parallel_loop3A_647 = arith.constant 9.99999997E-7 : f32
      %parallel_loop3A_648 = vector.broadcast %parallel_loop3A_647 : f32 to vector<16xf32>
      %parallel_loop3A_649 = arith.addf %parallel_loop3A_646, %parallel_loop3A_648 : vector<16xf32>
      %parallel_loop3A_650 = arith.mulf %parallel_loop3A_649, %parallel_loop3A_649 : vector<16xf32>
      %parallel_loop3A_651 = arith.addf %parallel_loop3A_639, %parallel_loop3A_650 : vector<16xf32>
      %parallel_loop3A_652 = arith.index_cast %parallel_loop3A_565 : i32 to index
      %parallel_loop3A_653 = arith.constant 112 : index
      %parallel_loop3A_654 = tpu.vector_load %arg8[%parallel_loop3A_652, %parallel_loop3A_653] {strides = array<i32>} : memref<80x128xf32, #tpu.memory_space<vmem>>, vector<16xf32>,
      %parallel_loop3A_655 = arith.index_cast %parallel_loop3A_565 : i32 to index
      %parallel_loop3A_656 = arith.constant 112 : index
      %parallel_loop3A_657 = tpu.vector_load %arg9[%parallel_loop3A_655, %parallel_loop3A_656] {strides = array<i32>} : memref<80x128xf32, #tpu.memory_space<vmem>>, vector<16xf32>,
      %parallel_loop3A_658 = arith.subf %parallel_loop3A_654, %parallel_loop3A_657 : vector<16xf32>
      %parallel_loop3A_659 = arith.constant 9.99999997E-7 : f32
      %parallel_loop3A_660 = vector.broadcast %parallel_loop3A_659 : f32 to vector<16xf32>
      %parallel_loop3A_661 = arith.addf %parallel_loop3A_658, %parallel_loop3A_660 : vector<16xf32>
      %parallel_loop3A_662 = arith.mulf %parallel_loop3A_661, %parallel_loop3A_661 : vector<16xf32>
      %parallel_loop3A_663 = arith.addf %parallel_loop3A_651, %parallel_loop3A_662 : vector<16xf32>
      %parallel_loop3A_664 = arith.constant 16 : i32
      %parallel_loop3A_665 = arith.muli %parallel_loop3A_563, %parallel_loop3A_664 : i32
      %parallel_loop3A_666 = arith.index_cast %parallel_loop3A_665 : i32 to index
      %parallel_loop3A_667 = tpu.vector_load %arg12[%parallel_loop3A_666] {strides = array<i32>} : memref<256xf32, #tpu.memory_space<vmem>>, vector<16xf32>,
      tpu.vector_store %arg12[%parallel_loop3A_666], %parallel_loop3A_663 {strides = array<i32>} : memref<256xf32, #tpu.memory_space<vmem>>, vector<16xf32>,
    } {sc.loop_unroll_factor = 2 : i64, sc.parallel_access}
    %add3A_458 = arith.constant 0 : i32
    %add3A_459 = vector.broadcast %add3A_458 : i32 to vector<16xi32>
    %add3A_460 = arith.addi %mul3A_5, %add3A_459 : vector<16xi32>
    %gather3A_461 = tpu.vector_load_idx %arg12[%add3A_460] : memref<256xf32, #tpu.memory_space<vmem>>[vector<16xi32>], vector<16xf32>,
    %add3A_462 = arith.constant 1 : i32
    %add3A_463 = vector.broadcast %add3A_462 : i32 to vector<16xi32>
    %add3A_464 = arith.addi %mul3A_5, %add3A_463 : vector<16xi32>
    %gather3A_465 = tpu.vector_load_idx %arg12[%add3A_464] : memref<256xf32, #tpu.memory_space<vmem>>[vector<16xi32>], vector<16xf32>,
    %add3A_466 = arith.constant 2 : i32
    %add3A_467 = vector.broadcast %add3A_466 : i32 to vector<16xi32>
    %add3A_468 = arith.addi %mul3A_5, %add3A_467 : vector<16xi32>
    %gather3A_469 = tpu.vector_load_idx %arg12[%add3A_468] : memref<256xf32, #tpu.memory_space<vmem>>[vector<16xi32>], vector<16xf32>,
    %add3A_470 = arith.constant 3 : i32
    %add3A_471 = vector.broadcast %add3A_470 : i32 to vector<16xi32>
    %add3A_472 = arith.addi %mul3A_5, %add3A_471 : vector<16xi32>
    %gather3A_473 = tpu.vector_load_idx %arg12[%add3A_472] : memref<256xf32, #tpu.memory_space<vmem>>[vector<16xi32>], vector<16xf32>,
    %add3A_474 = arith.constant 4 : i32
    %add3A_475 = vector.broadcast %add3A_474 : i32 to vector<16xi32>
    %add3A_476 = arith.addi %mul3A_5, %add3A_475 : vector<16xi32>
    %gather3A_477 = tpu.vector_load_idx %arg12[%add3A_476] : memref<256xf32, #tpu.memory_space<vmem>>[vector<16xi32>], vector<16xf32>,
    %add3A_478 = arith.addf %gather3A_461, %gather3A_477 : vector<16xf32>
    %add3A_479 = arith.constant 5 : i32
    %add3A_480 = vector.broadcast %add3A_479 : i32 to vector<16xi32>
    %add3A_481 = arith.addi %mul3A_5, %add3A_480 : vector<16xi32>
    %gather3A_482 = tpu.vector_load_idx %arg12[%add3A_481] : memref<256xf32, #tpu.memory_space<vmem>>[vector<16xi32>], vector<16xf32>,
    %add3A_483 = arith.addf %gather3A_465, %gather3A_482 : vector<16xf32>
    %add3A_484 = arith.constant 6 : i32
    %add3A_485 = vector.broadcast %add3A_484 : i32 to vector<16xi32>
    %add3A_486 = arith.addi %mul3A_5, %add3A_485 : vector<16xi32>
    %gather3A_487 = tpu.vector_load_idx %arg12[%add3A_486] : memref<256xf32, #tpu.memory_space<vmem>>[vector<16xi32>], vector<16xf32>,
    %add3A_488 = arith.addf %gather3A_469, %gather3A_487 : vector<16xf32>
    %add3A_489 = arith.constant 7 : i32
    %add3A_490 = vector.broadcast %add3A_489 : i32 to vector<16xi32>
    %add3A_491 = arith.addi %mul3A_5, %add3A_490 : vector<16xi32>
    %gather3A_492 = tpu.vector_load_idx %arg12[%add3A_491] : memref<256xf32, #tpu.memory_space<vmem>>[vector<16xi32>], vector<16xf32>,
    %add3A_493 = arith.addf %gather3A_473, %gather3A_492 : vector<16xf32>
    %add3A_494 = arith.constant 8 : i32
    %add3A_495 = vector.broadcast %add3A_494 : i32 to vector<16xi32>
    %add3A_496 = arith.addi %mul3A_5, %add3A_495 : vector<16xi32>
    %gather3A_497 = tpu.vector_load_idx %arg12[%add3A_496] : memref<256xf32, #tpu.memory_space<vmem>>[vector<16xi32>], vector<16xf32>,
    %add3A_498 = arith.addf %add3A_478, %gather3A_497 : vector<16xf32>
    %add3A_499 = arith.constant 9 : i32
    %add3A_500 = vector.broadcast %add3A_499 : i32 to vector<16xi32>
    %add3A_501 = arith.addi %mul3A_5, %add3A_500 : vector<16xi32>
    %gather3A_502 = tpu.vector_load_idx %arg12[%add3A_501] : memref<256xf32, #tpu.memory_space<vmem>>[vector<16xi32>], vector<16xf32>,
    %add3A_503 = arith.addf %add3A_483, %gather3A_502 : vector<16xf32>
    %add3A_504 = arith.constant 10 : i32
    %add3A_505 = vector.broadcast %add3A_504 : i32 to vector<16xi32>
    %add3A_506 = arith.addi %mul3A_5, %add3A_505 : vector<16xi32>
    %gather3A_507 = tpu.vector_load_idx %arg12[%add3A_506] : memref<256xf32, #tpu.memory_space<vmem>>[vector<16xi32>], vector<16xf32>,
    %add3A_508 = arith.addf %add3A_488, %gather3A_507 : vector<16xf32>
    %add3A_509 = arith.constant 11 : i32
    %add3A_510 = vector.broadcast %add3A_509 : i32 to vector<16xi32>
    %add3A_511 = arith.addi %mul3A_5, %add3A_510 : vector<16xi32>
    %gather3A_512 = tpu.vector_load_idx %arg12[%add3A_511] : memref<256xf32, #tpu.memory_space<vmem>>[vector<16xi32>], vector<16xf32>,
    %add3A_513 = arith.addf %add3A_493, %gather3A_512 : vector<16xf32>
    %add3A_514 = arith.constant 12 : i32
    %add3A_515 = vector.broadcast %add3A_514 : i32 to vector<16xi32>
    %add3A_516 = arith.addi %mul3A_5, %add3A_515 : vector<16xi32>
    %gather3A_517 = tpu.vector_load_idx %arg12[%add3A_516] : memref<256xf32, #tpu.memory_space<vmem>>[vector<16xi32>], vector<16xf32>,
    %add3A_518 = arith.addf %add3A_498, %gather3A_517 : vector<16xf32>
    %add3A_519 = arith.constant 13 : i32
    %add3A_520 = vector.broadcast %add3A_519 : i32 to vector<16xi32>
    %add3A_521 = arith.addi %mul3A_5, %add3A_520 : vector<16xi32>
    %gather3A_522 = tpu.vector_load_idx %arg12[%add3A_521] : memref<256xf32, #tpu.memory_space<vmem>>[vector<16xi32>], vector<16xf32>,
    %add3A_523 = arith.addf %add3A_503, %gather3A_522 : vector<16xf32>
    %add3A_524 = arith.constant 14 : i32
    %add3A_525 = vector.broadcast %add3A_524 : i32 to vector<16xi32>
    %add3A_526 = arith.addi %mul3A_5, %add3A_525 : vector<16xi32>
    %gather3A_527 = tpu.vector_load_idx %arg12[%add3A_526] : memref<256xf32, #tpu.memory_space<vmem>>[vector<16xi32>], vector<16xf32>,
    %add3A_528 = arith.addf %add3A_508, %gather3A_527 : vector<16xf32>
    %add3A_529 = arith.constant 15 : i32
    %add3A_530 = vector.broadcast %add3A_529 : i32 to vector<16xi32>
    %add3A_531 = arith.addi %mul3A_5, %add3A_530 : vector<16xi32>
    %gather3A_532 = tpu.vector_load_idx %arg12[%add3A_531] : memref<256xf32, #tpu.memory_space<vmem>>[vector<16xi32>], vector<16xf32>,
    %add3A_533 = arith.addf %add3A_513, %gather3A_532 : vector<16xf32>
    %add3A_534 = arith.addf %add3A_518, %add3A_523 : vector<16xf32>
    %add3A_535 = arith.addf %add3A_528, %add3A_533 : vector<16xf32>
    %add3A_536 = arith.addf %add3A_534, %add3A_535 : vector<16xf32>
    %bitcast3A_537 = vector.bitcast %add3A_536 : vector<16xf32> to vector<16xi32>
    %shift_right_arithmetic3A_538 = arith.constant 1 : i32
    %shift_right_arithmetic3A_539 = vector.broadcast %shift_right_arithmetic3A_538 : i32 to vector<16xi32>
    %shift_right_arithmetic3A_540 = arith.shrsi %bitcast3A_537, %shift_right_arithmetic3A_539 : vector<16xi32>
    %sub3A_541 = arith.constant 1597463007 : i32
    %sub3A_542 = vector.broadcast %sub3A_541 : i32 to vector<16xi32>
    %sub3A_543 = arith.subi %sub3A_542, %shift_right_arithmetic3A_540 : vector<16xi32>
    %bitcast3A_544 = vector.bitcast %sub3A_543 : vector<16xi32> to vector<16xf32>
    %mul3A_545 = arith.constant 5.000000e-01 : f32
    %mul3A_546 = vector.broadcast %mul3A_545 : f32 to vector<16xf32>
    %mul3A_547 = arith.mulf %add3A_536, %mul3A_546 : vector<16xf32>
    %mul3A_548 = arith.mulf %mul3A_547, %bitcast3A_544 : vector<16xf32>
    %mul3A_549 = arith.mulf %mul3A_548, %bitcast3A_544 : vector<16xf32>
    %sub3A_550 = arith.constant 1.500000e+00 : f32
    %sub3A_551 = vector.broadcast %sub3A_550 : f32 to vector<16xf32>
    %sub3A_552 = arith.subf %sub3A_551, %mul3A_549 : vector<16xf32>
    %mul3A_553 = arith.mulf %bitcast3A_544, %sub3A_552 : vector<16xf32>
    %mul3A_554 = arith.mulf %mul3A_547, %mul3A_553 : vector<16xf32>
    %mul3A_555 = arith.mulf %mul3A_554, %mul3A_553 : vector<16xf32>
    %sub3A_556 = arith.constant 1.500000e+00 : f32
    %sub3A_557 = vector.broadcast %sub3A_556 : f32 to vector<16xf32>
    %sub3A_558 = arith.subf %sub3A_557, %mul3A_555 : vector<16xf32>
    %mul3A_559 = arith.mulf %mul3A_553, %sub3A_558 : vector<16xf32>
    %mul3A_560 = arith.mulf %add3A_536, %mul3A_559 : vector<16xf32>
    %swap3A_561 = arith.constant 9984 : index
    %swap3A_562 = tpu.vector_load %arg13[%swap3A_561] {strides = array<i32>} : memref<10000xf32, #tpu.memory_space<vmem>>, vector<16xf32>,
    tpu.vector_store %arg13[%swap3A_561], %mul3A_560 {strides = array<i32>} : memref<10000xf32, #tpu.memory_space<vmem>>, vector<16xf32>,
    "tpu.region"() ({
      %run_scoped3A = tpu.sem_alloc : memref<!tpu.dma_semaphore, #tpu.memory_space<semaphore_mem>>
      %dma_start3A_563 = tpu.memref_slice %arg5[%mul3A_2] : memref<320000xf32, #tpu.memory_space<hbm>> -> memref<10000xf32, #tpu.memory_space<hbm>>
      %dma_start3A_564 = tpu.memref_slice %arg5[%mul3A_2] : memref<320000xf32, #tpu.memory_space<hbm>> -> memref<10000xf32, #tpu.memory_space<hbm>>
      tpu.enqueue_dma source(%arg13 : memref<10000xf32, #tpu.memory_space<vmem>>) target(%dma_start3A_564 : memref<10000xf32, #tpu.memory_space<hbm>>) target_semaphore(%run_scoped3A : memref<!tpu.dma_semaphore, #tpu.memory_space<semaphore_mem>>)
      %dma_wait3A_565 = tpu.memref_slice %arg5[%mul3A_2] : memref<320000xf32, #tpu.memory_space<hbm>> -> memref<10000xf32, #tpu.memory_space<hbm>>
      %dma_wait3A_566 = tpu.memref_slice %arg5[%mul3A_2] : memref<320000xf32, #tpu.memory_space<hbm>> -> memref<10000xf32, #tpu.memory_space<hbm>>
      tpu.wait_dma2 semaphore(%run_scoped3A : memref<!tpu.dma_semaphore, #tpu.memory_space<semaphore_mem>>) src(%arg13 : memref<10000xf32, #tpu.memory_space<vmem>>) dst(%dma_wait3A_566 : memref<10000xf32, #tpu.memory_space<hbm>>)
      tpu.yield
    }) : () -> ()
    return
  }
}

</mosaic_0001>

<sc_bundles>
// kernel: kernel.3.cloned.1.call-start
scs
__scs_entry_jumppad:
0x0: {  	(pc) =	sbr.rel $0x88, $3  }
0x1: {  	(tag) =	ssettag $0x0;
	lr =	simm.s32 $0x1  }
0x2: {  	[smem:$0x3F9F] =	sst lr;
	_ =	strace $0xD0000000  }
0x3: {  	_ = 	snop  }
0x4: {  	_ = 	snop  }
0x5: {  	_ = 	snop  }
0x6: {  	_ = 	snop  }
0x7: {  	_ = 	snop  }
__scs_overlays_trampoline_lowered:
0x8: {  	[smem:$0x3FAE] =	sst s0  }
0x9: {  	[smem:$0x3FAF] =	sst s1  }
0xa: {  	[smem:$0x3FB0] =	sst s2  }
0xb: {  	[smem:$0x3FB1] =	sst s3  }
0xc: {  	[smem:$0x3FB2] =	sst s4  }
0xd: {  	[smem:$0x3FB3] =	sst s5  }
0xe: {  	[smem:$0x3FB4] =	sst s6  }
0xf: {  	[smem:$0x3FB5] =	sst s7  }
0x10: {  	[smem:$0x3FB6] =	sst s8  }
0x11: {  	[smem:$0x3FB7] =	sst s9;
	s0 =	simm.s32 @!p0 $0x0  }
0x12: {  	s1 =	sld [smem:$0x3F9D];
	s0 =	simm.s32 @p0 $0x1  }
0x13: {  	[smem:$0x3FB8] =	sst s0;
	s0 =	simm.s32 @!p1 $0x0  }
0x14: {  	s2 =	sld [smem:$0x3F9C];
	s0 =	simm.s32 @p1 $0x1  }
0x15: {  	[smem:$0x3FB9] =	sst s0;
	s0 =	simm.s32 @!p2 $0x0  }
0x16: {  	s3 =	sld [smem:$0x3FDB];
	s0 =	simm.s32 @p2 $0x1  }
0x17: {  	s4 =	simm.s32 $0x1BF5;
	[smem:$0x3FBB] =	sst s0  }
0x18: {  	s0 =	sld [smem:$0x3F9E];
	_ =	swait.ge [sflag:s4], $0x0  }
0x19: {  	s7 =	sld [smem:$0x3F9F]  }
0x1a: {  	s8 =	sadd.s32 $0xFFFFE003, lr  }
0x1b: {  	s9 =	sadd.s32 $0xFFFFFEF7, lr;
	s5 =	simm.s32 $0xFFFFFFFF;
	p2 =	slt.u32 s8, $0xFFFFF086  }
0x1c: {  	p1 =	slt.u32 s9, $0xF7A;
	s5 =	simm.s32 @!p2 $0x0  }
0x1d: {  	s5 =	simm.s32 @p1 $0x1;
	p0 =	seq.s32 s7, s2  }
0x1e: {  	s7 =	smul.u32 @!p0 $0xF7A, s2;
	p2 =	seq.s32 @!p0 s5, $0x0  }
0x1f: {  	s9 =	smul.u32 $0xF7A, s1;
	s8 =	simm.s32 @!p0 $0x1BF5;
	p2 =	por !p2, p0  }
0x20: {  	[sflag:s8] =	ssyncset.s32 @!p0 $0xFFFFF086;
	s6 =	sadd.s32 @!p0 s3, s7;
	s7 =	simm.s32 @!p0 $0x108  }
0x21: {  	s3 =	sadd.s32 s3, s9;
	s6 =	sadd.s32 @!p0 $0x88, s6;
	s7 =	simm.s32 @p2 $0x1082  }
0x22: {  	[simem:s7], [sflag:s8] =	dma.local @!p0 [hbm:s6], $0xF7A  }
0x23: {  	s9 =	sor.u32 $0xD0000000, s2;
	s6 =	simm.s32 $0x108;
	_ =	swait.ge @!p0 [sflag:s8], $0x0  }
0x24: {  	s3 =	sadd.s32 $0x88, s3;
	s6 =	simm.s32 @!p1 $0x1082;
	[sflag:s4] =	ssyncset.s32 $0xFFFFF086  }
0x25: {  	[simem:s6], [sflag:s4] =	dma.local [hbm:s3], $0xF7A  }
0x26: {  	[smem:$0x3F9F] =	sst s1;
	(tag) =	ssettag s2;
	_ =	strace s9  }
0x27: {  	s1 =	sld [smem:$0x3FAF]  }
0x28: {  	s2 =	sld [smem:$0x3FB0]  }
0x29: {  	s4 =	sld [smem:$0x3FB2]  }
0x2a: {  	p0 =	seq.s32 s5, $0x0;
	s5 =	sld [smem:$0x3FB3]  }
0x2b: {  	s6 =	sld [smem:$0x3FB4]  }
0x2c: {  	s7 =	sld [smem:$0x3FB5]  }
0x2d: {  	s3 =	simm.s32 $0x108;
	s8 =	sld [smem:$0x3FB6]  }
0x2e: {  	s3 =	simm.s32 @!p0 $0x1082;
	s9 =	sld [smem:$0x3FB7]  }
0x2f: {  	lr =	sadd.s32 s0, s3;
	s0 =	sld [smem:$0x3FAE]  }
0x30: {  	s3 =	sld [smem:$0x3FB1]  }
0x31: {  	[smem:$0x3FBA] =	sst s10  }
0x32: {  	s10 =	sld [smem:$0x3FB8];
	_ =	sdelay $0x3  }
0x33: {  	p0 =	seq.s32 s10, $0x1;
	s10 =	sld [smem:$0x3FBA];
	_ =	sdelay $0x3  }
0x34: {  	[smem:$0x3FBA] =	sst s10  }
0x35: {  	s10 =	sld [smem:$0x3FB9];
	_ =	sdelay $0x3  }
0x36: {  	p1 =	seq.s32 s10, $0x1;
	s10 =	sld [smem:$0x3FBA];
	_ =	sdelay $0x3  }
0x37: {  	[smem:$0x3FBA] =	sst s10  }
0x38: {  	s10 =	sld [smem:$0x3FBB]  }
0x39: {  	_ = 	snop;
	(pc) =	sbr.ind lr, $3  }
0x3a: {  	_ = 	snop  }
0x3b: {  	_ = 	snop  }
0x3c: {  	p2 =	seq.s32 s10, $0x1;
	s10 =	sld [smem:$0x3FBA]  }
0x3d: {  	_ =	shalt  }
0x3e: {  	_ =	shalt  }
0x3f: {  	_ =	shalt  }
0x40: {  	_ =	shalt  }
0x41: {  	_ =	shalt  }
0x42: {  	_ =	shalt  }
0x43: {  	_ =	shalt  }
0x44: {  	_ =	shalt  }
0x45: {  	_ =	shalt  }
0x46: {  	_ =	shalt  }
0x47: {  	_ =	shalt  }
0x48: {  	_ =	shalt  }
0x49: {  	_ =	shalt  }
0x4a: {  	_ =	shalt  }
0x4b: {  	_ =	shalt  }
0x4c: {  	_ =	shalt  }
0x4d: {  	_ =	shalt  }
0x4e: {  	_ =	shalt  }
0x4f: {  	_ =	shalt  }
0x50: {  	_ =	shalt  }
0x51: {  	_ =	shalt  }
0x52: {  	_ =	shalt  }
0x53: {  	_ =	shalt  }
0x54: {  	_ =	shalt  }
0x55: {  	_ =	shalt  }
0x56: {  	_ =	shalt  }
0x57: {  	_ =	shalt  }
0x58: {  	_ =	shalt  }
0x59: {  	_ =	shalt  }
0x5a: {  	_ =	shalt  }
0x5b: {  	_ =	shalt  }
0x5c: {  	_ =	shalt  }
0x5d: {  	_ =	shalt  }
0x5e: {  	_ =	shalt  }
0x5f: {  	_ =	shalt  }
0x60: {  	_ =	shalt  }
0x61: {  	_ =	shalt  }
0x62: {  	_ =	shalt  }
0x63: {  	_ =	shalt  }
0x64: {  	_ =	shalt  }
0x65: {  	_ =	shalt  }
0x66: {  	_ =	shalt  }
0x67: {  	_ =	shalt  }
0x68: {  	_ =	shalt  }
0x69: {  	_ =	shalt  }
0x6a: {  	_ =	shalt  }
0x6b: {  	_ =	shalt  }
0x6c: {  	_ =	shalt  }
0x6d: {  	_ =	shalt  }
0x6e: {  	_ =	shalt  }
0x6f: {  	_ =	shalt  }
0x70: {  	_ =	shalt  }
0x71: {  	_ =	shalt  }
0x72: {  	_ =	shalt  }
0x73: {  	_ =	shalt  }
0x74: {  	_ =	shalt  }
0x75: {  	_ =	shalt  }
0x76: {  	_ =	shalt  }
0x77: {  	_ =	shalt  }
0x78: {  	_ =	shalt  }
0x79: {  	_ =	shalt  }
0x7a: {  	_ =	shalt  }
0x7b: {  	_ =	shalt  }
0x7c: {  	_ =	shalt  }
0x7d: {  	_ =	shalt  }
0x7e: {  	_ =	shalt  }
0x7f: {  	_ =	shalt  }
0x80: {  	_ =	shalt  }
0x81: {  	_ =	shalt  }
0x82: {  	_ =	shalt  }
0x83: {  	_ =	shalt  }
0x84: {  	_ =	shalt  }
0x85: {  	_ =	shalt  }
0x86: {  	_ =	shalt  }
0x87: {  	_ =	shalt  }
.Lfunc_end0:
.L_simem_size_0:
called_computation_lowered:
.L_overlay_start_0:
0x88: {  	s2 =	sld [smem:$0x3FD9]  }
0x89: {  	s3 =	sld [smem:$0x3FFE];
	_ =	sdelay $0x1  }
0x8a: {  	s1 =	srdreg.scid  }
0x8b: {  	s0 =	sand.u32 $0x1, s1  }
0x8c: {  	s17 =	sshll.u32 s0, $0xA;
	s2 =	sadd.s32 s3, s2  }
0x8d: {  	s2 =	sadd.s32 s2, s17  }
0x8e: {  	[smem:$0x3FC6] =	sst s2  }
0x8f: {  	_ = 	snop  }
0x90: {  	s2 =	sld [smem:$0x3FC9]  }
0x91: {  	s18 =	sld [smem:$0x3FD0];
	(tm) =	ssettm $0x1  }
0x92: {  	s4 =	sld [smem:$0x3FFB];
	_ =	sdelay $0x3  }
0x93: {  	_ =	strace s4  }
0x94: {  	s4 =	sld [smem:$0x3FFC];
	_ =	sdelay $0x3  }
0x95: {  	_ =	strace s4  }
0x96: {  	s4 =	sld [smem:$0x3FFD];
	_ =	sdelay $0x3  }
0x97: {  	_ =	strace s4  }
0x98: {  	_ =	strace $0x8FFFFFFF  }
0x99: {  	s19 =	sld [smem:$0x3FDB];
	_ =	sdelay $0x1  }
0x9a: {  	s5 =	simm.s32 $_scs_section_size  }
0x9b: {  	s6 =	simm.s32 $_size__tile_overlayer_lowered;
	s7 =	simm.s32 $_tile_overlayer_lowered  }
0x9c: {  	s22 =	simm.s32 $0x1BFF;
	s21 =	sshll.u32 s7, $0x1;
	s4 =	sadd.s32 s5, s19  }
0x9d: {  	s8 =	simm.s32 $0x0;
	s20 =	sshll.u32 s6, $0x1;
	s6 =	sadd.s32 s21, s4  }
0x9e: {  	[timem:s8], [sflag:s22] =	dma.local [hbm:s6], s20  }
0x9f: {  	_ =	swait.ge [sflag:s22], s20  }
0xa0: {  	s5 =	ssub.s32 $0x0, s20;
	[sflag:s22] =	ssyncset.done $0x0  }
0xa1: {  	[sflag:s22] =	ssyncadd.s32 s5;
	_ =	sdelay $0x1  }
0xa2: {  	s23 =	simm.s32 $0x1B8B  }
0xa3: {  	_ =	swait.ge [sflag:s23], $0x1  }
0xa4: {  	[sflag:s23] =	ssyncset.done $0x0  }
0xa5: {  	s25 =	simm.s32 $0x1B8E;
	s24 =	sld [smem:$0x3FFE];
	[sflag:s23] =	ssyncadd.s32 $0xFFFFFFFF  }
0xa6: {  	s26 =	simm.s32 $execute0_lowered;
	[smem:$0x3FD2] =	sst s25  }
0xa7: {  	s6 =	sshll.u32 s26, $0x1;
	_ =	strace $0x80000046;
	[dreg:$0x1] =	wrdreg $0xFFFFFFFF  }
0xa8: {  	s28 =	simm.s32 $_size_execute0_lowered;
	s4 =	sadd.s32 s4, s6;
	[dreg:$0x0] =	wrdreg $0x0  }
0xa9: {  	s6 =	sshll.u32 s28, $0x1;
	[dreg:$0x2] =	wrdreg s4  }
0xaa: {  	[dreg:$0x3] =	wrdreg s6  }
0xab: {  	[dreg:$0x4] =	wrdreg $0xC0  }
0xac: {  	_ =	task [dreg:s8], $0x5FFFF  }
0xad: {  	[dreg:$0x1] =	wrdreg $0xFFFFFFFF  }
0xae: {  	[dreg:$0x0] =	wrdreg $0x60  }
0xaf: {  	[dreg:$0x2] =	wrdreg s24  }
0xb0: {  	[dreg:$0x3] =	wrdreg s2  }
0xb1: {  	[dreg:$0x4] =	wrdreg s18  }
0xb2: {  	[dreg:$0x5] =	wrdreg $0x9  }
0xb3: {  	_ =	task.clear_ibuf [dreg:s8], $0x6FFFF;
	_ =	strace $0x90000046  }
0xb4: {  	s29 =	simm.s32 $0x9;
	_ =	strace $0x80000048  }
0xb5: {  	_ =	swait.ge [sflag:s29], $0x1  }
0xb6: {  	[sflag:s29] =	ssyncadd.s32 $0xFFFFFFFF  }
0xb7: {  	_ =	strace $0x90000048  }
0xb8: {  	_ =	sfence  }
0xb9: {  	s30 =	sld [smem:$0x0];
	_ =	sdelay $0x2  }
0xba: {  	s31 =	sshll.u32 s1, $0xD;
	s1 =	sshrl.u32 s1, $0x2  }
0xbb: {  	s3 =	sand.u32 $0x4000, s31;
	s1 =	sadd.s32 s1, s30  }
0xbc: {  	s0 =	sor.u32 s3, s0;
	s1 =	sshll.u32 s1, $0x11  }
0xbd: {  	s0 =	sor.u32 s1, s0  }
0xbe: {  	s0 =	sadd.s32 $0x8F2B, s0  }
0xbf: {  	[sflag:s0] =	ssyncadd.remote.s32 $0x1  }
0xc0: {  	_ =	sfence.sel $0xFFFF  }
0xc1: {  	[dreg:$0x0] =	wrdreg $0xFFFFFFFF;
	(pc) =	sbr.abs _section_cstart, $3  }
0xc2: {  	[dreg:$0x1] =	wrdreg $0xFFFFFFFF  }
0xc3: {  	_ =	task.clear_ibuf [dreg:s8], $0x2FFFF;
	_ =	strace $0x9FFFFFFF  }
0xc4: {  	(tm) =	ssettm $0x7FFFFFFF  }
0xc5: {  	_ =	shalt  }
tec
execute0_lowered:
.L_overlay_start_1:
0x0: {  	(tag) =	ssettag $0x1  }
0x1: {  	s4 =	rddreg [dreg:$0x0];
	s1 =	srdreg.scid  }
0x2: {  	s0 =	stileid.u32;
	s2 =	rddreg [dreg:$0x1]  }
0x3: {  	s6 =	rddreg [dreg:$0x2];
	s3 =	simm.s32 $0x0;
	s9 =	simm.s32 $0x2780  }
0x4: {  	s10 =	simm.s32 $0x50;
	s11 =	simm.s32 $0x4F00;
	s12 =	simm.s32 $0x7700  }
0x5: {  	v0 =	vlaneseq.u32;
	s13 =	simm.s32 $0x9F00;
	s14 =	simm.s32 $0xC700;
	s15 =	simm.s32 $0x1  }
0x6: {  	s16 =	simm.s32 $0x2;
	s17 =	simm.s32 $0xEF00;
	s18 =	simm.s32 $0x3;
	v0 =	vmul.u32 $0x10, v0  }
0x7: {  	s19 =	simm.s32 $0x4;
	s5 =	sand.u32 $0x1, s1;
	s31 =	sshll.u32 s0, $0x1  }
0x8: {  	s20 =	simm.s32 $0xF000;
	s21 =	simm.s32 $0x0;
	s7 =	sor.u32 s5, s31;
	v1 =	vor.u32 $0x1, v0;
	v2 =	vor.u32 $0x2, v0;
	v3 =	vor.u32 $0x3, v0  }
0x9: {  	[smem:$0x7FF] =	sst s3;
	s5 =	ssub.s32 $0x2, s5;
	s7 =	smul.u32 $0x4E2, s7;
	v4 =	vor.u32 $0x4, v0;
	v5 =	vor.u32 $0x5, v0;
	v6 =	vor.u32 $0x6, v0  }
0xa: {  	s1 =	rddreg [dreg:$0x3];
	_ =	strace $0x80000047;
	s8 =	sshrl.u32 s5, $0x1;
	v7 =	vor.u32 $0x7, v0;
	v8 =	vor.u32 $0x8, v0;
	v9 =	vor.u32 $0x9, v0  }
0xb: {  	v10 =	vor.u32 $0xA, v0;
	v11 =	vor.u32 $0xB, v0;
	v12 =	vor.u32 $0xC, v0;
	s8 =	ssub.s32 s5, s8;
	s4 =	sadd.s32 s4, s7;
	s6 =	sadd.s32 s6, s7  }
0xc: {  	v13 =	vor.u32 $0xD, v0;
	v14 =	vor.u32 $0xE, v0;
	v15 =	vor.u32 $0xF, v0;
	s7 =	smax.u32 s8, $0x1;
	s8 =	simm.s32 $0x5;
	s5 =	sadd.s32 $0x9E00, s4  }
.LBB2_1:
0xd: {  	[tilespmem:s3], [sflag:$0x5] =	stream.linear.gather [hbm4b:s5+s3], $0x2710, $0x38;
	[tilespmem:$0x11780] =	vst v63  }
0xe: {  	_ =	swait.ge [sflag:s8], $0x2710  }
0xf: {  	[sflag:s8] =	ssyncset.done $0x0  }
0x10: {  	[sflag:s8] =	ssyncadd.s32 $0xFFFFD8F0  }
0x11: {  	[tilespmem:s9], [sflag:$0x5] =	stream.linear.gather [hbm4b:s4+s3], $0x2710, $0x38;
	[tilespmem:$0x11780] =	vst v63  }
0x12: {  	_ =	swait.ge [sflag:s8], $0x2710  }
0x13: {  	[sflag:s8] =	ssyncset.done $0x0  }
0x14: {  	[sflag:s8] =	ssyncadd.s32 $0xFFFFD8F0  }
0x15: {  	[tilespmem:s11], [sflag:$0x1] =	stream.indirect.gather [hbm4b:s2+s10], $0x80, s3, s10, $0xb8;
	[tilespmem:$0x11780] =	vst v63  }
0x16: {  	s22 =	simm.s32 $0x0  }
0x17: {  	[tilespmem:s12], [sflag:$0x2] =	stream.indirect.gather [hbm4b:s2+s10], $0x80, s9, s10, $0xb8;
	[tilespmem:$0x11780] =	vst v63  }
.LBB2_2:
0x18: {  	s23 =	smul.u32 $0xA0, s22;
	_ =	sdelay $0x1  }
0x19: {  	s24 =	sadd.s32 $0x50, s23  }
0x1a: {  	[tilespmem:s13], [sflag:$0x3] =	stream.indirect.gather [hbm4b:s2+s10], $0x80, s24, s10, $0xb8;
	[tilespmem:$0x11780] =	vst v63  }
0x1b: {  	s25 =	sadd.s32 $0x27D0, s23  }
0x1c: {  	[tilespmem:s14], [sflag:$0x4] =	stream.indirect.gather [hbm4b:s2+s10], $0x80, s25, s10, $0xb8;
	[tilespmem:$0x11780] =	vst v63  }
0x1d: {  	_ =	swait.ge [sflag:s15], $0x2800  }
0x1e: {  	[sflag:s15] =	ssyncset.done $0x0  }
0x1f: {  	[sflag:s15] =	ssyncadd.s32 $0xFFFFD800  }
0x20: {  	_ =	swait.ge [sflag:s16], $0x2800  }
0x21: {  	[sflag:s16] =	ssyncset.done $0x0  }
0x22: {  	s28 =	simm.s32 $0x4F80;
	[sflag:s16] =	ssyncadd.s32 $0xFFFFD800  }
0x23: {  	v16 =	vld [tilespmem:s28+$0x20]  }
0x24: {  	s25 =	simm.s32 $0x7780;
	v17 =	vld [tilespmem:s28+$0x0]  }
0x25: {  	v18 =	vld [tilespmem:s25+$0x0]  }
0x26: {  	v19 =	vld [tilespmem:s28+$0x10]  }
0x27: {  	v20 =	vld [tilespmem:s25+$0x10]  }
0x28: {  	v21 =	vld [tilespmem:s25+$0x20]  }
0x29: {  	v22 =	vld [tilespmem:s28+$0x30]  }
0x2a: {  	v23 =	vld [tilespmem:s25+$0x30]  }
0x2b: {  	v24 =	vld [tilespmem:s28+$0x40]  }
0x2c: {  	v25 =	vld [tilespmem:s25+$0x60]  }
0x2d: {  	v17 =	vsub.f32 v17, v18;
	v18 =	vsub.f32 v19, v20;
	v19 =	vld [tilespmem:s25+$0x40]  }
0x2e: {  	v16 =	vsub.f32 v16, v21;
	v20 =	vld [tilespmem:s28+$0x50]  }
0x2f: {  	v21 =	vld [tilespmem:s25+$0x50];
	v17 =	vadd.f32 $9.999999970e-07, v17;
	v18 =	vadd.f32 $9.999999970e-07, v18  }
0x30: {  	v26 =	vld [tilespmem:s25+$0xFFFFFF80];
	v22 =	vsub.f32 v22, v23  }
0x31: {  	v23 =	vld [tilespmem:s28+$0x60];
	v16 =	vadd.f32 $9.999999970e-07, v16;
	v17 =	vmul.f32 v17, v17;
	v18 =	vmul.f32 v18, v18  }
0x32: {  	v27 =	vld [tilespmem:s25+$0xFFFFFFB0];
	v19 =	vsub.f32 v24, v19  }
0x33: {  	v16 =	vmul.f32 v16, v16;
	v24 =	vld [tilespmem:s28+$0x70];
	v17 =	vadd.f32 v18, v17;
	v18 =	vadd.f32 $9.999999970e-07, v22  }
0x34: {  	v20 =	vsub.f32 v20, v21;
	v22 =	vld [tilespmem:s25+$0x70]  }
0x35: {  	v21 =	vld [tilespmem:s28+$0xFFFFFF90];
	v16 =	vadd.f32 v16, v17;
	v17 =	vmul.f32 v18, v18;
	v18 =	vadd.f32 $9.999999970e-07, v19  }
0x36: {  	v23 =	vsub.f32 v23, v25;
	v19 =	vld [tilespmem:s25+$0xFFFFFF90]  }
0x37: {  	v25 =	vld [tilespmem:s28+$0xFFFFFF80];
	v16 =	vadd.f32 v17, v16;
	v17 =	vmul.f32 v18, v18;
	v18 =	vadd.f32 $9.999999970e-07, v20  }
0x38: {  	v20 =	vld [tilespmem:s28+$0xFFFFFFA0]  }
0x39: {  	v22 =	vsub.f32 v24, v22;
	v24 =	vld [tilespmem:s25+$0xFFFFFFA0];
	v16 =	vadd.f32 v17, v16;
	v17 =	vmul.f32 v18, v18  }
0x3a: {  	v18 =	vadd.f32 $9.999999970e-07, v23;
	v23 =	vld [tilespmem:s28+$0xFFFFFFB0]  }
0x3b: {  	v19 =	vsub.f32 v21, v19;
	v16 =	vadd.f32 v17, v16  }
0x3c: {  	v21 =	vld [tilespmem:s28+$0xFFFFFFC0];
	v17 =	vmul.f32 v18, v18;
	v18 =	vadd.f32 $9.999999970e-07, v22;
	v22 =	vsub.f32 v25, v26  }
0x3d: {  	v26 =	vld [tilespmem:s25+$0xFFFFFFC0];
	v25 =	vadd.f32 $9.999999970e-07, v19  }
0x3e: {  	v19 =	vld [tilespmem:s25+$0xFFFFFFD0];
	v17 =	vadd.f32 v17, v16;
	v18 =	vmul.f32 v18, v18;
	v22 =	vadd.f32 $9.999999970e-07, v22  }
0x3f: {  	v16 =	vld [tilespmem:s28+$0xFFFFFFD0];
	v20 =	vsub.f32 v20, v24;
	v23 =	vsub.f32 v23, v27  }
0x40: {  	v24 =	vadd.f32 v18, v17;
	v17 =	vmul.f32 v22, v22;
	v22 =	vmul.f32 v25, v25;
	v18 =	vld [tilespmem:s28+$0xFFFFFFE0]  }
0x41: {  	v27 =	vadd.f32 $9.999999970e-07, v20;
	v20 =	vld [tilespmem:s25+$0xFFFFFFE0]  }
0x42: {  	s26 =	simm.s32 $0xEF10;
	v25 =	vadd.f32 $9.999999970e-07, v23;
	v22 =	vadd.f32 v22, v17;
	v17 =	vld [tilespmem:s28+$0xFFFFFFF0]  }
0x43: {  	s29 =	simm.s32 $0x5080;
	s28 =	simm.s32 $0x0;
	[tilespmem:s26+$0x0] =	vst v24;
	v23 =	vmul.f32 v27, v27;
	v24 =	vsub.f32 v21, v26;
	v21 =	vld [tilespmem:s25+$0xFFFFFFF0]  }
.LBB2_3:
0x44: {  	v26 =	vld [tilespmem:s29+$0x20];
	v25 =	vmul.f32 v25, v25;
	v16 =	vsub.f32 v16, v19  }
0x45: {  	s25 =	sadd.s32 $0x100, s25;
	v19 =	vld [tilespmem:s29+$0x0];
	v22 =	vadd.f32 v23, v22;
	v23 =	vadd.f32 $9.999999970e-07, v24  }
0x46: {  	v24 =	vld [tilespmem:s25+$0x0];
	v16 =	vadd.f32 $9.999999970e-07, v16;
	v18 =	vsub.f32 v18, v20  }
0x47: {  	v20 =	vld [tilespmem:s29+$0x10];
	v22 =	vadd.f32 v25, v22;
	v23 =	vmul.f32 v23, v23  }
0x48: {  	s28 =	sadd.s32 $0x2, s28;
	v25 =	vld [tilespmem:s25+$0x10];
	v16 =	vmul.f32 v16, v16;
	v18 =	vadd.f32 $9.999999970e-07, v18;
	v17 =	vsub.f32 v17, v21  }
0x49: {  	p0 =	slt.u32 s28, $0xE;
	v21 =	vld [tilespmem:s25+$0x20];
	v22 =	vadd.f32 v23, v22  }
0x4a: {  	v23 =	vld [tilespmem:s29+$0x30];
	v18 =	vmul.f32 v18, v18;
	v17 =	vadd.f32 $9.999999970e-07, v17  }
0x4b: {  	v27 =	vld [tilespmem:s25+$0x30];
	v16 =	vadd.f32 v16, v22  }
0x4c: {  	v22 =	vld [tilespmem:s29+$0x40];
	v17 =	vmul.f32 v17, v17  }
0x4d: {  	v19 =	vsub.f32 v19, v24;
	v20 =	vsub.f32 v20, v25;
	v24 =	vld [tilespmem:s25+$0x40]  }
0x4e: {  	v16 =	vadd.f32 v18, v16;
	v21 =	vsub.f32 v26, v21;
	v25 =	vld [tilespmem:s29+$0x50]  }
0x4f: {  	v18 =	vadd.f32 $9.999999970e-07, v19;
	v19 =	vadd.f32 $9.999999970e-07, v20;
	v20 =	vld [tilespmem:s25+$0x50]  }
0x50: {  	v16 =	vadd.f32 v17, v16;
	v23 =	vsub.f32 v23, v27;
	v26 =	vld [tilespmem:s29+$0x60]  }
0x51: {  	v17 =	vmul.f32 v18, v18;
	v18 =	vmul.f32 v19, v19;
	v19 =	vadd.f32 $9.999999970e-07, v21;
	v21 =	vld [tilespmem:s25+$0x60]  }
0x52: {  	v22 =	vsub.f32 v22, v24;
	v24 =	vld [tilespmem:s29+$0x70];
	[tilespmem:s26+$0xFFFFFFF0] =	vst v16  }
0x53: {  	v16 =	vadd.f32 v18, v17;
	v17 =	vmul.f32 v19, v19;
	v18 =	vadd.f32 $9.999999970e-07, v23;
	v19 =	vld [tilespmem:s25+$0x70]  }
0x54: {  	v23 =	vld [tilespmem:s25+$0xFFFFFF80];
	v20 =	vsub.f32 v25, v20  }
0x55: {  	v25 =	vld [tilespmem:s29+$0xFFFFFF90];
	v16 =	vadd.f32 v17, v16;
	v17 =	vmul.f32 v18, v18;
	v18 =	vadd.f32 $9.999999970e-07, v22  }
0x56: {  	v22 =	vld [tilespmem:s25+$0xFFFFFF90];
	v21 =	vsub.f32 v26, v21  }
0x57: {  	v26 =	vld [tilespmem:s29+$0xFFFFFF80];
	v16 =	vadd.f32 v17, v16;
	v17 =	vmul.f32 v18, v18;
	v18 =	vadd.f32 $9.999999970e-07, v20  }
0x58: {  	v20 =	vld [tilespmem:s29+$0xFFFFFFA0];
	v19 =	vsub.f32 v24, v19  }
0x59: {  	v24 =	vld [tilespmem:s25+$0xFFFFFFA0];
	v16 =	vadd.f32 v17, v16;
	v17 =	vmul.f32 v18, v18;
	v18 =	vadd.f32 $9.999999970e-07, v21  }
0x5a: {  	v21 =	vld [tilespmem:s29+$0xFFFFFFB0]  }
0x5b: {  	v27 =	vld [tilespmem:s25+$0xFFFFFFB0];
	v16 =	vadd.f32 v17, v16;
	v17 =	vmul.f32 v18, v18;
	v18 =	vadd.f32 $9.999999970e-07, v19  }
0x5c: {  	v22 =	vsub.f32 v25, v22;
	v19 =	vsub.f32 v26, v23;
	v26 =	vld [tilespmem:s29+$0xFFFFFFC0]  }
0x5d: {  	v28 =	vld [tilespmem:s25+$0xFFFFFFC0];
	v17 =	vadd.f32 v17, v16;
	v18 =	vmul.f32 v18, v18  }
0x5e: {  	v22 =	vadd.f32 $9.999999970e-07, v22;
	v23 =	vadd.f32 $9.999999970e-07, v19;
	v16 =	vld [tilespmem:s29+$0xFFFFFFD0]  }
.Ltmp0:
0x5f: {  	v20 =	vsub.f32 v20, v24;
	v19 =	vld [tilespmem:s25+$0xFFFFFFD0];
	v17 =	vadd.f32 v18, v17;
	(pc) =	sbr.rel @p0 .LBB2_3-.Ltmp0, $4  }
0x60: {  	s26 =	sadd.s32 $0x20, s26;
	v22 =	vmul.f32 v22, v22;
	v23 =	vmul.f32 v23, v23;
	v21 =	vsub.f32 v21, v27;
	v18 =	vld [tilespmem:s29+$0xFFFFFFE0]  }
0x61: {  	v24 =	vadd.f32 $9.999999970e-07, v20;
	v20 =	vld [tilespmem:s25+$0xFFFFFFE0];
	[tilespmem:s26+$0x0] =	vst v17  }
0x62: {  	v22 =	vadd.f32 v22, v23;
	v25 =	vadd.f32 $9.999999970e-07, v21;
	v17 =	vld [tilespmem:s29+$0xFFFFFFF0]  }
0x63: {  	v23 =	vmul.f32 v24, v24;
	v24 =	vsub.f32 v26, v28;
	s29 =	sadd.s32 $0x100, s29;
	v21 =	vld [tilespmem:s25+$0xFFFFFFF0]  }
0x64: {  	v16 =	vsub.f32 v16, v19  }
0x65: {  	v19 =	vmul.f32 v25, v25;
	v22 =	vadd.f32 v23, v22;
	v23 =	vadd.f32 $9.999999970e-07, v24  }
0x66: {  	v18 =	vsub.f32 v18, v20  }
0x67: {  	v16 =	vadd.f32 $9.999999970e-07, v16;
	v19 =	vadd.f32 v19, v22;
	v20 =	vmul.f32 v23, v23  }
0x68: {  	v18 =	vadd.f32 $9.999999970e-07, v18  }
0x69: {  	v16 =	vmul.f32 v16, v16;
	v17 =	vsub.f32 v17, v21;
	v19 =	vadd.f32 v20, v19;
	_ =	sdelay $0x1  }
0x6a: {  	v18 =	vmul.f32 v18, v18;
	v17 =	vadd.f32 $9.999999970e-07, v17;
	v16 =	vadd.f32 v16, v19;
	_ =	sdelay $0x1  }
0x6b: {  	v17 =	vmul.f32 v17, v17;
	v16 =	vadd.f32 v18, v16;
	_ =	sdelay $0x1  }
0x6c: {  	v16 =	vadd.f32 v17, v16;
	_ =	sdelay $0x1  }
0x6d: {  	[tilespmem:s26+$0xFFFFFFF0] =	vst v16  }
0x6e: {  	v16 =	vld.idx.msk [tilespmem:v0+s17+$0x0], $0xffff  }
0x6f: {  	v17 =	vld.idx.msk [tilespmem:v1+s17+$0x0], $0xffff  }
0x70: {  	v18 =	vld.idx.msk [tilespmem:v2+s17+$0x0], $0xffff  }
0x71: {  	v19 =	vld.idx.msk [tilespmem:v3+s17+$0x0], $0xffff  }
0x72: {  	v20 =	vld.idx.msk [tilespmem:v4+s17+$0x0], $0xffff  }
0x73: {  	v21 =	vld.idx.msk [tilespmem:v5+s17+$0x0], $0xffff  }
0x74: {  	v22 =	vld.idx.msk [tilespmem:v6+s17+$0x0], $0xffff  }
0x75: {  	v23 =	vld.idx.msk [tilespmem:v7+s17+$0x0], $0xffff  }
0x76: {  	v24 =	vld.idx.msk [tilespmem:v8+s17+$0x0], $0xffff  }
0x77: {  	v25 =	vld.idx.msk [tilespmem:v9+s17+$0x0], $0xffff  }
0x78: {  	v26 =	vld.idx.msk [tilespmem:v10+s17+$0x0], $0xffff  }
0x79: {  	v27 =	vld.idx.msk [tilespmem:v11+s17+$0x0], $0xffff  }
0x7a: {  	v28 =	vld.idx.msk [tilespmem:v12+s17+$0x0], $0xffff  }
0x7b: {  	v29 =	vld.idx.msk [tilespmem:v13+s17+$0x0], $0xffff  }
0x7c: {  	v30 =	vld.idx.msk [tilespmem:v14+s17+$0x0], $0xffff  }
0x7d: {  	v16 =	vadd.f32 v20, v16;
	v17 =	vadd.f32 v21, v17;
	v20 =	vld.idx.msk [tilespmem:v15+s17+$0x0], $0xffff  }
0x7e: {  	v18 =	vadd.f32 v22, v18;
	v19 =	vadd.f32 v23, v19  }
0x7f: {  	v16 =	vadd.f32 v24, v16;
	v17 =	vadd.f32 v25, v17  }
0x80: {  	v18 =	vadd.f32 v26, v18;
	v19 =	vadd.f32 v27, v19  }
0x81: {  	v16 =	vadd.f32 v28, v16;
	v17 =	vadd.f32 v29, v17  }
0x82: {  	v18 =	vadd.f32 v30, v18;
	v19 =	vadd.f32 v20, v19;
	_ =	sdelay $0x1  }
0x83: {  	v16 =	vadd.f32 v17, v16;
	v17 =	vadd.f32 v19, v18;
	_ =	sdelay $0x1  }
0x84: {  	v16 =	vadd.f32 v17, v16;
	_ =	sdelay $0x1  }
0x85: {  	v17 =	vshra.s32 v16, $0x1;
	v18 =	vmul.f32 $5.000000000e-01, v16  }
0x86: {  	v17 =	vsub.s32 $0x5F3759DF, v17  }
0x87: {  	v19 =	vmul.f32 v17, v18;
	_ =	sdelay $0x1  }
0x88: {  	v19 =	vmul.f32 v17, v19;
	_ =	sdelay $0x1  }
0x89: {  	v19 =	vsub.f32 $1.500000000e+00, v19;
	_ =	sdelay $0x1  }
0x8a: {  	v17 =	vmul.f32 v17, v19;
	_ =	sdelay $0x1  }
0x8b: {  	v18 =	vmul.f32 v17, v18;
	_ =	sdelay $0x1  }
0x8c: {  	v18 =	vmul.f32 v18, v17;
	_ =	sdelay $0x1  }
0x8d: {  	v18 =	vsub.f32 $1.500000000e+00, v18;
	_ =	sdelay $0x1  }
0x8e: {  	v17 =	vmul.f32 v18, v17;
	_ =	sdelay $0x1  }
0x8f: {  	v16 =	vmul.f32 v17, v16;
	_ =	sdelay $0x1  }
0x90: {  	s28 =	simm.s32 $0x57F0;
	[tilespmem:s23+$0xF000] =	vst v16  }
0x91: {  	v16 =	vld [tilespmem:s28+$0xFFFFFFB0]  }
0x92: {  	s25 =	simm.s32 $0x7FF0;
	v17 =	vld [tilespmem:s28+$0xFFFFFF90]  }
0x93: {  	v18 =	vld [tilespmem:s25+$0xFFFFFF90]  }
0x94: {  	v19 =	vld [tilespmem:s28+$0xFFFFFFA0]  }
0x95: {  	v20 =	vld [tilespmem:s25+$0xFFFFFFA0]  }
0x96: {  	v21 =	vld [tilespmem:s25+$0xFFFFFFB0]  }
0x97: {  	v22 =	vld [tilespmem:s28+$0xFFFFFFC0]  }
0x98: {  	v23 =	vld [tilespmem:s25+$0xFFFFFFC0]  }
0x99: {  	v24 =	vld [tilespmem:s28+$0xFFFFFFD0]  }
0x9a: {  	v25 =	vld [tilespmem:s25+$0xFFFFFFF0]  }
0x9b: {  	v17 =	vsub.f32 v17, v18;
	v18 =	vsub.f32 v19, v20;
	v19 =	vld [tilespmem:s25+$0xFFFFFFD0]  }
0x9c: {  	v16 =	vsub.f32 v16, v21;
	v20 =	vld [tilespmem:s28+$0xFFFFFFE0]  }
0x9d: {  	v21 =	vld [tilespmem:s25+$0xFFFFFFE0];
	v17 =	vadd.f32 $9.999999970e-07, v17;
	v18 =	vadd.f32 $9.999999970e-07, v18  }
0x9e: {  	v26 =	vld [tilespmem:s25+$0xFFFFFF10];
	v22 =	vsub.f32 v22, v23  }
0x9f: {  	v23 =	vld [tilespmem:s28+$0xFFFFFFF0];
	v16 =	vadd.f32 $9.999999970e-07, v16;
	v17 =	vmul.f32 v17, v17;
	v18 =	vmul.f32 v18, v18  }
0xa0: {  	v27 =	vld [tilespmem:s25+$0xFFFFFF40];
	v19 =	vsub.f32 v24, v19  }
0xa1: {  	v16 =	vmul.f32 v16, v16;
	v24 =	vld [tilespmem:s28+$0x0];
	v17 =	vadd.f32 v18, v17;
	v18 =	vadd.f32 $9.999999970e-07, v22  }
0xa2: {  	v20 =	vsub.f32 v20, v21;
	v22 =	vld [tilespmem:s25+$0x0]  }
0xa3: {  	v21 =	vld [tilespmem:s28+$0xFFFFFF20];
	v16 =	vadd.f32 v16, v17;
	v17 =	vmul.f32 v18, v18;
	v18 =	vadd.f32 $9.999999970e-07, v19  }
0xa4: {  	v23 =	vsub.f32 v23, v25;
	v19 =	vld [tilespmem:s25+$0xFFFFFF20]  }
0xa5: {  	v25 =	vld [tilespmem:s28+$0xFFFFFF10];
	v16 =	vadd.f32 v17, v16;
	v17 =	vmul.f32 v18, v18;
	v18 =	vadd.f32 $9.999999970e-07, v20  }
0xa6: {  	v20 =	vld [tilespmem:s28+$0xFFFFFF30]  }
0xa7: {  	v22 =	vsub.f32 v24, v22;
	v24 =	vld [tilespmem:s25+$0xFFFFFF30];
	v16 =	vadd.f32 v17, v16;
	v17 =	vmul.f32 v18, v18  }
0xa8: {  	v18 =	vadd.f32 $9.999999970e-07, v23;
	v23 =	vld [tilespmem:s28+$0xFFFFFF40]  }
0xa9: {  	v19 =	vsub.f32 v21, v19;
	v16 =	vadd.f32 v17, v16  }
0xaa: {  	v21 =	vld [tilespmem:s28+$0xFFFFFF50];
	v17 =	vmul.f32 v18, v18;
	v18 =	vadd.f32 $9.999999970e-07, v22;
	v22 =	vsub.f32 v25, v26  }
0xab: {  	v26 =	vld [tilespmem:s25+$0xFFFFFF50];
	v25 =	vadd.f32 $9.999999970e-07, v19  }
0xac: {  	v19 =	vld [tilespmem:s25+$0xFFFFFF60];
	v17 =	vadd.f32 v17, v16;
	v18 =	vmul.f32 v18, v18;
	v22 =	vadd.f32 $9.999999970e-07, v22  }
0xad: {  	v16 =	vld [tilespmem:s28+$0xFFFFFF60];
	v20 =	vsub.f32 v20, v24;
	v23 =	vsub.f32 v23, v27  }
0xae: {  	v24 =	vadd.f32 v18, v17;
	v17 =	vmul.f32 v22, v22;
	v22 =	vmul.f32 v25, v25;
	v18 =	vld [tilespmem:s28+$0xFFFFFF70]  }
0xaf: {  	v27 =	vadd.f32 $9.999999970e-07, v20;
	v20 =	vld [tilespmem:s25+$0xFFFFFF70]  }
0xb0: {  	s26 =	simm.s32 $0xEF10;
	v25 =	vadd.f32 $9.999999970e-07, v23;
	v22 =	vadd.f32 v22, v17;
	v17 =	vld [tilespmem:s28+$0xFFFFFF80]  }
0xb1: {  	s29 =	simm.s32 $0x58F0;
	s28 =	simm.s32 $0x0;
	[tilespmem:s26+$0x0] =	vst v24;
	v23 =	vmul.f32 v27, v27;
	v24 =	vsub.f32 v21, v26;
	v21 =	vld [tilespmem:s25+$0xFFFFFF80]  }
.LBB2_5:
0xb2: {  	v26 =	vld [tilespmem:s29+$0xFFFFFFB0];
	v25 =	vmul.f32 v25, v25;
	v16 =	vsub.f32 v16, v19  }
0xb3: {  	s25 =	sadd.s32 $0x100, s25;
	v19 =	vld [tilespmem:s29+$0xFFFFFF90];
	v22 =	vadd.f32 v23, v22;
	v23 =	vadd.f32 $9.999999970e-07, v24  }
0xb4: {  	v24 =	vld [tilespmem:s25+$0xFFFFFF90];
	v16 =	vadd.f32 $9.999999970e-07, v16;
	v18 =	vsub.f32 v18, v20  }
0xb5: {  	v20 =	vld [tilespmem:s29+$0xFFFFFFA0];
	v22 =	vadd.f32 v25, v22;
	v23 =	vmul.f32 v23, v23  }
0xb6: {  	s28 =	sadd.s32 $0x2, s28;
	v25 =	vld [tilespmem:s25+$0xFFFFFFA0];
	v16 =	vmul.f32 v16, v16;
	v18 =	vadd.f32 $9.999999970e-07, v18;
	v17 =	vsub.f32 v17, v21  }
0xb7: {  	p0 =	slt.u32 s28, $0xE;
	v21 =	vld [tilespmem:s25+$0xFFFFFFB0];
	v22 =	vadd.f32 v23, v22  }
0xb8: {  	v23 =	vld [tilespmem:s29+$0xFFFFFFC0];
	v18 =	vmul.f32 v18, v18;
	v17 =	vadd.f32 $9.999999970e-07, v17  }
0xb9: {  	v27 =	vld [tilespmem:s25+$0xFFFFFFC0];
	v16 =	vadd.f32 v16, v22  }
0xba: {  	v22 =	vld [tilespmem:s29+$0xFFFFFFD0];
	v17 =	vmul.f32 v17, v17  }
0xbb: {  	v19 =	vsub.f32 v19, v24;
	v20 =	vsub.f32 v20, v25;
	v24 =	vld [tilespmem:s25+$0xFFFFFFD0]  }
0xbc: {  	v16 =	vadd.f32 v18, v16;
	v21 =	vsub.f32 v26, v21;
	v25 =	vld [tilespmem:s29+$0xFFFFFFE0]  }
0xbd: {  	v18 =	vadd.f32 $9.999999970e-07, v19;
	v19 =	vadd.f32 $9.999999970e-07, v20;
	v20 =	vld [tilespmem:s25+$0xFFFFFFE0]  }
0xbe: {  	v16 =	vadd.f32 v17, v16;
	v23 =	vsub.f32 v23, v27;
	v26 =	vld [tilespmem:s29+$0xFFFFFFF0]  }
0xbf: {  	v17 =	vmul.f32 v18, v18;
	v18 =	vmul.f32 v19, v19;
	v19 =	vadd.f32 $9.999999970e-07, v21;
	v21 =	vld [tilespmem:s25+$0xFFFFFFF0]  }
0xc0: {  	v22 =	vsub.f32 v22, v24;
	v24 =	vld [tilespmem:s29+$0x0];
	[tilespmem:s26+$0xFFFFFFF0] =	vst v16  }
0xc1: {  	v16 =	vadd.f32 v18, v17;
	v17 =	vmul.f32 v19, v19;
	v18 =	vadd.f32 $9.999999970e-07, v23;
	v19 =	vld [tilespmem:s25+$0x0]  }
0xc2: {  	v23 =	vld [tilespmem:s25+$0xFFFFFF10];
	v20 =	vsub.f32 v25, v20  }
0xc3: {  	v25 =	vld [tilespmem:s29+$0xFFFFFF20];
	v16 =	vadd.f32 v17, v16;
	v17 =	vmul.f32 v18, v18;
	v18 =	vadd.f32 $9.999999970e-07, v22  }
0xc4: {  	v22 =	vld [tilespmem:s25+$0xFFFFFF20];
	v21 =	vsub.f32 v26, v21  }
0xc5: {  	v26 =	vld [tilespmem:s29+$0xFFFFFF10];
	v16 =	vadd.f32 v17, v16;
	v17 =	vmul.f32 v18, v18;
	v18 =	vadd.f32 $9.999999970e-07, v20  }
0xc6: {  	v20 =	vld [tilespmem:s29+$0xFFFFFF30];
	v19 =	vsub.f32 v24, v19  }
0xc7: {  	v24 =	vld [tilespmem:s25+$0xFFFFFF30];
	v16 =	vadd.f32 v17, v16;
	v17 =	vmul.f32 v18, v18;
	v18 =	vadd.f32 $9.999999970e-07, v21  }
0xc8: {  	v21 =	vld [tilespmem:s29+$0xFFFFFF40]  }
0xc9: {  	v27 =	vld [tilespmem:s25+$0xFFFFFF40];
	v16 =	vadd.f32 v17, v16;
	v17 =	vmul.f32 v18, v18;
	v18 =	vadd.f32 $9.999999970e-07, v19  }
0xca: {  	v22 =	vsub.f32 v25, v22;
	v19 =	vsub.f32 v26, v23;
	v26 =	vld [tilespmem:s29+$0xFFFFFF50]  }
0xcb: {  	v28 =	vld [tilespmem:s25+$0xFFFFFF50];
	v17 =	vadd.f32 v17, v16;
	v18 =	vmul.f32 v18, v18  }
0xcc: {  	v22 =	vadd.f32 $9.999999970e-07, v22;
	v23 =	vadd.f32 $9.999999970e-07, v19;
	v16 =	vld [tilespmem:s29+$0xFFFFFF60]  }
.Ltmp1:
0xcd: {  	v20 =	vsub.f32 v20, v24;
	v19 =	vld [tilespmem:s25+$0xFFFFFF60];
	v17 =	vadd.f32 v18, v17;
	(pc) =	sbr.rel @p0 .LBB2_5-.Ltmp1, $4  }
0xce: {  	s26 =	sadd.s32 $0x20, s26;
	v22 =	vmul.f32 v22, v22;
	v23 =	vmul.f32 v23, v23;
	v21 =	vsub.f32 v21, v27;
	v18 =	vld [tilespmem:s29+$0xFFFFFF70]  }
0xcf: {  	v24 =	vadd.f32 $9.999999970e-07, v20;
	v20 =	vld [tilespmem:s25+$0xFFFFFF70];
	[tilespmem:s26+$0x0] =	vst v17  }
0xd0: {  	v22 =	vadd.f32 v22, v23;
	v25 =	vadd.f32 $9.999999970e-07, v21;
	v17 =	vld [tilespmem:s29+$0xFFFFFF80]  }
0xd1: {  	v23 =	vmul.f32 v24, v24;
	v24 =	vsub.f32 v26, v28;
	s29 =	sadd.s32 $0x100, s29;
	v21 =	vld [tilespmem:s25+$0xFFFFFF80]  }
0xd2: {  	v16 =	vsub.f32 v16, v19  }
0xd3: {  	v19 =	vmul.f32 v25, v25;
	v22 =	vadd.f32 v23, v22;
	v23 =	vadd.f32 $9.999999970e-07, v24  }
0xd4: {  	v18 =	vsub.f32 v18, v20  }
0xd5: {  	v16 =	vadd.f32 $9.999999970e-07, v16;
	v19 =	vadd.f32 v19, v22;
	v20 =	vmul.f32 v23, v23  }
0xd6: {  	v18 =	vadd.f32 $9.999999970e-07, v18  }
0xd7: {  	v16 =	vmul.f32 v16, v16;
	v17 =	vsub.f32 v17, v21;
	v19 =	vadd.f32 v20, v19;
	_ =	sdelay $0x1  }
0xd8: {  	v18 =	vmul.f32 v18, v18;
	v17 =	vadd.f32 $9.999999970e-07, v17;
	v16 =	vadd.f32 v16, v19;
	_ =	sdelay $0x1  }
0xd9: {  	v17 =	vmul.f32 v17, v17;
	v16 =	vadd.f32 v18, v16;
	_ =	sdelay $0x1  }
0xda: {  	v16 =	vadd.f32 v17, v16;
	_ =	sdelay $0x1  }
0xdb: {  	[tilespmem:s26+$0xFFFFFFF0] =	vst v16  }
0xdc: {  	v16 =	vld.idx.msk [tilespmem:v0+s17+$0x0], $0xffff  }
0xdd: {  	v17 =	vld.idx.msk [tilespmem:v1+s17+$0x0], $0xffff  }
0xde: {  	v18 =	vld.idx.msk [tilespmem:v2+s17+$0x0], $0xffff  }
0xdf: {  	v19 =	vld.idx.msk [tilespmem:v3+s17+$0x0], $0xffff  }
0xe0: {  	v20 =	vld.idx.msk [tilespmem:v4+s17+$0x0], $0xffff  }
0xe1: {  	v21 =	vld.idx.msk [tilespmem:v5+s17+$0x0], $0xffff  }
0xe2: {  	v22 =	vld.idx.msk [tilespmem:v6+s17+$0x0], $0xffff  }
0xe3: {  	v23 =	vld.idx.msk [tilespmem:v7+s17+$0x0], $0xffff  }
0xe4: {  	v24 =	vld.idx.msk [tilespmem:v8+s17+$0x0], $0xffff  }
0xe5: {  	v25 =	vld.idx.msk [tilespmem:v9+s17+$0x0], $0xffff  }
0xe6: {  	v26 =	vld.idx.msk [tilespmem:v10+s17+$0x0], $0xffff  }
0xe7: {  	v27 =	vld.idx.msk [tilespmem:v11+s17+$0x0], $0xffff  }
0xe8: {  	v28 =	vld.idx.msk [tilespmem:v12+s17+$0x0], $0xffff  }
0xe9: {  	v29 =	vld.idx.msk [tilespmem:v13+s17+$0x0], $0xffff  }
0xea: {  	v30 =	vld.idx.msk [tilespmem:v14+s17+$0x0], $0xffff  }
0xeb: {  	v16 =	vadd.f32 v20, v16;
	v17 =	vadd.f32 v21, v17;
	v20 =	vld.idx.msk [tilespmem:v15+s17+$0x0], $0xffff  }
0xec: {  	v18 =	vadd.f32 v22, v18;
	v19 =	vadd.f32 v23, v19  }
0xed: {  	v16 =	vadd.f32 v24, v16;
	v17 =	vadd.f32 v25, v17  }
0xee: {  	v18 =	vadd.f32 v26, v18;
	v19 =	vadd.f32 v27, v19  }
0xef: {  	v16 =	vadd.f32 v28, v16;
	v17 =	vadd.f32 v29, v17  }
0xf0: {  	v18 =	vadd.f32 v30, v18;
	v19 =	vadd.f32 v20, v19;
	_ =	sdelay $0x1  }
0xf1: {  	v16 =	vadd.f32 v17, v16;
	v17 =	vadd.f32 v19, v18;
	_ =	sdelay $0x1  }
0xf2: {  	v16 =	vadd.f32 v17, v16;
	_ =	sdelay $0x1  }
0xf3: {  	v17 =	vshra.s32 v16, $0x1;
	v18 =	vmul.f32 $5.000000000e-01, v16  }
0xf4: {  	v17 =	vsub.s32 $0x5F3759DF, v17  }
0xf5: {  	v19 =	vmul.f32 v17, v18;
	_ =	sdelay $0x1  }
0xf6: {  	v19 =	vmul.f32 v17, v19;
	_ =	sdelay $0x1  }
0xf7: {  	v19 =	vsub.f32 $1.500000000e+00, v19;
	_ =	sdelay $0x1  }
0xf8: {  	v17 =	vmul.f32 v17, v19;
	_ =	sdelay $0x1  }
0xf9: {  	v18 =	vmul.f32 v17, v18;
	_ =	sdelay $0x1  }
0xfa: {  	v18 =	vmul.f32 v18, v17;
	_ =	sdelay $0x1  }
0xfb: {  	v18 =	vsub.f32 $1.500000000e+00, v18;
	_ =	sdelay $0x1  }
0xfc: {  	v17 =	vmul.f32 v18, v17;
	_ =	sdelay $0x1  }
0xfd: {  	v16 =	vmul.f32 v17, v16;
	_ =	sdelay $0x1  }
0xfe: {  	s28 =	simm.s32 $0x5FF0;
	[tilespmem:s23+$0xF010] =	vst v16  }
0xff: {  	v16 =	vld [tilespmem:s28+$0xFFFFFFB0]  }
0x100: {  	s25 =	simm.s32 $0x87F0;
	v17 =	vld [tilespmem:s28+$0xFFFFFF90]  }
0x101: {  	v18 =	vld [tilespmem:s25+$0xFFFFFF90]  }
0x102: {  	v19 =	vld [tilespmem:s28+$0xFFFFFFA0]  }
0x103: {  	v20 =	vld [tilespmem:s25+$0xFFFFFFA0]  }
0x104: {  	v21 =	vld [tilespmem:s25+$0xFFFFFFB0]  }
0x105: {  	v22 =	vld [tilespmem:s28+$0xFFFFFFC0]  }
0x106: {  	v23 =	vld [tilespmem:s25+$0xFFFFFFC0]  }
0x107: {  	v24 =	vld [tilespmem:s28+$0xFFFFFFD0]  }
0x108: {  	v25 =	vld [tilespmem:s25+$0xFFFFFFF0]  }
0x109: {  	v17 =	vsub.f32 v17, v18;
	v18 =	vsub.f32 v19, v20;
	v19 =	vld [tilespmem:s25+$0xFFFFFFD0]  }
0x10a: {  	v16 =	vsub.f32 v16, v21;
	v20 =	vld [tilespmem:s28+$0xFFFFFFE0]  }
0x10b: {  	v21 =	vld [tilespmem:s25+$0xFFFFFFE0];
	v17 =	vadd.f32 $9.999999970e-07, v17;
	v18 =	vadd.f32 $9.999999970e-07, v18  }
0x10c: {  	v26 =	vld [tilespmem:s25+$0xFFFFFF10];
	v22 =	vsub.f32 v22, v23  }
0x10d: {  	v23 =	vld [tilespmem:s28+$0xFFFFFFF0];
	v16 =	vadd.f32 $9.999999970e-07, v16;
	v17 =	vmul.f32 v17, v17;
	v18 =	vmul.f32 v18, v18  }
0x10e: {  	v27 =	vld [tilespmem:s25+$0xFFFFFF40];
	v19 =	vsub.f32 v24, v19  }
0x10f: {  	v16 =	vmul.f32 v16, v16;
	v24 =	vld [tilespmem:s28+$0x0];
	v17 =	vadd.f32 v18, v17;
	v18 =	vadd.f32 $9.999999970e-07, v22  }
0x110: {  	v20 =	vsub.f32 v20, v21;
	v22 =	vld [tilespmem:s25+$0x0]  }
0x111: {  	v21 =	vld [tilespmem:s28+$0xFFFFFF20];
	v16 =	vadd.f32 v16, v17;
	v17 =	vmul.f32 v18, v18;
	v18 =	vadd.f32 $9.999999970e-07, v19  }
0x112: {  	v23 =	vsub.f32 v23, v25;
	v19 =	vld [tilespmem:s25+$0xFFFFFF20]  }
0x113: {  	v25 =	vld [tilespmem:s28+$0xFFFFFF10];
	v16 =	vadd.f32 v17, v16;
	v17 =	vmul.f32 v18, v18;
	v18 =	vadd.f32 $9.999999970e-07, v20  }
0x114: {  	v20 =	vld [tilespmem:s28+$0xFFFFFF30]  }
0x115: {  	v22 =	vsub.f32 v24, v22;
	v24 =	vld [tilespmem:s25+$0xFFFFFF30];
	v16 =	vadd.f32 v17, v16;
	v17 =	vmul.f32 v18, v18  }
0x116: {  	v18 =	vadd.f32 $9.999999970e-07, v23;
	v23 =	vld [tilespmem:s28+$0xFFFFFF40]  }
0x117: {  	v19 =	vsub.f32 v21, v19;
	v16 =	vadd.f32 v17, v16  }
0x118: {  	v21 =	vld [tilespmem:s28+$0xFFFFFF50];
	v17 =	vmul.f32 v18, v18;
	v18 =	vadd.f32 $9.999999970e-07, v22;
	v22 =	vsub.f32 v25, v26  }
0x119: {  	v26 =	vld [tilespmem:s25+$0xFFFFFF50];
	v25 =	vadd.f32 $9.999999970e-07, v19  }
0x11a: {  	v19 =	vld [tilespmem:s25+$0xFFFFFF60];
	v17 =	vadd.f32 v17, v16;
	v18 =	vmul.f32 v18, v18;
	v22 =	vadd.f32 $9.999999970e-07, v22  }
0x11b: {  	v16 =	vld [tilespmem:s28+$0xFFFFFF60];
	v20 =	vsub.f32 v20, v24;
	v23 =	vsub.f32 v23, v27  }
0x11c: {  	v24 =	vadd.f32 v18, v17;
	v17 =	vmul.f32 v22, v22;
	v22 =	vmul.f32 v25, v25;
	v18 =	vld [tilespmem:s28+$0xFFFFFF70]  }
0x11d: {  	v27 =	vadd.f32 $9.999999970e-07, v20;
	v20 =	vld [tilespmem:s25+$0xFFFFFF70]  }
0x11e: {  	s26 =	simm.s32 $0xEF10;
	v25 =	vadd.f32 $9.999999970e-07, v23;
	v22 =	vadd.f32 v22, v17;
	v17 =	vld [tilespmem:s28+$0xFFFFFF80]  }
0x11f: {  	s29 =	simm.s32 $0x60F0;
	s28 =	simm.s32 $0x0;
	[tilespmem:s26+$0x0] =	vst v24;
	v23 =	vmul.f32 v27, v27;
	v24 =	vsub.f32 v21, v26;
	v21 =	vld [tilespmem:s25+$0xFFFFFF80]  }
.LBB2_7:
0x120: {  	v26 =	vld [tilespmem:s29+$0xFFFFFFB0];
	v25 =	vmul.f32 v25, v25;
	v16 =	vsub.f32 v16, v19  }
0x121: {  	s25 =	sadd.s32 $0x100, s25;
	v19 =	vld [tilespmem:s29+$0xFFFFFF90];
	v22 =	vadd.f32 v23, v22;
	v23 =	vadd.f32 $9.999999970e-07, v24  }
0x122: {  	v24 =	vld [tilespmem:s25+$0xFFFFFF90];
	v16 =	vadd.f32 $9.999999970e-07, v16;
	v18 =	vsub.f32 v18, v20  }
0x123: {  	v20 =	vld [tilespmem:s29+$0xFFFFFFA0];
	v22 =	vadd.f32 v25, v22;
	v23 =	vmul.f32 v23, v23  }
0x124: {  	s28 =	sadd.s32 $0x2, s28;
	v25 =	vld [tilespmem:s25+$0xFFFFFFA0];
	v16 =	vmul.f32 v16, v16;
	v18 =	vadd.f32 $9.999999970e-07, v18;
	v17 =	vsub.f32 v17, v21  }
0x125: {  	p0 =	slt.u32 s28, $0xE;
	v21 =	vld [tilespmem:s25+$0xFFFFFFB0];
	v22 =	vadd.f32 v23, v22  }
0x126: {  	v23 =	vld [tilespmem:s29+$0xFFFFFFC0];
	v18 =	vmul.f32 v18, v18;
	v17 =	vadd.f32 $9.999999970e-07, v17  }
0x127: {  	v27 =	vld [tilespmem:s25+$0xFFFFFFC0];
	v16 =	vadd.f32 v16, v22  }
0x128: {  	v22 =	vld [tilespmem:s29+$0xFFFFFFD0];
	v17 =	vmul.f32 v17, v17  }
0x129: {  	v19 =	vsub.f32 v19, v24;
	v20 =	vsub.f32 v20, v25;
	v24 =	vld [tilespmem:s25+$0xFFFFFFD0]  }
0x12a: {  	v16 =	vadd.f32 v18, v16;
	v21 =	vsub.f32 v26, v21;
	v25 =	vld [tilespmem:s29+$0xFFFFFFE0]  }
0x12b: {  	v18 =	vadd.f32 $9.999999970e-07, v19;
	v19 =	vadd.f32 $9.999999970e-07, v20;
	v20 =	vld [tilespmem:s25+$0xFFFFFFE0]  }
0x12c: {  	v16 =	vadd.f32 v17, v16;
	v23 =	vsub.f32 v23, v27;
	v26 =	vld [tilespmem:s29+$0xFFFFFFF0]  }
0x12d: {  	v17 =	vmul.f32 v18, v18;
	v18 =	vmul.f32 v19, v19;
	v19 =	vadd.f32 $9.999999970e-07, v21;
	v21 =	vld [tilespmem:s25+$0xFFFFFFF0]  }
0x12e: {  	v22 =	vsub.f32 v22, v24;
	v24 =	vld [tilespmem:s29+$0x0];
	[tilespmem:s26+$0xFFFFFFF0] =	vst v16  }
0x12f: {  	v16 =	vadd.f32 v18, v17;
	v17 =	vmul.f32 v19, v19;
	v18 =	vadd.f32 $9.999999970e-07, v23;
	v19 =	vld [tilespmem:s25+$0x0]  }
0x130: {  	v23 =	vld [tilespmem:s25+$0xFFFFFF10];
	v20 =	vsub.f32 v25, v20  }
0x131: {  	v25 =	vld [tilespmem:s29+$0xFFFFFF20];
	v16 =	vadd.f32 v17, v16;
	v17 =	vmul.f32 v18, v18;
	v18 =	vadd.f32 $9.999999970e-07, v22  }
0x132: {  	v22 =	vld [tilespmem:s25+$0xFFFFFF20];
	v21 =	vsub.f32 v26, v21  }
0x133: {  	v26 =	vld [tilespmem:s29+$0xFFFFFF10];
	v16 =	vadd.f32 v17, v16;
	v17 =	vmul.f32 v18, v18;
	v18 =	vadd.f32 $9.999999970e-07, v20  }
0x134: {  	v20 =	vld [tilespmem:s29+$0xFFFFFF30];
	v19 =	vsub.f32 v24, v19  }
0x135: {  	v24 =	vld [tilespmem:s25+$0xFFFFFF30];
	v16 =	vadd.f32 v17, v16;
	v17 =	vmul.f32 v18, v18;
	v18 =	vadd.f32 $9.999999970e-07, v21  }
0x136: {  	v21 =	vld [tilespmem:s29+$0xFFFFFF40]  }
0x137: {  	v27 =	vld [tilespmem:s25+$0xFFFFFF40];
	v16 =	vadd.f32 v17, v16;
	v17 =	vmul.f32 v18, v18;
	v18 =	vadd.f32 $9.999999970e-07, v19  }
0x138: {  	v22 =	vsub.f32 v25, v22;
	v19 =	vsub.f32 v26, v23;
	v26 =	vld [tilespmem:s29+$0xFFFFFF50]  }
0x139: {  	v28 =	vld [tilespmem:s25+$0xFFFFFF50];
	v17 =	vadd.f32 v17, v16;
	v18 =	vmul.f32 v18, v18  }
0x13a: {  	v22 =	vadd.f32 $9.999999970e-07, v22;
	v23 =	vadd.f32 $9.999999970e-07, v19;
	v16 =	vld [tilespmem:s29+$0xFFFFFF60]  }
.Ltmp2:
0x13b: {  	v20 =	vsub.f32 v20, v24;
	v19 =	vld [tilespmem:s25+$0xFFFFFF60];
	v17 =	vadd.f32 v18, v17;
	(pc) =	sbr.rel @p0 .LBB2_7-.Ltmp2, $4  }
0x13c: {  	s26 =	sadd.s32 $0x20, s26;
	v22 =	vmul.f32 v22, v22;
	v23 =	vmul.f32 v23, v23;
	v21 =	vsub.f32 v21, v27;
	v18 =	vld [tilespmem:s29+$0xFFFFFF70]  }
0x13d: {  	v24 =	vadd.f32 $9.999999970e-07, v20;
	v20 =	vld [tilespmem:s25+$0xFFFFFF70];
	[tilespmem:s26+$0x0] =	vst v17  }
0x13e: {  	v22 =	vadd.f32 v22, v23;
	v25 =	vadd.f32 $9.999999970e-07, v21;
	v17 =	vld [tilespmem:s29+$0xFFFFFF80]  }
0x13f: {  	v23 =	vmul.f32 v24, v24;
	v24 =	vsub.f32 v26, v28;
	s29 =	sadd.s32 $0x100, s29;
	v21 =	vld [tilespmem:s25+$0xFFFFFF80]  }
0x140: {  	v16 =	vsub.f32 v16, v19  }
0x141: {  	v19 =	vmul.f32 v25, v25;
	v22 =	vadd.f32 v23, v22;
	v23 =	vadd.f32 $9.999999970e-07, v24  }
0x142: {  	v18 =	vsub.f32 v18, v20  }
0x143: {  	v16 =	vadd.f32 $9.999999970e-07, v16;
	v19 =	vadd.f32 v19, v22;
	v20 =	vmul.f32 v23, v23  }
0x144: {  	v18 =	vadd.f32 $9.999999970e-07, v18  }
0x145: {  	v16 =	vmul.f32 v16, v16;
	v17 =	vsub.f32 v17, v21;
	v19 =	vadd.f32 v20, v19;
	_ =	sdelay $0x1  }
0x146: {  	v18 =	vmul.f32 v18, v18;
	v17 =	vadd.f32 $9.999999970e-07, v17;
	v16 =	vadd.f32 v16, v19;
	_ =	sdelay $0x1  }
0x147: {  	v17 =	vmul.f32 v17, v17;
	v16 =	vadd.f32 v18, v16;
	_ =	sdelay $0x1  }
0x148: {  	v16 =	vadd.f32 v17, v16;
	_ =	sdelay $0x1  }
0x149: {  	[tilespmem:s26+$0xFFFFFFF0] =	vst v16  }
0x14a: {  	v16 =	vld.idx.msk [tilespmem:v0+s17+$0x0], $0xffff  }
0x14b: {  	v17 =	vld.idx.msk [tilespmem:v1+s17+$0x0], $0xffff  }
0x14c: {  	v18 =	vld.idx.msk [tilespmem:v2+s17+$0x0], $0xffff  }
0x14d: {  	v19 =	vld.idx.msk [tilespmem:v3+s17+$0x0], $0xffff  }
0x14e: {  	v20 =	vld.idx.msk [tilespmem:v4+s17+$0x0], $0xffff  }
0x14f: {  	v21 =	vld.idx.msk [tilespmem:v5+s17+$0x0], $0xffff  }
0x150: {  	v22 =	vld.idx.msk [tilespmem:v6+s17+$0x0], $0xffff  }
0x151: {  	v23 =	vld.idx.msk [tilespmem:v7+s17+$0x0], $0xffff  }
0x152: {  	v24 =	vld.idx.msk [tilespmem:v8+s17+$0x0], $0xffff  }
0x153: {  	v25 =	vld.idx.msk [tilespmem:v9+s17+$0x0], $0xffff  }
0x154: {  	v26 =	vld.idx.msk [tilespmem:v10+s17+$0x0], $0xffff  }
0x155: {  	v27 =	vld.idx.msk [tilespmem:v11+s17+$0x0], $0xffff  }
0x156: {  	v28 =	vld.idx.msk [tilespmem:v12+s17+$0x0], $0xffff  }
0x157: {  	v29 =	vld.idx.msk [tilespmem:v13+s17+$0x0], $0xffff  }
0x158: {  	v30 =	vld.idx.msk [tilespmem:v14+s17+$0x0], $0xffff  }
0x159: {  	v16 =	vadd.f32 v20, v16;
	v17 =	vadd.f32 v21, v17;
	v20 =	vld.idx.msk [tilespmem:v15+s17+$0x0], $0xffff  }
0x15a: {  	v18 =	vadd.f32 v22, v18;
	v19 =	vadd.f32 v23, v19  }
0x15b: {  	v16 =	vadd.f32 v24, v16;
	v17 =	vadd.f32 v25, v17  }
0x15c: {  	v18 =	vadd.f32 v26, v18;
	v19 =	vadd.f32 v27, v19  }
0x15d: {  	v16 =	vadd.f32 v28, v16;
	v17 =	vadd.f32 v29, v17  }
0x15e: {  	v18 =	vadd.f32 v30, v18;
	v19 =	vadd.f32 v20, v19;
	_ =	sdelay $0x1  }
0x15f: {  	v16 =	vadd.f32 v17, v16;
	v17 =	vadd.f32 v19, v18;
	_ =	sdelay $0x1  }
0x160: {  	v16 =	vadd.f32 v17, v16;
	_ =	sdelay $0x1  }
0x161: {  	v17 =	vshra.s32 v16, $0x1;
	v18 =	vmul.f32 $5.000000000e-01, v16  }
0x162: {  	v17 =	vsub.s32 $0x5F3759DF, v17  }
0x163: {  	v19 =	vmul.f32 v17, v18;
	_ =	sdelay $0x1  }
0x164: {  	v19 =	vmul.f32 v17, v19;
	_ =	sdelay $0x1  }
0x165: {  	v19 =	vsub.f32 $1.500000000e+00, v19;
	_ =	sdelay $0x1  }
0x166: {  	v17 =	vmul.f32 v17, v19;
	_ =	sdelay $0x1  }
0x167: {  	v18 =	vmul.f32 v17, v18;
	_ =	sdelay $0x1  }
0x168: {  	v18 =	vmul.f32 v18, v17;
	_ =	sdelay $0x1  }
0x169: {  	v18 =	vsub.f32 $1.500000000e+00, v18;
	_ =	sdelay $0x1  }
0x16a: {  	v17 =	vmul.f32 v18, v17;
	_ =	sdelay $0x1  }
0x16b: {  	v16 =	vmul.f32 v17, v16;
	_ =	sdelay $0x1  }
0x16c: {  	s28 =	simm.s32 $0x67F0;
	[tilespmem:s23+$0xF020] =	vst v16  }
0x16d: {  	v16 =	vld [tilespmem:s28+$0xFFFFFFB0]  }
0x16e: {  	s25 =	simm.s32 $0x8FF0;
	v17 =	vld [tilespmem:s28+$0xFFFFFF90]  }
0x16f: {  	v18 =	vld [tilespmem:s25+$0xFFFFFF90]  }
0x170: {  	v19 =	vld [tilespmem:s28+$0xFFFFFFA0]  }
0x171: {  	v20 =	vld [tilespmem:s25+$0xFFFFFFA0]  }
0x172: {  	v21 =	vld [tilespmem:s25+$0xFFFFFFB0]  }
0x173: {  	v22 =	vld [tilespmem:s28+$0xFFFFFFC0]  }
0x174: {  	v23 =	vld [tilespmem:s25+$0xFFFFFFC0]  }
0x175: {  	v24 =	vld [tilespmem:s28+$0xFFFFFFD0]  }
0x176: {  	v25 =	vld [tilespmem:s25+$0xFFFFFFF0]  }
0x177: {  	v17 =	vsub.f32 v17, v18;
	v18 =	vsub.f32 v19, v20;
	v19 =	vld [tilespmem:s25+$0xFFFFFFD0]  }
0x178: {  	v16 =	vsub.f32 v16, v21;
	v20 =	vld [tilespmem:s28+$0xFFFFFFE0]  }
0x179: {  	v21 =	vld [tilespmem:s25+$0xFFFFFFE0];
	v17 =	vadd.f32 $9.999999970e-07, v17;
	v18 =	vadd.f32 $9.999999970e-07, v18  }
0x17a: {  	v26 =	vld [tilespmem:s25+$0xFFFFFF10];
	v22 =	vsub.f32 v22, v23  }
0x17b: {  	v23 =	vld [tilespmem:s28+$0xFFFFFFF0];
	v16 =	vadd.f32 $9.999999970e-07, v16;
	v17 =	vmul.f32 v17, v17;
	v18 =	vmul.f32 v18, v18  }
0x17c: {  	v27 =	vld [tilespmem:s25+$0xFFFFFF40];
	v19 =	vsub.f32 v24, v19  }
0x17d: {  	v16 =	vmul.f32 v16, v16;
	v24 =	vld [tilespmem:s28+$0x0];
	v17 =	vadd.f32 v18, v17;
	v18 =	vadd.f32 $9.999999970e-07, v22  }
0x17e: {  	v20 =	vsub.f32 v20, v21;
	v22 =	vld [tilespmem:s25+$0x0]  }
0x17f: {  	v21 =	vld [tilespmem:s28+$0xFFFFFF20];
	v16 =	vadd.f32 v16, v17;
	v17 =	vmul.f32 v18, v18;
	v18 =	vadd.f32 $9.999999970e-07, v19  }
0x180: {  	v23 =	vsub.f32 v23, v25;
	v19 =	vld [tilespmem:s25+$0xFFFFFF20]  }
0x181: {  	v25 =	vld [tilespmem:s28+$0xFFFFFF10];
	v16 =	vadd.f32 v17, v16;
	v17 =	vmul.f32 v18, v18;
	v18 =	vadd.f32 $9.999999970e-07, v20  }
0x182: {  	v20 =	vld [tilespmem:s28+$0xFFFFFF30]  }
0x183: {  	v22 =	vsub.f32 v24, v22;
	v24 =	vld [tilespmem:s25+$0xFFFFFF30];
	v16 =	vadd.f32 v17, v16;
	v17 =	vmul.f32 v18, v18  }
0x184: {  	v18 =	vadd.f32 $9.999999970e-07, v23;
	v23 =	vld [tilespmem:s28+$0xFFFFFF40]  }
0x185: {  	v19 =	vsub.f32 v21, v19;
	v16 =	vadd.f32 v17, v16  }
0x186: {  	v21 =	vld [tilespmem:s28+$0xFFFFFF50];
	v17 =	vmul.f32 v18, v18;
	v18 =	vadd.f32 $9.999999970e-07, v22;
	v22 =	vsub.f32 v25, v26  }
0x187: {  	v26 =	vld [tilespmem:s25+$0xFFFFFF50];
	v25 =	vadd.f32 $9.999999970e-07, v19  }
0x188: {  	v19 =	vld [tilespmem:s25+$0xFFFFFF60];
	v17 =	vadd.f32 v17, v16;
	v18 =	vmul.f32 v18, v18;
	v22 =	vadd.f32 $9.999999970e-07, v22  }
0x189: {  	v16 =	vld [tilespmem:s28+$0xFFFFFF60];
	v20 =	vsub.f32 v20, v24;
	v23 =	vsub.f32 v23, v27  }
0x18a: {  	v24 =	vadd.f32 v18, v17;
	v17 =	vmul.f32 v22, v22;
	v22 =	vmul.f32 v25, v25;
	v18 =	vld [tilespmem:s28+$0xFFFFFF70]  }
0x18b: {  	v27 =	vadd.f32 $9.999999970e-07, v20;
	v20 =	vld [tilespmem:s25+$0xFFFFFF70]  }
0x18c: {  	s26 =	simm.s32 $0xEF10;
	v25 =	vadd.f32 $9.999999970e-07, v23;
	v22 =	vadd.f32 v22, v17;
	v17 =	vld [tilespmem:s28+$0xFFFFFF80]  }
0x18d: {  	s29 =	simm.s32 $0x68F0;
	s28 =	simm.s32 $0x0;
	[tilespmem:s26+$0x0] =	vst v24;
	v23 =	vmul.f32 v27, v27;
	v24 =	vsub.f32 v21, v26;
	v21 =	vld [tilespmem:s25+$0xFFFFFF80]  }
.LBB2_9:
0x18e: {  	v26 =	vld [tilespmem:s29+$0xFFFFFFB0];
	v25 =	vmul.f32 v25, v25;
	v16 =	vsub.f32 v16, v19  }
0x18f: {  	s25 =	sadd.s32 $0x100, s25;
	v19 =	vld [tilespmem:s29+$0xFFFFFF90];
	v22 =	vadd.f32 v23, v22;
	v23 =	vadd.f32 $9.999999970e-07, v24  }
0x190: {  	v24 =	vld [tilespmem:s25+$0xFFFFFF90];
	v16 =	vadd.f32 $9.999999970e-07, v16;
	v18 =	vsub.f32 v18, v20  }
0x191: {  	v20 =	vld [tilespmem:s29+$0xFFFFFFA0];
	v22 =	vadd.f32 v25, v22;
	v23 =	vmul.f32 v23, v23  }
0x192: {  	s28 =	sadd.s32 $0x2, s28;
	v25 =	vld [tilespmem:s25+$0xFFFFFFA0];
	v16 =	vmul.f32 v16, v16;
	v18 =	vadd.f32 $9.999999970e-07, v18;
	v17 =	vsub.f32 v17, v21  }
0x193: {  	p0 =	slt.u32 s28, $0xE;
	v21 =	vld [tilespmem:s25+$0xFFFFFFB0];
	v22 =	vadd.f32 v23, v22  }
0x194: {  	v23 =	vld [tilespmem:s29+$0xFFFFFFC0];
	v18 =	vmul.f32 v18, v18;
	v17 =	vadd.f32 $9.999999970e-07, v17  }
0x195: {  	v27 =	vld [tilespmem:s25+$0xFFFFFFC0];
	v16 =	vadd.f32 v16, v22  }
0x196: {  	v22 =	vld [tilespmem:s29+$0xFFFFFFD0];
	v17 =	vmul.f32 v17, v17  }
0x197: {  	v19 =	vsub.f32 v19, v24;
	v20 =	vsub.f32 v20, v25;
	v24 =	vld [tilespmem:s25+$0xFFFFFFD0]  }
0x198: {  	v16 =	vadd.f32 v18, v16;
	v21 =	vsub.f32 v26, v21;
	v25 =	vld [tilespmem:s29+$0xFFFFFFE0]  }
0x199: {  	v18 =	vadd.f32 $9.999999970e-07, v19;
	v19 =	vadd.f32 $9.999999970e-07, v20;
	v20 =	vld [tilespmem:s25+$0xFFFFFFE0]  }
0x19a: {  	v16 =	vadd.f32 v17, v16;
	v23 =	vsub.f32 v23, v27;
	v26 =	vld [tilespmem:s29+$0xFFFFFFF0]  }
0x19b: {  	v17 =	vmul.f32 v18, v18;
	v18 =	vmul.f32 v19, v19;
	v19 =	vadd.f32 $9.999999970e-07, v21;
	v21 =	vld [tilespmem:s25+$0xFFFFFFF0]  }
0x19c: {  	v22 =	vsub.f32 v22, v24;
	v24 =	vld [tilespmem:s29+$0x0];
	[tilespmem:s26+$0xFFFFFFF0] =	vst v16  }
0x19d: {  	v16 =	vadd.f32 v18, v17;
	v17 =	vmul.f32 v19, v19;
	v18 =	vadd.f32 $9.999999970e-07, v23;
	v19 =	vld [tilespmem:s25+$0x0]  }
0x19e: {  	v23 =	vld [tilespmem:s25+$0xFFFFFF10];
	v20 =	vsub.f32 v25, v20  }
0x19f: {  	v25 =	vld [tilespmem:s29+$0xFFFFFF20];
	v16 =	vadd.f32 v17, v16;
	v17 =	vmul.f32 v18, v18;
	v18 =	vadd.f32 $9.999999970e-07, v22  }
0x1a0: {  	v22 =	vld [tilespmem:s25+$0xFFFFFF20];
	v21 =	vsub.f32 v26, v21  }
0x1a1: {  	v26 =	vld [tilespmem:s29+$0xFFFFFF10];
	v16 =	vadd.f32 v17, v16;
	v17 =	vmul.f32 v18, v18;
	v18 =	vadd.f32 $9.999999970e-07, v20  }
0x1a2: {  	v20 =	vld [tilespmem:s29+$0xFFFFFF30];
	v19 =	vsub.f32 v24, v19  }
0x1a3: {  	v24 =	vld [tilespmem:s25+$0xFFFFFF30];
	v16 =	vadd.f32 v17, v16;
	v17 =	vmul.f32 v18, v18;
	v18 =	vadd.f32 $9.999999970e-07, v21  }
0x1a4: {  	v21 =	vld [tilespmem:s29+$0xFFFFFF40]  }
0x1a5: {  	v27 =	vld [tilespmem:s25+$0xFFFFFF40];
	v16 =	vadd.f32 v17, v16;
	v17 =	vmul.f32 v18, v18;
	v18 =	vadd.f32 $9.999999970e-07, v19  }
0x1a6: {  	v22 =	vsub.f32 v25, v22;
	v19 =	vsub.f32 v26, v23;
	v26 =	vld [tilespmem:s29+$0xFFFFFF50]  }
0x1a7: {  	v28 =	vld [tilespmem:s25+$0xFFFFFF50];
	v17 =	vadd.f32 v17, v16;
	v18 =	vmul.f32 v18, v18  }
0x1a8: {  	v22 =	vadd.f32 $9.999999970e-07, v22;
	v23 =	vadd.f32 $9.999999970e-07, v19;
	v16 =	vld [tilespmem:s29+$0xFFFFFF60]  }
.Ltmp3:
0x1a9: {  	v20 =	vsub.f32 v20, v24;
	v19 =	vld [tilespmem:s25+$0xFFFFFF60];
	v17 =	vadd.f32 v18, v17;
	(pc) =	sbr.rel @p0 .LBB2_9-.Ltmp3, $4  }
0x1aa: {  	s26 =	sadd.s32 $0x20, s26;
	v22 =	vmul.f32 v22, v22;
	v23 =	vmul.f32 v23, v23;
	v21 =	vsub.f32 v21, v27;
	v18 =	vld [tilespmem:s29+$0xFFFFFF70]  }
0x1ab: {  	v24 =	vadd.f32 $9.999999970e-07, v20;
	v20 =	vld [tilespmem:s25+$0xFFFFFF70];
	[tilespmem:s26+$0x0] =	vst v17  }
0x1ac: {  	v22 =	vadd.f32 v22, v23;
	v25 =	vadd.f32 $9.999999970e-07, v21;
	v17 =	vld [tilespmem:s29+$0xFFFFFF80]  }
0x1ad: {  	v23 =	vmul.f32 v24, v24;
	v24 =	vsub.f32 v26, v28;
	s29 =	sadd.s32 $0x100, s29;
	v21 =	vld [tilespmem:s25+$0xFFFFFF80]  }
0x1ae: {  	v16 =	vsub.f32 v16, v19  }
0x1af: {  	v19 =	vmul.f32 v25, v25;
	v22 =	vadd.f32 v23, v22;
	v23 =	vadd.f32 $9.999999970e-07, v24  }
0x1b0: {  	v18 =	vsub.f32 v18, v20  }
0x1b1: {  	v16 =	vadd.f32 $9.999999970e-07, v16;
	v19 =	vadd.f32 v19, v22;
	v20 =	vmul.f32 v23, v23  }
0x1b2: {  	v18 =	vadd.f32 $9.999999970e-07, v18  }
0x1b3: {  	v16 =	vmul.f32 v16, v16;
	v17 =	vsub.f32 v17, v21;
	v19 =	vadd.f32 v20, v19;
	_ =	sdelay $0x1  }
0x1b4: {  	v18 =	vmul.f32 v18, v18;
	v17 =	vadd.f32 $9.999999970e-07, v17;
	v16 =	vadd.f32 v16, v19;
	_ =	sdelay $0x1  }
0x1b5: {  	v17 =	vmul.f32 v17, v17;
	v16 =	vadd.f32 v18, v16;
	_ =	sdelay $0x1  }
0x1b6: {  	v16 =	vadd.f32 v17, v16;
	_ =	sdelay $0x1  }
0x1b7: {  	[tilespmem:s26+$0xFFFFFFF0] =	vst v16  }
0x1b8: {  	v16 =	vld.idx.msk [tilespmem:v0+s17+$0x0], $0xffff  }
0x1b9: {  	v17 =	vld.idx.msk [tilespmem:v1+s17+$0x0], $0xffff  }
0x1ba: {  	v18 =	vld.idx.msk [tilespmem:v2+s17+$0x0], $0xffff  }
0x1bb: {  	v19 =	vld.idx.msk [tilespmem:v3+s17+$0x0], $0xffff  }
0x1bc: {  	v20 =	vld.idx.msk [tilespmem:v4+s17+$0x0], $0xffff  }
0x1bd: {  	v21 =	vld.idx.msk [tilespmem:v5+s17+$0x0], $0xffff  }
0x1be: {  	v22 =	vld.idx.msk [tilespmem:v6+s17+$0x0], $0xffff  }
0x1bf: {  	v23 =	vld.idx.msk [tilespmem:v7+s17+$0x0], $0xffff  }
0x1c0: {  	v24 =	vld.idx.msk [tilespmem:v8+s17+$0x0], $0xffff  }
0x1c1: {  	v25 =	vld.idx.msk [tilespmem:v9+s17+$0x0], $0xffff  }
0x1c2: {  	v26 =	vld.idx.msk [tilespmem:v10+s17+$0x0], $0xffff  }
0x1c3: {  	v27 =	vld.idx.msk [tilespmem:v11+s17+$0x0], $0xffff  }
0x1c4: {  	v28 =	vld.idx.msk [tilespmem:v12+s17+$0x0], $0xffff  }
0x1c5: {  	v29 =	vld.idx.msk [tilespmem:v13+s17+$0x0], $0xffff  }
0x1c6: {  	v30 =	vld.idx.msk [tilespmem:v14+s17+$0x0], $0xffff  }
0x1c7: {  	v16 =	vadd.f32 v20, v16;
	v17 =	vadd.f32 v21, v17;
	v20 =	vld.idx.msk [tilespmem:v15+s17+$0x0], $0xffff  }
0x1c8: {  	v18 =	vadd.f32 v22, v18;
	v19 =	vadd.f32 v23, v19  }
0x1c9: {  	v16 =	vadd.f32 v24, v16;
	v17 =	vadd.f32 v25, v17  }
0x1ca: {  	v18 =	vadd.f32 v26, v18;
	v19 =	vadd.f32 v27, v19  }
0x1cb: {  	v16 =	vadd.f32 v28, v16;
	v17 =	vadd.f32 v29, v17  }
0x1cc: {  	v18 =	vadd.f32 v30, v18;
	v19 =	vadd.f32 v20, v19;
	_ =	sdelay $0x1  }
0x1cd: {  	v16 =	vadd.f32 v17, v16;
	v17 =	vadd.f32 v19, v18;
	_ =	sdelay $0x1  }
0x1ce: {  	v16 =	vadd.f32 v17, v16;
	_ =	sdelay $0x1  }
0x1cf: {  	v17 =	vshra.s32 v16, $0x1;
	v18 =	vmul.f32 $5.000000000e-01, v16  }
0x1d0: {  	v17 =	vsub.s32 $0x5F3759DF, v17  }
0x1d1: {  	v19 =	vmul.f32 v17, v18;
	_ =	sdelay $0x1  }
0x1d2: {  	v19 =	vmul.f32 v17, v19;
	_ =	sdelay $0x1  }
0x1d3: {  	v19 =	vsub.f32 $1.500000000e+00, v19;
	_ =	sdelay $0x1  }
0x1d4: {  	v17 =	vmul.f32 v17, v19;
	_ =	sdelay $0x1  }
0x1d5: {  	v18 =	vmul.f32 v17, v18;
	_ =	sdelay $0x1  }
0x1d6: {  	v18 =	vmul.f32 v18, v17;
	_ =	sdelay $0x1  }
0x1d7: {  	v18 =	vsub.f32 $1.500000000e+00, v18;
	_ =	sdelay $0x1  }
0x1d8: {  	v17 =	vmul.f32 v18, v17;
	_ =	sdelay $0x1  }
0x1d9: {  	v16 =	vmul.f32 v17, v16;
	_ =	sdelay $0x1  }
0x1da: {  	s28 =	simm.s32 $0x6FF0;
	[tilespmem:s23+$0xF030] =	vst v16  }
0x1db: {  	v16 =	vld [tilespmem:s28+$0xFFFFFFB0]  }
0x1dc: {  	s25 =	simm.s32 $0x97F0;
	v17 =	vld [tilespmem:s28+$0xFFFFFF90]  }
0x1dd: {  	v18 =	vld [tilespmem:s25+$0xFFFFFF90]  }
0x1de: {  	v19 =	vld [tilespmem:s28+$0xFFFFFFA0]  }
0x1df: {  	v20 =	vld [tilespmem:s25+$0xFFFFFFA0]  }
0x1e0: {  	v21 =	vld [tilespmem:s25+$0xFFFFFFB0]  }
0x1e1: {  	v22 =	vld [tilespmem:s28+$0xFFFFFFC0]  }
0x1e2: {  	v23 =	vld [tilespmem:s25+$0xFFFFFFC0]  }
0x1e3: {  	v24 =	vld [tilespmem:s28+$0xFFFFFFD0]  }
0x1e4: {  	v25 =	vld [tilespmem:s25+$0xFFFFFFF0]  }
0x1e5: {  	v17 =	vsub.f32 v17, v18;
	v18 =	vsub.f32 v19, v20;
	v19 =	vld [tilespmem:s25+$0xFFFFFFD0]  }
0x1e6: {  	v16 =	vsub.f32 v16, v21;
	v20 =	vld [tilespmem:s28+$0xFFFFFFE0]  }
0x1e7: {  	v21 =	vld [tilespmem:s25+$0xFFFFFFE0];
	v17 =	vadd.f32 $9.999999970e-07, v17;
	v18 =	vadd.f32 $9.999999970e-07, v18  }
0x1e8: {  	v26 =	vld [tilespmem:s25+$0xFFFFFF10];
	v22 =	vsub.f32 v22, v23  }
0x1e9: {  	v23 =	vld [tilespmem:s28+$0xFFFFFFF0];
	v16 =	vadd.f32 $9.999999970e-07, v16;
	v17 =	vmul.f32 v17, v17;
	v18 =	vmul.f32 v18, v18  }
0x1ea: {  	v27 =	vld [tilespmem:s25+$0xFFFFFF40];
	v19 =	vsub.f32 v24, v19  }
0x1eb: {  	v16 =	vmul.f32 v16, v16;
	v24 =	vld [tilespmem:s28+$0x0];
	v17 =	vadd.f32 v18, v17;
	v18 =	vadd.f32 $9.999999970e-07, v22  }
0x1ec: {  	v20 =	vsub.f32 v20, v21;
	v22 =	vld [tilespmem:s25+$0x0]  }
0x1ed: {  	v21 =	vld [tilespmem:s28+$0xFFFFFF20];
	v16 =	vadd.f32 v16, v17;
	v17 =	vmul.f32 v18, v18;
	v18 =	vadd.f32 $9.999999970e-07, v19  }
0x1ee: {  	v23 =	vsub.f32 v23, v25;
	v19 =	vld [tilespmem:s25+$0xFFFFFF20]  }
0x1ef: {  	v25 =	vld [tilespmem:s28+$0xFFFFFF10];
	v16 =	vadd.f32 v17, v16;
	v17 =	vmul.f32 v18, v18;
	v18 =	vadd.f32 $9.999999970e-07, v20  }
0x1f0: {  	v20 =	vld [tilespmem:s28+$0xFFFFFF30]  }
0x1f1: {  	v22 =	vsub.f32 v24, v22;
	v24 =	vld [tilespmem:s25+$0xFFFFFF30];
	v16 =	vadd.f32 v17, v16;
	v17 =	vmul.f32 v18, v18  }
0x1f2: {  	v18 =	vadd.f32 $9.999999970e-07, v23;
	v23 =	vld [tilespmem:s28+$0xFFFFFF40]  }
0x1f3: {  	v19 =	vsub.f32 v21, v19;
	v16 =	vadd.f32 v17, v16  }
0x1f4: {  	v21 =	vld [tilespmem:s28+$0xFFFFFF50];
	v17 =	vmul.f32 v18, v18;
	v18 =	vadd.f32 $9.999999970e-07, v22;
	v22 =	vsub.f32 v25, v26  }
0x1f5: {  	v26 =	vld [tilespmem:s25+$0xFFFFFF50];
	v25 =	vadd.f32 $9.999999970e-07, v19  }
0x1f6: {  	v19 =	vld [tilespmem:s25+$0xFFFFFF60];
	v17 =	vadd.f32 v17, v16;
	v18 =	vmul.f32 v18, v18;
	v22 =	vadd.f32 $9.999999970e-07, v22  }
0x1f7: {  	v16 =	vld [tilespmem:s28+$0xFFFFFF60];
	v20 =	vsub.f32 v20, v24;
	v23 =	vsub.f32 v23, v27  }
0x1f8: {  	v24 =	vadd.f32 v18, v17;
	v17 =	vmul.f32 v22, v22;
	v22 =	vmul.f32 v25, v25;
	v18 =	vld [tilespmem:s28+$0xFFFFFF70]  }
0x1f9: {  	v27 =	vadd.f32 $9.999999970e-07, v20;
	v20 =	vld [tilespmem:s25+$0xFFFFFF70]  }
0x1fa: {  	s26 =	simm.s32 $0xEF10;
	v25 =	vadd.f32 $9.999999970e-07, v23;
	v22 =	vadd.f32 v22, v17;
	v17 =	vld [tilespmem:s28+$0xFFFFFF80]  }
0x1fb: {  	s29 =	simm.s32 $0x70F0;
	s28 =	simm.s32 $0x0;
	[tilespmem:s26+$0x0] =	vst v24;
	v23 =	vmul.f32 v27, v27;
	v24 =	vsub.f32 v21, v26;
	v21 =	vld [tilespmem:s25+$0xFFFFFF80]  }
.LBB2_11:
0x1fc: {  	v26 =	vld [tilespmem:s29+$0xFFFFFFB0];
	v25 =	vmul.f32 v25, v25;
	v16 =	vsub.f32 v16, v19  }
0x1fd: {  	s25 =	sadd.s32 $0x100, s25;
	v19 =	vld [tilespmem:s29+$0xFFFFFF90];
	v22 =	vadd.f32 v23, v22;
	v23 =	vadd.f32 $9.999999970e-07, v24  }
0x1fe: {  	v24 =	vld [tilespmem:s25+$0xFFFFFF90];
	v16 =	vadd.f32 $9.999999970e-07, v16;
	v18 =	vsub.f32 v18, v20  }
0x1ff: {  	v20 =	vld [tilespmem:s29+$0xFFFFFFA0];
	v22 =	vadd.f32 v25, v22;
	v23 =	vmul.f32 v23, v23  }
0x200: {  	s28 =	sadd.s32 $0x2, s28;
	v25 =	vld [tilespmem:s25+$0xFFFFFFA0];
	v16 =	vmul.f32 v16, v16;
	v18 =	vadd.f32 $9.999999970e-07, v18;
	v17 =	vsub.f32 v17, v21  }
0x201: {  	p0 =	slt.u32 s28, $0xE;
	v21 =	vld [tilespmem:s25+$0xFFFFFFB0];
	v22 =	vadd.f32 v23, v22  }
0x202: {  	v23 =	vld [tilespmem:s29+$0xFFFFFFC0];
	v18 =	vmul.f32 v18, v18;
	v17 =	vadd.f32 $9.999999970e-07, v17  }
0x203: {  	v27 =	vld [tilespmem:s25+$0xFFFFFFC0];
	v16 =	vadd.f32 v16, v22  }
0x204: {  	v22 =	vld [tilespmem:s29+$0xFFFFFFD0];
	v17 =	vmul.f32 v17, v17  }
0x205: {  	v19 =	vsub.f32 v19, v24;
	v20 =	vsub.f32 v20, v25;
	v24 =	vld [tilespmem:s25+$0xFFFFFFD0]  }
0x206: {  	v16 =	vadd.f32 v18, v16;
	v21 =	vsub.f32 v26, v21;
	v25 =	vld [tilespmem:s29+$0xFFFFFFE0]  }
0x207: {  	v18 =	vadd.f32 $9.999999970e-07, v19;
	v19 =	vadd.f32 $9.999999970e-07, v20;
	v20 =	vld [tilespmem:s25+$0xFFFFFFE0]  }
0x208: {  	v16 =	vadd.f32 v17, v16;
	v23 =	vsub.f32 v23, v27;
	v26 =	vld [tilespmem:s29+$0xFFFFFFF0]  }
0x209: {  	v17 =	vmul.f32 v18, v18;
	v18 =	vmul.f32 v19, v19;
	v19 =	vadd.f32 $9.999999970e-07, v21;
	v21 =	vld [tilespmem:s25+$0xFFFFFFF0]  }
0x20a: {  	v22 =	vsub.f32 v22, v24;
	v24 =	vld [tilespmem:s29+$0x0];
	[tilespmem:s26+$0xFFFFFFF0] =	vst v16  }
0x20b: {  	v16 =	vadd.f32 v18, v17;
	v17 =	vmul.f32 v19, v19;
	v18 =	vadd.f32 $9.999999970e-07, v23;
	v19 =	vld [tilespmem:s25+$0x0]  }
0x20c: {  	v23 =	vld [tilespmem:s25+$0xFFFFFF10];
	v20 =	vsub.f32 v25, v20  }
0x20d: {  	v25 =	vld [tilespmem:s29+$0xFFFFFF20];
	v16 =	vadd.f32 v17, v16;
	v17 =	vmul.f32 v18, v18;
	v18 =	vadd.f32 $9.999999970e-07, v22  }
0x20e: {  	v22 =	vld [tilespmem:s25+$0xFFFFFF20];
	v21 =	vsub.f32 v26, v21  }
0x20f: {  	v26 =	vld [tilespmem:s29+$0xFFFFFF10];
	v16 =	vadd.f32 v17, v16;
	v17 =	vmul.f32 v18, v18;
	v18 =	vadd.f32 $9.999999970e-07, v20  }
0x210: {  	v20 =	vld [tilespmem:s29+$0xFFFFFF30];
	v19 =	vsub.f32 v24, v19  }
0x211: {  	v24 =	vld [tilespmem:s25+$0xFFFFFF30];
	v16 =	vadd.f32 v17, v16;
	v17 =	vmul.f32 v18, v18;
	v18 =	vadd.f32 $9.999999970e-07, v21  }
0x212: {  	v21 =	vld [tilespmem:s29+$0xFFFFFF40]  }
0x213: {  	v27 =	vld [tilespmem:s25+$0xFFFFFF40];
	v16 =	vadd.f32 v17, v16;
	v17 =	vmul.f32 v18, v18;
	v18 =	vadd.f32 $9.999999970e-07, v19  }
0x214: {  	v22 =	vsub.f32 v25, v22;
	v19 =	vsub.f32 v26, v23;
	v26 =	vld [tilespmem:s29+$0xFFFFFF50]  }
0x215: {  	v28 =	vld [tilespmem:s25+$0xFFFFFF50];
	v17 =	vadd.f32 v17, v16;
	v18 =	vmul.f32 v18, v18  }
0x216: {  	v22 =	vadd.f32 $9.999999970e-07, v22;
	v23 =	vadd.f32 $9.999999970e-07, v19;
	v16 =	vld [tilespmem:s29+$0xFFFFFF60]  }
.Ltmp4:
0x217: {  	v20 =	vsub.f32 v20, v24;
	v19 =	vld [tilespmem:s25+$0xFFFFFF60];
	v17 =	vadd.f32 v18, v17;
	(pc) =	sbr.rel @p0 .LBB2_11-.Ltmp4, $4  }
0x218: {  	s26 =	sadd.s32 $0x20, s26;
	v22 =	vmul.f32 v22, v22;
	v23 =	vmul.f32 v23, v23;
	v21 =	vsub.f32 v21, v27;
	v18 =	vld [tilespmem:s29+$0xFFFFFF70]  }
0x219: {  	v24 =	vadd.f32 $9.999999970e-07, v20;
	v20 =	vld [tilespmem:s25+$0xFFFFFF70];
	[tilespmem:s26+$0x0] =	vst v17  }
0x21a: {  	v22 =	vadd.f32 v22, v23;
	v25 =	vadd.f32 $9.999999970e-07, v21;
	v17 =	vld [tilespmem:s29+$0xFFFFFF80]  }
0x21b: {  	v23 =	vmul.f32 v24, v24;
	v24 =	vsub.f32 v26, v28;
	s29 =	sadd.s32 $0x100, s29;
	v21 =	vld [tilespmem:s25+$0xFFFFFF80]  }
0x21c: {  	v16 =	vsub.f32 v16, v19  }
0x21d: {  	v19 =	vmul.f32 v25, v25;
	v22 =	vadd.f32 v23, v22;
	v23 =	vadd.f32 $9.999999970e-07, v24  }
0x21e: {  	v18 =	vsub.f32 v18, v20  }
0x21f: {  	v16 =	vadd.f32 $9.999999970e-07, v16;
	v19 =	vadd.f32 v19, v22;
	v20 =	vmul.f32 v23, v23  }
0x220: {  	v18 =	vadd.f32 $9.999999970e-07, v18  }
0x221: {  	v16 =	vmul.f32 v16, v16;
	v17 =	vsub.f32 v17, v21;
	v19 =	vadd.f32 v20, v19;
	_ =	sdelay $0x1  }
0x222: {  	v18 =	vmul.f32 v18, v18;
	v17 =	vadd.f32 $9.999999970e-07, v17;
	v16 =	vadd.f32 v16, v19;
	_ =	sdelay $0x1  }
0x223: {  	v17 =	vmul.f32 v17, v17;
	v16 =	vadd.f32 v18, v16;
	_ =	sdelay $0x1  }
0x224: {  	v16 =	vadd.f32 v17, v16;
	_ =	sdelay $0x1  }
0x225: {  	[tilespmem:s26+$0xFFFFFFF0] =	vst v16  }
0x226: {  	v16 =	vld.idx.msk [tilespmem:v0+s17+$0x0], $0xffff  }
0x227: {  	v17 =	vld.idx.msk [tilespmem:v1+s17+$0x0], $0xffff  }
0x228: {  	v18 =	vld.idx.msk [tilespmem:v2+s17+$0x0], $0xffff  }
0x229: {  	v19 =	vld.idx.msk [tilespmem:v3+s17+$0x0], $0xffff  }
0x22a: {  	v20 =	vld.idx.msk [tilespmem:v4+s17+$0x0], $0xffff  }
0x22b: {  	v21 =	vld.idx.msk [tilespmem:v5+s17+$0x0], $0xffff  }
0x22c: {  	v22 =	vld.idx.msk [tilespmem:v6+s17+$0x0], $0xffff  }
0x22d: {  	v23 =	vld.idx.msk [tilespmem:v7+s17+$0x0], $0xffff  }
0x22e: {  	v24 =	vld.idx.msk [tilespmem:v8+s17+$0x0], $0xffff  }
0x22f: {  	v25 =	vld.idx.msk [tilespmem:v9+s17+$0x0], $0xffff  }
0x230: {  	v26 =	vld.idx.msk [tilespmem:v10+s17+$0x0], $0xffff  }
0x231: {  	v27 =	vld.idx.msk [tilespmem:v11+s17+$0x0], $0xffff  }
0x232: {  	v28 =	vld.idx.msk [tilespmem:v12+s17+$0x0], $0xffff  }
0x233: {  	v29 =	vld.idx.msk [tilespmem:v13+s17+$0x0], $0xffff  }
0x234: {  	v30 =	vld.idx.msk [tilespmem:v14+s17+$0x0], $0xffff  }
0x235: {  	v16 =	vadd.f32 v20, v16;
	v17 =	vadd.f32 v21, v17;
	v20 =	vld.idx.msk [tilespmem:v15+s17+$0x0], $0xffff  }
0x236: {  	v18 =	vadd.f32 v22, v18;
	v19 =	vadd.f32 v23, v19  }
0x237: {  	v16 =	vadd.f32 v24, v16;
	v17 =	vadd.f32 v25, v17  }
0x238: {  	v18 =	vadd.f32 v26, v18;
	v19 =	vadd.f32 v27, v19  }
0x239: {  	v16 =	vadd.f32 v28, v16;
	v17 =	vadd.f32 v29, v17  }
0x23a: {  	v18 =	vadd.f32 v30, v18;
	v19 =	vadd.f32 v20, v19;
	_ =	sdelay $0x1  }
0x23b: {  	v16 =	vadd.f32 v17, v16;
	v17 =	vadd.f32 v19, v18;
	_ =	sdelay $0x1  }
0x23c: {  	v16 =	vadd.f32 v17, v16;
	_ =	sdelay $0x1  }
0x23d: {  	v17 =	vshra.s32 v16, $0x1;
	v18 =	vmul.f32 $5.000000000e-01, v16  }
0x23e: {  	v17 =	vsub.s32 $0x5F3759DF, v17  }
0x23f: {  	v19 =	vmul.f32 v17, v18;
	_ =	sdelay $0x1  }
0x240: {  	v19 =	vmul.f32 v17, v19;
	_ =	sdelay $0x1  }
0x241: {  	v19 =	vsub.f32 $1.500000000e+00, v19;
	_ =	sdelay $0x1  }
0x242: {  	v17 =	vmul.f32 v17, v19;
	_ =	sdelay $0x1  }
0x243: {  	v18 =	vmul.f32 v17, v18;
	_ =	sdelay $0x1  }
0x244: {  	v18 =	vmul.f32 v18, v17;
	_ =	sdelay $0x1  }
0x245: {  	v18 =	vsub.f32 $1.500000000e+00, v18;
	_ =	sdelay $0x1  }
0x246: {  	v17 =	vmul.f32 v18, v17;
	_ =	sdelay $0x1  }
0x247: {  	v16 =	vmul.f32 v17, v16;
	_ =	sdelay $0x1  }
0x248: {  	s25 =	sadd.s32 $0xA0, s23;
	[tilespmem:s23+$0xF040] =	vst v16  }
0x249: {  	[tilespmem:s11], [sflag:$0x1] =	stream.indirect.gather [hbm4b:s2+s10], $0x80, s25, s10, $0xb8;
	[tilespmem:$0x11780] =	vst v63  }
0x24a: {  	s31 =	sadd.s32 $0x2820, s23  }
0x24b: {  	[tilespmem:s12], [sflag:$0x2] =	stream.indirect.gather [hbm4b:s2+s10], $0x80, s31, s10, $0xb8;
	[tilespmem:$0x11780] =	vst v63  }
0x24c: {  	_ =	swait.ge [sflag:s18], $0x2800  }
0x24d: {  	[sflag:s18] =	ssyncset.done $0x0  }
0x24e: {  	[sflag:s18] =	ssyncadd.s32 $0xFFFFD800  }
0x24f: {  	_ =	swait.ge [sflag:s19], $0x2800  }
0x250: {  	[sflag:s19] =	ssyncset.done $0x0  }
0x251: {  	s28 =	simm.s32 $0x9F80;
	[sflag:s19] =	ssyncadd.s32 $0xFFFFD800  }
0x252: {  	v16 =	vld [tilespmem:s28+$0x20]  }
0x253: {  	s25 =	simm.s32 $0xC780;
	v17 =	vld [tilespmem:s28+$0x0]  }
0x254: {  	v18 =	vld [tilespmem:s25+$0x0]  }
0x255: {  	v19 =	vld [tilespmem:s28+$0x10]  }
0x256: {  	v20 =	vld [tilespmem:s25+$0x10]  }
0x257: {  	v21 =	vld [tilespmem:s25+$0x20]  }
0x258: {  	v22 =	vld [tilespmem:s28+$0x30]  }
0x259: {  	v23 =	vld [tilespmem:s25+$0x30]  }
0x25a: {  	v24 =	vld [tilespmem:s28+$0x40]  }
0x25b: {  	v25 =	vld [tilespmem:s25+$0x60]  }
0x25c: {  	v17 =	vsub.f32 v17, v18;
	v18 =	vsub.f32 v19, v20;
	v19 =	vld [tilespmem:s25+$0x40]  }
0x25d: {  	v16 =	vsub.f32 v16, v21;
	v20 =	vld [tilespmem:s28+$0x50]  }
0x25e: {  	v21 =	vld [tilespmem:s25+$0x50];
	v17 =	vadd.f32 $9.999999970e-07, v17;
	v18 =	vadd.f32 $9.999999970e-07, v18  }
0x25f: {  	v26 =	vld [tilespmem:s25+$0xFFFFFF80];
	v22 =	vsub.f32 v22, v23  }
0x260: {  	v23 =	vld [tilespmem:s28+$0x60];
	v16 =	vadd.f32 $9.999999970e-07, v16;
	v17 =	vmul.f32 v17, v17;
	v18 =	vmul.f32 v18, v18  }
0x261: {  	v27 =	vld [tilespmem:s25+$0xFFFFFFB0];
	v19 =	vsub.f32 v24, v19  }
0x262: {  	v16 =	vmul.f32 v16, v16;
	v24 =	vld [tilespmem:s28+$0x70];
	v17 =	vadd.f32 v18, v17;
	v18 =	vadd.f32 $9.999999970e-07, v22  }
0x263: {  	v20 =	vsub.f32 v20, v21;
	v22 =	vld [tilespmem:s25+$0x70]  }
0x264: {  	v21 =	vld [tilespmem:s28+$0xFFFFFF90];
	v16 =	vadd.f32 v16, v17;
	v17 =	vmul.f32 v18, v18;
	v18 =	vadd.f32 $9.999999970e-07, v19  }
0x265: {  	v23 =	vsub.f32 v23, v25;
	v19 =	vld [tilespmem:s25+$0xFFFFFF90]  }
0x266: {  	v25 =	vld [tilespmem:s28+$0xFFFFFF80];
	v16 =	vadd.f32 v17, v16;
	v17 =	vmul.f32 v18, v18;
	v18 =	vadd.f32 $9.999999970e-07, v20  }
0x267: {  	v20 =	vld [tilespmem:s28+$0xFFFFFFA0]  }
0x268: {  	v22 =	vsub.f32 v24, v22;
	v24 =	vld [tilespmem:s25+$0xFFFFFFA0];
	v16 =	vadd.f32 v17, v16;
	v17 =	vmul.f32 v18, v18  }
0x269: {  	v18 =	vadd.f32 $9.999999970e-07, v23;
	v23 =	vld [tilespmem:s28+$0xFFFFFFB0]  }
0x26a: {  	v19 =	vsub.f32 v21, v19;
	v16 =	vadd.f32 v17, v16  }
0x26b: {  	v21 =	vld [tilespmem:s28+$0xFFFFFFC0];
	v17 =	vmul.f32 v18, v18;
	v18 =	vadd.f32 $9.999999970e-07, v22;
	v22 =	vsub.f32 v25, v26  }
0x26c: {  	v26 =	vld [tilespmem:s25+$0xFFFFFFC0];
	v25 =	vadd.f32 $9.999999970e-07, v19  }
0x26d: {  	v19 =	vld [tilespmem:s25+$0xFFFFFFD0];
	v17 =	vadd.f32 v17, v16;
	v18 =	vmul.f32 v18, v18;
	v22 =	vadd.f32 $9.999999970e-07, v22  }
0x26e: {  	v16 =	vld [tilespmem:s28+$0xFFFFFFD0];
	v20 =	vsub.f32 v20, v24;
	v23 =	vsub.f32 v23, v27  }
0x26f: {  	v24 =	vadd.f32 v18, v17;
	v17 =	vmul.f32 v22, v22;
	v22 =	vmul.f32 v25, v25;
	v18 =	vld [tilespmem:s28+$0xFFFFFFE0]  }
0x270: {  	v27 =	vadd.f32 $9.999999970e-07, v20;
	v20 =	vld [tilespmem:s25+$0xFFFFFFE0]  }
0x271: {  	s26 =	simm.s32 $0xEF10;
	v25 =	vadd.f32 $9.999999970e-07, v23;
	v22 =	vadd.f32 v22, v17;
	v17 =	vld [tilespmem:s28+$0xFFFFFFF0]  }
0x272: {  	s29 =	simm.s32 $0xA080;
	s28 =	simm.s32 $0x0;
	[tilespmem:s26+$0x0] =	vst v24;
	v23 =	vmul.f32 v27, v27;
	v24 =	vsub.f32 v21, v26;
	v21 =	vld [tilespmem:s25+$0xFFFFFFF0]  }
.LBB2_13:
0x273: {  	v26 =	vld [tilespmem:s29+$0x20];
	v25 =	vmul.f32 v25, v25;
	v16 =	vsub.f32 v16, v19  }
0x274: {  	s25 =	sadd.s32 $0x100, s25;
	v19 =	vld [tilespmem:s29+$0x0];
	v22 =	vadd.f32 v23, v22;
	v23 =	vadd.f32 $9.999999970e-07, v24  }
0x275: {  	v24 =	vld [tilespmem:s25+$0x0];
	v16 =	vadd.f32 $9.999999970e-07, v16;
	v18 =	vsub.f32 v18, v20  }
0x276: {  	v20 =	vld [tilespmem:s29+$0x10];
	v22 =	vadd.f32 v25, v22;
	v23 =	vmul.f32 v23, v23  }
0x277: {  	s28 =	sadd.s32 $0x2, s28;
	v25 =	vld [tilespmem:s25+$0x10];
	v16 =	vmul.f32 v16, v16;
	v18 =	vadd.f32 $9.999999970e-07, v18;
	v17 =	vsub.f32 v17, v21  }
0x278: {  	p0 =	slt.u32 s28, $0xE;
	v21 =	vld [tilespmem:s25+$0x20];
	v22 =	vadd.f32 v23, v22  }
0x279: {  	v23 =	vld [tilespmem:s29+$0x30];
	v18 =	vmul.f32 v18, v18;
	v17 =	vadd.f32 $9.999999970e-07, v17  }
0x27a: {  	v27 =	vld [tilespmem:s25+$0x30];
	v16 =	vadd.f32 v16, v22  }
0x27b: {  	v22 =	vld [tilespmem:s29+$0x40];
	v17 =	vmul.f32 v17, v17  }
0x27c: {  	v19 =	vsub.f32 v19, v24;
	v20 =	vsub.f32 v20, v25;
	v24 =	vld [tilespmem:s25+$0x40]  }
0x27d: {  	v16 =	vadd.f32 v18, v16;
	v21 =	vsub.f32 v26, v21;
	v25 =	vld [tilespmem:s29+$0x50]  }
0x27e: {  	v18 =	vadd.f32 $9.999999970e-07, v19;
	v19 =	vadd.f32 $9.999999970e-07, v20;
	v20 =	vld [tilespmem:s25+$0x50]  }
0x27f: {  	v16 =	vadd.f32 v17, v16;
	v23 =	vsub.f32 v23, v27;
	v26 =	vld [tilespmem:s29+$0x60]  }
0x280: {  	v17 =	vmul.f32 v18, v18;
	v18 =	vmul.f32 v19, v19;
	v19 =	vadd.f32 $9.999999970e-07, v21;
	v21 =	vld [tilespmem:s25+$0x60]  }
0x281: {  	v22 =	vsub.f32 v22, v24;
	v24 =	vld [tilespmem:s29+$0x70];
	[tilespmem:s26+$0xFFFFFFF0] =	vst v16  }
0x282: {  	v16 =	vadd.f32 v18, v17;
	v17 =	vmul.f32 v19, v19;
	v18 =	vadd.f32 $9.999999970e-07, v23;
	v19 =	vld [tilespmem:s25+$0x70]  }
0x283: {  	v23 =	vld [tilespmem:s25+$0xFFFFFF80];
	v20 =	vsub.f32 v25, v20  }
0x284: {  	v25 =	vld [tilespmem:s29+$0xFFFFFF90];
	v16 =	vadd.f32 v17, v16;
	v17 =	vmul.f32 v18, v18;
	v18 =	vadd.f32 $9.999999970e-07, v22  }
0x285: {  	v22 =	vld [tilespmem:s25+$0xFFFFFF90];
	v21 =	vsub.f32 v26, v21  }
0x286: {  	v26 =	vld [tilespmem:s29+$0xFFFFFF80];
	v16 =	vadd.f32 v17, v16;
	v17 =	vmul.f32 v18, v18;
	v18 =	vadd.f32 $9.999999970e-07, v20  }
0x287: {  	v20 =	vld [tilespmem:s29+$0xFFFFFFA0];
	v19 =	vsub.f32 v24, v19  }
0x288: {  	v24 =	vld [tilespmem:s25+$0xFFFFFFA0];
	v16 =	vadd.f32 v17, v16;
	v17 =	vmul.f32 v18, v18;
	v18 =	vadd.f32 $9.999999970e-07, v21  }
0x289: {  	v21 =	vld [tilespmem:s29+$0xFFFFFFB0]  }
0x28a: {  	v27 =	vld [tilespmem:s25+$0xFFFFFFB0];
	v16 =	vadd.f32 v17, v16;
	v17 =	vmul.f32 v18, v18;
	v18 =	vadd.f32 $9.999999970e-07, v19  }
0x28b: {  	v22 =	vsub.f32 v25, v22;
	v19 =	vsub.f32 v26, v23;
	v26 =	vld [tilespmem:s29+$0xFFFFFFC0]  }
0x28c: {  	v28 =	vld [tilespmem:s25+$0xFFFFFFC0];
	v17 =	vadd.f32 v17, v16;
	v18 =	vmul.f32 v18, v18  }
0x28d: {  	v22 =	vadd.f32 $9.999999970e-07, v22;
	v23 =	vadd.f32 $9.999999970e-07, v19;
	v16 =	vld [tilespmem:s29+$0xFFFFFFD0]  }
.Ltmp5:
0x28e: {  	v20 =	vsub.f32 v20, v24;
	v19 =	vld [tilespmem:s25+$0xFFFFFFD0];
	v17 =	vadd.f32 v18, v17;
	(pc) =	sbr.rel @p0 .LBB2_13-.Ltmp5, $4  }
0x28f: {  	s26 =	sadd.s32 $0x20, s26;
	v22 =	vmul.f32 v22, v22;
	v23 =	vmul.f32 v23, v23;
	v21 =	vsub.f32 v21, v27;
	v18 =	vld [tilespmem:s29+$0xFFFFFFE0]  }
0x290: {  	v24 =	vadd.f32 $9.999999970e-07, v20;
	v20 =	vld [tilespmem:s25+$0xFFFFFFE0];
	[tilespmem:s26+$0x0] =	vst v17  }
0x291: {  	v22 =	vadd.f32 v22, v23;
	v25 =	vadd.f32 $9.999999970e-07, v21;
	v17 =	vld [tilespmem:s29+$0xFFFFFFF0]  }
0x292: {  	v23 =	vmul.f32 v24, v24;
	v24 =	vsub.f32 v26, v28;
	s29 =	sadd.s32 $0x100, s29;
	v21 =	vld [tilespmem:s25+$0xFFFFFFF0]  }
0x293: {  	v16 =	vsub.f32 v16, v19  }
0x294: {  	v19 =	vmul.f32 v25, v25;
	v22 =	vadd.f32 v23, v22;
	v23 =	vadd.f32 $9.999999970e-07, v24  }
0x295: {  	v18 =	vsub.f32 v18, v20  }
0x296: {  	v16 =	vadd.f32 $9.999999970e-07, v16;
	v19 =	vadd.f32 v19, v22;
	v20 =	vmul.f32 v23, v23  }
0x297: {  	v18 =	vadd.f32 $9.999999970e-07, v18  }
0x298: {  	v16 =	vmul.f32 v16, v16;
	v17 =	vsub.f32 v17, v21;
	v19 =	vadd.f32 v20, v19;
	_ =	sdelay $0x1  }
0x299: {  	v18 =	vmul.f32 v18, v18;
	v17 =	vadd.f32 $9.999999970e-07, v17;
	v16 =	vadd.f32 v16, v19;
	_ =	sdelay $0x1  }
0x29a: {  	v17 =	vmul.f32 v17, v17;
	v16 =	vadd.f32 v18, v16;
	_ =	sdelay $0x1  }
0x29b: {  	v16 =	vadd.f32 v17, v16;
	_ =	sdelay $0x1  }
0x29c: {  	[tilespmem:s26+$0xFFFFFFF0] =	vst v16  }
0x29d: {  	v16 =	vld.idx.msk [tilespmem:v0+s17+$0x0], $0xffff  }
0x29e: {  	v17 =	vld.idx.msk [tilespmem:v1+s17+$0x0], $0xffff  }
0x29f: {  	v18 =	vld.idx.msk [tilespmem:v2+s17+$0x0], $0xffff  }
0x2a0: {  	v19 =	vld.idx.msk [tilespmem:v3+s17+$0x0], $0xffff  }
0x2a1: {  	v20 =	vld.idx.msk [tilespmem:v4+s17+$0x0], $0xffff  }
0x2a2: {  	v21 =	vld.idx.msk [tilespmem:v5+s17+$0x0], $0xffff  }
0x2a3: {  	v22 =	vld.idx.msk [tilespmem:v6+s17+$0x0], $0xffff  }
0x2a4: {  	v23 =	vld.idx.msk [tilespmem:v7+s17+$0x0], $0xffff  }
0x2a5: {  	v24 =	vld.idx.msk [tilespmem:v8+s17+$0x0], $0xffff  }
0x2a6: {  	v25 =	vld.idx.msk [tilespmem:v9+s17+$0x0], $0xffff  }
0x2a7: {  	v26 =	vld.idx.msk [tilespmem:v10+s17+$0x0], $0xffff  }
0x2a8: {  	v27 =	vld.idx.msk [tilespmem:v11+s17+$0x0], $0xffff  }
0x2a9: {  	v28 =	vld.idx.msk [tilespmem:v12+s17+$0x0], $0xffff  }
0x2aa: {  	v29 =	vld.idx.msk [tilespmem:v13+s17+$0x0], $0xffff  }
0x2ab: {  	v30 =	vld.idx.msk [tilespmem:v14+s17+$0x0], $0xffff  }
0x2ac: {  	v16 =	vadd.f32 v20, v16;
	v17 =	vadd.f32 v21, v17;
	v20 =	vld.idx.msk [tilespmem:v15+s17+$0x0], $0xffff  }
0x2ad: {  	v18 =	vadd.f32 v22, v18;
	v19 =	vadd.f32 v23, v19  }
0x2ae: {  	v16 =	vadd.f32 v24, v16;
	v17 =	vadd.f32 v25, v17  }
0x2af: {  	v18 =	vadd.f32 v26, v18;
	v19 =	vadd.f32 v27, v19  }
0x2b0: {  	v16 =	vadd.f32 v28, v16;
	v17 =	vadd.f32 v29, v17  }
0x2b1: {  	v18 =	vadd.f32 v30, v18;
	v19 =	vadd.f32 v20, v19;
	_ =	sdelay $0x1  }
0x2b2: {  	v16 =	vadd.f32 v17, v16;
	v17 =	vadd.f32 v19, v18;
	_ =	sdelay $0x1  }
0x2b3: {  	v16 =	vadd.f32 v17, v16;
	_ =	sdelay $0x1  }
0x2b4: {  	v17 =	vshra.s32 v16, $0x1;
	v18 =	vmul.f32 $5.000000000e-01, v16  }
0x2b5: {  	v17 =	vsub.s32 $0x5F3759DF, v17  }
0x2b6: {  	v19 =	vmul.f32 v17, v18;
	_ =	sdelay $0x1  }
0x2b7: {  	v19 =	vmul.f32 v17, v19;
	_ =	sdelay $0x1  }
0x2b8: {  	v19 =	vsub.f32 $1.500000000e+00, v19;
	_ =	sdelay $0x1  }
0x2b9: {  	v17 =	vmul.f32 v17, v19;
	_ =	sdelay $0x1  }
0x2ba: {  	v18 =	vmul.f32 v17, v18;
	_ =	sdelay $0x1  }
0x2bb: {  	v18 =	vmul.f32 v18, v17;
	_ =	sdelay $0x1  }
0x2bc: {  	v18 =	vsub.f32 $1.500000000e+00, v18;
	_ =	sdelay $0x1  }
0x2bd: {  	v17 =	vmul.f32 v18, v17;
	_ =	sdelay $0x1  }
0x2be: {  	v16 =	vmul.f32 v17, v16;
	_ =	sdelay $0x1  }
0x2bf: {  	s31 =	simm.s32 $0xA7F0;
	[tilespmem:s24+$0xF000] =	vst v16  }
0x2c0: {  	v16 =	vld [tilespmem:s31+$0xFFFFFFB0]  }
0x2c1: {  	s24 =	simm.s32 $0xCFF0;
	v17 =	vld [tilespmem:s31+$0xFFFFFF90]  }
0x2c2: {  	v18 =	vld [tilespmem:s24+$0xFFFFFF90]  }
0x2c3: {  	v19 =	vld [tilespmem:s31+$0xFFFFFFA0]  }
0x2c4: {  	v20 =	vld [tilespmem:s24+$0xFFFFFFA0]  }
0x2c5: {  	v21 =	vld [tilespmem:s24+$0xFFFFFFB0]  }
0x2c6: {  	v22 =	vld [tilespmem:s31+$0xFFFFFFC0]  }
0x2c7: {  	v23 =	vld [tilespmem:s24+$0xFFFFFFC0]  }
0x2c8: {  	v24 =	vld [tilespmem:s31+$0xFFFFFFD0]  }
0x2c9: {  	v25 =	vld [tilespmem:s24+$0xFFFFFFF0]  }
0x2ca: {  	v17 =	vsub.f32 v17, v18;
	v18 =	vsub.f32 v19, v20;
	v19 =	vld [tilespmem:s24+$0xFFFFFFD0]  }
0x2cb: {  	v16 =	vsub.f32 v16, v21;
	v20 =	vld [tilespmem:s31+$0xFFFFFFE0]  }
0x2cc: {  	v21 =	vld [tilespmem:s24+$0xFFFFFFE0];
	v17 =	vadd.f32 $9.999999970e-07, v17;
	v18 =	vadd.f32 $9.999999970e-07, v18  }
0x2cd: {  	v26 =	vld [tilespmem:s24+$0xFFFFFF10];
	v22 =	vsub.f32 v22, v23  }
0x2ce: {  	v23 =	vld [tilespmem:s31+$0xFFFFFFF0];
	v16 =	vadd.f32 $9.999999970e-07, v16;
	v17 =	vmul.f32 v17, v17;
	v18 =	vmul.f32 v18, v18  }
0x2cf: {  	v27 =	vld [tilespmem:s24+$0xFFFFFF40];
	v19 =	vsub.f32 v24, v19  }
0x2d0: {  	v16 =	vmul.f32 v16, v16;
	v24 =	vld [tilespmem:s31+$0x0];
	v17 =	vadd.f32 v18, v17;
	v18 =	vadd.f32 $9.999999970e-07, v22  }
0x2d1: {  	v20 =	vsub.f32 v20, v21;
	v22 =	vld [tilespmem:s24+$0x0]  }
0x2d2: {  	v21 =	vld [tilespmem:s31+$0xFFFFFF20];
	v16 =	vadd.f32 v16, v17;
	v17 =	vmul.f32 v18, v18;
	v18 =	vadd.f32 $9.999999970e-07, v19  }
0x2d3: {  	v23 =	vsub.f32 v23, v25;
	v19 =	vld [tilespmem:s24+$0xFFFFFF20]  }
0x2d4: {  	v25 =	vld [tilespmem:s31+$0xFFFFFF10];
	v16 =	vadd.f32 v17, v16;
	v17 =	vmul.f32 v18, v18;
	v18 =	vadd.f32 $9.999999970e-07, v20  }
0x2d5: {  	v20 =	vld [tilespmem:s31+$0xFFFFFF30]  }
0x2d6: {  	v22 =	vsub.f32 v24, v22;
	v24 =	vld [tilespmem:s24+$0xFFFFFF30];
	v16 =	vadd.f32 v17, v16;
	v17 =	vmul.f32 v18, v18  }
0x2d7: {  	v18 =	vadd.f32 $9.999999970e-07, v23;
	v23 =	vld [tilespmem:s31+$0xFFFFFF40]  }
0x2d8: {  	v19 =	vsub.f32 v21, v19;
	v16 =	vadd.f32 v17, v16  }
0x2d9: {  	v21 =	vld [tilespmem:s31+$0xFFFFFF50];
	v17 =	vmul.f32 v18, v18;
	v18 =	vadd.f32 $9.999999970e-07, v22;
	v22 =	vsub.f32 v25, v26  }
0x2da: {  	v26 =	vld [tilespmem:s24+$0xFFFFFF50];
	v25 =	vadd.f32 $9.999999970e-07, v19  }
0x2db: {  	v19 =	vld [tilespmem:s24+$0xFFFFFF60];
	v17 =	vadd.f32 v17, v16;
	v18 =	vmul.f32 v18, v18;
	v22 =	vadd.f32 $9.999999970e-07, v22  }
0x2dc: {  	v16 =	vld [tilespmem:s31+$0xFFFFFF60];
	v20 =	vsub.f32 v20, v24;
	v23 =	vsub.f32 v23, v27  }
0x2dd: {  	v24 =	vadd.f32 v18, v17;
	v17 =	vmul.f32 v22, v22;
	v22 =	vmul.f32 v25, v25;
	v18 =	vld [tilespmem:s31+$0xFFFFFF70]  }
0x2de: {  	v27 =	vadd.f32 $9.999999970e-07, v20;
	v20 =	vld [tilespmem:s24+$0xFFFFFF70]  }
0x2df: {  	s25 =	simm.s32 $0xEF10;
	v25 =	vadd.f32 $9.999999970e-07, v23;
	v22 =	vadd.f32 v22, v17;
	v17 =	vld [tilespmem:s31+$0xFFFFFF80]  }
0x2e0: {  	s28 =	simm.s32 $0xA8F0;
	s26 =	simm.s32 $0x0;
	[tilespmem:s25+$0x0] =	vst v24;
	v23 =	vmul.f32 v27, v27;
	v24 =	vsub.f32 v21, v26;
	v21 =	vld [tilespmem:s24+$0xFFFFFF80]  }
.LBB2_15:
0x2e1: {  	v26 =	vld [tilespmem:s28+$0xFFFFFFB0];
	v25 =	vmul.f32 v25, v25;
	v16 =	vsub.f32 v16, v19  }
0x2e2: {  	s24 =	sadd.s32 $0x100, s24;
	v19 =	vld [tilespmem:s28+$0xFFFFFF90];
	v22 =	vadd.f32 v23, v22;
	v23 =	vadd.f32 $9.999999970e-07, v24  }
0x2e3: {  	v24 =	vld [tilespmem:s24+$0xFFFFFF90];
	v16 =	vadd.f32 $9.999999970e-07, v16;
	v18 =	vsub.f32 v18, v20  }
0x2e4: {  	v20 =	vld [tilespmem:s28+$0xFFFFFFA0];
	v22 =	vadd.f32 v25, v22;
	v23 =	vmul.f32 v23, v23  }
0x2e5: {  	s26 =	sadd.s32 $0x2, s26;
	v25 =	vld [tilespmem:s24+$0xFFFFFFA0];
	v16 =	vmul.f32 v16, v16;
	v18 =	vadd.f32 $9.999999970e-07, v18;
	v17 =	vsub.f32 v17, v21  }
0x2e6: {  	p0 =	slt.u32 s26, $0xE;
	v21 =	vld [tilespmem:s24+$0xFFFFFFB0];
	v22 =	vadd.f32 v23, v22  }
0x2e7: {  	v23 =	vld [tilespmem:s28+$0xFFFFFFC0];
	v18 =	vmul.f32 v18, v18;
	v17 =	vadd.f32 $9.999999970e-07, v17  }
0x2e8: {  	v27 =	vld [tilespmem:s24+$0xFFFFFFC0];
	v16 =	vadd.f32 v16, v22  }
0x2e9: {  	v22 =	vld [tilespmem:s28+$0xFFFFFFD0];
	v17 =	vmul.f32 v17, v17  }
0x2ea: {  	v19 =	vsub.f32 v19, v24;
	v20 =	vsub.f32 v20, v25;
	v24 =	vld [tilespmem:s24+$0xFFFFFFD0]  }
0x2eb: {  	v16 =	vadd.f32 v18, v16;
	v21 =	vsub.f32 v26, v21;
	v25 =	vld [tilespmem:s28+$0xFFFFFFE0]  }
0x2ec: {  	v18 =	vadd.f32 $9.999999970e-07, v19;
	v19 =	vadd.f32 $9.999999970e-07, v20;
	v20 =	vld [tilespmem:s24+$0xFFFFFFE0]  }
0x2ed: {  	v16 =	vadd.f32 v17, v16;
	v23 =	vsub.f32 v23, v27;
	v26 =	vld [tilespmem:s28+$0xFFFFFFF0]  }
0x2ee: {  	v17 =	vmul.f32 v18, v18;
	v18 =	vmul.f32 v19, v19;
	v19 =	vadd.f32 $9.999999970e-07, v21;
	v21 =	vld [tilespmem:s24+$0xFFFFFFF0]  }
0x2ef: {  	v22 =	vsub.f32 v22, v24;
	v24 =	vld [tilespmem:s28+$0x0];
	[tilespmem:s25+$0xFFFFFFF0] =	vst v16  }
0x2f0: {  	v16 =	vadd.f32 v18, v17;
	v17 =	vmul.f32 v19, v19;
	v18 =	vadd.f32 $9.999999970e-07, v23;
	v19 =	vld [tilespmem:s24+$0x0]  }
0x2f1: {  	v23 =	vld [tilespmem:s24+$0xFFFFFF10];
	v20 =	vsub.f32 v25, v20  }
0x2f2: {  	v25 =	vld [tilespmem:s28+$0xFFFFFF20];
	v16 =	vadd.f32 v17, v16;
	v17 =	vmul.f32 v18, v18;
	v18 =	vadd.f32 $9.999999970e-07, v22  }
0x2f3: {  	v22 =	vld [tilespmem:s24+$0xFFFFFF20];
	v21 =	vsub.f32 v26, v21  }
0x2f4: {  	v26 =	vld [tilespmem:s28+$0xFFFFFF10];
	v16 =	vadd.f32 v17, v16;
	v17 =	vmul.f32 v18, v18;
	v18 =	vadd.f32 $9.999999970e-07, v20  }
0x2f5: {  	v20 =	vld [tilespmem:s28+$0xFFFFFF30];
	v19 =	vsub.f32 v24, v19  }
0x2f6: {  	v24 =	vld [tilespmem:s24+$0xFFFFFF30];
	v16 =	vadd.f32 v17, v16;
	v17 =	vmul.f32 v18, v18;
	v18 =	vadd.f32 $9.999999970e-07, v21  }
0x2f7: {  	v21 =	vld [tilespmem:s28+$0xFFFFFF40]  }
0x2f8: {  	v27 =	vld [tilespmem:s24+$0xFFFFFF40];
	v16 =	vadd.f32 v17, v16;
	v17 =	vmul.f32 v18, v18;
	v18 =	vadd.f32 $9.999999970e-07, v19  }
0x2f9: {  	v22 =	vsub.f32 v25, v22;
	v19 =	vsub.f32 v26, v23;
	v26 =	vld [tilespmem:s28+$0xFFFFFF50]  }
0x2fa: {  	v28 =	vld [tilespmem:s24+$0xFFFFFF50];
	v17 =	vadd.f32 v17, v16;
	v18 =	vmul.f32 v18, v18  }
0x2fb: {  	v22 =	vadd.f32 $9.999999970e-07, v22;
	v23 =	vadd.f32 $9.999999970e-07, v19;
	v16 =	vld [tilespmem:s28+$0xFFFFFF60]  }
.Ltmp6:
0x2fc: {  	v20 =	vsub.f32 v20, v24;
	v19 =	vld [tilespmem:s24+$0xFFFFFF60];
	v17 =	vadd.f32 v18, v17;
	(pc) =	sbr.rel @p0 .LBB2_15-.Ltmp6, $4  }
0x2fd: {  	s25 =	sadd.s32 $0x20, s25;
	v22 =	vmul.f32 v22, v22;
	v23 =	vmul.f32 v23, v23;
	v21 =	vsub.f32 v21, v27;
	v18 =	vld [tilespmem:s28+$0xFFFFFF70]  }
0x2fe: {  	v24 =	vadd.f32 $9.999999970e-07, v20;
	v20 =	vld [tilespmem:s24+$0xFFFFFF70];
	[tilespmem:s25+$0x0] =	vst v17  }
0x2ff: {  	v22 =	vadd.f32 v22, v23;
	v25 =	vadd.f32 $9.999999970e-07, v21;
	v17 =	vld [tilespmem:s28+$0xFFFFFF80]  }
0x300: {  	v23 =	vmul.f32 v24, v24;
	v24 =	vsub.f32 v26, v28;
	s28 =	sadd.s32 $0x100, s28;
	v21 =	vld [tilespmem:s24+$0xFFFFFF80]  }
0x301: {  	v16 =	vsub.f32 v16, v19  }
0x302: {  	v19 =	vmul.f32 v25, v25;
	v22 =	vadd.f32 v23, v22;
	v23 =	vadd.f32 $9.999999970e-07, v24  }
0x303: {  	v18 =	vsub.f32 v18, v20  }
0x304: {  	v16 =	vadd.f32 $9.999999970e-07, v16;
	v19 =	vadd.f32 v19, v22;
	v20 =	vmul.f32 v23, v23  }
0x305: {  	v18 =	vadd.f32 $9.999999970e-07, v18  }
0x306: {  	v16 =	vmul.f32 v16, v16;
	v17 =	vsub.f32 v17, v21;
	v19 =	vadd.f32 v20, v19;
	_ =	sdelay $0x1  }
0x307: {  	v18 =	vmul.f32 v18, v18;
	v17 =	vadd.f32 $9.999999970e-07, v17;
	v16 =	vadd.f32 v16, v19;
	_ =	sdelay $0x1  }
0x308: {  	v17 =	vmul.f32 v17, v17;
	v16 =	vadd.f32 v18, v16;
	_ =	sdelay $0x1  }
0x309: {  	v16 =	vadd.f32 v17, v16;
	_ =	sdelay $0x1  }
0x30a: {  	[tilespmem:s25+$0xFFFFFFF0] =	vst v16  }
0x30b: {  	v16 =	vld.idx.msk [tilespmem:v0+s17+$0x0], $0xffff  }
0x30c: {  	v17 =	vld.idx.msk [tilespmem:v1+s17+$0x0], $0xffff  }
0x30d: {  	v18 =	vld.idx.msk [tilespmem:v2+s17+$0x0], $0xffff  }
0x30e: {  	v19 =	vld.idx.msk [tilespmem:v3+s17+$0x0], $0xffff  }
0x30f: {  	v20 =	vld.idx.msk [tilespmem:v4+s17+$0x0], $0xffff  }
0x310: {  	v21 =	vld.idx.msk [tilespmem:v5+s17+$0x0], $0xffff  }
0x311: {  	v22 =	vld.idx.msk [tilespmem:v6+s17+$0x0], $0xffff  }
0x312: {  	v23 =	vld.idx.msk [tilespmem:v7+s17+$0x0], $0xffff  }
0x313: {  	v24 =	vld.idx.msk [tilespmem:v8+s17+$0x0], $0xffff  }
0x314: {  	v25 =	vld.idx.msk [tilespmem:v9+s17+$0x0], $0xffff  }
0x315: {  	v26 =	vld.idx.msk [tilespmem:v10+s17+$0x0], $0xffff  }
0x316: {  	v27 =	vld.idx.msk [tilespmem:v11+s17+$0x0], $0xffff  }
0x317: {  	v28 =	vld.idx.msk [tilespmem:v12+s17+$0x0], $0xffff  }
0x318: {  	v29 =	vld.idx.msk [tilespmem:v13+s17+$0x0], $0xffff  }
0x319: {  	v30 =	vld.idx.msk [tilespmem:v14+s17+$0x0], $0xffff  }
0x31a: {  	v16 =	vadd.f32 v20, v16;
	v17 =	vadd.f32 v21, v17;
	v20 =	vld.idx.msk [tilespmem:v15+s17+$0x0], $0xffff  }
0x31b: {  	v18 =	vadd.f32 v22, v18;
	v19 =	vadd.f32 v23, v19  }
0x31c: {  	v16 =	vadd.f32 v24, v16;
	v17 =	vadd.f32 v25, v17  }
0x31d: {  	v18 =	vadd.f32 v26, v18;
	v19 =	vadd.f32 v27, v19  }
0x31e: {  	v16 =	vadd.f32 v28, v16;
	v17 =	vadd.f32 v29, v17  }
0x31f: {  	v18 =	vadd.f32 v30, v18;
	v19 =	vadd.f32 v20, v19;
	_ =	sdelay $0x1  }
0x320: {  	v16 =	vadd.f32 v17, v16;
	v17 =	vadd.f32 v19, v18;
	_ =	sdelay $0x1  }
0x321: {  	v16 =	vadd.f32 v17, v16;
	_ =	sdelay $0x1  }
0x322: {  	v17 =	vshra.s32 v16, $0x1;
	v18 =	vmul.f32 $5.000000000e-01, v16  }
0x323: {  	v17 =	vsub.s32 $0x5F3759DF, v17  }
0x324: {  	v19 =	vmul.f32 v17, v18;
	_ =	sdelay $0x1  }
0x325: {  	v19 =	vmul.f32 v17, v19;
	_ =	sdelay $0x1  }
0x326: {  	v19 =	vsub.f32 $1.500000000e+00, v19;
	_ =	sdelay $0x1  }
0x327: {  	v17 =	vmul.f32 v17, v19;
	_ =	sdelay $0x1  }
0x328: {  	v18 =	vmul.f32 v17, v18;
	_ =	sdelay $0x1  }
0x329: {  	v18 =	vmul.f32 v18, v17;
	_ =	sdelay $0x1  }
0x32a: {  	v18 =	vsub.f32 $1.500000000e+00, v18;
	_ =	sdelay $0x1  }
0x32b: {  	v17 =	vmul.f32 v18, v17;
	_ =	sdelay $0x1  }
0x32c: {  	v16 =	vmul.f32 v17, v16;
	_ =	sdelay $0x1  }
0x32d: {  	s26 =	simm.s32 $0xAFF0;
	[tilespmem:s23+$0xF060] =	vst v16  }
0x32e: {  	v16 =	vld [tilespmem:s26+$0xFFFFFFB0]  }
0x32f: {  	s24 =	simm.s32 $0xD7F0;
	v17 =	vld [tilespmem:s26+$0xFFFFFF90]  }
0x330: {  	v18 =	vld [tilespmem:s24+$0xFFFFFF90]  }
0x331: {  	v19 =	vld [tilespmem:s26+$0xFFFFFFA0]  }
0x332: {  	v20 =	vld [tilespmem:s24+$0xFFFFFFA0]  }
0x333: {  	v21 =	vld [tilespmem:s24+$0xFFFFFFB0]  }
0x334: {  	v22 =	vld [tilespmem:s26+$0xFFFFFFC0]  }
0x335: {  	v23 =	vld [tilespmem:s24+$0xFFFFFFC0]  }
0x336: {  	v24 =	vld [tilespmem:s26+$0xFFFFFFD0]  }
0x337: {  	v25 =	vld [tilespmem:s24+$0xFFFFFFF0]  }
0x338: {  	v17 =	vsub.f32 v17, v18;
	v18 =	vsub.f32 v19, v20;
	v19 =	vld [tilespmem:s24+$0xFFFFFFD0]  }
0x339: {  	v16 =	vsub.f32 v16, v21;
	v20 =	vld [tilespmem:s26+$0xFFFFFFE0]  }
0x33a: {  	v21 =	vld [tilespmem:s24+$0xFFFFFFE0];
	v17 =	vadd.f32 $9.999999970e-07, v17;
	v18 =	vadd.f32 $9.999999970e-07, v18  }
0x33b: {  	v26 =	vld [tilespmem:s24+$0xFFFFFF10];
	v22 =	vsub.f32 v22, v23  }
0x33c: {  	v23 =	vld [tilespmem:s26+$0xFFFFFFF0];
	v16 =	vadd.f32 $9.999999970e-07, v16;
	v17 =	vmul.f32 v17, v17;
	v18 =	vmul.f32 v18, v18  }
0x33d: {  	v27 =	vld [tilespmem:s24+$0xFFFFFF40];
	v19 =	vsub.f32 v24, v19  }
0x33e: {  	v16 =	vmul.f32 v16, v16;
	v24 =	vld [tilespmem:s26+$0x0];
	v17 =	vadd.f32 v18, v17;
	v18 =	vadd.f32 $9.999999970e-07, v22  }
0x33f: {  	v20 =	vsub.f32 v20, v21;
	v22 =	vld [tilespmem:s24+$0x0]  }
0x340: {  	v21 =	vld [tilespmem:s26+$0xFFFFFF20];
	v16 =	vadd.f32 v16, v17;
	v17 =	vmul.f32 v18, v18;
	v18 =	vadd.f32 $9.999999970e-07, v19  }
0x341: {  	v23 =	vsub.f32 v23, v25;
	v19 =	vld [tilespmem:s24+$0xFFFFFF20]  }
0x342: {  	v25 =	vld [tilespmem:s26+$0xFFFFFF10];
	v16 =	vadd.f32 v17, v16;
	v17 =	vmul.f32 v18, v18;
	v18 =	vadd.f32 $9.999999970e-07, v20  }
0x343: {  	v20 =	vld [tilespmem:s26+$0xFFFFFF30]  }
0x344: {  	v22 =	vsub.f32 v24, v22;
	v24 =	vld [tilespmem:s24+$0xFFFFFF30];
	v16 =	vadd.f32 v17, v16;
	v17 =	vmul.f32 v18, v18  }
0x345: {  	v18 =	vadd.f32 $9.999999970e-07, v23;
	v23 =	vld [tilespmem:s26+$0xFFFFFF40]  }
0x346: {  	v19 =	vsub.f32 v21, v19;
	v16 =	vadd.f32 v17, v16  }
0x347: {  	v21 =	vld [tilespmem:s26+$0xFFFFFF50];
	v17 =	vmul.f32 v18, v18;
	v18 =	vadd.f32 $9.999999970e-07, v22;
	v22 =	vsub.f32 v25, v26  }
0x348: {  	v26 =	vld [tilespmem:s24+$0xFFFFFF50];
	v25 =	vadd.f32 $9.999999970e-07, v19  }
0x349: {  	v19 =	vld [tilespmem:s24+$0xFFFFFF60];
	v17 =	vadd.f32 v17, v16;
	v18 =	vmul.f32 v18, v18;
	v22 =	vadd.f32 $9.999999970e-07, v22  }
0x34a: {  	v16 =	vld [tilespmem:s26+$0xFFFFFF60];
	v20 =	vsub.f32 v20, v24;
	v23 =	vsub.f32 v23, v27  }
0x34b: {  	v24 =	vadd.f32 v18, v17;
	v17 =	vmul.f32 v22, v22;
	v22 =	vmul.f32 v25, v25;
	v18 =	vld [tilespmem:s26+$0xFFFFFF70]  }
0x34c: {  	v27 =	vadd.f32 $9.999999970e-07, v20;
	v20 =	vld [tilespmem:s24+$0xFFFFFF70]  }
0x34d: {  	s25 =	simm.s32 $0xEF10;
	v25 =	vadd.f32 $9.999999970e-07, v23;
	v22 =	vadd.f32 v22, v17;
	v17 =	vld [tilespmem:s26+$0xFFFFFF80]  }
0x34e: {  	s28 =	simm.s32 $0xB0F0;
	s26 =	simm.s32 $0x0;
	[tilespmem:s25+$0x0] =	vst v24;
	v23 =	vmul.f32 v27, v27;
	v24 =	vsub.f32 v21, v26;
	v21 =	vld [tilespmem:s24+$0xFFFFFF80]  }
.LBB2_17:
0x34f: {  	v26 =	vld [tilespmem:s28+$0xFFFFFFB0];
	v25 =	vmul.f32 v25, v25;
	v16 =	vsub.f32 v16, v19  }
0x350: {  	s24 =	sadd.s32 $0x100, s24;
	v19 =	vld [tilespmem:s28+$0xFFFFFF90];
	v22 =	vadd.f32 v23, v22;
	v23 =	vadd.f32 $9.999999970e-07, v24  }
0x351: {  	v24 =	vld [tilespmem:s24+$0xFFFFFF90];
	v16 =	vadd.f32 $9.999999970e-07, v16;
	v18 =	vsub.f32 v18, v20  }
0x352: {  	v20 =	vld [tilespmem:s28+$0xFFFFFFA0];
	v22 =	vadd.f32 v25, v22;
	v23 =	vmul.f32 v23, v23  }
0x353: {  	s26 =	sadd.s32 $0x2, s26;
	v25 =	vld [tilespmem:s24+$0xFFFFFFA0];
	v16 =	vmul.f32 v16, v16;
	v18 =	vadd.f32 $9.999999970e-07, v18;
	v17 =	vsub.f32 v17, v21  }
0x354: {  	p0 =	slt.u32 s26, $0xE;
	v21 =	vld [tilespmem:s24+$0xFFFFFFB0];
	v22 =	vadd.f32 v23, v22  }
0x355: {  	v23 =	vld [tilespmem:s28+$0xFFFFFFC0];
	v18 =	vmul.f32 v18, v18;
	v17 =	vadd.f32 $9.999999970e-07, v17  }
0x356: {  	v27 =	vld [tilespmem:s24+$0xFFFFFFC0];
	v16 =	vadd.f32 v16, v22  }
0x357: {  	v22 =	vld [tilespmem:s28+$0xFFFFFFD0];
	v17 =	vmul.f32 v17, v17  }
0x358: {  	v19 =	vsub.f32 v19, v24;
	v20 =	vsub.f32 v20, v25;
	v24 =	vld [tilespmem:s24+$0xFFFFFFD0]  }
0x359: {  	v16 =	vadd.f32 v18, v16;
	v21 =	vsub.f32 v26, v21;
	v25 =	vld [tilespmem:s28+$0xFFFFFFE0]  }
0x35a: {  	v18 =	vadd.f32 $9.999999970e-07, v19;
	v19 =	vadd.f32 $9.999999970e-07, v20;
	v20 =	vld [tilespmem:s24+$0xFFFFFFE0]  }
0x35b: {  	v16 =	vadd.f32 v17, v16;
	v23 =	vsub.f32 v23, v27;
	v26 =	vld [tilespmem:s28+$0xFFFFFFF0]  }
0x35c: {  	v17 =	vmul.f32 v18, v18;
	v18 =	vmul.f32 v19, v19;
	v19 =	vadd.f32 $9.999999970e-07, v21;
	v21 =	vld [tilespmem:s24+$0xFFFFFFF0]  }
0x35d: {  	v22 =	vsub.f32 v22, v24;
	v24 =	vld [tilespmem:s28+$0x0];
	[tilespmem:s25+$0xFFFFFFF0] =	vst v16  }
0x35e: {  	v16 =	vadd.f32 v18, v17;
	v17 =	vmul.f32 v19, v19;
	v18 =	vadd.f32 $9.999999970e-07, v23;
	v19 =	vld [tilespmem:s24+$0x0]  }
0x35f: {  	v23 =	vld [tilespmem:s24+$0xFFFFFF10];
	v20 =	vsub.f32 v25, v20  }
0x360: {  	v25 =	vld [tilespmem:s28+$0xFFFFFF20];
	v16 =	vadd.f32 v17, v16;
	v17 =	vmul.f32 v18, v18;
	v18 =	vadd.f32 $9.999999970e-07, v22  }
0x361: {  	v22 =	vld [tilespmem:s24+$0xFFFFFF20];
	v21 =	vsub.f32 v26, v21  }
0x362: {  	v26 =	vld [tilespmem:s28+$0xFFFFFF10];
	v16 =	vadd.f32 v17, v16;
	v17 =	vmul.f32 v18, v18;
	v18 =	vadd.f32 $9.999999970e-07, v20  }
0x363: {  	v20 =	vld [tilespmem:s28+$0xFFFFFF30];
	v19 =	vsub.f32 v24, v19  }
0x364: {  	v24 =	vld [tilespmem:s24+$0xFFFFFF30];
	v16 =	vadd.f32 v17, v16;
	v17 =	vmul.f32 v18, v18;
	v18 =	vadd.f32 $9.999999970e-07, v21  }
0x365: {  	v21 =	vld [tilespmem:s28+$0xFFFFFF40]  }
0x366: {  	v27 =	vld [tilespmem:s24+$0xFFFFFF40];
	v16 =	vadd.f32 v17, v16;
	v17 =	vmul.f32 v18, v18;
	v18 =	vadd.f32 $9.999999970e-07, v19  }
0x367: {  	v22 =	vsub.f32 v25, v22;
	v19 =	vsub.f32 v26, v23;
	v26 =	vld [tilespmem:s28+$0xFFFFFF50]  }
0x368: {  	v28 =	vld [tilespmem:s24+$0xFFFFFF50];
	v17 =	vadd.f32 v17, v16;
	v18 =	vmul.f32 v18, v18  }
0x369: {  	v22 =	vadd.f32 $9.999999970e-07, v22;
	v23 =	vadd.f32 $9.999999970e-07, v19;
	v16 =	vld [tilespmem:s28+$0xFFFFFF60]  }
.Ltmp7:
0x36a: {  	v20 =	vsub.f32 v20, v24;
	v19 =	vld [tilespmem:s24+$0xFFFFFF60];
	v17 =	vadd.f32 v18, v17;
	(pc) =	sbr.rel @p0 .LBB2_17-.Ltmp7, $4  }
0x36b: {  	s25 =	sadd.s32 $0x20, s25;
	v22 =	vmul.f32 v22, v22;
	v23 =	vmul.f32 v23, v23;
	v21 =	vsub.f32 v21, v27;
	v18 =	vld [tilespmem:s28+$0xFFFFFF70]  }
0x36c: {  	v24 =	vadd.f32 $9.999999970e-07, v20;
	v20 =	vld [tilespmem:s24+$0xFFFFFF70];
	[tilespmem:s25+$0x0] =	vst v17  }
0x36d: {  	v22 =	vadd.f32 v22, v23;
	v25 =	vadd.f32 $9.999999970e-07, v21;
	v17 =	vld [tilespmem:s28+$0xFFFFFF80]  }
0x36e: {  	v23 =	vmul.f32 v24, v24;
	v24 =	vsub.f32 v26, v28;
	s28 =	sadd.s32 $0x100, s28;
	v21 =	vld [tilespmem:s24+$0xFFFFFF80]  }
0x36f: {  	v16 =	vsub.f32 v16, v19  }
0x370: {  	v19 =	vmul.f32 v25, v25;
	v22 =	vadd.f32 v23, v22;
	v23 =	vadd.f32 $9.999999970e-07, v24  }
0x371: {  	v18 =	vsub.f32 v18, v20  }
0x372: {  	v16 =	vadd.f32 $9.999999970e-07, v16;
	v19 =	vadd.f32 v19, v22;
	v20 =	vmul.f32 v23, v23  }
0x373: {  	v18 =	vadd.f32 $9.999999970e-07, v18  }
0x374: {  	v16 =	vmul.f32 v16, v16;
	v17 =	vsub.f32 v17, v21;
	v19 =	vadd.f32 v20, v19;
	_ =	sdelay $0x1  }
0x375: {  	v18 =	vmul.f32 v18, v18;
	v17 =	vadd.f32 $9.999999970e-07, v17;
	v16 =	vadd.f32 v16, v19;
	_ =	sdelay $0x1  }
0x376: {  	v17 =	vmul.f32 v17, v17;
	v16 =	vadd.f32 v18, v16;
	_ =	sdelay $0x1  }
0x377: {  	v16 =	vadd.f32 v17, v16;
	_ =	sdelay $0x1  }
0x378: {  	[tilespmem:s25+$0xFFFFFFF0] =	vst v16  }
0x379: {  	v16 =	vld.idx.msk [tilespmem:v0+s17+$0x0], $0xffff  }
0x37a: {  	v17 =	vld.idx.msk [tilespmem:v1+s17+$0x0], $0xffff  }
0x37b: {  	v18 =	vld.idx.msk [tilespmem:v2+s17+$0x0], $0xffff  }
0x37c: {  	v19 =	vld.idx.msk [tilespmem:v3+s17+$0x0], $0xffff  }
0x37d: {  	v20 =	vld.idx.msk [tilespmem:v4+s17+$0x0], $0xffff  }
0x37e: {  	v21 =	vld.idx.msk [tilespmem:v5+s17+$0x0], $0xffff  }
0x37f: {  	v22 =	vld.idx.msk [tilespmem:v6+s17+$0x0], $0xffff  }
0x380: {  	v23 =	vld.idx.msk [tilespmem:v7+s17+$0x0], $0xffff  }
0x381: {  	v24 =	vld.idx.msk [tilespmem:v8+s17+$0x0], $0xffff  }
0x382: {  	v25 =	vld.idx.msk [tilespmem:v9+s17+$0x0], $0xffff  }
0x383: {  	v26 =	vld.idx.msk [tilespmem:v10+s17+$0x0], $0xffff  }
0x384: {  	v27 =	vld.idx.msk [tilespmem:v11+s17+$0x0], $0xffff  }
0x385: {  	v28 =	vld.idx.msk [tilespmem:v12+s17+$0x0], $0xffff  }
0x386: {  	v29 =	vld.idx.msk [tilespmem:v13+s17+$0x0], $0xffff  }
0x387: {  	v30 =	vld.idx.msk [tilespmem:v14+s17+$0x0], $0xffff  }
0x388: {  	v16 =	vadd.f32 v20, v16;
	v17 =	vadd.f32 v21, v17;
	v20 =	vld.idx.msk [tilespmem:v15+s17+$0x0], $0xffff  }
0x389: {  	v18 =	vadd.f32 v22, v18;
	v19 =	vadd.f32 v23, v19  }
0x38a: {  	v16 =	vadd.f32 v24, v16;
	v17 =	vadd.f32 v25, v17  }
0x38b: {  	v18 =	vadd.f32 v26, v18;
	v19 =	vadd.f32 v27, v19  }
0x38c: {  	v16 =	vadd.f32 v28, v16;
	v17 =	vadd.f32 v29, v17  }
0x38d: {  	v18 =	vadd.f32 v30, v18;
	v19 =	vadd.f32 v20, v19;
	_ =	sdelay $0x1  }
0x38e: {  	v16 =	vadd.f32 v17, v16;
	v17 =	vadd.f32 v19, v18;
	_ =	sdelay $0x1  }
0x38f: {  	v16 =	vadd.f32 v17, v16;
	_ =	sdelay $0x1  }
0x390: {  	v17 =	vshra.s32 v16, $0x1;
	v18 =	vmul.f32 $5.000000000e-01, v16  }
0x391: {  	v17 =	vsub.s32 $0x5F3759DF, v17  }
0x392: {  	v19 =	vmul.f32 v17, v18;
	_ =	sdelay $0x1  }
0x393: {  	v19 =	vmul.f32 v17, v19;
	_ =	sdelay $0x1  }
0x394: {  	v19 =	vsub.f32 $1.500000000e+00, v19;
	_ =	sdelay $0x1  }
0x395: {  	v17 =	vmul.f32 v17, v19;
	_ =	sdelay $0x1  }
0x396: {  	v18 =	vmul.f32 v17, v18;
	_ =	sdelay $0x1  }
0x397: {  	v18 =	vmul.f32 v18, v17;
	_ =	sdelay $0x1  }
0x398: {  	v18 =	vsub.f32 $1.500000000e+00, v18;
	_ =	sdelay $0x1  }
0x399: {  	v17 =	vmul.f32 v18, v17;
	_ =	sdelay $0x1  }
0x39a: {  	v16 =	vmul.f32 v17, v16;
	_ =	sdelay $0x1  }
0x39b: {  	s26 =	simm.s32 $0xB7F0;
	[tilespmem:s23+$0xF070] =	vst v16  }
0x39c: {  	v16 =	vld [tilespmem:s26+$0xFFFFFFB0]  }
0x39d: {  	s24 =	simm.s32 $0xDFF0;
	v17 =	vld [tilespmem:s26+$0xFFFFFF90]  }
0x39e: {  	v18 =	vld [tilespmem:s24+$0xFFFFFF90]  }
0x39f: {  	v19 =	vld [tilespmem:s26+$0xFFFFFFA0]  }
0x3a0: {  	v20 =	vld [tilespmem:s24+$0xFFFFFFA0]  }
0x3a1: {  	v21 =	vld [tilespmem:s24+$0xFFFFFFB0]  }
0x3a2: {  	v22 =	vld [tilespmem:s26+$0xFFFFFFC0]  }
0x3a3: {  	v23 =	vld [tilespmem:s24+$0xFFFFFFC0]  }
0x3a4: {  	v24 =	vld [tilespmem:s26+$0xFFFFFFD0]  }
0x3a5: {  	v25 =	vld [tilespmem:s24+$0xFFFFFFF0]  }
0x3a6: {  	v17 =	vsub.f32 v17, v18;
	v18 =	vsub.f32 v19, v20;
	v19 =	vld [tilespmem:s24+$0xFFFFFFD0]  }
0x3a7: {  	v16 =	vsub.f32 v16, v21;
	v20 =	vld [tilespmem:s26+$0xFFFFFFE0]  }
0x3a8: {  	v21 =	vld [tilespmem:s24+$0xFFFFFFE0];
	v17 =	vadd.f32 $9.999999970e-07, v17;
	v18 =	vadd.f32 $9.999999970e-07, v18  }
0x3a9: {  	v26 =	vld [tilespmem:s24+$0xFFFFFF10];
	v22 =	vsub.f32 v22, v23  }
0x3aa: {  	v23 =	vld [tilespmem:s26+$0xFFFFFFF0];
	v16 =	vadd.f32 $9.999999970e-07, v16;
	v17 =	vmul.f32 v17, v17;
	v18 =	vmul.f32 v18, v18  }
0x3ab: {  	v27 =	vld [tilespmem:s24+$0xFFFFFF40];
	v19 =	vsub.f32 v24, v19  }
0x3ac: {  	v16 =	vmul.f32 v16, v16;
	v24 =	vld [tilespmem:s26+$0x0];
	v17 =	vadd.f32 v18, v17;
	v18 =	vadd.f32 $9.999999970e-07, v22  }
0x3ad: {  	v20 =	vsub.f32 v20, v21;
	v22 =	vld [tilespmem:s24+$0x0]  }
0x3ae: {  	v21 =	vld [tilespmem:s26+$0xFFFFFF20];
	v16 =	vadd.f32 v16, v17;
	v17 =	vmul.f32 v18, v18;
	v18 =	vadd.f32 $9.999999970e-07, v19  }
0x3af: {  	v23 =	vsub.f32 v23, v25;
	v19 =	vld [tilespmem:s24+$0xFFFFFF20]  }
0x3b0: {  	v25 =	vld [tilespmem:s26+$0xFFFFFF10];
	v16 =	vadd.f32 v17, v16;
	v17 =	vmul.f32 v18, v18;
	v18 =	vadd.f32 $9.999999970e-07, v20  }
0x3b1: {  	v20 =	vld [tilespmem:s26+$0xFFFFFF30]  }
0x3b2: {  	v22 =	vsub.f32 v24, v22;
	v24 =	vld [tilespmem:s24+$0xFFFFFF30];
	v16 =	vadd.f32 v17, v16;
	v17 =	vmul.f32 v18, v18  }
0x3b3: {  	v18 =	vadd.f32 $9.999999970e-07, v23;
	v23 =	vld [tilespmem:s26+$0xFFFFFF40]  }
0x3b4: {  	v19 =	vsub.f32 v21, v19;
	v16 =	vadd.f32 v17, v16  }
0x3b5: {  	v21 =	vld [tilespmem:s26+$0xFFFFFF50];
	v17 =	vmul.f32 v18, v18;
	v18 =	vadd.f32 $9.999999970e-07, v22;
	v22 =	vsub.f32 v25, v26  }
0x3b6: {  	v26 =	vld [tilespmem:s24+$0xFFFFFF50];
	v25 =	vadd.f32 $9.999999970e-07, v19  }
0x3b7: {  	v19 =	vld [tilespmem:s24+$0xFFFFFF60];
	v17 =	vadd.f32 v17, v16;
	v18 =	vmul.f32 v18, v18;
	v22 =	vadd.f32 $9.999999970e-07, v22  }
0x3b8: {  	v16 =	vld [tilespmem:s26+$0xFFFFFF60];
	v20 =	vsub.f32 v20, v24;
	v23 =	vsub.f32 v23, v27  }
0x3b9: {  	v24 =	vadd.f32 v18, v17;
	v17 =	vmul.f32 v22, v22;
	v22 =	vmul.f32 v25, v25;
	v18 =	vld [tilespmem:s26+$0xFFFFFF70]  }
0x3ba: {  	v27 =	vadd.f32 $9.999999970e-07, v20;
	v20 =	vld [tilespmem:s24+$0xFFFFFF70]  }
0x3bb: {  	s25 =	simm.s32 $0xEF10;
	v25 =	vadd.f32 $9.999999970e-07, v23;
	v22 =	vadd.f32 v22, v17;
	v17 =	vld [tilespmem:s26+$0xFFFFFF80]  }
0x3bc: {  	s28 =	simm.s32 $0xB8F0;
	s26 =	simm.s32 $0x0;
	[tilespmem:s25+$0x0] =	vst v24;
	v23 =	vmul.f32 v27, v27;
	v24 =	vsub.f32 v21, v26;
	v21 =	vld [tilespmem:s24+$0xFFFFFF80]  }
.LBB2_19:
0x3bd: {  	v26 =	vld [tilespmem:s28+$0xFFFFFFB0];
	v25 =	vmul.f32 v25, v25;
	v16 =	vsub.f32 v16, v19  }
0x3be: {  	s24 =	sadd.s32 $0x100, s24;
	v19 =	vld [tilespmem:s28+$0xFFFFFF90];
	v22 =	vadd.f32 v23, v22;
	v23 =	vadd.f32 $9.999999970e-07, v24  }
0x3bf: {  	v24 =	vld [tilespmem:s24+$0xFFFFFF90];
	v16 =	vadd.f32 $9.999999970e-07, v16;
	v18 =	vsub.f32 v18, v20  }
0x3c0: {  	v20 =	vld [tilespmem:s28+$0xFFFFFFA0];
	v22 =	vadd.f32 v25, v22;
	v23 =	vmul.f32 v23, v23  }
0x3c1: {  	s26 =	sadd.s32 $0x2, s26;
	v25 =	vld [tilespmem:s24+$0xFFFFFFA0];
	v16 =	vmul.f32 v16, v16;
	v18 =	vadd.f32 $9.999999970e-07, v18;
	v17 =	vsub.f32 v17, v21  }
0x3c2: {  	p0 =	slt.u32 s26, $0xE;
	v21 =	vld [tilespmem:s24+$0xFFFFFFB0];
	v22 =	vadd.f32 v23, v22  }
0x3c3: {  	v23 =	vld [tilespmem:s28+$0xFFFFFFC0];
	v18 =	vmul.f32 v18, v18;
	v17 =	vadd.f32 $9.999999970e-07, v17  }
0x3c4: {  	v27 =	vld [tilespmem:s24+$0xFFFFFFC0];
	v16 =	vadd.f32 v16, v22  }
0x3c5: {  	v22 =	vld [tilespmem:s28+$0xFFFFFFD0];
	v17 =	vmul.f32 v17, v17  }
0x3c6: {  	v19 =	vsub.f32 v19, v24;
	v20 =	vsub.f32 v20, v25;
	v24 =	vld [tilespmem:s24+$0xFFFFFFD0]  }
0x3c7: {  	v16 =	vadd.f32 v18, v16;
	v21 =	vsub.f32 v26, v21;
	v25 =	vld [tilespmem:s28+$0xFFFFFFE0]  }
0x3c8: {  	v18 =	vadd.f32 $9.999999970e-07, v19;
	v19 =	vadd.f32 $9.999999970e-07, v20;
	v20 =	vld [tilespmem:s24+$0xFFFFFFE0]  }
0x3c9: {  	v16 =	vadd.f32 v17, v16;
	v23 =	vsub.f32 v23, v27;
	v26 =	vld [tilespmem:s28+$0xFFFFFFF0]  }
0x3ca: {  	v17 =	vmul.f32 v18, v18;
	v18 =	vmul.f32 v19, v19;
	v19 =	vadd.f32 $9.999999970e-07, v21;
	v21 =	vld [tilespmem:s24+$0xFFFFFFF0]  }
0x3cb: {  	v22 =	vsub.f32 v22, v24;
	v24 =	vld [tilespmem:s28+$0x0];
	[tilespmem:s25+$0xFFFFFFF0] =	vst v16  }
0x3cc: {  	v16 =	vadd.f32 v18, v17;
	v17 =	vmul.f32 v19, v19;
	v18 =	vadd.f32 $9.999999970e-07, v23;
	v19 =	vld [tilespmem:s24+$0x0]  }
0x3cd: {  	v23 =	vld [tilespmem:s24+$0xFFFFFF10];
	v20 =	vsub.f32 v25, v20  }
0x3ce: {  	v25 =	vld [tilespmem:s28+$0xFFFFFF20];
	v16 =	vadd.f32 v17, v16;
	v17 =	vmul.f32 v18, v18;
	v18 =	vadd.f32 $9.999999970e-07, v22  }
0x3cf: {  	v22 =	vld [tilespmem:s24+$0xFFFFFF20];
	v21 =	vsub.f32 v26, v21  }
0x3d0: {  	v26 =	vld [tilespmem:s28+$0xFFFFFF10];
	v16 =	vadd.f32 v17, v16;
	v17 =	vmul.f32 v18, v18;
	v18 =	vadd.f32 $9.999999970e-07, v20  }
0x3d1: {  	v20 =	vld [tilespmem:s28+$0xFFFFFF30];
	v19 =	vsub.f32 v24, v19  }
0x3d2: {  	v24 =	vld [tilespmem:s24+$0xFFFFFF30];
	v16 =	vadd.f32 v17, v16;
	v17 =	vmul.f32 v18, v18;
	v18 =	vadd.f32 $9.999999970e-07, v21  }
0x3d3: {  	v21 =	vld [tilespmem:s28+$0xFFFFFF40]  }
0x3d4: {  	v27 =	vld [tilespmem:s24+$0xFFFFFF40];
	v16 =	vadd.f32 v17, v16;
	v17 =	vmul.f32 v18, v18;
	v18 =	vadd.f32 $9.999999970e-07, v19  }
0x3d5: {  	v22 =	vsub.f32 v25, v22;
	v19 =	vsub.f32 v26, v23;
	v26 =	vld [tilespmem:s28+$0xFFFFFF50]  }
0x3d6: {  	v28 =	vld [tilespmem:s24+$0xFFFFFF50];
	v17 =	vadd.f32 v17, v16;
	v18 =	vmul.f32 v18, v18  }
0x3d7: {  	v22 =	vadd.f32 $9.999999970e-07, v22;
	v23 =	vadd.f32 $9.999999970e-07, v19;
	v16 =	vld [tilespmem:s28+$0xFFFFFF60]  }
.Ltmp8:
0x3d8: {  	v20 =	vsub.f32 v20, v24;
	v19 =	vld [tilespmem:s24+$0xFFFFFF60];
	v17 =	vadd.f32 v18, v17;
	(pc) =	sbr.rel @p0 .LBB2_19-.Ltmp8, $4  }
0x3d9: {  	s25 =	sadd.s32 $0x20, s25;
	v22 =	vmul.f32 v22, v22;
	v23 =	vmul.f32 v23, v23;
	v21 =	vsub.f32 v21, v27;
	v18 =	vld [tilespmem:s28+$0xFFFFFF70]  }
0x3da: {  	v24 =	vadd.f32 $9.999999970e-07, v20;
	v20 =	vld [tilespmem:s24+$0xFFFFFF70];
	[tilespmem:s25+$0x0] =	vst v17  }
0x3db: {  	v22 =	vadd.f32 v22, v23;
	v25 =	vadd.f32 $9.999999970e-07, v21;
	v17 =	vld [tilespmem:s28+$0xFFFFFF80]  }
0x3dc: {  	v23 =	vmul.f32 v24, v24;
	v24 =	vsub.f32 v26, v28;
	s28 =	sadd.s32 $0x100, s28;
	v21 =	vld [tilespmem:s24+$0xFFFFFF80]  }
0x3dd: {  	v16 =	vsub.f32 v16, v19  }
0x3de: {  	v19 =	vmul.f32 v25, v25;
	v22 =	vadd.f32 v23, v22;
	v23 =	vadd.f32 $9.999999970e-07, v24  }
0x3df: {  	v18 =	vsub.f32 v18, v20  }
0x3e0: {  	v16 =	vadd.f32 $9.999999970e-07, v16;
	v19 =	vadd.f32 v19, v22;
	v20 =	vmul.f32 v23, v23  }
0x3e1: {  	v18 =	vadd.f32 $9.999999970e-07, v18  }
0x3e2: {  	v16 =	vmul.f32 v16, v16;
	v17 =	vsub.f32 v17, v21;
	v19 =	vadd.f32 v20, v19;
	_ =	sdelay $0x1  }
0x3e3: {  	v18 =	vmul.f32 v18, v18;
	v17 =	vadd.f32 $9.999999970e-07, v17;
	v16 =	vadd.f32 v16, v19;
	_ =	sdelay $0x1  }
0x3e4: {  	v17 =	vmul.f32 v17, v17;
	v16 =	vadd.f32 v18, v16;
	_ =	sdelay $0x1  }
0x3e5: {  	v16 =	vadd.f32 v17, v16;
	_ =	sdelay $0x1  }
0x3e6: {  	[tilespmem:s25+$0xFFFFFFF0] =	vst v16  }
0x3e7: {  	v16 =	vld.idx.msk [tilespmem:v0+s17+$0x0], $0xffff  }
0x3e8: {  	v17 =	vld.idx.msk [tilespmem:v1+s17+$0x0], $0xffff  }
0x3e9: {  	v18 =	vld.idx.msk [tilespmem:v2+s17+$0x0], $0xffff  }
0x3ea: {  	v19 =	vld.idx.msk [tilespmem:v3+s17+$0x0], $0xffff  }
0x3eb: {  	v20 =	vld.idx.msk [tilespmem:v4+s17+$0x0], $0xffff  }
0x3ec: {  	v21 =	vld.idx.msk [tilespmem:v5+s17+$0x0], $0xffff  }
0x3ed: {  	v22 =	vld.idx.msk [tilespmem:v6+s17+$0x0], $0xffff  }
0x3ee: {  	v23 =	vld.idx.msk [tilespmem:v7+s17+$0x0], $0xffff  }
0x3ef: {  	v24 =	vld.idx.msk [tilespmem:v8+s17+$0x0], $0xffff  }
0x3f0: {  	v25 =	vld.idx.msk [tilespmem:v9+s17+$0x0], $0xffff  }
0x3f1: {  	v26 =	vld.idx.msk [tilespmem:v10+s17+$0x0], $0xffff  }
0x3f2: {  	v27 =	vld.idx.msk [tilespmem:v11+s17+$0x0], $0xffff  }
0x3f3: {  	v28 =	vld.idx.msk [tilespmem:v12+s17+$0x0], $0xffff  }
0x3f4: {  	v29 =	vld.idx.msk [tilespmem:v13+s17+$0x0], $0xffff  }
0x3f5: {  	v30 =	vld.idx.msk [tilespmem:v14+s17+$0x0], $0xffff  }
0x3f6: {  	v16 =	vadd.f32 v20, v16;
	v17 =	vadd.f32 v21, v17;
	v20 =	vld.idx.msk [tilespmem:v15+s17+$0x0], $0xffff  }
0x3f7: {  	v18 =	vadd.f32 v22, v18;
	v19 =	vadd.f32 v23, v19  }
0x3f8: {  	v16 =	vadd.f32 v24, v16;
	v17 =	vadd.f32 v25, v17  }
0x3f9: {  	v18 =	vadd.f32 v26, v18;
	v19 =	vadd.f32 v27, v19  }
0x3fa: {  	v16 =	vadd.f32 v28, v16;
	v17 =	vadd.f32 v29, v17  }
0x3fb: {  	v18 =	vadd.f32 v30, v18;
	v19 =	vadd.f32 v20, v19;
	_ =	sdelay $0x1  }
0x3fc: {  	v16 =	vadd.f32 v17, v16;
	v17 =	vadd.f32 v19, v18;
	_ =	sdelay $0x1  }
0x3fd: {  	v16 =	vadd.f32 v17, v16;
	_ =	sdelay $0x1  }
0x3fe: {  	v17 =	vshra.s32 v16, $0x1;
	v18 =	vmul.f32 $5.000000000e-01, v16  }
0x3ff: {  	v17 =	vsub.s32 $0x5F3759DF, v17  }
0x400: {  	v19 =	vmul.f32 v17, v18;
	_ =	sdelay $0x1  }
0x401: {  	v19 =	vmul.f32 v17, v19;
	_ =	sdelay $0x1  }
0x402: {  	v19 =	vsub.f32 $1.500000000e+00, v19;
	_ =	sdelay $0x1  }
0x403: {  	v17 =	vmul.f32 v17, v19;
	_ =	sdelay $0x1  }
0x404: {  	v18 =	vmul.f32 v17, v18;
	_ =	sdelay $0x1  }
0x405: {  	v18 =	vmul.f32 v18, v17;
	_ =	sdelay $0x1  }
0x406: {  	v18 =	vsub.f32 $1.500000000e+00, v18;
	_ =	sdelay $0x1  }
0x407: {  	v17 =	vmul.f32 v18, v17;
	_ =	sdelay $0x1  }
0x408: {  	v16 =	vmul.f32 v17, v16  }
0x409: {  	s24 =	sand.u32 $0x3FE0, s23  }
0x40a: {  	s26 =	simm.s32 $0xBFF0;
	[tilespmem:s24+$0xF080] =	vst v16  }
0x40b: {  	v16 =	vld [tilespmem:s26+$0xFFFFFFB0]  }
0x40c: {  	s24 =	simm.s32 $0xE7F0;
	v17 =	vld [tilespmem:s26+$0xFFFFFF90]  }
0x40d: {  	v18 =	vld [tilespmem:s24+$0xFFFFFF90]  }
0x40e: {  	v19 =	vld [tilespmem:s26+$0xFFFFFFA0]  }
0x40f: {  	v20 =	vld [tilespmem:s24+$0xFFFFFFA0]  }
0x410: {  	v21 =	vld [tilespmem:s24+$0xFFFFFFB0]  }
0x411: {  	v22 =	vld [tilespmem:s26+$0xFFFFFFC0]  }
0x412: {  	v23 =	vld [tilespmem:s24+$0xFFFFFFC0]  }
0x413: {  	v24 =	vld [tilespmem:s26+$0xFFFFFFD0]  }
0x414: {  	v25 =	vld [tilespmem:s24+$0xFFFFFFF0]  }
0x415: {  	v17 =	vsub.f32 v17, v18;
	v18 =	vsub.f32 v19, v20;
	v19 =	vld [tilespmem:s24+$0xFFFFFFD0]  }
0x416: {  	v16 =	vsub.f32 v16, v21;
	v20 =	vld [tilespmem:s26+$0xFFFFFFE0]  }
0x417: {  	v21 =	vld [tilespmem:s24+$0xFFFFFFE0];
	v17 =	vadd.f32 $9.999999970e-07, v17;
	v18 =	vadd.f32 $9.999999970e-07, v18  }
0x418: {  	v26 =	vld [tilespmem:s24+$0xFFFFFF10];
	v22 =	vsub.f32 v22, v23  }
0x419: {  	v23 =	vld [tilespmem:s26+$0xFFFFFFF0];
	v16 =	vadd.f32 $9.999999970e-07, v16;
	v17 =	vmul.f32 v17, v17;
	v18 =	vmul.f32 v18, v18  }
0x41a: {  	v27 =	vld [tilespmem:s24+$0xFFFFFF40];
	v19 =	vsub.f32 v24, v19  }
0x41b: {  	v16 =	vmul.f32 v16, v16;
	v24 =	vld [tilespmem:s26+$0x0];
	v17 =	vadd.f32 v18, v17;
	v18 =	vadd.f32 $9.999999970e-07, v22  }
0x41c: {  	v20 =	vsub.f32 v20, v21;
	v22 =	vld [tilespmem:s24+$0x0]  }
0x41d: {  	v21 =	vld [tilespmem:s26+$0xFFFFFF20];
	v16 =	vadd.f32 v16, v17;
	v17 =	vmul.f32 v18, v18;
	v18 =	vadd.f32 $9.999999970e-07, v19  }
0x41e: {  	v23 =	vsub.f32 v23, v25;
	v19 =	vld [tilespmem:s24+$0xFFFFFF20]  }
0x41f: {  	v25 =	vld [tilespmem:s26+$0xFFFFFF10];
	v16 =	vadd.f32 v17, v16;
	v17 =	vmul.f32 v18, v18;
	v18 =	vadd.f32 $9.999999970e-07, v20  }
0x420: {  	v20 =	vld [tilespmem:s26+$0xFFFFFF30]  }
0x421: {  	v22 =	vsub.f32 v24, v22;
	v24 =	vld [tilespmem:s24+$0xFFFFFF30];
	v16 =	vadd.f32 v17, v16;
	v17 =	vmul.f32 v18, v18  }
0x422: {  	v18 =	vadd.f32 $9.999999970e-07, v23;
	v23 =	vld [tilespmem:s26+$0xFFFFFF40]  }
0x423: {  	v19 =	vsub.f32 v21, v19;
	v16 =	vadd.f32 v17, v16  }
0x424: {  	v21 =	vld [tilespmem:s26+$0xFFFFFF50];
	v17 =	vmul.f32 v18, v18;
	v18 =	vadd.f32 $9.999999970e-07, v22;
	v22 =	vsub.f32 v25, v26  }
0x425: {  	v26 =	vld [tilespmem:s24+$0xFFFFFF50];
	v25 =	vadd.f32 $9.999999970e-07, v19  }
0x426: {  	v19 =	vld [tilespmem:s24+$0xFFFFFF60];
	v17 =	vadd.f32 v17, v16;
	v18 =	vmul.f32 v18, v18;
	v22 =	vadd.f32 $9.999999970e-07, v22  }
0x427: {  	v16 =	vld [tilespmem:s26+$0xFFFFFF60];
	v20 =	vsub.f32 v20, v24;
	v23 =	vsub.f32 v23, v27  }
0x428: {  	v24 =	vadd.f32 v18, v17;
	v17 =	vmul.f32 v22, v22;
	v22 =	vmul.f32 v25, v25;
	v18 =	vld [tilespmem:s26+$0xFFFFFF70]  }
0x429: {  	v27 =	vadd.f32 $9.999999970e-07, v20;
	v20 =	vld [tilespmem:s24+$0xFFFFFF70]  }
0x42a: {  	s25 =	simm.s32 $0xEF10;
	v25 =	vadd.f32 $9.999999970e-07, v23;
	v22 =	vadd.f32 v22, v17;
	v17 =	vld [tilespmem:s26+$0xFFFFFF80]  }
0x42b: {  	s28 =	simm.s32 $0xC0F0;
	s26 =	simm.s32 $0x0;
	[tilespmem:s25+$0x0] =	vst v24;
	v23 =	vmul.f32 v27, v27;
	v24 =	vsub.f32 v21, v26;
	v21 =	vld [tilespmem:s24+$0xFFFFFF80]  }
.LBB2_21:
0x42c: {  	v26 =	vld [tilespmem:s28+$0xFFFFFFB0];
	v25 =	vmul.f32 v25, v25;
	v16 =	vsub.f32 v16, v19  }
0x42d: {  	s24 =	sadd.s32 $0x100, s24;
	v19 =	vld [tilespmem:s28+$0xFFFFFF90];
	v22 =	vadd.f32 v23, v22;
	v23 =	vadd.f32 $9.999999970e-07, v24  }
0x42e: {  	v24 =	vld [tilespmem:s24+$0xFFFFFF90];
	v16 =	vadd.f32 $9.999999970e-07, v16;
	v18 =	vsub.f32 v18, v20  }
0x42f: {  	v20 =	vld [tilespmem:s28+$0xFFFFFFA0];
	v22 =	vadd.f32 v25, v22;
	v23 =	vmul.f32 v23, v23  }
0x430: {  	s26 =	sadd.s32 $0x2, s26;
	v25 =	vld [tilespmem:s24+$0xFFFFFFA0];
	v16 =	vmul.f32 v16, v16;
	v18 =	vadd.f32 $9.999999970e-07, v18;
	v17 =	vsub.f32 v17, v21  }
0x431: {  	p0 =	slt.u32 s26, $0xE;
	v21 =	vld [tilespmem:s24+$0xFFFFFFB0];
	v22 =	vadd.f32 v23, v22  }
0x432: {  	v23 =	vld [tilespmem:s28+$0xFFFFFFC0];
	v18 =	vmul.f32 v18, v18;
	v17 =	vadd.f32 $9.999999970e-07, v17  }
0x433: {  	v27 =	vld [tilespmem:s24+$0xFFFFFFC0];
	v16 =	vadd.f32 v16, v22  }
0x434: {  	v22 =	vld [tilespmem:s28+$0xFFFFFFD0];
	v17 =	vmul.f32 v17, v17  }
0x435: {  	v19 =	vsub.f32 v19, v24;
	v20 =	vsub.f32 v20, v25;
	v24 =	vld [tilespmem:s24+$0xFFFFFFD0]  }
0x436: {  	v16 =	vadd.f32 v18, v16;
	v21 =	vsub.f32 v26, v21;
	v25 =	vld [tilespmem:s28+$0xFFFFFFE0]  }
0x437: {  	v18 =	vadd.f32 $9.999999970e-07, v19;
	v19 =	vadd.f32 $9.999999970e-07, v20;
	v20 =	vld [tilespmem:s24+$0xFFFFFFE0]  }
0x438: {  	v16 =	vadd.f32 v17, v16;
	v23 =	vsub.f32 v23, v27;
	v26 =	vld [tilespmem:s28+$0xFFFFFFF0]  }
0x439: {  	v17 =	vmul.f32 v18, v18;
	v18 =	vmul.f32 v19, v19;
	v19 =	vadd.f32 $9.999999970e-07, v21;
	v21 =	vld [tilespmem:s24+$0xFFFFFFF0]  }
0x43a: {  	v22 =	vsub.f32 v22, v24;
	v24 =	vld [tilespmem:s28+$0x0];
	[tilespmem:s25+$0xFFFFFFF0] =	vst v16  }
0x43b: {  	v16 =	vadd.f32 v18, v17;
	v17 =	vmul.f32 v19, v19;
	v18 =	vadd.f32 $9.999999970e-07, v23;
	v19 =	vld [tilespmem:s24+$0x0]  }
0x43c: {  	v23 =	vld [tilespmem:s24+$0xFFFFFF10];
	v20 =	vsub.f32 v25, v20  }
0x43d: {  	v25 =	vld [tilespmem:s28+$0xFFFFFF20];
	v16 =	vadd.f32 v17, v16;
	v17 =	vmul.f32 v18, v18;
	v18 =	vadd.f32 $9.999999970e-07, v22  }
0x43e: {  	v22 =	vld [tilespmem:s24+$0xFFFFFF20];
	v21 =	vsub.f32 v26, v21  }
0x43f: {  	v26 =	vld [tilespmem:s28+$0xFFFFFF10];
	v16 =	vadd.f32 v17, v16;
	v17 =	vmul.f32 v18, v18;
	v18 =	vadd.f32 $9.999999970e-07, v20  }
0x440: {  	v20 =	vld [tilespmem:s28+$0xFFFFFF30];
	v19 =	vsub.f32 v24, v19  }
0x441: {  	v24 =	vld [tilespmem:s24+$0xFFFFFF30];
	v16 =	vadd.f32 v17, v16;
	v17 =	vmul.f32 v18, v18;
	v18 =	vadd.f32 $9.999999970e-07, v21  }
0x442: {  	v21 =	vld [tilespmem:s28+$0xFFFFFF40]  }
0x443: {  	v27 =	vld [tilespmem:s24+$0xFFFFFF40];
	v16 =	vadd.f32 v17, v16;
	v17 =	vmul.f32 v18, v18;
	v18 =	vadd.f32 $9.999999970e-07, v19  }
0x444: {  	v22 =	vsub.f32 v25, v22;
	v19 =	vsub.f32 v26, v23;
	v26 =	vld [tilespmem:s28+$0xFFFFFF50]  }
0x445: {  	v28 =	vld [tilespmem:s24+$0xFFFFFF50];
	v17 =	vadd.f32 v17, v16;
	v18 =	vmul.f32 v18, v18  }
0x446: {  	v22 =	vadd.f32 $9.999999970e-07, v22;
	v23 =	vadd.f32 $9.999999970e-07, v19;
	v16 =	vld [tilespmem:s28+$0xFFFFFF60]  }
.Ltmp9:
0x447: {  	v20 =	vsub.f32 v20, v24;
	v19 =	vld [tilespmem:s24+$0xFFFFFF60];
	v17 =	vadd.f32 v18, v17;
	(pc) =	sbr.rel @p0 .LBB2_21-.Ltmp9, $4  }
0x448: {  	s25 =	sadd.s32 $0x20, s25;
	v22 =	vmul.f32 v22, v22;
	v23 =	vmul.f32 v23, v23;
	v21 =	vsub.f32 v21, v27;
	v18 =	vld [tilespmem:s28+$0xFFFFFF70]  }
0x449: {  	v24 =	vadd.f32 $9.999999970e-07, v20;
	v20 =	vld [tilespmem:s24+$0xFFFFFF70];
	[tilespmem:s25+$0x0] =	vst v17  }
0x44a: {  	v22 =	vadd.f32 v22, v23;
	v25 =	vadd.f32 $9.999999970e-07, v21;
	v17 =	vld [tilespmem:s28+$0xFFFFFF80]  }
0x44b: {  	v23 =	vmul.f32 v24, v24;
	v24 =	vsub.f32 v26, v28;
	s28 =	sadd.s32 $0x100, s28;
	v21 =	vld [tilespmem:s24+$0xFFFFFF80]  }
0x44c: {  	v16 =	vsub.f32 v16, v19  }
0x44d: {  	v50 =	vmul.f32 v25, v25;
	v22 =	vadd.f32 v23, v22;
	v51 =	vadd.f32 $9.999999970e-07, v24  }
0x44e: {  	v18 =	vsub.f32 v18, v20  }
0x44f: {  	v16 =	vadd.f32 $9.999999970e-07, v16;
	v19 =	vadd.f32 v50, v22;
	v52 =	vmul.f32 v51, v51  }
0x450: {  	v18 =	vadd.f32 $9.999999970e-07, v18  }
0x451: {  	v16 =	vmul.f32 v16, v16;
	v17 =	vsub.f32 v17, v21;
	v19 =	vadd.f32 v52, v19;
	_ =	sdelay $0x1  }
0x452: {  	v18 =	vmul.f32 v18, v18;
	v17 =	vadd.f32 $9.999999970e-07, v17;
	v16 =	vadd.f32 v16, v19;
	_ =	sdelay $0x1  }
0x453: {  	v17 =	vmul.f32 v17, v17;
	v16 =	vadd.f32 v18, v16;
	_ =	sdelay $0x1  }
0x454: {  	v16 =	vadd.f32 v17, v16;
	_ =	sdelay $0x1  }
0x455: {  	[tilespmem:s25+$0xFFFFFFF0] =	vst v16  }
0x456: {  	v16 =	vld.idx.msk [tilespmem:v0+s17+$0x0], $0xffff  }
0x457: {  	v17 =	vld.idx.msk [tilespmem:v1+s17+$0x0], $0xffff  }
0x458: {  	v53 =	vld.idx.msk [tilespmem:v2+s17+$0x0], $0xffff  }
0x459: {  	v54 =	vld.idx.msk [tilespmem:v3+s17+$0x0], $0xffff  }
0x45a: {  	v55 =	vld.idx.msk [tilespmem:v4+s17+$0x0], $0xffff  }
0x45b: {  	v56 =	vld.idx.msk [tilespmem:v5+s17+$0x0], $0xffff  }
0x45c: {  	v57 =	vld.idx.msk [tilespmem:v6+s17+$0x0], $0xffff  }
0x45d: {  	v58 =	vld.idx.msk [tilespmem:v7+s17+$0x0], $0xffff  }
0x45e: {  	v59 =	vld.idx.msk [tilespmem:v8+s17+$0x0], $0xffff  }
0x45f: {  	v60 =	vld.idx.msk [tilespmem:v9+s17+$0x0], $0xffff  }
0x460: {  	v26 =	vld.idx.msk [tilespmem:v10+s17+$0x0], $0xffff  }
0x461: {  	v27 =	vld.idx.msk [tilespmem:v11+s17+$0x0], $0xffff  }
0x462: {  	v28 =	vld.idx.msk [tilespmem:v12+s17+$0x0], $0xffff  }
0x463: {  	v29 =	vld.idx.msk [tilespmem:v13+s17+$0x0], $0xffff  }
0x464: {  	v30 =	vld.idx.msk [tilespmem:v14+s17+$0x0], $0xffff  }
0x465: {  	v61 =	vld.idx.msk [tilespmem:v15+s17+$0x0], $0xffff;
	v16 =	vadd.f32 v55, v16;
	v17 =	vadd.f32 v56, v17  }
0x466: {  	v18 =	vadd.f32 v57, v53;
	v19 =	vadd.f32 v58, v54  }
0x467: {  	v16 =	vadd.f32 v59, v16;
	v17 =	vadd.f32 v60, v17  }
0x468: {  	v18 =	vadd.f32 v26, v18;
	v19 =	vadd.f32 v27, v19  }
0x469: {  	v16 =	vadd.f32 v28, v16;
	v17 =	vadd.f32 v29, v17  }
0x46a: {  	v18 =	vadd.f32 v30, v18;
	v19 =	vadd.f32 v61, v19;
	_ =	sdelay $0x1  }
0x46b: {  	v16 =	vadd.f32 v17, v16;
	v17 =	vadd.f32 v19, v18;
	_ =	sdelay $0x1  }
0x46c: {  	v16 =	vadd.f32 v17, v16;
	_ =	sdelay $0x1  }
0x46d: {  	v17 =	vshra.s32 v16, $0x1;
	v62 =	vmul.f32 $5.000000000e-01, v16  }
0x46e: {  	v17 =	vsub.s32 $0x5F3759DF, v17  }
0x46f: {  	v63 =	vmul.f32 v17, v62;
	_ =	sdelay $0x1  }
0x470: {  	v19 =	vmul.f32 v17, v63;
	_ =	sdelay $0x1  }
0x471: {  	v19 =	vsub.f32 $1.500000000e+00, v19;
	_ =	sdelay $0x1  }
0x472: {  	v17 =	vmul.f32 v17, v19;
	_ =	sdelay $0x1  }
0x473: {  	v18 =	vmul.f32 v17, v62;
	_ =	sdelay $0x1  }
0x474: {  	v18 =	vmul.f32 v18, v17;
	_ =	sdelay $0x1  }
0x475: {  	s22 =	sadd.s32 $0x1, s22;
	v18 =	vsub.f32 $1.500000000e+00, v18  }
0x476: {  	p0 =	sne.s32 s22, $0x3E  }
.Ltmp10:
0x477: {  	v17 =	vmul.f32 v18, v17;
	(pc) =	sbr.rel @p0 .LBB2_2-.Ltmp10, $3  }
0x478: {  	_ = 	snop  }
0x479: {  	v16 =	vmul.f32 v17, v16;
	_ =	sdelay $0x1  }
0x47a: {  	[tilespmem:s23+$0xF090] =	vst v16  }
0x47b: {  	_ =	swait.ge [sflag:s15], $0x2800  }
0x47c: {  	[sflag:s15] =	ssyncset.done $0x0  }
0x47d: {  	[sflag:s15] =	ssyncadd.s32 $0xFFFFD800  }
0x47e: {  	_ =	swait.ge [sflag:s16], $0x2800  }
0x47f: {  	[sflag:s16] =	ssyncset.done $0x0  }
0x480: {  	s24 =	simm.s32 $0x4F80;
	[sflag:s16] =	ssyncadd.s32 $0xFFFFD800  }
0x481: {  	v16 =	vld [tilespmem:s24+$0x20]  }
0x482: {  	s22 =	simm.s32 $0x7780;
	v17 =	vld [tilespmem:s24+$0x0]  }
0x483: {  	v18 =	vld [tilespmem:s22+$0x0]  }
0x484: {  	v19 =	vld [tilespmem:s24+$0x10]  }
0x485: {  	v20 =	vld [tilespmem:s22+$0x10]  }
0x486: {  	v21 =	vld [tilespmem:s22+$0x20]  }
0x487: {  	v22 =	vld [tilespmem:s24+$0x30]  }
0x488: {  	v23 =	vld [tilespmem:s22+$0x30]  }
0x489: {  	v24 =	vld [tilespmem:s24+$0x40]  }
0x48a: {  	v25 =	vld [tilespmem:s22+$0x60]  }
0x48b: {  	v17 =	vsub.f32 v17, v18;
	v18 =	vsub.f32 v19, v20;
	v19 =	vld [tilespmem:s22+$0x40]  }
0x48c: {  	v16 =	vsub.f32 v16, v21;
	v20 =	vld [tilespmem:s24+$0x50]  }
0x48d: {  	v21 =	vld [tilespmem:s22+$0x50];
	v17 =	vadd.f32 $9.999999970e-07, v17;
	v18 =	vadd.f32 $9.999999970e-07, v18  }
0x48e: {  	v26 =	vld [tilespmem:s22+$0xFFFFFF80];
	v22 =	vsub.f32 v22, v23  }
0x48f: {  	v23 =	vld [tilespmem:s24+$0x60];
	v16 =	vadd.f32 $9.999999970e-07, v16;
	v17 =	vmul.f32 v17, v17;
	v18 =	vmul.f32 v18, v18  }
0x490: {  	v27 =	vld [tilespmem:s22+$0xFFFFFFB0];
	v19 =	vsub.f32 v24, v19  }
0x491: {  	v16 =	vmul.f32 v16, v16;
	v24 =	vld [tilespmem:s24+$0x70];
	v17 =	vadd.f32 v18, v17;
	v18 =	vadd.f32 $9.999999970e-07, v22  }
0x492: {  	v20 =	vsub.f32 v20, v21;
	v22 =	vld [tilespmem:s22+$0x70]  }
0x493: {  	v21 =	vld [tilespmem:s24+$0xFFFFFF90];
	v16 =	vadd.f32 v16, v17;
	v17 =	vmul.f32 v18, v18;
	v18 =	vadd.f32 $9.999999970e-07, v19  }
0x494: {  	v23 =	vsub.f32 v23, v25;
	v19 =	vld [tilespmem:s22+$0xFFFFFF90]  }
0x495: {  	v25 =	vld [tilespmem:s24+$0xFFFFFF80];
	v16 =	vadd.f32 v17, v16;
	v17 =	vmul.f32 v18, v18;
	v18 =	vadd.f32 $9.999999970e-07, v20  }
0x496: {  	v20 =	vld [tilespmem:s24+$0xFFFFFFA0]  }
0x497: {  	v22 =	vsub.f32 v24, v22;
	v24 =	vld [tilespmem:s22+$0xFFFFFFA0];
	v16 =	vadd.f32 v17, v16;
	v17 =	vmul.f32 v18, v18  }
0x498: {  	v18 =	vadd.f32 $9.999999970e-07, v23;
	v23 =	vld [tilespmem:s24+$0xFFFFFFB0]  }
0x499: {  	v19 =	vsub.f32 v21, v19;
	v16 =	vadd.f32 v17, v16  }
0x49a: {  	v21 =	vld [tilespmem:s24+$0xFFFFFFC0];
	v17 =	vmul.f32 v18, v18;
	v18 =	vadd.f32 $9.999999970e-07, v22;
	v22 =	vsub.f32 v25, v26  }
0x49b: {  	v26 =	vld [tilespmem:s22+$0xFFFFFFC0];
	v25 =	vadd.f32 $9.999999970e-07, v19  }
0x49c: {  	v19 =	vld [tilespmem:s22+$0xFFFFFFD0];
	v17 =	vadd.f32 v17, v16;
	v18 =	vmul.f32 v18, v18;
	v22 =	vadd.f32 $9.999999970e-07, v22  }
0x49d: {  	v16 =	vld [tilespmem:s24+$0xFFFFFFD0];
	v20 =	vsub.f32 v20, v24;
	v23 =	vsub.f32 v23, v27  }
0x49e: {  	v24 =	vadd.f32 v18, v17;
	v17 =	vmul.f32 v22, v22;
	v22 =	vmul.f32 v25, v25;
	v18 =	vld [tilespmem:s24+$0xFFFFFFE0]  }
0x49f: {  	v27 =	vadd.f32 $9.999999970e-07, v20;
	v20 =	vld [tilespmem:s22+$0xFFFFFFE0]  }
0x4a0: {  	s23 =	simm.s32 $0xEF10;
	v25 =	vadd.f32 $9.999999970e-07, v23;
	v22 =	vadd.f32 v22, v17;
	v17 =	vld [tilespmem:s24+$0xFFFFFFF0]  }
0x4a1: {  	s25 =	simm.s32 $0x5080;
	s24 =	simm.s32 $0x0;
	[tilespmem:s23+$0x0] =	vst v24;
	v23 =	vmul.f32 v27, v27;
	v24 =	vsub.f32 v21, v26;
	v21 =	vld [tilespmem:s22+$0xFFFFFFF0]  }
.LBB2_24:
0x4a2: {  	v26 =	vld [tilespmem:s25+$0x20];
	v25 =	vmul.f32 v25, v25;
	v16 =	vsub.f32 v16, v19  }
0x4a3: {  	s22 =	sadd.s32 $0x100, s22;
	v19 =	vld [tilespmem:s25+$0x0];
	v22 =	vadd.f32 v23, v22;
	v23 =	vadd.f32 $9.999999970e-07, v24  }
0x4a4: {  	v24 =	vld [tilespmem:s22+$0x0];
	v16 =	vadd.f32 $9.999999970e-07, v16;
	v18 =	vsub.f32 v18, v20  }
0x4a5: {  	v20 =	vld [tilespmem:s25+$0x10];
	v22 =	vadd.f32 v25, v22;
	v23 =	vmul.f32 v23, v23  }
0x4a6: {  	s24 =	sadd.s32 $0x2, s24;
	v25 =	vld [tilespmem:s22+$0x10];
	v16 =	vmul.f32 v16, v16;
	v18 =	vadd.f32 $9.999999970e-07, v18;
	v17 =	vsub.f32 v17, v21  }
0x4a7: {  	p0 =	slt.u32 s24, $0xE;
	v21 =	vld [tilespmem:s22+$0x20];
	v22 =	vadd.f32 v23, v22  }
0x4a8: {  	v23 =	vld [tilespmem:s25+$0x30];
	v18 =	vmul.f32 v18, v18;
	v17 =	vadd.f32 $9.999999970e-07, v17  }
0x4a9: {  	v27 =	vld [tilespmem:s22+$0x30];
	v16 =	vadd.f32 v16, v22  }
0x4aa: {  	v22 =	vld [tilespmem:s25+$0x40];
	v17 =	vmul.f32 v17, v17  }
0x4ab: {  	v19 =	vsub.f32 v19, v24;
	v20 =	vsub.f32 v20, v25;
	v24 =	vld [tilespmem:s22+$0x40]  }
0x4ac: {  	v16 =	vadd.f32 v18, v16;
	v21 =	vsub.f32 v26, v21;
	v25 =	vld [tilespmem:s25+$0x50]  }
0x4ad: {  	v18 =	vadd.f32 $9.999999970e-07, v19;
	v19 =	vadd.f32 $9.999999970e-07, v20;
	v20 =	vld [tilespmem:s22+$0x50]  }
0x4ae: {  	v16 =	vadd.f32 v17, v16;
	v23 =	vsub.f32 v23, v27;
	v26 =	vld [tilespmem:s25+$0x60]  }
0x4af: {  	v17 =	vmul.f32 v18, v18;
	v18 =	vmul.f32 v19, v19;
	v19 =	vadd.f32 $9.999999970e-07, v21;
	v21 =	vld [tilespmem:s22+$0x60]  }
0x4b0: {  	v22 =	vsub.f32 v22, v24;
	v24 =	vld [tilespmem:s25+$0x70];
	[tilespmem:s23+$0xFFFFFFF0] =	vst v16  }
0x4b1: {  	v16 =	vadd.f32 v18, v17;
	v17 =	vmul.f32 v19, v19;
	v18 =	vadd.f32 $9.999999970e-07, v23;
	v19 =	vld [tilespmem:s22+$0x70]  }
0x4b2: {  	v23 =	vld [tilespmem:s22+$0xFFFFFF80];
	v20 =	vsub.f32 v25, v20  }
0x4b3: {  	v25 =	vld [tilespmem:s25+$0xFFFFFF90];
	v16 =	vadd.f32 v17, v16;
	v17 =	vmul.f32 v18, v18;
	v18 =	vadd.f32 $9.999999970e-07, v22  }
0x4b4: {  	v22 =	vld [tilespmem:s22+$0xFFFFFF90];
	v21 =	vsub.f32 v26, v21  }
0x4b5: {  	v26 =	vld [tilespmem:s25+$0xFFFFFF80];
	v16 =	vadd.f32 v17, v16;
	v17 =	vmul.f32 v18, v18;
	v18 =	vadd.f32 $9.999999970e-07, v20  }
0x4b6: {  	v20 =	vld [tilespmem:s25+$0xFFFFFFA0];
	v19 =	vsub.f32 v24, v19  }
0x4b7: {  	v24 =	vld [tilespmem:s22+$0xFFFFFFA0];
	v16 =	vadd.f32 v17, v16;
	v17 =	vmul.f32 v18, v18;
	v18 =	vadd.f32 $9.999999970e-07, v21  }
0x4b8: {  	v21 =	vld [tilespmem:s25+$0xFFFFFFB0]  }
0x4b9: {  	v27 =	vld [tilespmem:s22+$0xFFFFFFB0];
	v16 =	vadd.f32 v17, v16;
	v17 =	vmul.f32 v18, v18;
	v18 =	vadd.f32 $9.999999970e-07, v19  }
0x4ba: {  	v22 =	vsub.f32 v25, v22;
	v19 =	vsub.f32 v26, v23;
	v26 =	vld [tilespmem:s25+$0xFFFFFFC0]  }
0x4bb: {  	v28 =	vld [tilespmem:s22+$0xFFFFFFC0];
	v17 =	vadd.f32 v17, v16;
	v18 =	vmul.f32 v18, v18  }
0x4bc: {  	v22 =	vadd.f32 $9.999999970e-07, v22;
	v23 =	vadd.f32 $9.999999970e-07, v19;
	v16 =	vld [tilespmem:s25+$0xFFFFFFD0]  }
.Ltmp11:
0x4bd: {  	v20 =	vsub.f32 v20, v24;
	v19 =	vld [tilespmem:s22+$0xFFFFFFD0];
	v17 =	vadd.f32 v18, v17;
	(pc) =	sbr.rel @p0 .LBB2_24-.Ltmp11, $4  }
0x4be: {  	s23 =	sadd.s32 $0x20, s23;
	v22 =	vmul.f32 v22, v22;
	v23 =	vmul.f32 v23, v23;
	v21 =	vsub.f32 v21, v27;
	v18 =	vld [tilespmem:s25+$0xFFFFFFE0]  }
0x4bf: {  	v24 =	vadd.f32 $9.999999970e-07, v20;
	v20 =	vld [tilespmem:s22+$0xFFFFFFE0];
	[tilespmem:s23+$0x0] =	vst v17  }
0x4c0: {  	v22 =	vadd.f32 v22, v23;
	v25 =	vadd.f32 $9.999999970e-07, v21;
	v17 =	vld [tilespmem:s25+$0xFFFFFFF0]  }
0x4c1: {  	v23 =	vmul.f32 v24, v24;
	v24 =	vsub.f32 v26, v28;
	s25 =	sadd.s32 $0x100, s25;
	v21 =	vld [tilespmem:s22+$0xFFFFFFF0]  }
0x4c2: {  	v16 =	vsub.f32 v16, v19  }
0x4c3: {  	v19 =	vmul.f32 v25, v25;
	v22 =	vadd.f32 v23, v22;
	v23 =	vadd.f32 $9.999999970e-07, v24  }
0x4c4: {  	v18 =	vsub.f32 v18, v20  }
0x4c5: {  	v16 =	vadd.f32 $9.999999970e-07, v16;
	v19 =	vadd.f32 v19, v22;
	v20 =	vmul.f32 v23, v23  }
0x4c6: {  	v18 =	vadd.f32 $9.999999970e-07, v18  }
0x4c7: {  	v16 =	vmul.f32 v16, v16;
	v17 =	vsub.f32 v17, v21;
	v19 =	vadd.f32 v20, v19;
	_ =	sdelay $0x1  }
0x4c8: {  	v18 =	vmul.f32 v18, v18;
	v17 =	vadd.f32 $9.999999970e-07, v17;
	v16 =	vadd.f32 v16, v19;
	_ =	sdelay $0x1  }
0x4c9: {  	v17 =	vmul.f32 v17, v17;
	v16 =	vadd.f32 v18, v16;
	_ =	sdelay $0x1  }
0x4ca: {  	v16 =	vadd.f32 v17, v16;
	_ =	sdelay $0x1  }
0x4cb: {  	[tilespmem:s23+$0xFFFFFFF0] =	vst v16  }
0x4cc: {  	v16 =	vld.idx.msk [tilespmem:v0+s17+$0x0], $0xffff  }
0x4cd: {  	v17 =	vld.idx.msk [tilespmem:v1+s17+$0x0], $0xffff  }
0x4ce: {  	v18 =	vld.idx.msk [tilespmem:v2+s17+$0x0], $0xffff  }
0x4cf: {  	v19 =	vld.idx.msk [tilespmem:v3+s17+$0x0], $0xffff  }
0x4d0: {  	v20 =	vld.idx.msk [tilespmem:v4+s17+$0x0], $0xffff  }
0x4d1: {  	v21 =	vld.idx.msk [tilespmem:v5+s17+$0x0], $0xffff  }
0x4d2: {  	v22 =	vld.idx.msk [tilespmem:v6+s17+$0x0], $0xffff  }
0x4d3: {  	v23 =	vld.idx.msk [tilespmem:v7+s17+$0x0], $0xffff  }
0x4d4: {  	v24 =	vld.idx.msk [tilespmem:v8+s17+$0x0], $0xffff  }
0x4d5: {  	v25 =	vld.idx.msk [tilespmem:v9+s17+$0x0], $0xffff  }
0x4d6: {  	v26 =	vld.idx.msk [tilespmem:v10+s17+$0x0], $0xffff  }
0x4d7: {  	v27 =	vld.idx.msk [tilespmem:v11+s17+$0x0], $0xffff  }
0x4d8: {  	v28 =	vld.idx.msk [tilespmem:v12+s17+$0x0], $0xffff  }
0x4d9: {  	v29 =	vld.idx.msk [tilespmem:v13+s17+$0x0], $0xffff  }
0x4da: {  	v30 =	vld.idx.msk [tilespmem:v14+s17+$0x0], $0xffff  }
0x4db: {  	v16 =	vadd.f32 v20, v16;
	v17 =	vadd.f32 v21, v17;
	v20 =	vld.idx.msk [tilespmem:v15+s17+$0x0], $0xffff  }
0x4dc: {  	v18 =	vadd.f32 v22, v18;
	v19 =	vadd.f32 v23, v19  }
0x4dd: {  	v16 =	vadd.f32 v24, v16;
	v17 =	vadd.f32 v25, v17  }
0x4de: {  	v18 =	vadd.f32 v26, v18;
	v19 =	vadd.f32 v27, v19  }
0x4df: {  	v16 =	vadd.f32 v28, v16;
	v17 =	vadd.f32 v29, v17  }
0x4e0: {  	v18 =	vadd.f32 v30, v18;
	v19 =	vadd.f32 v20, v19;
	_ =	sdelay $0x1  }
0x4e1: {  	v16 =	vadd.f32 v17, v16;
	v17 =	vadd.f32 v19, v18;
	_ =	sdelay $0x1  }
0x4e2: {  	v16 =	vadd.f32 v17, v16;
	_ =	sdelay $0x1  }
0x4e3: {  	v17 =	vshra.s32 v16, $0x1;
	v18 =	vmul.f32 $5.000000000e-01, v16  }
0x4e4: {  	v17 =	vsub.s32 $0x5F3759DF, v17  }
0x4e5: {  	v19 =	vmul.f32 v17, v18;
	_ =	sdelay $0x1  }
0x4e6: {  	v19 =	vmul.f32 v17, v19;
	_ =	sdelay $0x1  }
0x4e7: {  	v19 =	vsub.f32 $1.500000000e+00, v19;
	_ =	sdelay $0x1  }
0x4e8: {  	v17 =	vmul.f32 v17, v19;
	_ =	sdelay $0x1  }
0x4e9: {  	v18 =	vmul.f32 v17, v18;
	_ =	sdelay $0x1  }
0x4ea: {  	v18 =	vmul.f32 v18, v17;
	_ =	sdelay $0x1  }
0x4eb: {  	v18 =	vsub.f32 $1.500000000e+00, v18;
	_ =	sdelay $0x1  }
0x4ec: {  	v17 =	vmul.f32 v18, v17;
	_ =	sdelay $0x1  }
0x4ed: {  	v16 =	vmul.f32 v17, v16;
	_ =	sdelay $0x1  }
0x4ee: {  	s24 =	simm.s32 $0x57F0;
	[tilespmem:$0x116C0] =	vst v16  }
0x4ef: {  	v16 =	vld [tilespmem:s24+$0xFFFFFFB0]  }
0x4f0: {  	s22 =	simm.s32 $0x7FF0;
	v17 =	vld [tilespmem:s24+$0xFFFFFF90]  }
0x4f1: {  	v18 =	vld [tilespmem:s22+$0xFFFFFF90]  }
0x4f2: {  	v19 =	vld [tilespmem:s24+$0xFFFFFFA0]  }
0x4f3: {  	v20 =	vld [tilespmem:s22+$0xFFFFFFA0]  }
0x4f4: {  	v21 =	vld [tilespmem:s22+$0xFFFFFFB0]  }
0x4f5: {  	v22 =	vld [tilespmem:s24+$0xFFFFFFC0]  }
0x4f6: {  	v23 =	vld [tilespmem:s22+$0xFFFFFFC0]  }
0x4f7: {  	v24 =	vld [tilespmem:s24+$0xFFFFFFD0]  }
0x4f8: {  	v25 =	vld [tilespmem:s22+$0xFFFFFFF0]  }
0x4f9: {  	v17 =	vsub.f32 v17, v18;
	v18 =	vsub.f32 v19, v20;
	v19 =	vld [tilespmem:s22+$0xFFFFFFD0]  }
0x4fa: {  	v16 =	vsub.f32 v16, v21;
	v20 =	vld [tilespmem:s24+$0xFFFFFFE0]  }
0x4fb: {  	v21 =	vld [tilespmem:s22+$0xFFFFFFE0];
	v17 =	vadd.f32 $9.999999970e-07, v17;
	v18 =	vadd.f32 $9.999999970e-07, v18  }
0x4fc: {  	v26 =	vld [tilespmem:s22+$0xFFFFFF10];
	v22 =	vsub.f32 v22, v23  }
0x4fd: {  	v23 =	vld [tilespmem:s24+$0xFFFFFFF0];
	v16 =	vadd.f32 $9.999999970e-07, v16;
	v17 =	vmul.f32 v17, v17;
	v18 =	vmul.f32 v18, v18  }
0x4fe: {  	v27 =	vld [tilespmem:s22+$0xFFFFFF40];
	v19 =	vsub.f32 v24, v19  }
0x4ff: {  	v16 =	vmul.f32 v16, v16;
	v24 =	vld [tilespmem:s24+$0x0];
	v17 =	vadd.f32 v18, v17;
	v18 =	vadd.f32 $9.999999970e-07, v22  }
0x500: {  	v20 =	vsub.f32 v20, v21;
	v22 =	vld [tilespmem:s22+$0x0]  }
0x501: {  	v21 =	vld [tilespmem:s24+$0xFFFFFF20];
	v16 =	vadd.f32 v16, v17;
	v17 =	vmul.f32 v18, v18;
	v18 =	vadd.f32 $9.999999970e-07, v19  }
0x502: {  	v23 =	vsub.f32 v23, v25;
	v19 =	vld [tilespmem:s22+$0xFFFFFF20]  }
0x503: {  	v25 =	vld [tilespmem:s24+$0xFFFFFF10];
	v16 =	vadd.f32 v17, v16;
	v17 =	vmul.f32 v18, v18;
	v18 =	vadd.f32 $9.999999970e-07, v20  }
0x504: {  	v20 =	vld [tilespmem:s24+$0xFFFFFF30]  }
0x505: {  	v22 =	vsub.f32 v24, v22;
	v24 =	vld [tilespmem:s22+$0xFFFFFF30];
	v16 =	vadd.f32 v17, v16;
	v17 =	vmul.f32 v18, v18  }
0x506: {  	v18 =	vadd.f32 $9.999999970e-07, v23;
	v23 =	vld [tilespmem:s24+$0xFFFFFF40]  }
0x507: {  	v19 =	vsub.f32 v21, v19;
	v16 =	vadd.f32 v17, v16  }
0x508: {  	v21 =	vld [tilespmem:s24+$0xFFFFFF50];
	v17 =	vmul.f32 v18, v18;
	v18 =	vadd.f32 $9.999999970e-07, v22;
	v22 =	vsub.f32 v25, v26  }
0x509: {  	v26 =	vld [tilespmem:s22+$0xFFFFFF50];
	v25 =	vadd.f32 $9.999999970e-07, v19  }
0x50a: {  	v19 =	vld [tilespmem:s22+$0xFFFFFF60];
	v17 =	vadd.f32 v17, v16;
	v18 =	vmul.f32 v18, v18;
	v22 =	vadd.f32 $9.999999970e-07, v22  }
0x50b: {  	v16 =	vld [tilespmem:s24+$0xFFFFFF60];
	v20 =	vsub.f32 v20, v24;
	v23 =	vsub.f32 v23, v27  }
0x50c: {  	v24 =	vadd.f32 v18, v17;
	v17 =	vmul.f32 v22, v22;
	v22 =	vmul.f32 v25, v25;
	v18 =	vld [tilespmem:s24+$0xFFFFFF70]  }
0x50d: {  	v27 =	vadd.f32 $9.999999970e-07, v20;
	v20 =	vld [tilespmem:s22+$0xFFFFFF70]  }
0x50e: {  	s23 =	simm.s32 $0xEF10;
	v25 =	vadd.f32 $9.999999970e-07, v23;
	v22 =	vadd.f32 v22, v17;
	v17 =	vld [tilespmem:s24+$0xFFFFFF80]  }
0x50f: {  	s25 =	simm.s32 $0x58F0;
	s24 =	simm.s32 $0x0;
	[tilespmem:s23+$0x0] =	vst v24;
	v23 =	vmul.f32 v27, v27;
	v24 =	vsub.f32 v21, v26;
	v21 =	vld [tilespmem:s22+$0xFFFFFF80]  }
.LBB2_26:
0x510: {  	v26 =	vld [tilespmem:s25+$0xFFFFFFB0];
	v25 =	vmul.f32 v25, v25;
	v16 =	vsub.f32 v16, v19  }
0x511: {  	s22 =	sadd.s32 $0x100, s22;
	v19 =	vld [tilespmem:s25+$0xFFFFFF90];
	v22 =	vadd.f32 v23, v22;
	v23 =	vadd.f32 $9.999999970e-07, v24  }
0x512: {  	v24 =	vld [tilespmem:s22+$0xFFFFFF90];
	v16 =	vadd.f32 $9.999999970e-07, v16;
	v18 =	vsub.f32 v18, v20  }
0x513: {  	v20 =	vld [tilespmem:s25+$0xFFFFFFA0];
	v22 =	vadd.f32 v25, v22;
	v23 =	vmul.f32 v23, v23  }
0x514: {  	s24 =	sadd.s32 $0x2, s24;
	v25 =	vld [tilespmem:s22+$0xFFFFFFA0];
	v16 =	vmul.f32 v16, v16;
	v18 =	vadd.f32 $9.999999970e-07, v18;
	v17 =	vsub.f32 v17, v21  }
0x515: {  	p0 =	slt.u32 s24, $0xE;
	v21 =	vld [tilespmem:s22+$0xFFFFFFB0];
	v22 =	vadd.f32 v23, v22  }
0x516: {  	v23 =	vld [tilespmem:s25+$0xFFFFFFC0];
	v18 =	vmul.f32 v18, v18;
	v17 =	vadd.f32 $9.999999970e-07, v17  }
0x517: {  	v27 =	vld [tilespmem:s22+$0xFFFFFFC0];
	v16 =	vadd.f32 v16, v22  }
0x518: {  	v22 =	vld [tilespmem:s25+$0xFFFFFFD0];
	v17 =	vmul.f32 v17, v17  }
0x519: {  	v19 =	vsub.f32 v19, v24;
	v20 =	vsub.f32 v20, v25;
	v24 =	vld [tilespmem:s22+$0xFFFFFFD0]  }
0x51a: {  	v16 =	vadd.f32 v18, v16;
	v21 =	vsub.f32 v26, v21;
	v25 =	vld [tilespmem:s25+$0xFFFFFFE0]  }
0x51b: {  	v18 =	vadd.f32 $9.999999970e-07, v19;
	v19 =	vadd.f32 $9.999999970e-07, v20;
	v20 =	vld [tilespmem:s22+$0xFFFFFFE0]  }
0x51c: {  	v16 =	vadd.f32 v17, v16;
	v23 =	vsub.f32 v23, v27;
	v26 =	vld [tilespmem:s25+$0xFFFFFFF0]  }
0x51d: {  	v17 =	vmul.f32 v18, v18;
	v18 =	vmul.f32 v19, v19;
	v19 =	vadd.f32 $9.999999970e-07, v21;
	v21 =	vld [tilespmem:s22+$0xFFFFFFF0]  }
0x51e: {  	v22 =	vsub.f32 v22, v24;
	v24 =	vld [tilespmem:s25+$0x0];
	[tilespmem:s23+$0xFFFFFFF0] =	vst v16  }
0x51f: {  	v16 =	vadd.f32 v18, v17;
	v17 =	vmul.f32 v19, v19;
	v18 =	vadd.f32 $9.999999970e-07, v23;
	v19 =	vld [tilespmem:s22+$0x0]  }
0x520: {  	v23 =	vld [tilespmem:s22+$0xFFFFFF10];
	v20 =	vsub.f32 v25, v20  }
0x521: {  	v25 =	vld [tilespmem:s25+$0xFFFFFF20];
	v16 =	vadd.f32 v17, v16;
	v17 =	vmul.f32 v18, v18;
	v18 =	vadd.f32 $9.999999970e-07, v22  }
0x522: {  	v22 =	vld [tilespmem:s22+$0xFFFFFF20];
	v21 =	vsub.f32 v26, v21  }
0x523: {  	v26 =	vld [tilespmem:s25+$0xFFFFFF10];
	v16 =	vadd.f32 v17, v16;
	v17 =	vmul.f32 v18, v18;
	v18 =	vadd.f32 $9.999999970e-07, v20  }
0x524: {  	v20 =	vld [tilespmem:s25+$0xFFFFFF30];
	v19 =	vsub.f32 v24, v19  }
0x525: {  	v24 =	vld [tilespmem:s22+$0xFFFFFF30];
	v16 =	vadd.f32 v17, v16;
	v17 =	vmul.f32 v18, v18;
	v18 =	vadd.f32 $9.999999970e-07, v21  }
0x526: {  	v21 =	vld [tilespmem:s25+$0xFFFFFF40]  }
0x527: {  	v27 =	vld [tilespmem:s22+$0xFFFFFF40];
	v16 =	vadd.f32 v17, v16;
	v17 =	vmul.f32 v18, v18;
	v18 =	vadd.f32 $9.999999970e-07, v19  }
0x528: {  	v22 =	vsub.f32 v25, v22;
	v19 =	vsub.f32 v26, v23;
	v26 =	vld [tilespmem:s25+$0xFFFFFF50]  }
0x529: {  	v28 =	vld [tilespmem:s22+$0xFFFFFF50];
	v17 =	vadd.f32 v17, v16;
	v18 =	vmul.f32 v18, v18  }
0x52a: {  	v22 =	vadd.f32 $9.999999970e-07, v22;
	v23 =	vadd.f32 $9.999999970e-07, v19;
	v16 =	vld [tilespmem:s25+$0xFFFFFF60]  }
.Ltmp12:
0x52b: {  	v20 =	vsub.f32 v20, v24;
	v19 =	vld [tilespmem:s22+$0xFFFFFF60];
	v17 =	vadd.f32 v18, v17;
	(pc) =	sbr.rel @p0 .LBB2_26-.Ltmp12, $4  }
0x52c: {  	s23 =	sadd.s32 $0x20, s23;
	v22 =	vmul.f32 v22, v22;
	v23 =	vmul.f32 v23, v23;
	v21 =	vsub.f32 v21, v27;
	v18 =	vld [tilespmem:s25+$0xFFFFFF70]  }
0x52d: {  	v24 =	vadd.f32 $9.999999970e-07, v20;
	v20 =	vld [tilespmem:s22+$0xFFFFFF70];
	[tilespmem:s23+$0x0] =	vst v17  }
0x52e: {  	v22 =	vadd.f32 v22, v23;
	v25 =	vadd.f32 $9.999999970e-07, v21;
	v17 =	vld [tilespmem:s25+$0xFFFFFF80]  }
0x52f: {  	v23 =	vmul.f32 v24, v24;
	v24 =	vsub.f32 v26, v28;
	s25 =	sadd.s32 $0x100, s25;
	v21 =	vld [tilespmem:s22+$0xFFFFFF80]  }
0x530: {  	v16 =	vsub.f32 v16, v19  }
0x531: {  	v19 =	vmul.f32 v25, v25;
	v22 =	vadd.f32 v23, v22;
	v23 =	vadd.f32 $9.999999970e-07, v24  }
0x532: {  	v18 =	vsub.f32 v18, v20  }
0x533: {  	v16 =	vadd.f32 $9.999999970e-07, v16;
	v19 =	vadd.f32 v19, v22;
	v20 =	vmul.f32 v23, v23  }
0x534: {  	v18 =	vadd.f32 $9.999999970e-07, v18  }
0x535: {  	v16 =	vmul.f32 v16, v16;
	v17 =	vsub.f32 v17, v21;
	v19 =	vadd.f32 v20, v19;
	_ =	sdelay $0x1  }
0x536: {  	v18 =	vmul.f32 v18, v18;
	v17 =	vadd.f32 $9.999999970e-07, v17;
	v16 =	vadd.f32 v16, v19;
	_ =	sdelay $0x1  }
0x537: {  	v17 =	vmul.f32 v17, v17;
	v16 =	vadd.f32 v18, v16;
	_ =	sdelay $0x1  }
0x538: {  	v16 =	vadd.f32 v17, v16;
	_ =	sdelay $0x1  }
0x539: {  	[tilespmem:s23+$0xFFFFFFF0] =	vst v16  }
0x53a: {  	v16 =	vld.idx.msk [tilespmem:v0+s17+$0x0], $0xffff  }
0x53b: {  	v17 =	vld.idx.msk [tilespmem:v1+s17+$0x0], $0xffff  }
0x53c: {  	v18 =	vld.idx.msk [tilespmem:v2+s17+$0x0], $0xffff  }
0x53d: {  	v19 =	vld.idx.msk [tilespmem:v3+s17+$0x0], $0xffff  }
0x53e: {  	v20 =	vld.idx.msk [tilespmem:v4+s17+$0x0], $0xffff  }
0x53f: {  	v21 =	vld.idx.msk [tilespmem:v5+s17+$0x0], $0xffff  }
0x540: {  	v22 =	vld.idx.msk [tilespmem:v6+s17+$0x0], $0xffff  }
0x541: {  	v23 =	vld.idx.msk [tilespmem:v7+s17+$0x0], $0xffff  }
0x542: {  	v24 =	vld.idx.msk [tilespmem:v8+s17+$0x0], $0xffff  }
0x543: {  	v25 =	vld.idx.msk [tilespmem:v9+s17+$0x0], $0xffff  }
0x544: {  	v26 =	vld.idx.msk [tilespmem:v10+s17+$0x0], $0xffff  }
0x545: {  	v27 =	vld.idx.msk [tilespmem:v11+s17+$0x0], $0xffff  }
0x546: {  	v28 =	vld.idx.msk [tilespmem:v12+s17+$0x0], $0xffff  }
0x547: {  	v29 =	vld.idx.msk [tilespmem:v13+s17+$0x0], $0xffff  }
0x548: {  	v30 =	vld.idx.msk [tilespmem:v14+s17+$0x0], $0xffff  }
0x549: {  	v16 =	vadd.f32 v20, v16;
	v17 =	vadd.f32 v21, v17;
	v20 =	vld.idx.msk [tilespmem:v15+s17+$0x0], $0xffff  }
0x54a: {  	v18 =	vadd.f32 v22, v18;
	v19 =	vadd.f32 v23, v19  }
0x54b: {  	v16 =	vadd.f32 v24, v16;
	v17 =	vadd.f32 v25, v17  }
0x54c: {  	v18 =	vadd.f32 v26, v18;
	v19 =	vadd.f32 v27, v19  }
0x54d: {  	v16 =	vadd.f32 v28, v16;
	v17 =	vadd.f32 v29, v17  }
0x54e: {  	v18 =	vadd.f32 v30, v18;
	v19 =	vadd.f32 v20, v19;
	_ =	sdelay $0x1  }
0x54f: {  	v16 =	vadd.f32 v17, v16;
	v17 =	vadd.f32 v19, v18;
	_ =	sdelay $0x1  }
0x550: {  	v16 =	vadd.f32 v17, v16;
	_ =	sdelay $0x1  }
0x551: {  	v17 =	vshra.s32 v16, $0x1;
	v18 =	vmul.f32 $5.000000000e-01, v16  }
0x552: {  	v17 =	vsub.s32 $0x5F3759DF, v17  }
0x553: {  	v19 =	vmul.f32 v17, v18;
	_ =	sdelay $0x1  }
0x554: {  	v19 =	vmul.f32 v17, v19;
	_ =	sdelay $0x1  }
0x555: {  	v19 =	vsub.f32 $1.500000000e+00, v19;
	_ =	sdelay $0x1  }
0x556: {  	v17 =	vmul.f32 v17, v19;
	_ =	sdelay $0x1  }
0x557: {  	v18 =	vmul.f32 v17, v18;
	_ =	sdelay $0x1  }
0x558: {  	v18 =	vmul.f32 v18, v17;
	_ =	sdelay $0x1  }
0x559: {  	v18 =	vsub.f32 $1.500000000e+00, v18;
	_ =	sdelay $0x1  }
0x55a: {  	v17 =	vmul.f32 v18, v17;
	_ =	sdelay $0x1  }
0x55b: {  	v16 =	vmul.f32 v17, v16;
	_ =	sdelay $0x1  }
0x55c: {  	s24 =	simm.s32 $0x5FF0;
	[tilespmem:$0x116D0] =	vst v16  }
0x55d: {  	v16 =	vld [tilespmem:s24+$0xFFFFFFB0]  }
0x55e: {  	s22 =	simm.s32 $0x87F0;
	v17 =	vld [tilespmem:s24+$0xFFFFFF90]  }
0x55f: {  	v18 =	vld [tilespmem:s22+$0xFFFFFF90]  }
0x560: {  	v19 =	vld [tilespmem:s24+$0xFFFFFFA0]  }
0x561: {  	v20 =	vld [tilespmem:s22+$0xFFFFFFA0]  }
0x562: {  	v21 =	vld [tilespmem:s22+$0xFFFFFFB0]  }
0x563: {  	v22 =	vld [tilespmem:s24+$0xFFFFFFC0]  }
0x564: {  	v23 =	vld [tilespmem:s22+$0xFFFFFFC0]  }
0x565: {  	v24 =	vld [tilespmem:s24+$0xFFFFFFD0]  }
0x566: {  	v25 =	vld [tilespmem:s22+$0xFFFFFFF0]  }
0x567: {  	v17 =	vsub.f32 v17, v18;
	v18 =	vsub.f32 v19, v20;
	v19 =	vld [tilespmem:s22+$0xFFFFFFD0]  }
0x568: {  	v16 =	vsub.f32 v16, v21;
	v20 =	vld [tilespmem:s24+$0xFFFFFFE0]  }
0x569: {  	v21 =	vld [tilespmem:s22+$0xFFFFFFE0];
	v17 =	vadd.f32 $9.999999970e-07, v17;
	v18 =	vadd.f32 $9.999999970e-07, v18  }
0x56a: {  	v26 =	vld [tilespmem:s22+$0xFFFFFF10];
	v22 =	vsub.f32 v22, v23  }
0x56b: {  	v23 =	vld [tilespmem:s24+$0xFFFFFFF0];
	v16 =	vadd.f32 $9.999999970e-07, v16;
	v17 =	vmul.f32 v17, v17;
	v18 =	vmul.f32 v18, v18  }
0x56c: {  	v27 =	vld [tilespmem:s22+$0xFFFFFF40];
	v19 =	vsub.f32 v24, v19  }
0x56d: {  	v16 =	vmul.f32 v16, v16;
	v24 =	vld [tilespmem:s24+$0x0];
	v17 =	vadd.f32 v18, v17;
	v18 =	vadd.f32 $9.999999970e-07, v22  }
0x56e: {  	v20 =	vsub.f32 v20, v21;
	v22 =	vld [tilespmem:s22+$0x0]  }
0x56f: {  	v21 =	vld [tilespmem:s24+$0xFFFFFF20];
	v16 =	vadd.f32 v16, v17;
	v17 =	vmul.f32 v18, v18;
	v18 =	vadd.f32 $9.999999970e-07, v19  }
0x570: {  	v23 =	vsub.f32 v23, v25;
	v19 =	vld [tilespmem:s22+$0xFFFFFF20]  }
0x571: {  	v25 =	vld [tilespmem:s24+$0xFFFFFF10];
	v16 =	vadd.f32 v17, v16;
	v17 =	vmul.f32 v18, v18;
	v18 =	vadd.f32 $9.999999970e-07, v20  }
0x572: {  	v20 =	vld [tilespmem:s24+$0xFFFFFF30]  }
0x573: {  	v22 =	vsub.f32 v24, v22;
	v24 =	vld [tilespmem:s22+$0xFFFFFF30];
	v16 =	vadd.f32 v17, v16;
	v17 =	vmul.f32 v18, v18  }
0x574: {  	v18 =	vadd.f32 $9.999999970e-07, v23;
	v23 =	vld [tilespmem:s24+$0xFFFFFF40]  }
0x575: {  	v19 =	vsub.f32 v21, v19;
	v16 =	vadd.f32 v17, v16  }
0x576: {  	v21 =	vld [tilespmem:s24+$0xFFFFFF50];
	v17 =	vmul.f32 v18, v18;
	v18 =	vadd.f32 $9.999999970e-07, v22;
	v22 =	vsub.f32 v25, v26  }
0x577: {  	v26 =	vld [tilespmem:s22+$0xFFFFFF50];
	v25 =	vadd.f32 $9.999999970e-07, v19  }
0x578: {  	v19 =	vld [tilespmem:s22+$0xFFFFFF60];
	v17 =	vadd.f32 v17, v16;
	v18 =	vmul.f32 v18, v18;
	v22 =	vadd.f32 $9.999999970e-07, v22  }
0x579: {  	v16 =	vld [tilespmem:s24+$0xFFFFFF60];
	v20 =	vsub.f32 v20, v24;
	v23 =	vsub.f32 v23, v27  }
0x57a: {  	v24 =	vadd.f32 v18, v17;
	v17 =	vmul.f32 v22, v22;
	v22 =	vmul.f32 v25, v25;
	v18 =	vld [tilespmem:s24+$0xFFFFFF70]  }
0x57b: {  	v27 =	vadd.f32 $9.999999970e-07, v20;
	v20 =	vld [tilespmem:s22+$0xFFFFFF70]  }
0x57c: {  	s23 =	simm.s32 $0xEF10;
	v25 =	vadd.f32 $9.999999970e-07, v23;
	v22 =	vadd.f32 v22, v17;
	v17 =	vld [tilespmem:s24+$0xFFFFFF80]  }
0x57d: {  	s25 =	simm.s32 $0x60F0;
	s24 =	simm.s32 $0x0;
	[tilespmem:s23+$0x0] =	vst v24;
	v23 =	vmul.f32 v27, v27;
	v24 =	vsub.f32 v21, v26;
	v21 =	vld [tilespmem:s22+$0xFFFFFF80]  }
.LBB2_28:
0x57e: {  	v26 =	vld [tilespmem:s25+$0xFFFFFFB0];
	v25 =	vmul.f32 v25, v25;
	v16 =	vsub.f32 v16, v19  }
0x57f: {  	s22 =	sadd.s32 $0x100, s22;
	v19 =	vld [tilespmem:s25+$0xFFFFFF90];
	v22 =	vadd.f32 v23, v22;
	v23 =	vadd.f32 $9.999999970e-07, v24  }
0x580: {  	v24 =	vld [tilespmem:s22+$0xFFFFFF90];
	v16 =	vadd.f32 $9.999999970e-07, v16;
	v18 =	vsub.f32 v18, v20  }
0x581: {  	v20 =	vld [tilespmem:s25+$0xFFFFFFA0];
	v22 =	vadd.f32 v25, v22;
	v23 =	vmul.f32 v23, v23  }
0x582: {  	s24 =	sadd.s32 $0x2, s24;
	v25 =	vld [tilespmem:s22+$0xFFFFFFA0];
	v16 =	vmul.f32 v16, v16;
	v18 =	vadd.f32 $9.999999970e-07, v18;
	v17 =	vsub.f32 v17, v21  }
0x583: {  	p0 =	slt.u32 s24, $0xE;
	v21 =	vld [tilespmem:s22+$0xFFFFFFB0];
	v22 =	vadd.f32 v23, v22  }
0x584: {  	v23 =	vld [tilespmem:s25+$0xFFFFFFC0];
	v18 =	vmul.f32 v18, v18;
	v17 =	vadd.f32 $9.999999970e-07, v17  }
0x585: {  	v27 =	vld [tilespmem:s22+$0xFFFFFFC0];
	v16 =	vadd.f32 v16, v22  }
0x586: {  	v22 =	vld [tilespmem:s25+$0xFFFFFFD0];
	v17 =	vmul.f32 v17, v17  }
0x587: {  	v19 =	vsub.f32 v19, v24;
	v20 =	vsub.f32 v20, v25;
	v24 =	vld [tilespmem:s22+$0xFFFFFFD0]  }
0x588: {  	v16 =	vadd.f32 v18, v16;
	v21 =	vsub.f32 v26, v21;
	v25 =	vld [tilespmem:s25+$0xFFFFFFE0]  }
0x589: {  	v18 =	vadd.f32 $9.999999970e-07, v19;
	v19 =	vadd.f32 $9.999999970e-07, v20;
	v20 =	vld [tilespmem:s22+$0xFFFFFFE0]  }
0x58a: {  	v16 =	vadd.f32 v17, v16;
	v23 =	vsub.f32 v23, v27;
	v26 =	vld [tilespmem:s25+$0xFFFFFFF0]  }
0x58b: {  	v17 =	vmul.f32 v18, v18;
	v18 =	vmul.f32 v19, v19;
	v19 =	vadd.f32 $9.999999970e-07, v21;
	v21 =	vld [tilespmem:s22+$0xFFFFFFF0]  }
0x58c: {  	v22 =	vsub.f32 v22, v24;
	v24 =	vld [tilespmem:s25+$0x0];
	[tilespmem:s23+$0xFFFFFFF0] =	vst v16  }
0x58d: {  	v16 =	vadd.f32 v18, v17;
	v17 =	vmul.f32 v19, v19;
	v18 =	vadd.f32 $9.999999970e-07, v23;
	v19 =	vld [tilespmem:s22+$0x0]  }
0x58e: {  	v23 =	vld [tilespmem:s22+$0xFFFFFF10];
	v20 =	vsub.f32 v25, v20  }
0x58f: {  	v25 =	vld [tilespmem:s25+$0xFFFFFF20];
	v16 =	vadd.f32 v17, v16;
	v17 =	vmul.f32 v18, v18;
	v18 =	vadd.f32 $9.999999970e-07, v22  }
0x590: {  	v22 =	vld [tilespmem:s22+$0xFFFFFF20];
	v21 =	vsub.f32 v26, v21  }
0x591: {  	v26 =	vld [tilespmem:s25+$0xFFFFFF10];
	v16 =	vadd.f32 v17, v16;
	v17 =	vmul.f32 v18, v18;
	v18 =	vadd.f32 $9.999999970e-07, v20  }
0x592: {  	v20 =	vld [tilespmem:s25+$0xFFFFFF30];
	v19 =	vsub.f32 v24, v19  }
0x593: {  	v24 =	vld [tilespmem:s22+$0xFFFFFF30];
	v16 =	vadd.f32 v17, v16;
	v17 =	vmul.f32 v18, v18;
	v18 =	vadd.f32 $9.999999970e-07, v21  }
0x594: {  	v21 =	vld [tilespmem:s25+$0xFFFFFF40]  }
0x595: {  	v27 =	vld [tilespmem:s22+$0xFFFFFF40];
	v16 =	vadd.f32 v17, v16;
	v17 =	vmul.f32 v18, v18;
	v18 =	vadd.f32 $9.999999970e-07, v19  }
0x596: {  	v22 =	vsub.f32 v25, v22;
	v19 =	vsub.f32 v26, v23;
	v26 =	vld [tilespmem:s25+$0xFFFFFF50]  }
0x597: {  	v28 =	vld [tilespmem:s22+$0xFFFFFF50];
	v17 =	vadd.f32 v17, v16;
	v18 =	vmul.f32 v18, v18  }
0x598: {  	v22 =	vadd.f32 $9.999999970e-07, v22;
	v23 =	vadd.f32 $9.999999970e-07, v19;
	v16 =	vld [tilespmem:s25+$0xFFFFFF60]  }
.Ltmp13:
0x599: {  	v20 =	vsub.f32 v20, v24;
	v19 =	vld [tilespmem:s22+$0xFFFFFF60];
	v17 =	vadd.f32 v18, v17;
	(pc) =	sbr.rel @p0 .LBB2_28-.Ltmp13, $4  }
0x59a: {  	s23 =	sadd.s32 $0x20, s23;
	v22 =	vmul.f32 v22, v22;
	v23 =	vmul.f32 v23, v23;
	v21 =	vsub.f32 v21, v27;
	v18 =	vld [tilespmem:s25+$0xFFFFFF70]  }
0x59b: {  	v24 =	vadd.f32 $9.999999970e-07, v20;
	v20 =	vld [tilespmem:s22+$0xFFFFFF70];
	[tilespmem:s23+$0x0] =	vst v17  }
0x59c: {  	v22 =	vadd.f32 v22, v23;
	v25 =	vadd.f32 $9.999999970e-07, v21;
	v17 =	vld [tilespmem:s25+$0xFFFFFF80]  }
0x59d: {  	v23 =	vmul.f32 v24, v24;
	v24 =	vsub.f32 v26, v28;
	s25 =	sadd.s32 $0x100, s25;
	v21 =	vld [tilespmem:s22+$0xFFFFFF80]  }
0x59e: {  	v16 =	vsub.f32 v16, v19  }
0x59f: {  	v19 =	vmul.f32 v25, v25;
	v22 =	vadd.f32 v23, v22;
	v23 =	vadd.f32 $9.999999970e-07, v24  }
0x5a0: {  	v18 =	vsub.f32 v18, v20  }
0x5a1: {  	v16 =	vadd.f32 $9.999999970e-07, v16;
	v19 =	vadd.f32 v19, v22;
	v20 =	vmul.f32 v23, v23  }
0x5a2: {  	v18 =	vadd.f32 $9.999999970e-07, v18  }
0x5a3: {  	v16 =	vmul.f32 v16, v16;
	v17 =	vsub.f32 v17, v21;
	v19 =	vadd.f32 v20, v19;
	_ =	sdelay $0x1  }
0x5a4: {  	v18 =	vmul.f32 v18, v18;
	v17 =	vadd.f32 $9.999999970e-07, v17;
	v16 =	vadd.f32 v16, v19;
	_ =	sdelay $0x1  }
0x5a5: {  	v17 =	vmul.f32 v17, v17;
	v16 =	vadd.f32 v18, v16;
	_ =	sdelay $0x1  }
0x5a6: {  	v16 =	vadd.f32 v17, v16;
	_ =	sdelay $0x1  }
0x5a7: {  	[tilespmem:s23+$0xFFFFFFF0] =	vst v16  }
0x5a8: {  	v16 =	vld.idx.msk [tilespmem:v0+s17+$0x0], $0xffff  }
0x5a9: {  	v17 =	vld.idx.msk [tilespmem:v1+s17+$0x0], $0xffff  }
0x5aa: {  	v18 =	vld.idx.msk [tilespmem:v2+s17+$0x0], $0xffff  }
0x5ab: {  	v19 =	vld.idx.msk [tilespmem:v3+s17+$0x0], $0xffff  }
0x5ac: {  	v20 =	vld.idx.msk [tilespmem:v4+s17+$0x0], $0xffff  }
0x5ad: {  	v21 =	vld.idx.msk [tilespmem:v5+s17+$0x0], $0xffff  }
0x5ae: {  	v22 =	vld.idx.msk [tilespmem:v6+s17+$0x0], $0xffff  }
0x5af: {  	v23 =	vld.idx.msk [tilespmem:v7+s17+$0x0], $0xffff  }
0x5b0: {  	v24 =	vld.idx.msk [tilespmem:v8+s17+$0x0], $0xffff  }
0x5b1: {  	v25 =	vld.idx.msk [tilespmem:v9+s17+$0x0], $0xffff  }
0x5b2: {  	v26 =	vld.idx.msk [tilespmem:v10+s17+$0x0], $0xffff  }
0x5b3: {  	v27 =	vld.idx.msk [tilespmem:v11+s17+$0x0], $0xffff  }
0x5b4: {  	v28 =	vld.idx.msk [tilespmem:v12+s17+$0x0], $0xffff  }
0x5b5: {  	v29 =	vld.idx.msk [tilespmem:v13+s17+$0x0], $0xffff  }
0x5b6: {  	v30 =	vld.idx.msk [tilespmem:v14+s17+$0x0], $0xffff  }
0x5b7: {  	v16 =	vadd.f32 v20, v16;
	v17 =	vadd.f32 v21, v17;
	v20 =	vld.idx.msk [tilespmem:v15+s17+$0x0], $0xffff  }
0x5b8: {  	v18 =	vadd.f32 v22, v18;
	v19 =	vadd.f32 v23, v19  }
0x5b9: {  	v16 =	vadd.f32 v24, v16;
	v17 =	vadd.f32 v25, v17  }
0x5ba: {  	v18 =	vadd.f32 v26, v18;
	v19 =	vadd.f32 v27, v19  }
0x5bb: {  	v16 =	vadd.f32 v28, v16;
	v17 =	vadd.f32 v29, v17  }
0x5bc: {  	v18 =	vadd.f32 v30, v18;
	v19 =	vadd.f32 v20, v19;
	_ =	sdelay $0x1  }
0x5bd: {  	v16 =	vadd.f32 v17, v16;
	v17 =	vadd.f32 v19, v18;
	_ =	sdelay $0x1  }
0x5be: {  	v16 =	vadd.f32 v17, v16;
	_ =	sdelay $0x1  }
0x5bf: {  	v17 =	vshra.s32 v16, $0x1;
	v18 =	vmul.f32 $5.000000000e-01, v16  }
0x5c0: {  	v17 =	vsub.s32 $0x5F3759DF, v17  }
0x5c1: {  	v19 =	vmul.f32 v17, v18;
	_ =	sdelay $0x1  }
0x5c2: {  	v19 =	vmul.f32 v17, v19;
	_ =	sdelay $0x1  }
0x5c3: {  	v19 =	vsub.f32 $1.500000000e+00, v19;
	_ =	sdelay $0x1  }
0x5c4: {  	v17 =	vmul.f32 v17, v19;
	_ =	sdelay $0x1  }
0x5c5: {  	v18 =	vmul.f32 v17, v18;
	_ =	sdelay $0x1  }
0x5c6: {  	v18 =	vmul.f32 v18, v17;
	_ =	sdelay $0x1  }
0x5c7: {  	v18 =	vsub.f32 $1.500000000e+00, v18;
	_ =	sdelay $0x1  }
0x5c8: {  	v17 =	vmul.f32 v18, v17;
	_ =	sdelay $0x1  }
0x5c9: {  	v16 =	vmul.f32 v17, v16;
	_ =	sdelay $0x1  }
0x5ca: {  	s24 =	simm.s32 $0x67F0;
	[tilespmem:$0x116E0] =	vst v16  }
0x5cb: {  	v16 =	vld [tilespmem:s24+$0xFFFFFFB0]  }
0x5cc: {  	s22 =	simm.s32 $0x8FF0;
	v17 =	vld [tilespmem:s24+$0xFFFFFF90]  }
0x5cd: {  	v18 =	vld [tilespmem:s22+$0xFFFFFF90]  }
0x5ce: {  	v19 =	vld [tilespmem:s24+$0xFFFFFFA0]  }
0x5cf: {  	v20 =	vld [tilespmem:s22+$0xFFFFFFA0]  }
0x5d0: {  	v21 =	vld [tilespmem:s22+$0xFFFFFFB0]  }
0x5d1: {  	v22 =	vld [tilespmem:s24+$0xFFFFFFC0]  }
0x5d2: {  	v23 =	vld [tilespmem:s22+$0xFFFFFFC0]  }
0x5d3: {  	v24 =	vld [tilespmem:s24+$0xFFFFFFD0]  }
0x5d4: {  	v25 =	vld [tilespmem:s22+$0xFFFFFFF0]  }
0x5d5: {  	v17 =	vsub.f32 v17, v18;
	v18 =	vsub.f32 v19, v20;
	v19 =	vld [tilespmem:s22+$0xFFFFFFD0]  }
0x5d6: {  	v16 =	vsub.f32 v16, v21;
	v20 =	vld [tilespmem:s24+$0xFFFFFFE0]  }
0x5d7: {  	v21 =	vld [tilespmem:s22+$0xFFFFFFE0];
	v17 =	vadd.f32 $9.999999970e-07, v17;
	v18 =	vadd.f32 $9.999999970e-07, v18  }
0x5d8: {  	v26 =	vld [tilespmem:s22+$0xFFFFFF10];
	v22 =	vsub.f32 v22, v23  }
0x5d9: {  	v23 =	vld [tilespmem:s24+$0xFFFFFFF0];
	v16 =	vadd.f32 $9.999999970e-07, v16;
	v17 =	vmul.f32 v17, v17;
	v18 =	vmul.f32 v18, v18  }
0x5da: {  	v27 =	vld [tilespmem:s22+$0xFFFFFF40];
	v19 =	vsub.f32 v24, v19  }
0x5db: {  	v16 =	vmul.f32 v16, v16;
	v24 =	vld [tilespmem:s24+$0x0];
	v17 =	vadd.f32 v18, v17;
	v18 =	vadd.f32 $9.999999970e-07, v22  }
0x5dc: {  	v20 =	vsub.f32 v20, v21;
	v22 =	vld [tilespmem:s22+$0x0]  }
0x5dd: {  	v21 =	vld [tilespmem:s24+$0xFFFFFF20];
	v16 =	vadd.f32 v16, v17;
	v17 =	vmul.f32 v18, v18;
	v18 =	vadd.f32 $9.999999970e-07, v19  }
0x5de: {  	v23 =	vsub.f32 v23, v25;
	v19 =	vld [tilespmem:s22+$0xFFFFFF20]  }
0x5df: {  	v25 =	vld [tilespmem:s24+$0xFFFFFF10];
	v16 =	vadd.f32 v17, v16;
	v17 =	vmul.f32 v18, v18;
	v18 =	vadd.f32 $9.999999970e-07, v20  }
0x5e0: {  	v20 =	vld [tilespmem:s24+$0xFFFFFF30]  }
0x5e1: {  	v22 =	vsub.f32 v24, v22;
	v24 =	vld [tilespmem:s22+$0xFFFFFF30];
	v16 =	vadd.f32 v17, v16;
	v17 =	vmul.f32 v18, v18  }
0x5e2: {  	v18 =	vadd.f32 $9.999999970e-07, v23;
	v23 =	vld [tilespmem:s24+$0xFFFFFF40]  }
0x5e3: {  	v19 =	vsub.f32 v21, v19;
	v16 =	vadd.f32 v17, v16  }
0x5e4: {  	v21 =	vld [tilespmem:s24+$0xFFFFFF50];
	v17 =	vmul.f32 v18, v18;
	v18 =	vadd.f32 $9.999999970e-07, v22;
	v22 =	vsub.f32 v25, v26  }
0x5e5: {  	v26 =	vld [tilespmem:s22+$0xFFFFFF50];
	v25 =	vadd.f32 $9.999999970e-07, v19  }
0x5e6: {  	v19 =	vld [tilespmem:s22+$0xFFFFFF60];
	v17 =	vadd.f32 v17, v16;
	v18 =	vmul.f32 v18, v18;
	v22 =	vadd.f32 $9.999999970e-07, v22  }
0x5e7: {  	v16 =	vld [tilespmem:s24+$0xFFFFFF60];
	v20 =	vsub.f32 v20, v24;
	v23 =	vsub.f32 v23, v27  }
0x5e8: {  	v24 =	vadd.f32 v18, v17;
	v17 =	vmul.f32 v22, v22;
	v22 =	vmul.f32 v25, v25;
	v18 =	vld [tilespmem:s24+$0xFFFFFF70]  }
0x5e9: {  	v27 =	vadd.f32 $9.999999970e-07, v20;
	v20 =	vld [tilespmem:s22+$0xFFFFFF70]  }
0x5ea: {  	s23 =	simm.s32 $0xEF10;
	v25 =	vadd.f32 $9.999999970e-07, v23;
	v22 =	vadd.f32 v22, v17;
	v17 =	vld [tilespmem:s24+$0xFFFFFF80]  }
0x5eb: {  	s25 =	simm.s32 $0x68F0;
	s24 =	simm.s32 $0x0;
	[tilespmem:s23+$0x0] =	vst v24;
	v23 =	vmul.f32 v27, v27;
	v24 =	vsub.f32 v21, v26;
	v21 =	vld [tilespmem:s22+$0xFFFFFF80]  }
.LBB2_30:
0x5ec: {  	v26 =	vld [tilespmem:s25+$0xFFFFFFB0];
	v25 =	vmul.f32 v25, v25;
	v16 =	vsub.f32 v16, v19  }
0x5ed: {  	s22 =	sadd.s32 $0x100, s22;
	v19 =	vld [tilespmem:s25+$0xFFFFFF90];
	v22 =	vadd.f32 v23, v22;
	v23 =	vadd.f32 $9.999999970e-07, v24  }
0x5ee: {  	v24 =	vld [tilespmem:s22+$0xFFFFFF90];
	v16 =	vadd.f32 $9.999999970e-07, v16;
	v18 =	vsub.f32 v18, v20  }
0x5ef: {  	v20 =	vld [tilespmem:s25+$0xFFFFFFA0];
	v22 =	vadd.f32 v25, v22;
	v23 =	vmul.f32 v23, v23  }
0x5f0: {  	s24 =	sadd.s32 $0x2, s24;
	v25 =	vld [tilespmem:s22+$0xFFFFFFA0];
	v16 =	vmul.f32 v16, v16;
	v18 =	vadd.f32 $9.999999970e-07, v18;
	v17 =	vsub.f32 v17, v21  }
0x5f1: {  	p0 =	slt.u32 s24, $0xE;
	v21 =	vld [tilespmem:s22+$0xFFFFFFB0];
	v22 =	vadd.f32 v23, v22  }
0x5f2: {  	v23 =	vld [tilespmem:s25+$0xFFFFFFC0];
	v18 =	vmul.f32 v18, v18;
	v17 =	vadd.f32 $9.999999970e-07, v17  }
0x5f3: {  	v27 =	vld [tilespmem:s22+$0xFFFFFFC0];
	v16 =	vadd.f32 v16, v22  }
0x5f4: {  	v22 =	vld [tilespmem:s25+$0xFFFFFFD0];
	v17 =	vmul.f32 v17, v17  }
0x5f5: {  	v19 =	vsub.f32 v19, v24;
	v20 =	vsub.f32 v20, v25;
	v24 =	vld [tilespmem:s22+$0xFFFFFFD0]  }
0x5f6: {  	v16 =	vadd.f32 v18, v16;
	v21 =	vsub.f32 v26, v21;
	v25 =	vld [tilespmem:s25+$0xFFFFFFE0]  }
0x5f7: {  	v18 =	vadd.f32 $9.999999970e-07, v19;
	v19 =	vadd.f32 $9.999999970e-07, v20;
	v20 =	vld [tilespmem:s22+$0xFFFFFFE0]  }
0x5f8: {  	v16 =	vadd.f32 v17, v16;
	v23 =	vsub.f32 v23, v27;
	v26 =	vld [tilespmem:s25+$0xFFFFFFF0]  }
0x5f9: {  	v17 =	vmul.f32 v18, v18;
	v18 =	vmul.f32 v19, v19;
	v19 =	vadd.f32 $9.999999970e-07, v21;
	v21 =	vld [tilespmem:s22+$0xFFFFFFF0]  }
0x5fa: {  	v22 =	vsub.f32 v22, v24;
	v24 =	vld [tilespmem:s25+$0x0];
	[tilespmem:s23+$0xFFFFFFF0] =	vst v16  }
0x5fb: {  	v16 =	vadd.f32 v18, v17;
	v17 =	vmul.f32 v19, v19;
	v18 =	vadd.f32 $9.999999970e-07, v23;
	v19 =	vld [tilespmem:s22+$0x0]  }
0x5fc: {  	v23 =	vld [tilespmem:s22+$0xFFFFFF10];
	v20 =	vsub.f32 v25, v20  }
0x5fd: {  	v25 =	vld [tilespmem:s25+$0xFFFFFF20];
	v16 =	vadd.f32 v17, v16;
	v17 =	vmul.f32 v18, v18;
	v18 =	vadd.f32 $9.999999970e-07, v22  }
0x5fe: {  	v22 =	vld [tilespmem:s22+$0xFFFFFF20];
	v21 =	vsub.f32 v26, v21  }
0x5ff: {  	v26 =	vld [tilespmem:s25+$0xFFFFFF10];
	v16 =	vadd.f32 v17, v16;
	v17 =	vmul.f32 v18, v18;
	v18 =	vadd.f32 $9.999999970e-07, v20  }
0x600: {  	v20 =	vld [tilespmem:s25+$0xFFFFFF30];
	v19 =	vsub.f32 v24, v19  }
0x601: {  	v24 =	vld [tilespmem:s22+$0xFFFFFF30];
	v16 =	vadd.f32 v17, v16;
	v17 =	vmul.f32 v18, v18;
	v18 =	vadd.f32 $9.999999970e-07, v21  }
0x602: {  	v21 =	vld [tilespmem:s25+$0xFFFFFF40]  }
0x603: {  	v27 =	vld [tilespmem:s22+$0xFFFFFF40];
	v16 =	vadd.f32 v17, v16;
	v17 =	vmul.f32 v18, v18;
	v18 =	vadd.f32 $9.999999970e-07, v19  }
0x604: {  	v22 =	vsub.f32 v25, v22;
	v19 =	vsub.f32 v26, v23;
	v26 =	vld [tilespmem:s25+$0xFFFFFF50]  }
0x605: {  	v28 =	vld [tilespmem:s22+$0xFFFFFF50];
	v17 =	vadd.f32 v17, v16;
	v18 =	vmul.f32 v18, v18  }
0x606: {  	v22 =	vadd.f32 $9.999999970e-07, v22;
	v23 =	vadd.f32 $9.999999970e-07, v19;
	v16 =	vld [tilespmem:s25+$0xFFFFFF60]  }
.Ltmp14:
0x607: {  	v20 =	vsub.f32 v20, v24;
	v19 =	vld [tilespmem:s22+$0xFFFFFF60];
	v17 =	vadd.f32 v18, v17;
	(pc) =	sbr.rel @p0 .LBB2_30-.Ltmp14, $4  }
0x608: {  	s23 =	sadd.s32 $0x20, s23;
	v22 =	vmul.f32 v22, v22;
	v23 =	vmul.f32 v23, v23;
	v21 =	vsub.f32 v21, v27;
	v18 =	vld [tilespmem:s25+$0xFFFFFF70]  }
0x609: {  	v24 =	vadd.f32 $9.999999970e-07, v20;
	v20 =	vld [tilespmem:s22+$0xFFFFFF70];
	[tilespmem:s23+$0x0] =	vst v17  }
0x60a: {  	v22 =	vadd.f32 v22, v23;
	v25 =	vadd.f32 $9.999999970e-07, v21;
	v17 =	vld [tilespmem:s25+$0xFFFFFF80]  }
0x60b: {  	v23 =	vmul.f32 v24, v24;
	v24 =	vsub.f32 v26, v28;
	s25 =	sadd.s32 $0x100, s25;
	v21 =	vld [tilespmem:s22+$0xFFFFFF80]  }
0x60c: {  	v16 =	vsub.f32 v16, v19  }
0x60d: {  	v19 =	vmul.f32 v25, v25;
	v22 =	vadd.f32 v23, v22;
	v23 =	vadd.f32 $9.999999970e-07, v24  }
0x60e: {  	v18 =	vsub.f32 v18, v20  }
0x60f: {  	v16 =	vadd.f32 $9.999999970e-07, v16;
	v19 =	vadd.f32 v19, v22;
	v20 =	vmul.f32 v23, v23  }
0x610: {  	v18 =	vadd.f32 $9.999999970e-07, v18  }
0x611: {  	v16 =	vmul.f32 v16, v16;
	v17 =	vsub.f32 v17, v21;
	v19 =	vadd.f32 v20, v19;
	_ =	sdelay $0x1  }
0x612: {  	v18 =	vmul.f32 v18, v18;
	v17 =	vadd.f32 $9.999999970e-07, v17;
	v16 =	vadd.f32 v16, v19;
	_ =	sdelay $0x1  }
0x613: {  	v17 =	vmul.f32 v17, v17;
	v16 =	vadd.f32 v18, v16;
	_ =	sdelay $0x1  }
0x614: {  	v16 =	vadd.f32 v17, v16;
	_ =	sdelay $0x1  }
0x615: {  	[tilespmem:s23+$0xFFFFFFF0] =	vst v16  }
0x616: {  	v16 =	vld.idx.msk [tilespmem:v0+s17+$0x0], $0xffff  }
0x617: {  	v17 =	vld.idx.msk [tilespmem:v1+s17+$0x0], $0xffff  }
0x618: {  	v18 =	vld.idx.msk [tilespmem:v2+s17+$0x0], $0xffff  }
0x619: {  	v19 =	vld.idx.msk [tilespmem:v3+s17+$0x0], $0xffff  }
0x61a: {  	v20 =	vld.idx.msk [tilespmem:v4+s17+$0x0], $0xffff  }
0x61b: {  	v21 =	vld.idx.msk [tilespmem:v5+s17+$0x0], $0xffff  }
0x61c: {  	v22 =	vld.idx.msk [tilespmem:v6+s17+$0x0], $0xffff  }
0x61d: {  	v23 =	vld.idx.msk [tilespmem:v7+s17+$0x0], $0xffff  }
0x61e: {  	v24 =	vld.idx.msk [tilespmem:v8+s17+$0x0], $0xffff  }
0x61f: {  	v25 =	vld.idx.msk [tilespmem:v9+s17+$0x0], $0xffff  }
0x620: {  	v26 =	vld.idx.msk [tilespmem:v10+s17+$0x0], $0xffff  }
0x621: {  	v27 =	vld.idx.msk [tilespmem:v11+s17+$0x0], $0xffff  }
0x622: {  	v28 =	vld.idx.msk [tilespmem:v12+s17+$0x0], $0xffff  }
0x623: {  	v29 =	vld.idx.msk [tilespmem:v13+s17+$0x0], $0xffff  }
0x624: {  	v30 =	vld.idx.msk [tilespmem:v14+s17+$0x0], $0xffff  }
0x625: {  	v16 =	vadd.f32 v20, v16;
	v17 =	vadd.f32 v21, v17;
	v20 =	vld.idx.msk [tilespmem:v15+s17+$0x0], $0xffff  }
0x626: {  	v18 =	vadd.f32 v22, v18;
	v19 =	vadd.f32 v23, v19  }
0x627: {  	v16 =	vadd.f32 v24, v16;
	v17 =	vadd.f32 v25, v17  }
0x628: {  	v18 =	vadd.f32 v26, v18;
	v19 =	vadd.f32 v27, v19  }
0x629: {  	v16 =	vadd.f32 v28, v16;
	v17 =	vadd.f32 v29, v17  }
0x62a: {  	v18 =	vadd.f32 v30, v18;
	v19 =	vadd.f32 v20, v19;
	_ =	sdelay $0x1  }
0x62b: {  	v16 =	vadd.f32 v17, v16;
	v17 =	vadd.f32 v19, v18;
	_ =	sdelay $0x1  }
0x62c: {  	v16 =	vadd.f32 v17, v16;
	_ =	sdelay $0x1  }
0x62d: {  	v17 =	vshra.s32 v16, $0x1;
	v18 =	vmul.f32 $5.000000000e-01, v16  }
0x62e: {  	v17 =	vsub.s32 $0x5F3759DF, v17  }
0x62f: {  	v19 =	vmul.f32 v17, v18;
	_ =	sdelay $0x1  }
0x630: {  	v19 =	vmul.f32 v17, v19;
	_ =	sdelay $0x1  }
0x631: {  	v19 =	vsub.f32 $1.500000000e+00, v19;
	_ =	sdelay $0x1  }
0x632: {  	v17 =	vmul.f32 v17, v19;
	_ =	sdelay $0x1  }
0x633: {  	v18 =	vmul.f32 v17, v18;
	_ =	sdelay $0x1  }
0x634: {  	v18 =	vmul.f32 v18, v17;
	_ =	sdelay $0x1  }
0x635: {  	v18 =	vsub.f32 $1.500000000e+00, v18;
	_ =	sdelay $0x1  }
0x636: {  	v17 =	vmul.f32 v18, v17;
	_ =	sdelay $0x1  }
0x637: {  	v16 =	vmul.f32 v17, v16;
	_ =	sdelay $0x1  }
0x638: {  	s24 =	simm.s32 $0x6FF0;
	[tilespmem:$0x116F0] =	vst v16  }
0x639: {  	v16 =	vld [tilespmem:s24+$0xFFFFFFB0]  }
0x63a: {  	s22 =	simm.s32 $0x97F0;
	v17 =	vld [tilespmem:s24+$0xFFFFFF90]  }
0x63b: {  	v18 =	vld [tilespmem:s22+$0xFFFFFF90]  }
0x63c: {  	v19 =	vld [tilespmem:s24+$0xFFFFFFA0]  }
0x63d: {  	v20 =	vld [tilespmem:s22+$0xFFFFFFA0]  }
0x63e: {  	v21 =	vld [tilespmem:s22+$0xFFFFFFB0]  }
0x63f: {  	v22 =	vld [tilespmem:s24+$0xFFFFFFC0]  }
0x640: {  	v23 =	vld [tilespmem:s22+$0xFFFFFFC0]  }
0x641: {  	v24 =	vld [tilespmem:s24+$0xFFFFFFD0]  }
0x642: {  	v25 =	vld [tilespmem:s22+$0xFFFFFFF0]  }
0x643: {  	v17 =	vsub.f32 v17, v18;
	v18 =	vsub.f32 v19, v20;
	v19 =	vld [tilespmem:s22+$0xFFFFFFD0]  }
0x644: {  	v16 =	vsub.f32 v16, v21;
	v20 =	vld [tilespmem:s24+$0xFFFFFFE0]  }
0x645: {  	v21 =	vld [tilespmem:s22+$0xFFFFFFE0];
	v17 =	vadd.f32 $9.999999970e-07, v17;
	v18 =	vadd.f32 $9.999999970e-07, v18  }
0x646: {  	v26 =	vld [tilespmem:s22+$0xFFFFFF10];
	v22 =	vsub.f32 v22, v23  }
0x647: {  	v23 =	vld [tilespmem:s24+$0xFFFFFFF0];
	v16 =	vadd.f32 $9.999999970e-07, v16;
	v17 =	vmul.f32 v17, v17;
	v18 =	vmul.f32 v18, v18  }
0x648: {  	v27 =	vld [tilespmem:s22+$0xFFFFFF40];
	v19 =	vsub.f32 v24, v19  }
0x649: {  	v16 =	vmul.f32 v16, v16;
	v24 =	vld [tilespmem:s24+$0x0];
	v17 =	vadd.f32 v18, v17;
	v18 =	vadd.f32 $9.999999970e-07, v22  }
0x64a: {  	v20 =	vsub.f32 v20, v21;
	v22 =	vld [tilespmem:s22+$0x0]  }
0x64b: {  	v21 =	vld [tilespmem:s24+$0xFFFFFF20];
	v16 =	vadd.f32 v16, v17;
	v17 =	vmul.f32 v18, v18;
	v18 =	vadd.f32 $9.999999970e-07, v19  }
0x64c: {  	v23 =	vsub.f32 v23, v25;
	v19 =	vld [tilespmem:s22+$0xFFFFFF20]  }
0x64d: {  	v25 =	vld [tilespmem:s24+$0xFFFFFF10];
	v16 =	vadd.f32 v17, v16;
	v17 =	vmul.f32 v18, v18;
	v18 =	vadd.f32 $9.999999970e-07, v20  }
0x64e: {  	v20 =	vld [tilespmem:s24+$0xFFFFFF30]  }
0x64f: {  	v22 =	vsub.f32 v24, v22;
	v24 =	vld [tilespmem:s22+$0xFFFFFF30];
	v16 =	vadd.f32 v17, v16;
	v17 =	vmul.f32 v18, v18  }
0x650: {  	v18 =	vadd.f32 $9.999999970e-07, v23;
	v23 =	vld [tilespmem:s24+$0xFFFFFF40]  }
0x651: {  	v19 =	vsub.f32 v21, v19;
	v16 =	vadd.f32 v17, v16  }
0x652: {  	v21 =	vld [tilespmem:s24+$0xFFFFFF50];
	v17 =	vmul.f32 v18, v18;
	v18 =	vadd.f32 $9.999999970e-07, v22;
	v22 =	vsub.f32 v25, v26  }
0x653: {  	v26 =	vld [tilespmem:s22+$0xFFFFFF50];
	v25 =	vadd.f32 $9.999999970e-07, v19  }
0x654: {  	v19 =	vld [tilespmem:s22+$0xFFFFFF60];
	v17 =	vadd.f32 v17, v16;
	v18 =	vmul.f32 v18, v18;
	v22 =	vadd.f32 $9.999999970e-07, v22  }
0x655: {  	v16 =	vld [tilespmem:s24+$0xFFFFFF60];
	v20 =	vsub.f32 v20, v24;
	v23 =	vsub.f32 v23, v27  }
0x656: {  	v24 =	vadd.f32 v18, v17;
	v17 =	vmul.f32 v22, v22;
	v22 =	vmul.f32 v25, v25;
	v18 =	vld [tilespmem:s24+$0xFFFFFF70]  }
0x657: {  	v27 =	vadd.f32 $9.999999970e-07, v20;
	v20 =	vld [tilespmem:s22+$0xFFFFFF70]  }
0x658: {  	s23 =	simm.s32 $0xEF10;
	v25 =	vadd.f32 $9.999999970e-07, v23;
	v22 =	vadd.f32 v22, v17;
	v17 =	vld [tilespmem:s24+$0xFFFFFF80]  }
0x659: {  	s25 =	simm.s32 $0x70F0;
	s24 =	simm.s32 $0x0;
	[tilespmem:s23+$0x0] =	vst v24;
	v23 =	vmul.f32 v27, v27;
	v24 =	vsub.f32 v21, v26;
	v21 =	vld [tilespmem:s22+$0xFFFFFF80]  }
.LBB2_32:
0x65a: {  	v26 =	vld [tilespmem:s25+$0xFFFFFFB0];
	v25 =	vmul.f32 v25, v25;
	v16 =	vsub.f32 v16, v19  }
0x65b: {  	s22 =	sadd.s32 $0x100, s22;
	v19 =	vld [tilespmem:s25+$0xFFFFFF90];
	v22 =	vadd.f32 v23, v22;
	v23 =	vadd.f32 $9.999999970e-07, v24  }
0x65c: {  	v24 =	vld [tilespmem:s22+$0xFFFFFF90];
	v16 =	vadd.f32 $9.999999970e-07, v16;
	v18 =	vsub.f32 v18, v20  }
0x65d: {  	v20 =	vld [tilespmem:s25+$0xFFFFFFA0];
	v22 =	vadd.f32 v25, v22;
	v23 =	vmul.f32 v23, v23  }
0x65e: {  	s24 =	sadd.s32 $0x2, s24;
	v25 =	vld [tilespmem:s22+$0xFFFFFFA0];
	v16 =	vmul.f32 v16, v16;
	v18 =	vadd.f32 $9.999999970e-07, v18;
	v17 =	vsub.f32 v17, v21  }
0x65f: {  	p0 =	slt.u32 s24, $0xE;
	v21 =	vld [tilespmem:s22+$0xFFFFFFB0];
	v22 =	vadd.f32 v23, v22  }
0x660: {  	v23 =	vld [tilespmem:s25+$0xFFFFFFC0];
	v18 =	vmul.f32 v18, v18;
	v17 =	vadd.f32 $9.999999970e-07, v17  }
0x661: {  	v27 =	vld [tilespmem:s22+$0xFFFFFFC0];
	v16 =	vadd.f32 v16, v22  }
0x662: {  	v22 =	vld [tilespmem:s25+$0xFFFFFFD0];
	v17 =	vmul.f32 v17, v17  }
0x663: {  	v19 =	vsub.f32 v19, v24;
	v20 =	vsub.f32 v20, v25;
	v24 =	vld [tilespmem:s22+$0xFFFFFFD0]  }
0x664: {  	v16 =	vadd.f32 v18, v16;
	v21 =	vsub.f32 v26, v21;
	v25 =	vld [tilespmem:s25+$0xFFFFFFE0]  }
0x665: {  	v18 =	vadd.f32 $9.999999970e-07, v19;
	v19 =	vadd.f32 $9.999999970e-07, v20;
	v20 =	vld [tilespmem:s22+$0xFFFFFFE0]  }
0x666: {  	v16 =	vadd.f32 v17, v16;
	v23 =	vsub.f32 v23, v27;
	v26 =	vld [tilespmem:s25+$0xFFFFFFF0]  }
0x667: {  	v17 =	vmul.f32 v18, v18;
	v18 =	vmul.f32 v19, v19;
	v19 =	vadd.f32 $9.999999970e-07, v21;
	v21 =	vld [tilespmem:s22+$0xFFFFFFF0]  }
0x668: {  	v22 =	vsub.f32 v22, v24;
	v24 =	vld [tilespmem:s25+$0x0];
	[tilespmem:s23+$0xFFFFFFF0] =	vst v16  }
0x669: {  	v16 =	vadd.f32 v18, v17;
	v17 =	vmul.f32 v19, v19;
	v18 =	vadd.f32 $9.999999970e-07, v23;
	v19 =	vld [tilespmem:s22+$0x0]  }
0x66a: {  	v23 =	vld [tilespmem:s22+$0xFFFFFF10];
	v20 =	vsub.f32 v25, v20  }
0x66b: {  	v25 =	vld [tilespmem:s25+$0xFFFFFF20];
	v16 =	vadd.f32 v17, v16;
	v17 =	vmul.f32 v18, v18;
	v18 =	vadd.f32 $9.999999970e-07, v22  }
0x66c: {  	v22 =	vld [tilespmem:s22+$0xFFFFFF20];
	v21 =	vsub.f32 v26, v21  }
0x66d: {  	v26 =	vld [tilespmem:s25+$0xFFFFFF10];
	v16 =	vadd.f32 v17, v16;
	v17 =	vmul.f32 v18, v18;
	v18 =	vadd.f32 $9.999999970e-07, v20  }
0x66e: {  	v20 =	vld [tilespmem:s25+$0xFFFFFF30];
	v19 =	vsub.f32 v24, v19  }
0x66f: {  	v24 =	vld [tilespmem:s22+$0xFFFFFF30];
	v16 =	vadd.f32 v17, v16;
	v17 =	vmul.f32 v18, v18;
	v18 =	vadd.f32 $9.999999970e-07, v21  }
0x670: {  	v21 =	vld [tilespmem:s25+$0xFFFFFF40]  }
0x671: {  	v27 =	vld [tilespmem:s22+$0xFFFFFF40];
	v16 =	vadd.f32 v17, v16;
	v17 =	vmul.f32 v18, v18;
	v18 =	vadd.f32 $9.999999970e-07, v19  }
0x672: {  	v22 =	vsub.f32 v25, v22;
	v19 =	vsub.f32 v26, v23;
	v26 =	vld [tilespmem:s25+$0xFFFFFF50]  }
0x673: {  	v28 =	vld [tilespmem:s22+$0xFFFFFF50];
	v17 =	vadd.f32 v17, v16;
	v18 =	vmul.f32 v18, v18  }
0x674: {  	v22 =	vadd.f32 $9.999999970e-07, v22;
	v23 =	vadd.f32 $9.999999970e-07, v19;
	v16 =	vld [tilespmem:s25+$0xFFFFFF60]  }
.Ltmp15:
0x675: {  	v20 =	vsub.f32 v20, v24;
	v19 =	vld [tilespmem:s22+$0xFFFFFF60];
	v17 =	vadd.f32 v18, v17;
	(pc) =	sbr.rel @p0 .LBB2_32-.Ltmp15, $4  }
0x676: {  	s23 =	sadd.s32 $0x20, s23;
	v22 =	vmul.f32 v22, v22;
	v23 =	vmul.f32 v23, v23;
	v21 =	vsub.f32 v21, v27;
	v18 =	vld [tilespmem:s25+$0xFFFFFF70]  }
0x677: {  	v24 =	vadd.f32 $9.999999970e-07, v20;
	v20 =	vld [tilespmem:s22+$0xFFFFFF70];
	[tilespmem:s23+$0x0] =	vst v17  }
0x678: {  	v22 =	vadd.f32 v22, v23;
	v25 =	vadd.f32 $9.999999970e-07, v21;
	v17 =	vld [tilespmem:s25+$0xFFFFFF80]  }
0x679: {  	v23 =	vmul.f32 v24, v24;
	v24 =	vsub.f32 v26, v28;
	s25 =	sadd.s32 $0x100, s25;
	v21 =	vld [tilespmem:s22+$0xFFFFFF80]  }
0x67a: {  	v16 =	vsub.f32 v16, v19  }
0x67b: {  	v50 =	vmul.f32 v25, v25;
	v22 =	vadd.f32 v23, v22;
	v51 =	vadd.f32 $9.999999970e-07, v24  }
0x67c: {  	v18 =	vsub.f32 v18, v20  }
0x67d: {  	v16 =	vadd.f32 $9.999999970e-07, v16;
	v19 =	vadd.f32 v50, v22;
	v52 =	vmul.f32 v51, v51  }
0x67e: {  	v18 =	vadd.f32 $9.999999970e-07, v18  }
0x67f: {  	v16 =	vmul.f32 v16, v16;
	v17 =	vsub.f32 v17, v21;
	v19 =	vadd.f32 v52, v19;
	_ =	sdelay $0x1  }
0x680: {  	v18 =	vmul.f32 v18, v18;
	v17 =	vadd.f32 $9.999999970e-07, v17;
	v16 =	vadd.f32 v16, v19;
	_ =	sdelay $0x1  }
0x681: {  	v17 =	vmul.f32 v17, v17;
	v16 =	vadd.f32 v18, v16;
	_ =	sdelay $0x1  }
0x682: {  	v16 =	vadd.f32 v17, v16;
	_ =	sdelay $0x1  }
0x683: {  	[tilespmem:s23+$0xFFFFFFF0] =	vst v16  }
0x684: {  	v16 =	vld.idx.msk [tilespmem:v0+s17+$0x0], $0xffff  }
0x685: {  	v17 =	vld.idx.msk [tilespmem:v1+s17+$0x0], $0xffff  }
0x686: {  	v53 =	vld.idx.msk [tilespmem:v2+s17+$0x0], $0xffff  }
0x687: {  	v54 =	vld.idx.msk [tilespmem:v3+s17+$0x0], $0xffff  }
0x688: {  	v55 =	vld.idx.msk [tilespmem:v4+s17+$0x0], $0xffff  }
0x689: {  	v56 =	vld.idx.msk [tilespmem:v5+s17+$0x0], $0xffff  }
0x68a: {  	v57 =	vld.idx.msk [tilespmem:v6+s17+$0x0], $0xffff  }
0x68b: {  	v58 =	vld.idx.msk [tilespmem:v7+s17+$0x0], $0xffff  }
0x68c: {  	v59 =	vld.idx.msk [tilespmem:v8+s17+$0x0], $0xffff  }
0x68d: {  	v60 =	vld.idx.msk [tilespmem:v9+s17+$0x0], $0xffff  }
0x68e: {  	v26 =	vld.idx.msk [tilespmem:v10+s17+$0x0], $0xffff  }
0x68f: {  	v27 =	vld.idx.msk [tilespmem:v11+s17+$0x0], $0xffff  }
0x690: {  	v28 =	vld.idx.msk [tilespmem:v12+s17+$0x0], $0xffff  }
0x691: {  	v29 =	vld.idx.msk [tilespmem:v13+s17+$0x0], $0xffff  }
0x692: {  	v30 =	vld.idx.msk [tilespmem:v14+s17+$0x0], $0xffff  }
0x693: {  	v61 =	vld.idx.msk [tilespmem:v15+s17+$0x0], $0xffff;
	v16 =	vadd.f32 v55, v16;
	v17 =	vadd.f32 v56, v17  }
0x694: {  	v18 =	vadd.f32 v57, v53;
	v19 =	vadd.f32 v58, v54  }
0x695: {  	v16 =	vadd.f32 v59, v16;
	v17 =	vadd.f32 v60, v17  }
0x696: {  	v18 =	vadd.f32 v26, v18;
	v19 =	vadd.f32 v27, v19  }
0x697: {  	v16 =	vadd.f32 v28, v16;
	v17 =	vadd.f32 v29, v17  }
0x698: {  	v18 =	vadd.f32 v30, v18;
	v19 =	vadd.f32 v61, v19;
	_ =	sdelay $0x1  }
0x699: {  	v16 =	vadd.f32 v17, v16;
	v17 =	vadd.f32 v19, v18;
	_ =	sdelay $0x1  }
0x69a: {  	v16 =	vadd.f32 v17, v16;
	_ =	sdelay $0x1  }
0x69b: {  	v17 =	vshra.s32 v16, $0x1;
	v62 =	vmul.f32 $5.000000000e-01, v16  }
0x69c: {  	v17 =	vsub.s32 $0x5F3759DF, v17  }
0x69d: {  	v63 =	vmul.f32 v17, v62;
	_ =	sdelay $0x1  }
0x69e: {  	v19 =	vmul.f32 v17, v63;
	_ =	sdelay $0x1  }
0x69f: {  	v19 =	vsub.f32 $1.500000000e+00, v19;
	_ =	sdelay $0x1  }
0x6a0: {  	v17 =	vmul.f32 v17, v19;
	_ =	sdelay $0x1  }
0x6a1: {  	v18 =	vmul.f32 v17, v62;
	_ =	sdelay $0x1  }
0x6a2: {  	v18 =	vmul.f32 v18, v17;
	_ =	sdelay $0x1  }
0x6a3: {  	v18 =	vsub.f32 $1.500000000e+00, v18;
	_ =	sdelay $0x1  }
0x6a4: {  	v17 =	vmul.f32 v18, v17;
	_ =	sdelay $0x1  }
0x6a5: {  	s21 =	sadd.s32 $0x1, s21;
	v16 =	vmul.f32 v17, v16  }
0x6a6: {  	p0 =	sne.s32 s21, s7  }
.Ltmp16:
0x6a7: {  	[tilespmem:$0x11700] =	vst v16;
	(pc) =	sbr.rel @p0 .LBB2_1-.Ltmp16, $4  }
0x6a8: {  	[hbm4b:s6+s3] =	stream.linear.scatter [tilespmem:s20], [sflag:$0x5], $0x2710, $0x38;
	[tilespmem:$0x11780] =	vst v63  }
0x6a9: {  	_ =	swait.ge [sflag:s8], $0x2710  }
0x6aa: {  	[sflag:s8] =	ssyncset.done $0x0  }
0x6ab: {  	[sflag:s8] =	ssyncadd.s32 $0xFFFFD8F0  }
0x6ac: {  	_ =	sfence.sel $0x180000  }
0x6ad: {  	[bflag:$0x0] =	sbarrier.arrive $0xFFFF  }
0x6ae: {  	p0 =	sne.s32 s0, $0x0;
	_ =	strace $0x90000047  }
0x6af: {  	s0 =	sadd.s32 @!p0 $0x100000, s1;
	[bflag:$0x2] =	sbarrier.arrive $0xFFFF  }
0x6b0: {  	[sflag:s0] =	ssyncadd.tile.s32 @!p0 $0x1;
	_ =	shalt  }
.Lfunc_end2:
_tile_overlayer_lowered:
.L_overlay_start_2:
0x6b1: {  	(tag) =	ssettag $0x2  }
0x6b2: {  	s0 =	rddreg [dreg:$0x0];
	s2 =	stileid.u32  }
0x6b3: {  	s1 =	rddreg [dreg:$0x1];
	p0 =	sne.s32 s2, $0x0  }
0x6b4: {  	s3 =	rddreg [dreg:$0x2];
	[bflag:$0x3] =	sbarrier.arrive $0xFFFF;
	s2 =	simm.s32 @!p0 $0x1C05  }
0x6b5: {  	[timem:s3], [sflag:s2] =	dma.local @!p0 [hbm:s0], s1  }
0x6b6: {  	s0 =	simm.s32 @!p0 $0x5  }
0x6b7: {  	_ =	swait.ge @!p0 [sflag:s0], s1  }
0x6b8: {  	s1 =	ssub.s32 @!p0 $0x0, s1;
	[sflag:s0] =	ssyncset.done @!p0 $0x0  }
0x6b9: {  	[sflag:s0] =	ssyncadd.s32 @!p0 s1  }
0x6ba: {  	[bflag:$0x3] =	sbarrier.arrive $0xFFFF  }
0x6bb: {  	_ =	shalt  }

</sc_bundles>
